<compile_context>
chip_gen: v7x
topology: tpu7x:2x2x1
jax: 0.10.2.dev20260603
libtpu: 0.0.44.dev20260713+nightly
codegen_flags: <defaults>
</compile_context>

<pallas_src>
import functools

import jax
import jax.numpy as jnp
from jax import lax
from jax.experimental import pallas as pl
from jax.experimental.pallas import tpu as pltpu
from jax.experimental.pallas import tpu_sc as plsc

E = 8
TOPK = 2
NEG = -1e30
T = 2048
D = 1024
DFF = 512
BLK = 512
NB = T * TOPK // BLK + E
NPAD = NB * BLK
CH = 512


def _silu(v):
    return v * (1.0 / (1.0 + jnp.exp(-v)))


def _dot_t(a, b):
    return jax.lax.dot_general(a, b, (((1,), (1,)), ((), ())),
                               preferred_element_type=jnp.float32)


def _dot(a, b):
    return jax.lax.dot_general(a, b, (((1,), (0,)), ((), ())),
                               preferred_element_type=jnp.float32)



def _plan_body(x_ref, wr_ref, xp_ref, pos1_ref, pos2_ref, w1_ref, w2_ref,
               be_ref):
    x = x_ref[...]

    xb = jax.lax.bitcast_convert_type(x, jnp.int32)

    def _rne(v):
        return v + 0x7FFF + jnp.bitwise_and(jnp.right_shift(v, 16), 1)

    lo = jnp.bitwise_and(jnp.right_shift(_rne(xb[:, :D // 2]), 16), 0xFFFF)
    hi = jnp.bitwise_and(_rne(xb[:, D // 2:]), jnp.int32(-65536))
    xp_ref[...] = jnp.bitwise_or(hi, lo)

    lg = _dot_t(x, wr_ref[...])
    lanes = jax.lax.broadcasted_iota(jnp.int32, (T, E), 1)
    m1 = jnp.max(lg, axis=1, keepdims=True)
    i1 = jnp.min(jnp.where(lg == m1, lanes, 999), axis=1, keepdims=True)
    lg2 = jnp.where(lanes == i1, NEG, lg)
    m2 = jnp.max(lg2, axis=1, keepdims=True)
    i2 = jnp.min(jnp.where(lg2 == m2, lanes, 999), axis=1, keepdims=True)
    d = jnp.exp(m2 - m1)
    w1 = 1.0 / (1.0 + d)
    w2 = 1.0 - w1

    oh1 = jnp.where(lanes == i1, 1.0, 0.0)
    oh2 = jnp.where(lanes == i2, 1.0, 0.0)

    r = jax.lax.broadcasted_iota(jnp.int32, (CH, CH), 0)
    c = jax.lax.broadcasted_iota(jnp.int32, (CH, CH), 1)
    tril = jnp.where(r > c, 1.0, 0.0)
    ones_row = jnp.ones((1, CH), jnp.float32)
    chunks1 = []
    chunks2 = []
    off1 = jnp.zeros((1, E), jnp.float32)
    off2 = jnp.zeros((1, E), jnp.float32)
    for b in range(T // CH):
        s = slice(b * CH, (b + 1) * CH)
        c1 = oh1[s, :]
        c2 = oh2[s, :]
        chunks1.append(_dot(tril, c1) + off1)
        chunks2.append(_dot(tril, c2) + off2)
        off1 = off1 + _dot(ones_row, c1)
        off2 = off2 + _dot(ones_row, c2)
    exc1 = jnp.concatenate(chunks1, axis=0)
    exc2 = jnp.concatenate(chunks2, axis=0)
    tot1 = off1
    counts = off1 + off2

    fblk = jnp.float32(BLK)
    nblocks = jnp.floor((counts + (fblk - 1.0)) * (1.0 / fblk))
    padded = nblocks * fblk

    r8 = jax.lax.broadcasted_iota(jnp.int32, (E, E), 0)
    c8 = jax.lax.broadcasted_iota(jnp.int32, (E, E), 1)
    ustrict = jnp.where(r8 < c8, 1.0, 0.0)
    lstrict = jnp.where(r8 > c8, 1.0, 0.0)
    starts_row = _dot(padded, ustrict)
    starts_col = jax.lax.dot_general(
        lstrict, padded, (((1,), (1,)), ((), ())),
        preferred_element_type=jnp.float32)
    nblocks_col = jax.lax.dot_general(
        jnp.where(r8 == c8, 1.0, 0.0), nblocks, (((1,), (1,)), ((), ())),
        preferred_element_type=jnp.float32)

    sb_col = starts_col * (1.0 / fblk)
    bcols = jax.lax.broadcasted_iota(jnp.int32, (E, 128), 1).astype(
        jnp.float32)
    cmp = jnp.where(sb_col <= bcols, 1.0, 0.0)
    be_row = _dot(jnp.ones((1, E), jnp.float32), cmp) - 1.0
    be_row = jnp.clip(be_row, 0.0, float(E - 1))
    nb_used = jnp.sum(nblocks, axis=1, keepdims=True)
    lane1 = jax.lax.broadcasted_iota(jnp.int32, (1, 128), 1)
    be_out = jnp.where(lane1 == 127, nb_used, be_row)
    be_ref[...] = be_out.astype(jnp.int32)

    pos1 = jnp.sum(oh1 * (starts_row + exc1), axis=1, keepdims=True)
    pos2 = jnp.sum(oh2 * (starts_row + tot1 + exc2), axis=1, keepdims=True)
    pos1_ref[...] = pos1.astype(jnp.int32)
    pos2_ref[...] = pos2.astype(jnp.int32)
    w1_ref[...] = w1
    w2_ref[...] = w2


def _plan(x, wr_p):
    return pl.pallas_call(
        _plan_body,
        grid=(1,),
        in_specs=[
            pl.BlockSpec((T, D), lambda i: (0, 0)),
            pl.BlockSpec((E, D), lambda i: (0, 0)),
        ],
        out_specs=[
            pl.BlockSpec((T, D // 2), lambda i: (0, 0)),
            pl.BlockSpec((T, 1), lambda i: (0, 0)),
            pl.BlockSpec((T, 1), lambda i: (0, 0)),
            pl.BlockSpec((T, 1), lambda i: (0, 0)),
            pl.BlockSpec((T, 1), lambda i: (0, 0)),
            pl.BlockSpec((1, 128), lambda i: (0, 0)),
        ],
        out_shape=[
            jax.ShapeDtypeStruct((T, D // 2), jnp.int32),
            jax.ShapeDtypeStruct((T, 1), jnp.int32),
            jax.ShapeDtypeStruct((T, 1), jnp.int32),
            jax.ShapeDtypeStruct((T, 1), jnp.float32),
            jax.ShapeDtypeStruct((T, 1), jnp.float32),
            jax.ShapeDtypeStruct((1, 128), jnp.int32),
        ],
    )(x, wr_p)



def _ffn_body(be_ref, xs_ref, wg_ref, wu_ref, wd_ref, ys_ref):
    b = pl.program_id(0)
    nb = be_ref[127]

    @pl.when(b < nb)
    def _():
        xi = xs_ref[...]
        lo = jax.lax.bitcast_convert_type(jnp.left_shift(xi, 16),
                                          jnp.float32)
        hi = jax.lax.bitcast_convert_type(
            jnp.bitwise_and(xi, jnp.int32(-65536)), jnp.float32)
        xs = jnp.concatenate([lo, hi], axis=1)
        h = _silu(_dot_t(xs, wg_ref[0])) * _dot_t(xs, wu_ref[0])
        ys_ref[...] = _dot_t(h, wd_ref[0])


def _ffn(be, xs, W_gate, W_up, W_down):
    grid_spec = pltpu.PrefetchScalarGridSpec(
        num_scalar_prefetch=1,
        grid=(NB,),
        in_specs=[
            pl.BlockSpec((BLK, D // 2),
                         lambda b, be: (jnp.where(b < be[127], b, be[127] - 1),
                                        0)),
            pl.BlockSpec((1, DFF, D), lambda b, be: (be[b], 0, 0)),
            pl.BlockSpec((1, DFF, D), lambda b, be: (be[b], 0, 0)),
            pl.BlockSpec((1, D, DFF), lambda b, be: (be[b], 0, 0)),
        ],
        out_specs=pl.BlockSpec(
            (BLK, D),
            lambda b, be: (jnp.where(b < be[127], b, be[127] - 1), 0)),
    )
    return pl.pallas_call(
        _ffn_body,
        grid_spec=grid_spec,
        out_shape=jax.ShapeDtypeStruct((NPAD, D), jnp.float32),
    )(be, xs, W_gate, W_up, W_down)



_NC = 2
_NW = 32
_TPW = T // _NW
_SCH = 32
_CCH = 16


@functools.lru_cache(maxsize=1)
def _sc_kernels():
    mesh = plsc.VectorSubcoreMesh(core_axis_name="c", subcore_axis_name="s")

    @functools.partial(
        pl.kernel,
        mesh=mesh,
        out_type=jax.ShapeDtypeStruct((NPAD, D // 2), jnp.int32),
        scratch_types=[
            pltpu.VMEM((_SCH, D // 2), jnp.int32),
            pltpu.VMEM((_SCH, D // 2), jnp.int32),
            pltpu.VMEM((_SCH,), jnp.int32),
            pltpu.VMEM((_SCH,), jnp.int32),
            pltpu.VMEM((_SCH,), jnp.int32),
            pltpu.VMEM((_SCH,), jnp.int32),
            pltpu.SemaphoreType.DMA,
            pltpu.SemaphoreType.DMA,
            pltpu.SemaphoreType.DMA,
        ],
    )
    def scatter_sc(x_hbm, pos1_hbm, pos2_hbm, xs_hbm, xbufa, xbufb,
                   idx1a, idx1b, idx2a, idx2b, sema, semb, semw):
        wid = lax.axis_index("s") * _NC + lax.axis_index("c")
        base = wid * _TPW
        nch = _TPW // _SCH
        xbufs = [xbufa, xbufb]
        idx1s = [idx1a, idx1b]
        idx2s = [idx2a, idx2b]
        sems = [sema, semb]
        cps = [None] * nch
        pltpu.sync_copy(pos1_hbm.at[pl.ds(base, _SCH)], idx1s[0])
        pltpu.sync_copy(pos2_hbm.at[pl.ds(base, _SCH)], idx2s[0])
        cps[0] = pltpu.async_copy(x_hbm.at[pl.ds(base, _SCH)], xbufs[0],
                                  sems[0])
        for ci in range(nch):
            cps[ci].wait()
            if ci + 1 < nch:
                b1 = base + (ci + 1) * _SCH
                sl1 = (ci + 1) % 2
                pltpu.sync_copy(pos1_hbm.at[pl.ds(b1, _SCH)], idx1s[sl1])
                pltpu.sync_copy(pos2_hbm.at[pl.ds(b1, _SCH)], idx2s[sl1])
                cps[ci + 1] = pltpu.async_copy(
                    x_hbm.at[pl.ds(b1, _SCH)], xbufs[sl1], sems[sl1])
            s1 = pltpu.async_copy(xbufs[ci % 2], xs_hbm.at[idx1s[ci % 2]],
                                  semw)
            s2 = pltpu.async_copy(xbufs[ci % 2], xs_hbm.at[idx2s[ci % 2]],
                                  semw)
            s1.wait()
            s2.wait()

    @functools.partial(
        pl.kernel,
        mesh=mesh,
        out_type=jax.ShapeDtypeStruct((T, D), jnp.float32),
        scratch_types=[
            pltpu.VMEM((_CCH, D), jnp.float32),
            pltpu.VMEM((_CCH, D), jnp.float32),
            pltpu.VMEM((_CCH, D), jnp.float32),
            pltpu.VMEM((_CCH, D), jnp.float32),
            pltpu.VMEM((_CCH, D), jnp.float32),
            pltpu.VMEM((_TPW,), jnp.int32),
            pltpu.VMEM((_TPW,), jnp.int32),
            pltpu.VMEM((_TPW,), jnp.float32),
            pltpu.VMEM((_TPW,), jnp.float32),
            pltpu.SemaphoreType.DMA,
            pltpu.SemaphoreType.DMA,
            pltpu.SemaphoreType.DMA,
        ],
    )
    def combine_sc(ys_hbm, pos1_hbm, pos2_hbm, w1_hbm, w2_hbm, out_hbm,
                   buf1a, buf1b, buf2a, buf2b, obuf, idx1, idx2, w1v, w2v,
                   sema, semb, semo):
        wid = lax.axis_index("s") * _NC + lax.axis_index("c")
        base = wid * _TPW
        nch = _TPW // _CCH
        pltpu.sync_copy(pos1_hbm.at[pl.ds(base, _TPW)], idx1)
        pltpu.sync_copy(pos2_hbm.at[pl.ds(base, _TPW)], idx2)
        pltpu.sync_copy(w1_hbm.at[pl.ds(base, _TPW)], w1v)
        pltpu.sync_copy(w2_hbm.at[pl.ds(base, _TPW)], w2v)
        buf1s = [buf1a, buf1b]
        buf2s = [buf2a, buf2b]
        sems = [sema, semb]

        def start(ci):
            sl = ci % 2
            i1 = idx1.at[pl.ds(ci * _CCH, _CCH)]
            i2 = idx2.at[pl.ds(ci * _CCH, _CCH)]
            c1 = pltpu.async_copy(ys_hbm.at[i1], buf1s[sl], sems[sl])
            c2 = pltpu.async_copy(ys_hbm.at[i2], buf2s[sl], sems[sl])
            return (c1, c2)

        cps = [None] * nch
        cps[0] = start(0)
        ocp = None
        for ci in range(nch):
            sl = ci % 2
            cps[ci][0].wait()
            cps[ci][1].wait()
            if ci + 1 < nch:
                cps[ci + 1] = start(ci + 1)
            w1vec = w1v[pl.ds(ci * _CCH, _CCH)]
            w2vec = w2v[pl.ds(ci * _CCH, _CCH)]
            aa = [lax.broadcast(w1vec[t], (16,)) for t in range(_CCH)]
            bb = [lax.broadcast(w2vec[t], (16,)) for t in range(_CCH)]
            if ocp is not None:
                ocp.wait()

            def lanechunk(j, carry):
                s = pl.ds(j * 16, 16)
                for t in range(_CCH):
                    obuf[t, s] = (aa[t] * buf1s[sl][t, s]
                                  + bb[t] * buf2s[sl][t, s])
                return carry

            lax.fori_loop(0, D // 16, lanechunk, 0)
            ocp = pltpu.async_copy(
                obuf, out_hbm.at[pl.ds(base + ci * _CCH, _CCH)], semo)
        ocp.wait()

    return scatter_sc, combine_sc



def kernel(hidden_states, W_router, W_gate, W_up, W_down):
    b, s, d = hidden_states.shape
    x = hidden_states.reshape(T, d)

    xpack, pos1, pos2, w1, w2, be = _plan(x, W_router)
    pos1 = pos1.reshape(T)
    pos2 = pos2.reshape(T)
    w1 = w1.reshape(T)
    w2 = w2.reshape(T)

    scatter_sc, combine_sc = _sc_kernels()
    xs = scatter_sc(xpack, pos1, pos2)
    ys = _ffn(be.reshape(128), xs, W_gate, W_up, W_down)
    out = combine_sc(ys, pos1, pos2, w1, w2)
    return out.reshape(b, s, d)

# --- scband reference (transcript-rebuilt; emitter-appended) ---
"""Pipeline reference for scband-moelayer-wrapper-77257871720627 (READ-ONLY COPY).

The authoritative reference and input builder live on the scoring server;
editing this copy changes nothing except your own understanding.
"""

import jax, jax.numpy as jnp
import numpy as np

E = 8        # num experts
TOPK = 2     # num_experts_per_tok
B = 1
S = 2048
D = 1024     # hidden_size
DFF = 512    # expert intermediate size


def setup_inputs(seed: int = 0) -> dict:
    key = jax.random.key(seed)
    k0, k1, k2, k3, k4 = jax.random.split(key, 5)
    hidden_states = jax.random.normal(k0, (B, S, D), dtype=jnp.float32)
    # learned parameters (router linear + per-expert gate/up/down projections)
    W_router = jax.random.normal(k1, (E, D), dtype=jnp.float32) * 0.02
    W_gate = jax.random.normal(k2, (E, DFF, D), dtype=jnp.float32) * 0.02
    W_up = jax.random.normal(k3, (E, DFF, D), dtype=jnp.float32) * 0.02
    W_down = jax.random.normal(k4, (E, D, DFF), dtype=jnp.float32) * 0.02
    return {
        "hidden_states": hidden_states,
        "W_router": W_router,
        "W_gate": W_gate,
        "W_up": W_up,
        "W_down": W_down,
    }


def reference(hidden_states, W_router, W_gate, W_up, W_down):
    # Faithful translation of MOELayerWrapper.forward for router_type != 'deepseek_gate':
    #   router_logits = router(x.view(-1, hidden))
    #   routing_weights = softmax(router_logits, fp32)
    #   topk_weights, topk_ids = topk(routing_weights, num_experts_per_tok)
    #   topk_weights /= topk_weights.sum(-1, keepdim=True)
    # followed by the AMX MoE expert computation: for each token, sum over its
    # top-k experts of weight * down(silu(gate(x)) * up(x)). shared_experts is None.
    b, s, d = hidden_states.shape
    x = hidden_states.reshape(-1, d)                       # [T, D]
    T = x.shape[0]
    router_logits = x @ W_router.T                         # [T, E]
    routing_weights = jax.nn.softmax(router_logits.astype(jnp.float32), axis=-1)
    topk_weights, topk_ids = jax.lax.top_k(routing_weights, TOPK)   # [T, k]
    topk_weights = topk_weights / jnp.sum(topk_weights, axis=-1, keepdims=True)
    # dense combine weights [T, E]: scatter topk weights into expert slots
    combine = jnp.zeros((T, E), dtype=jnp.float32)
    combine = combine.at[jnp.arange(T)[:, None], topk_ids].add(topk_weights)
    xb = x.astype(jnp.float32)

    def body(acc, e):
        wg = jnp.take(W_gate, e, axis=0)                   # [DFF, D]
        wu = jnp.take(W_up, e, axis=0)
        wd = jnp.take(W_down, e, axis=0)                   # [D, DFF]
        h = jax.nn.silu(xb @ wg.T) * (xb @ wu.T)           # [T, DFF]
        y = h @ wd.T                                       # [T, D]
        w = jax.lax.dynamic_slice_in_dim(combine, e, 1, axis=1)  # [T, 1]
        return acc + w * y, None

    out, _ = jax.lax.scan(body, jnp.zeros((T, d), dtype=jnp.float32), jnp.arange(E))
    return out.reshape(b, s, d)

if __name__ == "__main__":
    import jax
    _d = setup_inputs()
    print(jax.jit(kernel)(*tuple(_d.values())))

</pallas_src>

<mosaic_0001>
#map = affine_map<(d0, d1) -> (0, 0)>
#map1 = affine_map<(d0, d1) -> (0)>
module attributes {stable_mosaic.version = 14 : i64} {
  func.func @combine_sc(%arg0: i32, %arg1: i32, %arg2: memref<8192x1024xf32, #tpu.memory_space<hbm>>, %arg3: memref<2048xi32, #tpu.memory_space<hbm>>, %arg4: memref<2048xi32, #tpu.memory_space<hbm>>, %arg5: memref<2048xf32, #tpu.memory_space<hbm>>, %arg6: memref<2048xf32, #tpu.memory_space<hbm>>, %arg7: memref<2048x1024xf32, #tpu.memory_space<hbm>>, %arg8: memref<16x1024xf32, #tpu.memory_space<vmem>>, %arg9: memref<16x1024xf32, #tpu.memory_space<vmem>>, %arg10: memref<16x1024xf32, #tpu.memory_space<vmem>>, %arg11: memref<16x1024xf32, #tpu.memory_space<vmem>>, %arg12: memref<16x1024xf32, #tpu.memory_space<vmem>>, %arg13: memref<64xi32, #tpu.memory_space<vmem>>, %arg14: memref<64xi32, #tpu.memory_space<vmem>>, %arg15: memref<64xf32, #tpu.memory_space<vmem>>, %arg16: memref<64xf32, #tpu.memory_space<vmem>>, %arg17: memref<!tpu.dma_semaphore, #tpu.memory_space<semaphore_mem>>, %arg18: memref<!tpu.dma_semaphore, #tpu.memory_space<semaphore_mem>>, %arg19: memref<!tpu.dma_semaphore, #tpu.memory_space<semaphore_mem>>) attributes {dimension_semantics = [#tpu.dimension_semantics<core_parallel>, #tpu.dimension_semantics<subcore_parallel>], iteration_bounds = array<i64: 2, 16>, scalar_prefetch = 0 : i64, scratch_operands = 12 : i64, tpu.core_type = #tpu.core_type<sc_vector_subcore>, window_params = [{transform_indices = #map}, {transform_indices = #map1}, {transform_indices = #map1}, {transform_indices = #map1}, {transform_indices = #map1}, {transform_indices = #map}]} {
    %mul3A = arith.constant 2 : i32
    %mul3A_0 = arith.muli %arg1, %mul3A : i32
    %add3A = arith.addi %mul3A_0, %arg0 : i32
    %mul3A_1 = arith.constant 64 : i32
    %mul3A_2 = arith.muli %add3A, %mul3A_1 : i32
    "tpu.region"() ({
      %run_scoped3A = tpu.sem_alloc : memref<!tpu.dma_semaphore, #tpu.memory_space<semaphore_mem>>
      %dma_start3A_548 = tpu.memref_slice %arg3[%mul3A_2] : memref<2048xi32, #tpu.memory_space<hbm>> -> memref<64xi32, #tpu.memory_space<hbm>>
      %dma_start3A_549 = tpu.memref_slice %arg3[%mul3A_2] : memref<2048xi32, #tpu.memory_space<hbm>> -> memref<64xi32, #tpu.memory_space<hbm>>
      tpu.enqueue_dma source(%dma_start3A_549 : memref<64xi32, #tpu.memory_space<hbm>>) target(%arg13 : memref<64xi32, #tpu.memory_space<vmem>>) target_semaphore(%run_scoped3A : memref<!tpu.dma_semaphore, #tpu.memory_space<semaphore_mem>>)
      %dma_wait3A_550 = tpu.memref_slice %arg3[%mul3A_2] : memref<2048xi32, #tpu.memory_space<hbm>> -> memref<64xi32, #tpu.memory_space<hbm>>
      %dma_wait3A_551 = tpu.memref_slice %arg3[%mul3A_2] : memref<2048xi32, #tpu.memory_space<hbm>> -> memref<64xi32, #tpu.memory_space<hbm>>
      tpu.wait_dma2 semaphore(%run_scoped3A : memref<!tpu.dma_semaphore, #tpu.memory_space<semaphore_mem>>) src(%dma_wait3A_551 : memref<64xi32, #tpu.memory_space<hbm>>) dst(%arg13 : memref<64xi32, #tpu.memory_space<vmem>>)
      tpu.yield
    }) : () -> ()
    "tpu.region"() ({
      %run_scoped3A = tpu.sem_alloc : memref<!tpu.dma_semaphore, #tpu.memory_space<semaphore_mem>>
      %dma_start3A_548 = tpu.memref_slice %arg4[%mul3A_2] : memref<2048xi32, #tpu.memory_space<hbm>> -> memref<64xi32, #tpu.memory_space<hbm>>
      %dma_start3A_549 = tpu.memref_slice %arg4[%mul3A_2] : memref<2048xi32, #tpu.memory_space<hbm>> -> memref<64xi32, #tpu.memory_space<hbm>>
      tpu.enqueue_dma source(%dma_start3A_549 : memref<64xi32, #tpu.memory_space<hbm>>) target(%arg14 : memref<64xi32, #tpu.memory_space<vmem>>) target_semaphore(%run_scoped3A : memref<!tpu.dma_semaphore, #tpu.memory_space<semaphore_mem>>)
      %dma_wait3A_550 = tpu.memref_slice %arg4[%mul3A_2] : memref<2048xi32, #tpu.memory_space<hbm>> -> memref<64xi32, #tpu.memory_space<hbm>>
      %dma_wait3A_551 = tpu.memref_slice %arg4[%mul3A_2] : memref<2048xi32, #tpu.memory_space<hbm>> -> memref<64xi32, #tpu.memory_space<hbm>>
      tpu.wait_dma2 semaphore(%run_scoped3A : memref<!tpu.dma_semaphore, #tpu.memory_space<semaphore_mem>>) src(%dma_wait3A_551 : memref<64xi32, #tpu.memory_space<hbm>>) dst(%arg14 : memref<64xi32, #tpu.memory_space<vmem>>)
      tpu.yield
    }) : () -> ()
    "tpu.region"() ({
      %run_scoped3A = tpu.sem_alloc : memref<!tpu.dma_semaphore, #tpu.memory_space<semaphore_mem>>
      %dma_start3A_548 = tpu.memref_slice %arg5[%mul3A_2] : memref<2048xf32, #tpu.memory_space<hbm>> -> memref<64xf32, #tpu.memory_space<hbm>>
      %dma_start3A_549 = tpu.memref_slice %arg5[%mul3A_2] : memref<2048xf32, #tpu.memory_space<hbm>> -> memref<64xf32, #tpu.memory_space<hbm>>
      tpu.enqueue_dma source(%dma_start3A_549 : memref<64xf32, #tpu.memory_space<hbm>>) target(%arg15 : memref<64xf32, #tpu.memory_space<vmem>>) target_semaphore(%run_scoped3A : memref<!tpu.dma_semaphore, #tpu.memory_space<semaphore_mem>>)
      %dma_wait3A_550 = tpu.memref_slice %arg5[%mul3A_2] : memref<2048xf32, #tpu.memory_space<hbm>> -> memref<64xf32, #tpu.memory_space<hbm>>
      %dma_wait3A_551 = tpu.memref_slice %arg5[%mul3A_2] : memref<2048xf32, #tpu.memory_space<hbm>> -> memref<64xf32, #tpu.memory_space<hbm>>
      tpu.wait_dma2 semaphore(%run_scoped3A : memref<!tpu.dma_semaphore, #tpu.memory_space<semaphore_mem>>) src(%dma_wait3A_551 : memref<64xf32, #tpu.memory_space<hbm>>) dst(%arg15 : memref<64xf32, #tpu.memory_space<vmem>>)
      tpu.yield
    }) : () -> ()
    "tpu.region"() ({
      %run_scoped3A = tpu.sem_alloc : memref<!tpu.dma_semaphore, #tpu.memory_space<semaphore_mem>>
      %dma_start3A_548 = tpu.memref_slice %arg6[%mul3A_2] : memref<2048xf32, #tpu.memory_space<hbm>> -> memref<64xf32, #tpu.memory_space<hbm>>
      %dma_start3A_549 = tpu.memref_slice %arg6[%mul3A_2] : memref<2048xf32, #tpu.memory_space<hbm>> -> memref<64xf32, #tpu.memory_space<hbm>>
      tpu.enqueue_dma source(%dma_start3A_549 : memref<64xf32, #tpu.memory_space<hbm>>) target(%arg16 : memref<64xf32, #tpu.memory_space<vmem>>) target_semaphore(%run_scoped3A : memref<!tpu.dma_semaphore, #tpu.memory_space<semaphore_mem>>)
      %dma_wait3A_550 = tpu.memref_slice %arg6[%mul3A_2] : memref<2048xf32, #tpu.memory_space<hbm>> -> memref<64xf32, #tpu.memory_space<hbm>>
      %dma_wait3A_551 = tpu.memref_slice %arg6[%mul3A_2] : memref<2048xf32, #tpu.memory_space<hbm>> -> memref<64xf32, #tpu.memory_space<hbm>>
      tpu.wait_dma2 semaphore(%run_scoped3A : memref<!tpu.dma_semaphore, #tpu.memory_space<semaphore_mem>>) src(%dma_wait3A_551 : memref<64xf32, #tpu.memory_space<hbm>>) dst(%arg16 : memref<64xf32, #tpu.memory_space<vmem>>)
      tpu.yield
    }) : () -> ()
    %dma_start3A = arith.constant 0 : i32
    %dma_start3A_3 = tpu.memref_slice %arg13[%dma_start3A] : memref<64xi32, #tpu.memory_space<vmem>> -> memref<16xi32, #tpu.memory_space<vmem>>
    %dma_start3A_4 = arith.constant 0 : i32
    %dma_start3A_5 = arith.constant 0 : i32
    %dma_start3A_6 = tpu.memref_slice %arg2[%dma_start3A_4, %dma_start3A_5] : memref<8192x1024xf32, #tpu.memory_space<hbm>> -> memref<8192x1024xf32, #tpu.memory_space<hbm>>
    tpu.enqueue_indirect_dma source(%dma_start3A_6 : memref<8192x1024xf32, #tpu.memory_space<hbm>>) target(%arg8 : memref<16x1024xf32, #tpu.memory_space<vmem>>) offsets(%dma_start3A_3 : memref<16xi32, #tpu.memory_space<vmem>>) semaphore(%arg17 : memref<!tpu.dma_semaphore, #tpu.memory_space<semaphore_mem>>)
    %dma_start3A_7 = arith.constant 0 : i32
    %dma_start3A_8 = tpu.memref_slice %arg14[%dma_start3A_7] : memref<64xi32, #tpu.memory_space<vmem>> -> memref<16xi32, #tpu.memory_space<vmem>>
    %dma_start3A_9 = arith.constant 0 : i32
    %dma_start3A_10 = arith.constant 0 : i32
    %dma_start3A_11 = tpu.memref_slice %arg2[%dma_start3A_9, %dma_start3A_10] : memref<8192x1024xf32, #tpu.memory_space<hbm>> -> memref<8192x1024xf32, #tpu.memory_space<hbm>>
    tpu.enqueue_indirect_dma source(%dma_start3A_11 : memref<8192x1024xf32, #tpu.memory_space<hbm>>) target(%arg10 : memref<16x1024xf32, #tpu.memory_space<vmem>>) offsets(%dma_start3A_8 : memref<16xi32, #tpu.memory_space<vmem>>) semaphore(%arg17 : memref<!tpu.dma_semaphore, #tpu.memory_space<semaphore_mem>>)
    %dma_wait3A = arith.constant 0 : i32
    %dma_wait3A_12 = tpu.memref_slice %arg13[%dma_wait3A] : memref<64xi32, #tpu.memory_space<vmem>> -> memref<16xi32, #tpu.memory_space<vmem>>
    %dma_wait3A_13 = arith.constant 0 : i32
    %dma_wait3A_14 = arith.constant 0 : i32
    %dma_wait3A_15 = tpu.memref_slice %arg2[%dma_wait3A_13, %dma_wait3A_14] : memref<8192x1024xf32, #tpu.memory_space<hbm>> -> memref<8192x1024xf32, #tpu.memory_space<hbm>>
    tpu.wait_indirect_dma semaphore(%arg17 : memref<!tpu.dma_semaphore, #tpu.memory_space<semaphore_mem>>) src(%dma_wait3A_15 : memref<8192x1024xf32, #tpu.memory_space<hbm>>) dst(%arg8 : memref<16x1024xf32, #tpu.memory_space<vmem>>)
    %dma_wait3A_16 = arith.constant 0 : i32
    %dma_wait3A_17 = tpu.memref_slice %arg14[%dma_wait3A_16] : memref<64xi32, #tpu.memory_space<vmem>> -> memref<16xi32, #tpu.memory_space<vmem>>
    %dma_wait3A_18 = arith.constant 0 : i32
    %dma_wait3A_19 = arith.constant 0 : i32
    %dma_wait3A_20 = tpu.memref_slice %arg2[%dma_wait3A_18, %dma_wait3A_19] : memref<8192x1024xf32, #tpu.memory_space<hbm>> -> memref<8192x1024xf32, #tpu.memory_space<hbm>>
    tpu.wait_indirect_dma semaphore(%arg17 : memref<!tpu.dma_semaphore, #tpu.memory_space<semaphore_mem>>) src(%dma_wait3A_20 : memref<8192x1024xf32, #tpu.memory_space<hbm>>) dst(%arg10 : memref<16x1024xf32, #tpu.memory_space<vmem>>)
    %dma_start3A_21 = arith.constant 16 : i32
    %dma_start3A_22 = tpu.memref_slice %arg13[%dma_start3A_21] : memref<64xi32, #tpu.memory_space<vmem>> -> memref<16xi32, #tpu.memory_space<vmem>>
    %dma_start3A_23 = arith.constant 0 : i32
    %dma_start3A_24 = arith.constant 0 : i32
    %dma_start3A_25 = tpu.memref_slice %arg2[%dma_start3A_23, %dma_start3A_24] : memref<8192x1024xf32, #tpu.memory_space<hbm>> -> memref<8192x1024xf32, #tpu.memory_space<hbm>>
    tpu.enqueue_indirect_dma source(%dma_start3A_25 : memref<8192x1024xf32, #tpu.memory_space<hbm>>) target(%arg9 : memref<16x1024xf32, #tpu.memory_space<vmem>>) offsets(%dma_start3A_22 : memref<16xi32, #tpu.memory_space<vmem>>) semaphore(%arg18 : memref<!tpu.dma_semaphore, #tpu.memory_space<semaphore_mem>>)
    %dma_start3A_26 = arith.constant 16 : i32
    %dma_start3A_27 = tpu.memref_slice %arg14[%dma_start3A_26] : memref<64xi32, #tpu.memory_space<vmem>> -> memref<16xi32, #tpu.memory_space<vmem>>
    %dma_start3A_28 = arith.constant 0 : i32
    %dma_start3A_29 = arith.constant 0 : i32
    %dma_start3A_30 = tpu.memref_slice %arg2[%dma_start3A_28, %dma_start3A_29] : memref<8192x1024xf32, #tpu.memory_space<hbm>> -> memref<8192x1024xf32, #tpu.memory_space<hbm>>
    tpu.enqueue_indirect_dma source(%dma_start3A_30 : memref<8192x1024xf32, #tpu.memory_space<hbm>>) target(%arg11 : memref<16x1024xf32, #tpu.memory_space<vmem>>) offsets(%dma_start3A_27 : memref<16xi32, #tpu.memory_space<vmem>>) semaphore(%arg18 : memref<!tpu.dma_semaphore, #tpu.memory_space<semaphore_mem>>)
    %get3A = arith.constant 0 : index
    %get3A_31 = tpu.vector_load %arg15[%get3A] {strides = array<i32>} : memref<64xf32, #tpu.memory_space<vmem>>, vector<16xf32>,
    %get3A_32 = vector.shape_cast %get3A_31 : vector<16xf32> to vector<16xf32>
    %get3A_33 = arith.constant 0 : index
    %get3A_34 = tpu.vector_load %arg16[%get3A_33] {strides = array<i32>} : memref<64xf32, #tpu.memory_space<vmem>>, vector<16xf32>,
    %get3A_35 = vector.shape_cast %get3A_34 : vector<16xf32> to vector<16xf32>
    %slice3A = vector.extract_strided_slice %get3A_32 {offsets = [0], sizes = [1], strides = [1]} : vector<16xf32> to vector<1xf32>
    %squeeze3A = vector.extract %slice3A[0] : f32 from vector<1xf32>
    %broadcast_in_dim3A = vector.broadcast %squeeze3A : f32 to vector<16xf32>
    %slice3A_36 = vector.extract_strided_slice %get3A_32 {offsets = [1], sizes = [1], strides = [1]} : vector<16xf32> to vector<1xf32>
    %squeeze3A_37 = vector.extract %slice3A_36[0] : f32 from vector<1xf32>
    %broadcast_in_dim3A_38 = vector.broadcast %squeeze3A_37 : f32 to vector<16xf32>
    %slice3A_39 = vector.extract_strided_slice %get3A_32 {offsets = [2], sizes = [1], strides = [1]} : vector<16xf32> to vector<1xf32>
    %squeeze3A_40 = vector.extract %slice3A_39[0] : f32 from vector<1xf32>
    %broadcast_in_dim3A_41 = vector.broadcast %squeeze3A_40 : f32 to vector<16xf32>
    %slice3A_42 = vector.extract_strided_slice %get3A_32 {offsets = [3], sizes = [1], strides = [1]} : vector<16xf32> to vector<1xf32>
    %squeeze3A_43 = vector.extract %slice3A_42[0] : f32 from vector<1xf32>
    %broadcast_in_dim3A_44 = vector.broadcast %squeeze3A_43 : f32 to vector<16xf32>
    %slice3A_45 = vector.extract_strided_slice %get3A_32 {offsets = [4], sizes = [1], strides = [1]} : vector<16xf32> to vector<1xf32>
    %squeeze3A_46 = vector.extract %slice3A_45[0] : f32 from vector<1xf32>
    %broadcast_in_dim3A_47 = vector.broadcast %squeeze3A_46 : f32 to vector<16xf32>
    %slice3A_48 = vector.extract_strided_slice %get3A_32 {offsets = [5], sizes = [1], strides = [1]} : vector<16xf32> to vector<1xf32>
    %squeeze3A_49 = vector.extract %slice3A_48[0] : f32 from vector<1xf32>
    %broadcast_in_dim3A_50 = vector.broadcast %squeeze3A_49 : f32 to vector<16xf32>
    %slice3A_51 = vector.extract_strided_slice %get3A_32 {offsets = [6], sizes = [1], strides = [1]} : vector<16xf32> to vector<1xf32>
    %squeeze3A_52 = vector.extract %slice3A_51[0] : f32 from vector<1xf32>
    %broadcast_in_dim3A_53 = vector.broadcast %squeeze3A_52 : f32 to vector<16xf32>
    %slice3A_54 = vector.extract_strided_slice %get3A_32 {offsets = [7], sizes = [1], strides = [1]} : vector<16xf32> to vector<1xf32>
    %squeeze3A_55 = vector.extract %slice3A_54[0] : f32 from vector<1xf32>
    %broadcast_in_dim3A_56 = vector.broadcast %squeeze3A_55 : f32 to vector<16xf32>
    %slice3A_57 = vector.extract_strided_slice %get3A_32 {offsets = [8], sizes = [1], strides = [1]} : vector<16xf32> to vector<1xf32>
    %squeeze3A_58 = vector.extract %slice3A_57[0] : f32 from vector<1xf32>
    %broadcast_in_dim3A_59 = vector.broadcast %squeeze3A_58 : f32 to vector<16xf32>
    %slice3A_60 = vector.extract_strided_slice %get3A_32 {offsets = [9], sizes = [1], strides = [1]} : vector<16xf32> to vector<1xf32>
    %squeeze3A_61 = vector.extract %slice3A_60[0] : f32 from vector<1xf32>
    %broadcast_in_dim3A_62 = vector.broadcast %squeeze3A_61 : f32 to vector<16xf32>
    %slice3A_63 = vector.extract_strided_slice %get3A_32 {offsets = [10], sizes = [1], strides = [1]} : vector<16xf32> to vector<1xf32>
    %squeeze3A_64 = vector.extract %slice3A_63[0] : f32 from vector<1xf32>
    %broadcast_in_dim3A_65 = vector.broadcast %squeeze3A_64 : f32 to vector<16xf32>
    %slice3A_66 = vector.extract_strided_slice %get3A_32 {offsets = [11], sizes = [1], strides = [1]} : vector<16xf32> to vector<1xf32>
    %squeeze3A_67 = vector.extract %slice3A_66[0] : f32 from vector<1xf32>
    %broadcast_in_dim3A_68 = vector.broadcast %squeeze3A_67 : f32 to vector<16xf32>
    %slice3A_69 = vector.extract_strided_slice %get3A_32 {offsets = [12], sizes = [1], strides = [1]} : vector<16xf32> to vector<1xf32>
    %squeeze3A_70 = vector.extract %slice3A_69[0] : f32 from vector<1xf32>
    %broadcast_in_dim3A_71 = vector.broadcast %squeeze3A_70 : f32 to vector<16xf32>
    %slice3A_72 = vector.extract_strided_slice %get3A_32 {offsets = [13], sizes = [1], strides = [1]} : vector<16xf32> to vector<1xf32>
    %squeeze3A_73 = vector.extract %slice3A_72[0] : f32 from vector<1xf32>
    %broadcast_in_dim3A_74 = vector.broadcast %squeeze3A_73 : f32 to vector<16xf32>
    %slice3A_75 = vector.extract_strided_slice %get3A_32 {offsets = [14], sizes = [1], strides = [1]} : vector<16xf32> to vector<1xf32>
    %squeeze3A_76 = vector.extract %slice3A_75[0] : f32 from vector<1xf32>
    %broadcast_in_dim3A_77 = vector.broadcast %squeeze3A_76 : f32 to vector<16xf32>
    %slice3A_78 = vector.extract_strided_slice %get3A_32 {offsets = [15], sizes = [1], strides = [1]} : vector<16xf32> to vector<1xf32>
    %squeeze3A_79 = vector.extract %slice3A_78[0] : f32 from vector<1xf32>
    %broadcast_in_dim3A_80 = vector.broadcast %squeeze3A_79 : f32 to vector<16xf32>
    %slice3A_81 = vector.extract_strided_slice %get3A_35 {offsets = [0], sizes = [1], strides = [1]} : vector<16xf32> to vector<1xf32>
    %squeeze3A_82 = vector.extract %slice3A_81[0] : f32 from vector<1xf32>
    %broadcast_in_dim3A_83 = vector.broadcast %squeeze3A_82 : f32 to vector<16xf32>
    %slice3A_84 = vector.extract_strided_slice %get3A_35 {offsets = [1], sizes = [1], strides = [1]} : vector<16xf32> to vector<1xf32>
    %squeeze3A_85 = vector.extract %slice3A_84[0] : f32 from vector<1xf32>
    %broadcast_in_dim3A_86 = vector.broadcast %squeeze3A_85 : f32 to vector<16xf32>
    %slice3A_87 = vector.extract_strided_slice %get3A_35 {offsets = [2], sizes = [1], strides = [1]} : vector<16xf32> to vector<1xf32>
    %squeeze3A_88 = vector.extract %slice3A_87[0] : f32 from vector<1xf32>
    %broadcast_in_dim3A_89 = vector.broadcast %squeeze3A_88 : f32 to vector<16xf32>
    %slice3A_90 = vector.extract_strided_slice %get3A_35 {offsets = [3], sizes = [1], strides = [1]} : vector<16xf32> to vector<1xf32>
    %squeeze3A_91 = vector.extract %slice3A_90[0] : f32 from vector<1xf32>
    %broadcast_in_dim3A_92 = vector.broadcast %squeeze3A_91 : f32 to vector<16xf32>
    %slice3A_93 = vector.extract_strided_slice %get3A_35 {offsets = [4], sizes = [1], strides = [1]} : vector<16xf32> to vector<1xf32>
    %squeeze3A_94 = vector.extract %slice3A_93[0] : f32 from vector<1xf32>
    %broadcast_in_dim3A_95 = vector.broadcast %squeeze3A_94 : f32 to vector<16xf32>
    %slice3A_96 = vector.extract_strided_slice %get3A_35 {offsets = [5], sizes = [1], strides = [1]} : vector<16xf32> to vector<1xf32>
    %squeeze3A_97 = vector.extract %slice3A_96[0] : f32 from vector<1xf32>
    %broadcast_in_dim3A_98 = vector.broadcast %squeeze3A_97 : f32 to vector<16xf32>
    %slice3A_99 = vector.extract_strided_slice %get3A_35 {offsets = [6], sizes = [1], strides = [1]} : vector<16xf32> to vector<1xf32>
    %squeeze3A_100 = vector.extract %slice3A_99[0] : f32 from vector<1xf32>
    %broadcast_in_dim3A_101 = vector.broadcast %squeeze3A_100 : f32 to vector<16xf32>
    %slice3A_102 = vector.extract_strided_slice %get3A_35 {offsets = [7], sizes = [1], strides = [1]} : vector<16xf32> to vector<1xf32>
    %squeeze3A_103 = vector.extract %slice3A_102[0] : f32 from vector<1xf32>
    %broadcast_in_dim3A_104 = vector.broadcast %squeeze3A_103 : f32 to vector<16xf32>
    %slice3A_105 = vector.extract_strided_slice %get3A_35 {offsets = [8], sizes = [1], strides = [1]} : vector<16xf32> to vector<1xf32>
    %squeeze3A_106 = vector.extract %slice3A_105[0] : f32 from vector<1xf32>
    %broadcast_in_dim3A_107 = vector.broadcast %squeeze3A_106 : f32 to vector<16xf32>
    %slice3A_108 = vector.extract_strided_slice %get3A_35 {offsets = [9], sizes = [1], strides = [1]} : vector<16xf32> to vector<1xf32>
    %squeeze3A_109 = vector.extract %slice3A_108[0] : f32 from vector<1xf32>
    %broadcast_in_dim3A_110 = vector.broadcast %squeeze3A_109 : f32 to vector<16xf32>
    %slice3A_111 = vector.extract_strided_slice %get3A_35 {offsets = [10], sizes = [1], strides = [1]} : vector<16xf32> to vector<1xf32>
    %squeeze3A_112 = vector.extract %slice3A_111[0] : f32 from vector<1xf32>
    %broadcast_in_dim3A_113 = vector.broadcast %squeeze3A_112 : f32 to vector<16xf32>
    %slice3A_114 = vector.extract_strided_slice %get3A_35 {offsets = [11], sizes = [1], strides = [1]} : vector<16xf32> to vector<1xf32>
    %squeeze3A_115 = vector.extract %slice3A_114[0] : f32 from vector<1xf32>
    %broadcast_in_dim3A_116 = vector.broadcast %squeeze3A_115 : f32 to vector<16xf32>
    %slice3A_117 = vector.extract_strided_slice %get3A_35 {offsets = [12], sizes = [1], strides = [1]} : vector<16xf32> to vector<1xf32>
    %squeeze3A_118 = vector.extract %slice3A_117[0] : f32 from vector<1xf32>
    %broadcast_in_dim3A_119 = vector.broadcast %squeeze3A_118 : f32 to vector<16xf32>
    %slice3A_120 = vector.extract_strided_slice %get3A_35 {offsets = [13], sizes = [1], strides = [1]} : vector<16xf32> to vector<1xf32>
    %squeeze3A_121 = vector.extract %slice3A_120[0] : f32 from vector<1xf32>
    %broadcast_in_dim3A_122 = vector.broadcast %squeeze3A_121 : f32 to vector<16xf32>
    %slice3A_123 = vector.extract_strided_slice %get3A_35 {offsets = [14], sizes = [1], strides = [1]} : vector<16xf32> to vector<1xf32>
    %squeeze3A_124 = vector.extract %slice3A_123[0] : f32 from vector<1xf32>
    %broadcast_in_dim3A_125 = vector.broadcast %squeeze3A_124 : f32 to vector<16xf32>
    %slice3A_126 = vector.extract_strided_slice %get3A_35 {offsets = [15], sizes = [1], strides = [1]} : vector<16xf32> to vector<1xf32>
    %squeeze3A_127 = vector.extract %slice3A_126[0] : f32 from vector<1xf32>
    %broadcast_in_dim3A_128 = vector.broadcast %squeeze3A_127 : f32 to vector<16xf32>
    %scan3A = arith.constant 0 : i32
    %scan3A_129 = arith.constant 0 : i32
    %scan3A_130 = arith.constant 64 : i32
    %scan3A_131 = arith.addi %scan3A_129, %scan3A_130 : i32
    %scan3A_132 = arith.constant 1 : i32
    scf.for %scan3A_548 = %scan3A_129 to %scan3A_131 step %scan3A_132  : i32 {
      %mul3A_549 = arith.constant 16 : i32
      %mul3A_550 = arith.muli %scan3A_548, %mul3A_549 : i32
      %get3A_551 = arith.constant 0 : i32
      %get3A_552 = arith.index_cast %get3A_551 : i32 to index
      %get3A_553 = arith.index_cast %mul3A_550 : i32 to index
      %get3A_554 = tpu.vector_load %arg8[%get3A_552, %get3A_553] {strides = array<i32>} : memref<16x1024xf32, #tpu.memory_space<vmem>>, vector<1x16xf32>,
      %get3A_555 = vector.shape_cast %get3A_554 : vector<1x16xf32> to vector<16xf32>
      %mul3A_556 = arith.mulf %broadcast_in_dim3A, %get3A_555 : vector<16xf32>
      %get3A_557 = arith.constant 0 : i32
      %get3A_558 = arith.index_cast %get3A_557 : i32 to index
      %get3A_559 = arith.index_cast %mul3A_550 : i32 to index
      %get3A_560 = tpu.vector_load %arg10[%get3A_558, %get3A_559] {strides = array<i32>} : memref<16x1024xf32, #tpu.memory_space<vmem>>, vector<1x16xf32>,
      %get3A_561 = vector.shape_cast %get3A_560 : vector<1x16xf32> to vector<16xf32>
      %mul3A_562 = arith.mulf %broadcast_in_dim3A_83, %get3A_561 : vector<16xf32>
      %add3A_563 = arith.addf %mul3A_556, %mul3A_562 : vector<16xf32>
      %swap3A = arith.constant 0 : i32
      %swap3A_564 = arith.index_cast %swap3A : i32 to index
      %swap3A_565 = arith.index_cast %mul3A_550 : i32 to index
      %swap3A_566 = tpu.vector_load %arg12[%swap3A_564, %swap3A_565] {strides = array<i32>} : memref<16x1024xf32, #tpu.memory_space<vmem>>, vector<1x16xf32>,
      %swap3A_567 = vector.shape_cast %swap3A_566 : vector<1x16xf32> to vector<16xf32>
      %swap3A_568 = vector.shape_cast %add3A_563 : vector<16xf32> to vector<1x16xf32>
      tpu.vector_store %arg12[%swap3A_564, %swap3A_565], %swap3A_568 {strides = array<i32>} : memref<16x1024xf32, #tpu.memory_space<vmem>>, vector<1x16xf32>,
      %get3A_569 = arith.constant 1 : i32
      %get3A_570 = arith.index_cast %get3A_569 : i32 to index
      %get3A_571 = arith.index_cast %mul3A_550 : i32 to index
      %get3A_572 = tpu.vector_load %arg8[%get3A_570, %get3A_571] {strides = array<i32>} : memref<16x1024xf32, #tpu.memory_space<vmem>>, vector<1x16xf32>,
      %get3A_573 = vector.shape_cast %get3A_572 : vector<1x16xf32> to vector<16xf32>
      %mul3A_574 = arith.mulf %broadcast_in_dim3A_38, %get3A_573 : vector<16xf32>
      %get3A_575 = arith.constant 1 : i32
      %get3A_576 = arith.index_cast %get3A_575 : i32 to index
      %get3A_577 = arith.index_cast %mul3A_550 : i32 to index
      %get3A_578 = tpu.vector_load %arg10[%get3A_576, %get3A_577] {strides = array<i32>} : memref<16x1024xf32, #tpu.memory_space<vmem>>, vector<1x16xf32>,
      %get3A_579 = vector.shape_cast %get3A_578 : vector<1x16xf32> to vector<16xf32>
      %mul3A_580 = arith.mulf %broadcast_in_dim3A_86, %get3A_579 : vector<16xf32>
      %add3A_581 = arith.addf %mul3A_574, %mul3A_580 : vector<16xf32>
      %swap3A_582 = arith.constant 1 : i32
      %swap3A_583 = arith.index_cast %swap3A_582 : i32 to index
      %swap3A_584 = arith.index_cast %mul3A_550 : i32 to index
      %swap3A_585 = tpu.vector_load %arg12[%swap3A_583, %swap3A_584] {strides = array<i32>} : memref<16x1024xf32, #tpu.memory_space<vmem>>, vector<1x16xf32>,
      %swap3A_586 = vector.shape_cast %swap3A_585 : vector<1x16xf32> to vector<16xf32>
      %swap3A_587 = vector.shape_cast %add3A_581 : vector<16xf32> to vector<1x16xf32>
      tpu.vector_store %arg12[%swap3A_583, %swap3A_584], %swap3A_587 {strides = array<i32>} : memref<16x1024xf32, #tpu.memory_space<vmem>>, vector<1x16xf32>,
      %get3A_588 = arith.constant 2 : i32
      %get3A_589 = arith.index_cast %get3A_588 : i32 to index
      %get3A_590 = arith.index_cast %mul3A_550 : i32 to index
      %get3A_591 = tpu.vector_load %arg8[%get3A_589, %get3A_590] {strides = array<i32>} : memref<16x1024xf32, #tpu.memory_space<vmem>>, vector<1x16xf32>,
      %get3A_592 = vector.shape_cast %get3A_591 : vector<1x16xf32> to vector<16xf32>
      %mul3A_593 = arith.mulf %broadcast_in_dim3A_41, %get3A_592 : vector<16xf32>
      %get3A_594 = arith.constant 2 : i32
      %get3A_595 = arith.index_cast %get3A_594 : i32 to index
      %get3A_596 = arith.index_cast %mul3A_550 : i32 to index
      %get3A_597 = tpu.vector_load %arg10[%get3A_595, %get3A_596] {strides = array<i32>} : memref<16x1024xf32, #tpu.memory_space<vmem>>, vector<1x16xf32>,
      %get3A_598 = vector.shape_cast %get3A_597 : vector<1x16xf32> to vector<16xf32>
      %mul3A_599 = arith.mulf %broadcast_in_dim3A_89, %get3A_598 : vector<16xf32>
      %add3A_600 = arith.addf %mul3A_593, %mul3A_599 : vector<16xf32>
      %swap3A_601 = arith.constant 2 : i32
      %swap3A_602 = arith.index_cast %swap3A_601 : i32 to index
      %swap3A_603 = arith.index_cast %mul3A_550 : i32 to index
      %swap3A_604 = tpu.vector_load %arg12[%swap3A_602, %swap3A_603] {strides = array<i32>} : memref<16x1024xf32, #tpu.memory_space<vmem>>, vector<1x16xf32>,
      %swap3A_605 = vector.shape_cast %swap3A_604 : vector<1x16xf32> to vector<16xf32>
      %swap3A_606 = vector.shape_cast %add3A_600 : vector<16xf32> to vector<1x16xf32>
      tpu.vector_store %arg12[%swap3A_602, %swap3A_603], %swap3A_606 {strides = array<i32>} : memref<16x1024xf32, #tpu.memory_space<vmem>>, vector<1x16xf32>,
      %get3A_607 = arith.constant 3 : i32
      %get3A_608 = arith.index_cast %get3A_607 : i32 to index
      %get3A_609 = arith.index_cast %mul3A_550 : i32 to index
      %get3A_610 = tpu.vector_load %arg8[%get3A_608, %get3A_609] {strides = array<i32>} : memref<16x1024xf32, #tpu.memory_space<vmem>>, vector<1x16xf32>,
      %get3A_611 = vector.shape_cast %get3A_610 : vector<1x16xf32> to vector<16xf32>
      %mul3A_612 = arith.mulf %broadcast_in_dim3A_44, %get3A_611 : vector<16xf32>
      %get3A_613 = arith.constant 3 : i32
      %get3A_614 = arith.index_cast %get3A_613 : i32 to index
      %get3A_615 = arith.index_cast %mul3A_550 : i32 to index
      %get3A_616 = tpu.vector_load %arg10[%get3A_614, %get3A_615] {strides = array<i32>} : memref<16x1024xf32, #tpu.memory_space<vmem>>, vector<1x16xf32>,
      %get3A_617 = vector.shape_cast %get3A_616 : vector<1x16xf32> to vector<16xf32>
      %mul3A_618 = arith.mulf %broadcast_in_dim3A_92, %get3A_617 : vector<16xf32>
      %add3A_619 = arith.addf %mul3A_612, %mul3A_618 : vector<16xf32>
      %swap3A_620 = arith.constant 3 : i32
      %swap3A_621 = arith.index_cast %swap3A_620 : i32 to index
      %swap3A_622 = arith.index_cast %mul3A_550 : i32 to index
      %swap3A_623 = tpu.vector_load %arg12[%swap3A_621, %swap3A_622] {strides = array<i32>} : memref<16x1024xf32, #tpu.memory_space<vmem>>, vector<1x16xf32>,
      %swap3A_624 = vector.shape_cast %swap3A_623 : vector<1x16xf32> to vector<16xf32>
      %swap3A_625 = vector.shape_cast %add3A_619 : vector<16xf32> to vector<1x16xf32>
      tpu.vector_store %arg12[%swap3A_621, %swap3A_622], %swap3A_625 {strides = array<i32>} : memref<16x1024xf32, #tpu.memory_space<vmem>>, vector<1x16xf32>,
      %get3A_626 = arith.constant 4 : i32
      %get3A_627 = arith.index_cast %get3A_626 : i32 to index
      %get3A_628 = arith.index_cast %mul3A_550 : i32 to index
      %get3A_629 = tpu.vector_load %arg8[%get3A_627, %get3A_628] {strides = array<i32>} : memref<16x1024xf32, #tpu.memory_space<vmem>>, vector<1x16xf32>,
      %get3A_630 = vector.shape_cast %get3A_629 : vector<1x16xf32> to vector<16xf32>
      %mul3A_631 = arith.mulf %broadcast_in_dim3A_47, %get3A_630 : vector<16xf32>
      %get3A_632 = arith.constant 4 : i32
      %get3A_633 = arith.index_cast %get3A_632 : i32 to index
      %get3A_634 = arith.index_cast %mul3A_550 : i32 to index
      %get3A_635 = tpu.vector_load %arg10[%get3A_633, %get3A_634] {strides = array<i32>} : memref<16x1024xf32, #tpu.memory_space<vmem>>, vector<1x16xf32>,
      %get3A_636 = vector.shape_cast %get3A_635 : vector<1x16xf32> to vector<16xf32>
      %mul3A_637 = arith.mulf %broadcast_in_dim3A_95, %get3A_636 : vector<16xf32>
      %add3A_638 = arith.addf %mul3A_631, %mul3A_637 : vector<16xf32>
      %swap3A_639 = arith.constant 4 : i32
      %swap3A_640 = arith.index_cast %swap3A_639 : i32 to index
      %swap3A_641 = arith.index_cast %mul3A_550 : i32 to index
      %swap3A_642 = tpu.vector_load %arg12[%swap3A_640, %swap3A_641] {strides = array<i32>} : memref<16x1024xf32, #tpu.memory_space<vmem>>, vector<1x16xf32>,
      %swap3A_643 = vector.shape_cast %swap3A_642 : vector<1x16xf32> to vector<16xf32>
      %swap3A_644 = vector.shape_cast %add3A_638 : vector<16xf32> to vector<1x16xf32>
      tpu.vector_store %arg12[%swap3A_640, %swap3A_641], %swap3A_644 {strides = array<i32>} : memref<16x1024xf32, #tpu.memory_space<vmem>>, vector<1x16xf32>,
      %get3A_645 = arith.constant 5 : i32
      %get3A_646 = arith.index_cast %get3A_645 : i32 to index
      %get3A_647 = arith.index_cast %mul3A_550 : i32 to index
      %get3A_648 = tpu.vector_load %arg8[%get3A_646, %get3A_647] {strides = array<i32>} : memref<16x1024xf32, #tpu.memory_space<vmem>>, vector<1x16xf32>,
      %get3A_649 = vector.shape_cast %get3A_648 : vector<1x16xf32> to vector<16xf32>
      %mul3A_650 = arith.mulf %broadcast_in_dim3A_50, %get3A_649 : vector<16xf32>
      %get3A_651 = arith.constant 5 : i32
      %get3A_652 = arith.index_cast %get3A_651 : i32 to index
      %get3A_653 = arith.index_cast %mul3A_550 : i32 to index
      %get3A_654 = tpu.vector_load %arg10[%get3A_652, %get3A_653] {strides = array<i32>} : memref<16x1024xf32, #tpu.memory_space<vmem>>, vector<1x16xf32>,
      %get3A_655 = vector.shape_cast %get3A_654 : vector<1x16xf32> to vector<16xf32>
      %mul3A_656 = arith.mulf %broadcast_in_dim3A_98, %get3A_655 : vector<16xf32>
      %add3A_657 = arith.addf %mul3A_650, %mul3A_656 : vector<16xf32>
      %swap3A_658 = arith.constant 5 : i32
      %swap3A_659 = arith.index_cast %swap3A_658 : i32 to index
      %swap3A_660 = arith.index_cast %mul3A_550 : i32 to index
      %swap3A_661 = tpu.vector_load %arg12[%swap3A_659, %swap3A_660] {strides = array<i32>} : memref<16x1024xf32, #tpu.memory_space<vmem>>, vector<1x16xf32>,
      %swap3A_662 = vector.shape_cast %swap3A_661 : vector<1x16xf32> to vector<16xf32>
      %swap3A_663 = vector.shape_cast %add3A_657 : vector<16xf32> to vector<1x16xf32>
      tpu.vector_store %arg12[%swap3A_659, %swap3A_660], %swap3A_663 {strides = array<i32>} : memref<16x1024xf32, #tpu.memory_space<vmem>>, vector<1x16xf32>,
      %get3A_664 = arith.constant 6 : i32
      %get3A_665 = arith.index_cast %get3A_664 : i32 to index
      %get3A_666 = arith.index_cast %mul3A_550 : i32 to index
      %get3A_667 = tpu.vector_load %arg8[%get3A_665, %get3A_666] {strides = array<i32>} : memref<16x1024xf32, #tpu.memory_space<vmem>>, vector<1x16xf32>,
      %get3A_668 = vector.shape_cast %get3A_667 : vector<1x16xf32> to vector<16xf32>
      %mul3A_669 = arith.mulf %broadcast_in_dim3A_53, %get3A_668 : vector<16xf32>
      %get3A_670 = arith.constant 6 : i32
      %get3A_671 = arith.index_cast %get3A_670 : i32 to index
      %get3A_672 = arith.index_cast %mul3A_550 : i32 to index
      %get3A_673 = tpu.vector_load %arg10[%get3A_671, %get3A_672] {strides = array<i32>} : memref<16x1024xf32, #tpu.memory_space<vmem>>, vector<1x16xf32>,
      %get3A_674 = vector.shape_cast %get3A_673 : vector<1x16xf32> to vector<16xf32>
      %mul3A_675 = arith.mulf %broadcast_in_dim3A_101, %get3A_674 : vector<16xf32>
      %add3A_676 = arith.addf %mul3A_669, %mul3A_675 : vector<16xf32>
      %swap3A_677 = arith.constant 6 : i32
      %swap3A_678 = arith.index_cast %swap3A_677 : i32 to index
      %swap3A_679 = arith.index_cast %mul3A_550 : i32 to index
      %swap3A_680 = tpu.vector_load %arg12[%swap3A_678, %swap3A_679] {strides = array<i32>} : memref<16x1024xf32, #tpu.memory_space<vmem>>, vector<1x16xf32>,
      %swap3A_681 = vector.shape_cast %swap3A_680 : vector<1x16xf32> to vector<16xf32>
      %swap3A_682 = vector.shape_cast %add3A_676 : vector<16xf32> to vector<1x16xf32>
      tpu.vector_store %arg12[%swap3A_678, %swap3A_679], %swap3A_682 {strides = array<i32>} : memref<16x1024xf32, #tpu.memory_space<vmem>>, vector<1x16xf32>,
      %get3A_683 = arith.constant 7 : i32
      %get3A_684 = arith.index_cast %get3A_683 : i32 to index
      %get3A_685 = arith.index_cast %mul3A_550 : i32 to index
      %get3A_686 = tpu.vector_load %arg8[%get3A_684, %get3A_685] {strides = array<i32>} : memref<16x1024xf32, #tpu.memory_space<vmem>>, vector<1x16xf32>,
      %get3A_687 = vector.shape_cast %get3A_686 : vector<1x16xf32> to vector<16xf32>
      %mul3A_688 = arith.mulf %broadcast_in_dim3A_56, %get3A_687 : vector<16xf32>
      %get3A_689 = arith.constant 7 : i32
      %get3A_690 = arith.index_cast %get3A_689 : i32 to index
      %get3A_691 = arith.index_cast %mul3A_550 : i32 to index
      %get3A_692 = tpu.vector_load %arg10[%get3A_690, %get3A_691] {strides = array<i32>} : memref<16x1024xf32, #tpu.memory_space<vmem>>, vector<1x16xf32>,
      %get3A_693 = vector.shape_cast %get3A_692 : vector<1x16xf32> to vector<16xf32>
      %mul3A_694 = arith.mulf %broadcast_in_dim3A_104, %get3A_693 : vector<16xf32>
      %add3A_695 = arith.addf %mul3A_688, %mul3A_694 : vector<16xf32>
      %swap3A_696 = arith.constant 7 : i32
      %swap3A_697 = arith.index_cast %swap3A_696 : i32 to index
      %swap3A_698 = arith.index_cast %mul3A_550 : i32 to index
      %swap3A_699 = tpu.vector_load %arg12[%swap3A_697, %swap3A_698] {strides = array<i32>} : memref<16x1024xf32, #tpu.memory_space<vmem>>, vector<1x16xf32>,
      %swap3A_700 = vector.shape_cast %swap3A_699 : vector<1x16xf32> to vector<16xf32>
      %swap3A_701 = vector.shape_cast %add3A_695 : vector<16xf32> to vector<1x16xf32>
      tpu.vector_store %arg12[%swap3A_697, %swap3A_698], %swap3A_701 {strides = array<i32>} : memref<16x1024xf32, #tpu.memory_space<vmem>>, vector<1x16xf32>,
      %get3A_702 = arith.constant 8 : i32
      %get3A_703 = arith.index_cast %get3A_702 : i32 to index
      %get3A_704 = arith.index_cast %mul3A_550 : i32 to index
      %get3A_705 = tpu.vector_load %arg8[%get3A_703, %get3A_704] {strides = array<i32>} : memref<16x1024xf32, #tpu.memory_space<vmem>>, vector<1x16xf32>,
      %get3A_706 = vector.shape_cast %get3A_705 : vector<1x16xf32> to vector<16xf32>
      %mul3A_707 = arith.mulf %broadcast_in_dim3A_59, %get3A_706 : vector<16xf32>
      %get3A_708 = arith.constant 8 : i32
      %get3A_709 = arith.index_cast %get3A_708 : i32 to index
      %get3A_710 = arith.index_cast %mul3A_550 : i32 to index
      %get3A_711 = tpu.vector_load %arg10[%get3A_709, %get3A_710] {strides = array<i32>} : memref<16x1024xf32, #tpu.memory_space<vmem>>, vector<1x16xf32>,
      %get3A_712 = vector.shape_cast %get3A_711 : vector<1x16xf32> to vector<16xf32>
      %mul3A_713 = arith.mulf %broadcast_in_dim3A_107, %get3A_712 : vector<16xf32>
      %add3A_714 = arith.addf %mul3A_707, %mul3A_713 : vector<16xf32>
      %swap3A_715 = arith.constant 8 : i32
      %swap3A_716 = arith.index_cast %swap3A_715 : i32 to index
      %swap3A_717 = arith.index_cast %mul3A_550 : i32 to index
      %swap3A_718 = tpu.vector_load %arg12[%swap3A_716, %swap3A_717] {strides = array<i32>} : memref<16x1024xf32, #tpu.memory_space<vmem>>, vector<1x16xf32>,
      %swap3A_719 = vector.shape_cast %swap3A_718 : vector<1x16xf32> to vector<16xf32>
      %swap3A_720 = vector.shape_cast %add3A_714 : vector<16xf32> to vector<1x16xf32>
      tpu.vector_store %arg12[%swap3A_716, %swap3A_717], %swap3A_720 {strides = array<i32>} : memref<16x1024xf32, #tpu.memory_space<vmem>>, vector<1x16xf32>,
      %get3A_721 = arith.constant 9 : i32
      %get3A_722 = arith.index_cast %get3A_721 : i32 to index
      %get3A_723 = arith.index_cast %mul3A_550 : i32 to index
      %get3A_724 = tpu.vector_load %arg8[%get3A_722, %get3A_723] {strides = array<i32>} : memref<16x1024xf32, #tpu.memory_space<vmem>>, vector<1x16xf32>,
      %get3A_725 = vector.shape_cast %get3A_724 : vector<1x16xf32> to vector<16xf32>
      %mul3A_726 = arith.mulf %broadcast_in_dim3A_62, %get3A_725 : vector<16xf32>
      %get3A_727 = arith.constant 9 : i32
      %get3A_728 = arith.index_cast %get3A_727 : i32 to index
      %get3A_729 = arith.index_cast %mul3A_550 : i32 to index
      %get3A_730 = tpu.vector_load %arg10[%get3A_728, %get3A_729] {strides = array<i32>} : memref<16x1024xf32, #tpu.memory_space<vmem>>, vector<1x16xf32>,
      %get3A_731 = vector.shape_cast %get3A_730 : vector<1x16xf32> to vector<16xf32>
      %mul3A_732 = arith.mulf %broadcast_in_dim3A_110, %get3A_731 : vector<16xf32>
      %add3A_733 = arith.addf %mul3A_726, %mul3A_732 : vector<16xf32>
      %swap3A_734 = arith.constant 9 : i32
      %swap3A_735 = arith.index_cast %swap3A_734 : i32 to index
      %swap3A_736 = arith.index_cast %mul3A_550 : i32 to index
      %swap3A_737 = tpu.vector_load %arg12[%swap3A_735, %swap3A_736] {strides = array<i32>} : memref<16x1024xf32, #tpu.memory_space<vmem>>, vector<1x16xf32>,
      %swap3A_738 = vector.shape_cast %swap3A_737 : vector<1x16xf32> to vector<16xf32>
      %swap3A_739 = vector.shape_cast %add3A_733 : vector<16xf32> to vector<1x16xf32>
      tpu.vector_store %arg12[%swap3A_735, %swap3A_736], %swap3A_739 {strides = array<i32>} : memref<16x1024xf32, #tpu.memory_space<vmem>>, vector<1x16xf32>,
      %get3A_740 = arith.constant 10 : i32
      %get3A_741 = arith.index_cast %get3A_740 : i32 to index
      %get3A_742 = arith.index_cast %mul3A_550 : i32 to index
      %get3A_743 = tpu.vector_load %arg8[%get3A_741, %get3A_742] {strides = array<i32>} : memref<16x1024xf32, #tpu.memory_space<vmem>>, vector<1x16xf32>,
      %get3A_744 = vector.shape_cast %get3A_743 : vector<1x16xf32> to vector<16xf32>
      %mul3A_745 = arith.mulf %broadcast_in_dim3A_65, %get3A_744 : vector<16xf32>
      %get3A_746 = arith.constant 10 : i32
      %get3A_747 = arith.index_cast %get3A_746 : i32 to index
      %get3A_748 = arith.index_cast %mul3A_550 : i32 to index
      %get3A_749 = tpu.vector_load %arg10[%get3A_747, %get3A_748] {strides = array<i32>} : memref<16x1024xf32, #tpu.memory_space<vmem>>, vector<1x16xf32>,
      %get3A_750 = vector.shape_cast %get3A_749 : vector<1x16xf32> to vector<16xf32>
      %mul3A_751 = arith.mulf %broadcast_in_dim3A_113, %get3A_750 : vector<16xf32>
      %add3A_752 = arith.addf %mul3A_745, %mul3A_751 : vector<16xf32>
      %swap3A_753 = arith.constant 10 : i32
      %swap3A_754 = arith.index_cast %swap3A_753 : i32 to index
      %swap3A_755 = arith.index_cast %mul3A_550 : i32 to index
      %swap3A_756 = tpu.vector_load %arg12[%swap3A_754, %swap3A_755] {strides = array<i32>} : memref<16x1024xf32, #tpu.memory_space<vmem>>, vector<1x16xf32>,
      %swap3A_757 = vector.shape_cast %swap3A_756 : vector<1x16xf32> to vector<16xf32>
      %swap3A_758 = vector.shape_cast %add3A_752 : vector<16xf32> to vector<1x16xf32>
      tpu.vector_store %arg12[%swap3A_754, %swap3A_755], %swap3A_758 {strides = array<i32>} : memref<16x1024xf32, #tpu.memory_space<vmem>>, vector<1x16xf32>,
      %get3A_759 = arith.constant 11 : i32
      %get3A_760 = arith.index_cast %get3A_759 : i32 to index
      %get3A_761 = arith.index_cast %mul3A_550 : i32 to index
      %get3A_762 = tpu.vector_load %arg8[%get3A_760, %get3A_761] {strides = array<i32>} : memref<16x1024xf32, #tpu.memory_space<vmem>>, vector<1x16xf32>,
      %get3A_763 = vector.shape_cast %get3A_762 : vector<1x16xf32> to vector<16xf32>
      %mul3A_764 = arith.mulf %broadcast_in_dim3A_68, %get3A_763 : vector<16xf32>
      %get3A_765 = arith.constant 11 : i32
      %get3A_766 = arith.index_cast %get3A_765 : i32 to index
      %get3A_767 = arith.index_cast %mul3A_550 : i32 to index
      %get3A_768 = tpu.vector_load %arg10[%get3A_766, %get3A_767] {strides = array<i32>} : memref<16x1024xf32, #tpu.memory_space<vmem>>, vector<1x16xf32>,
      %get3A_769 = vector.shape_cast %get3A_768 : vector<1x16xf32> to vector<16xf32>
      %mul3A_770 = arith.mulf %broadcast_in_dim3A_116, %get3A_769 : vector<16xf32>
      %add3A_771 = arith.addf %mul3A_764, %mul3A_770 : vector<16xf32>
      %swap3A_772 = arith.constant 11 : i32
      %swap3A_773 = arith.index_cast %swap3A_772 : i32 to index
      %swap3A_774 = arith.index_cast %mul3A_550 : i32 to index
      %swap3A_775 = tpu.vector_load %arg12[%swap3A_773, %swap3A_774] {strides = array<i32>} : memref<16x1024xf32, #tpu.memory_space<vmem>>, vector<1x16xf32>,
      %swap3A_776 = vector.shape_cast %swap3A_775 : vector<1x16xf32> to vector<16xf32>
      %swap3A_777 = vector.shape_cast %add3A_771 : vector<16xf32> to vector<1x16xf32>
      tpu.vector_store %arg12[%swap3A_773, %swap3A_774], %swap3A_777 {strides = array<i32>} : memref<16x1024xf32, #tpu.memory_space<vmem>>, vector<1x16xf32>,
      %get3A_778 = arith.constant 12 : i32
      %get3A_779 = arith.index_cast %get3A_778 : i32 to index
      %get3A_780 = arith.index_cast %mul3A_550 : i32 to index
      %get3A_781 = tpu.vector_load %arg8[%get3A_779, %get3A_780] {strides = array<i32>} : memref<16x1024xf32, #tpu.memory_space<vmem>>, vector<1x16xf32>,
      %get3A_782 = vector.shape_cast %get3A_781 : vector<1x16xf32> to vector<16xf32>
      %mul3A_783 = arith.mulf %broadcast_in_dim3A_71, %get3A_782 : vector<16xf32>
      %get3A_784 = arith.constant 12 : i32
      %get3A_785 = arith.index_cast %get3A_784 : i32 to index
      %get3A_786 = arith.index_cast %mul3A_550 : i32 to index
      %get3A_787 = tpu.vector_load %arg10[%get3A_785, %get3A_786] {strides = array<i32>} : memref<16x1024xf32, #tpu.memory_space<vmem>>, vector<1x16xf32>,
      %get3A_788 = vector.shape_cast %get3A_787 : vector<1x16xf32> to vector<16xf32>
      %mul3A_789 = arith.mulf %broadcast_in_dim3A_119, %get3A_788 : vector<16xf32>
      %add3A_790 = arith.addf %mul3A_783, %mul3A_789 : vector<16xf32>
      %swap3A_791 = arith.constant 12 : i32
      %swap3A_792 = arith.index_cast %swap3A_791 : i32 to index
      %swap3A_793 = arith.index_cast %mul3A_550 : i32 to index
      %swap3A_794 = tpu.vector_load %arg12[%swap3A_792, %swap3A_793] {strides = array<i32>} : memref<16x1024xf32, #tpu.memory_space<vmem>>, vector<1x16xf32>,
      %swap3A_795 = vector.shape_cast %swap3A_794 : vector<1x16xf32> to vector<16xf32>
      %swap3A_796 = vector.shape_cast %add3A_790 : vector<16xf32> to vector<1x16xf32>
      tpu.vector_store %arg12[%swap3A_792, %swap3A_793], %swap3A_796 {strides = array<i32>} : memref<16x1024xf32, #tpu.memory_space<vmem>>, vector<1x16xf32>,
      %get3A_797 = arith.constant 13 : i32
      %get3A_798 = arith.index_cast %get3A_797 : i32 to index
      %get3A_799 = arith.index_cast %mul3A_550 : i32 to index
      %get3A_800 = tpu.vector_load %arg8[%get3A_798, %get3A_799] {strides = array<i32>} : memref<16x1024xf32, #tpu.memory_space<vmem>>, vector<1x16xf32>,
      %get3A_801 = vector.shape_cast %get3A_800 : vector<1x16xf32> to vector<16xf32>
      %mul3A_802 = arith.mulf %broadcast_in_dim3A_74, %get3A_801 : vector<16xf32>
      %get3A_803 = arith.constant 13 : i32
      %get3A_804 = arith.index_cast %get3A_803 : i32 to index
      %get3A_805 = arith.index_cast %mul3A_550 : i32 to index
      %get3A_806 = tpu.vector_load %arg10[%get3A_804, %get3A_805] {strides = array<i32>} : memref<16x1024xf32, #tpu.memory_space<vmem>>, vector<1x16xf32>,
      %get3A_807 = vector.shape_cast %get3A_806 : vector<1x16xf32> to vector<16xf32>
      %mul3A_808 = arith.mulf %broadcast_in_dim3A_122, %get3A_807 : vector<16xf32>
      %add3A_809 = arith.addf %mul3A_802, %mul3A_808 : vector<16xf32>
      %swap3A_810 = arith.constant 13 : i32
      %swap3A_811 = arith.index_cast %swap3A_810 : i32 to index
      %swap3A_812 = arith.index_cast %mul3A_550 : i32 to index
      %swap3A_813 = tpu.vector_load %arg12[%swap3A_811, %swap3A_812] {strides = array<i32>} : memref<16x1024xf32, #tpu.memory_space<vmem>>, vector<1x16xf32>,
      %swap3A_814 = vector.shape_cast %swap3A_813 : vector<1x16xf32> to vector<16xf32>
      %swap3A_815 = vector.shape_cast %add3A_809 : vector<16xf32> to vector<1x16xf32>
      tpu.vector_store %arg12[%swap3A_811, %swap3A_812], %swap3A_815 {strides = array<i32>} : memref<16x1024xf32, #tpu.memory_space<vmem>>, vector<1x16xf32>,
      %get3A_816 = arith.constant 14 : i32
      %get3A_817 = arith.index_cast %get3A_816 : i32 to index
      %get3A_818 = arith.index_cast %mul3A_550 : i32 to index
      %get3A_819 = tpu.vector_load %arg8[%get3A_817, %get3A_818] {strides = array<i32>} : memref<16x1024xf32, #tpu.memory_space<vmem>>, vector<1x16xf32>,
      %get3A_820 = vector.shape_cast %get3A_819 : vector<1x16xf32> to vector<16xf32>
      %mul3A_821 = arith.mulf %broadcast_in_dim3A_77, %get3A_820 : vector<16xf32>
      %get3A_822 = arith.constant 14 : i32
      %get3A_823 = arith.index_cast %get3A_822 : i32 to index
      %get3A_824 = arith.index_cast %mul3A_550 : i32 to index
      %get3A_825 = tpu.vector_load %arg10[%get3A_823, %get3A_824] {strides = array<i32>} : memref<16x1024xf32, #tpu.memory_space<vmem>>, vector<1x16xf32>,
      %get3A_826 = vector.shape_cast %get3A_825 : vector<1x16xf32> to vector<16xf32>
      %mul3A_827 = arith.mulf %broadcast_in_dim3A_125, %get3A_826 : vector<16xf32>
      %add3A_828 = arith.addf %mul3A_821, %mul3A_827 : vector<16xf32>
      %swap3A_829 = arith.constant 14 : i32
      %swap3A_830 = arith.index_cast %swap3A_829 : i32 to index
      %swap3A_831 = arith.index_cast %mul3A_550 : i32 to index
      %swap3A_832 = tpu.vector_load %arg12[%swap3A_830, %swap3A_831] {strides = array<i32>} : memref<16x1024xf32, #tpu.memory_space<vmem>>, vector<1x16xf32>,
      %swap3A_833 = vector.shape_cast %swap3A_832 : vector<1x16xf32> to vector<16xf32>
      %swap3A_834 = vector.shape_cast %add3A_828 : vector<16xf32> to vector<1x16xf32>
      tpu.vector_store %arg12[%swap3A_830, %swap3A_831], %swap3A_834 {strides = array<i32>} : memref<16x1024xf32, #tpu.memory_space<vmem>>, vector<1x16xf32>,
      %get3A_835 = arith.constant 15 : i32
      %get3A_836 = arith.index_cast %get3A_835 : i32 to index
      %get3A_837 = arith.index_cast %mul3A_550 : i32 to index
      %get3A_838 = tpu.vector_load %arg8[%get3A_836, %get3A_837] {strides = array<i32>} : memref<16x1024xf32, #tpu.memory_space<vmem>>, vector<1x16xf32>,
      %get3A_839 = vector.shape_cast %get3A_838 : vector<1x16xf32> to vector<16xf32>
      %mul3A_840 = arith.mulf %broadcast_in_dim3A_80, %get3A_839 : vector<16xf32>
      %get3A_841 = arith.constant 15 : i32
      %get3A_842 = arith.index_cast %get3A_841 : i32 to index
      %get3A_843 = arith.index_cast %mul3A_550 : i32 to index
      %get3A_844 = tpu.vector_load %arg10[%get3A_842, %get3A_843] {strides = array<i32>} : memref<16x1024xf32, #tpu.memory_space<vmem>>, vector<1x16xf32>,
      %get3A_845 = vector.shape_cast %get3A_844 : vector<1x16xf32> to vector<16xf32>
      %mul3A_846 = arith.mulf %broadcast_in_dim3A_128, %get3A_845 : vector<16xf32>
      %add3A_847 = arith.addf %mul3A_840, %mul3A_846 : vector<16xf32>
      %swap3A_848 = arith.constant 15 : i32
      %swap3A_849 = arith.index_cast %swap3A_848 : i32 to index
      %swap3A_850 = arith.index_cast %mul3A_550 : i32 to index
      %swap3A_851 = tpu.vector_load %arg12[%swap3A_849, %swap3A_850] {strides = array<i32>} : memref<16x1024xf32, #tpu.memory_space<vmem>>, vector<1x16xf32>,
      %swap3A_852 = vector.shape_cast %swap3A_851 : vector<1x16xf32> to vector<16xf32>
      %swap3A_853 = vector.shape_cast %add3A_847 : vector<16xf32> to vector<1x16xf32>
      tpu.vector_store %arg12[%swap3A_849, %swap3A_850], %swap3A_853 {strides = array<i32>} : memref<16x1024xf32, #tpu.memory_space<vmem>>, vector<1x16xf32>,
    }
    %scan3A_133 = arith.constant 64 : i32
    %add3A_134 = arith.constant 0 : i32
    %add3A_135 = arith.addi %mul3A_2, %add3A_134 : i32
    %dma_start3A_136 = arith.constant 0 : i32
    %dma_start3A_137 = tpu.memref_slice %arg7[%add3A_135, %dma_start3A_136] : memref<2048x1024xf32, #tpu.memory_space<hbm>> -> memref<16x1024xf32, #tpu.memory_space<hbm>>
    %dma_start3A_138 = arith.constant 0 : i32
    %dma_start3A_139 = tpu.memref_slice %arg7[%add3A_135, %dma_start3A_138] : memref<2048x1024xf32, #tpu.memory_space<hbm>> -> memref<16x1024xf32, #tpu.memory_space<hbm>>
    tpu.enqueue_dma source(%arg12 : memref<16x1024xf32, #tpu.memory_space<vmem>>) target(%dma_start3A_139 : memref<16x1024xf32, #tpu.memory_space<hbm>>) target_semaphore(%arg19 : memref<!tpu.dma_semaphore, #tpu.memory_space<semaphore_mem>>)
    %dma_wait3A_140 = arith.constant 16 : i32
    %dma_wait3A_141 = tpu.memref_slice %arg13[%dma_wait3A_140] : memref<64xi32, #tpu.memory_space<vmem>> -> memref<16xi32, #tpu.memory_space<vmem>>
    %dma_wait3A_142 = arith.constant 0 : i32
    %dma_wait3A_143 = arith.constant 0 : i32
    %dma_wait3A_144 = tpu.memref_slice %arg2[%dma_wait3A_142, %dma_wait3A_143] : memref<8192x1024xf32, #tpu.memory_space<hbm>> -> memref<8192x1024xf32, #tpu.memory_space<hbm>>
    tpu.wait_indirect_dma semaphore(%arg18 : memref<!tpu.dma_semaphore, #tpu.memory_space<semaphore_mem>>) src(%dma_wait3A_144 : memref<8192x1024xf32, #tpu.memory_space<hbm>>) dst(%arg9 : memref<16x1024xf32, #tpu.memory_space<vmem>>)
    %dma_wait3A_145 = arith.constant 16 : i32
    %dma_wait3A_146 = tpu.memref_slice %arg14[%dma_wait3A_145] : memref<64xi32, #tpu.memory_space<vmem>> -> memref<16xi32, #tpu.memory_space<vmem>>
    %dma_wait3A_147 = arith.constant 0 : i32
    %dma_wait3A_148 = arith.constant 0 : i32
    %dma_wait3A_149 = tpu.memref_slice %arg2[%dma_wait3A_147, %dma_wait3A_148] : memref<8192x1024xf32, #tpu.memory_space<hbm>> -> memref<8192x1024xf32, #tpu.memory_space<hbm>>
    tpu.wait_indirect_dma semaphore(%arg18 : memref<!tpu.dma_semaphore, #tpu.memory_space<semaphore_mem>>) src(%dma_wait3A_149 : memref<8192x1024xf32, #tpu.memory_space<hbm>>) dst(%arg11 : memref<16x1024xf32, #tpu.memory_space<vmem>>)
    %dma_start3A_150 = arith.constant 32 : i32
    %dma_start3A_151 = tpu.memref_slice %arg13[%dma_start3A_150] : memref<64xi32, #tpu.memory_space<vmem>> -> memref<16xi32, #tpu.memory_space<vmem>>
    %dma_start3A_152 = arith.constant 0 : i32
    %dma_start3A_153 = arith.constant 0 : i32
    %dma_start3A_154 = tpu.memref_slice %arg2[%dma_start3A_152, %dma_start3A_153] : memref<8192x1024xf32, #tpu.memory_space<hbm>> -> memref<8192x1024xf32, #tpu.memory_space<hbm>>
    tpu.enqueue_indirect_dma source(%dma_start3A_154 : memref<8192x1024xf32, #tpu.memory_space<hbm>>) target(%arg8 : memref<16x1024xf32, #tpu.memory_space<vmem>>) offsets(%dma_start3A_151 : memref<16xi32, #tpu.memory_space<vmem>>) semaphore(%arg17 : memref<!tpu.dma_semaphore, #tpu.memory_space<semaphore_mem>>)
    %dma_start3A_155 = arith.constant 32 : i32
    %dma_start3A_156 = tpu.memref_slice %arg14[%dma_start3A_155] : memref<64xi32, #tpu.memory_space<vmem>> -> memref<16xi32, #tpu.memory_space<vmem>>
    %dma_start3A_157 = arith.constant 0 : i32
    %dma_start3A_158 = arith.constant 0 : i32
    %dma_start3A_159 = tpu.memref_slice %arg2[%dma_start3A_157, %dma_start3A_158] : memref<8192x1024xf32, #tpu.memory_space<hbm>> -> memref<8192x1024xf32, #tpu.memory_space<hbm>>
    tpu.enqueue_indirect_dma source(%dma_start3A_159 : memref<8192x1024xf32, #tpu.memory_space<hbm>>) target(%arg10 : memref<16x1024xf32, #tpu.memory_space<vmem>>) offsets(%dma_start3A_156 : memref<16xi32, #tpu.memory_space<vmem>>) semaphore(%arg17 : memref<!tpu.dma_semaphore, #tpu.memory_space<semaphore_mem>>)
    %get3A_160 = arith.constant 16 : index
    %get3A_161 = tpu.vector_load %arg15[%get3A_160] {strides = array<i32>} : memref<64xf32, #tpu.memory_space<vmem>>, vector<16xf32>,
    %get3A_162 = vector.shape_cast %get3A_161 : vector<16xf32> to vector<16xf32>
    %get3A_163 = arith.constant 16 : index
    %get3A_164 = tpu.vector_load %arg16[%get3A_163] {strides = array<i32>} : memref<64xf32, #tpu.memory_space<vmem>>, vector<16xf32>,
    %get3A_165 = vector.shape_cast %get3A_164 : vector<16xf32> to vector<16xf32>
    %slice3A_166 = vector.extract_strided_slice %get3A_162 {offsets = [0], sizes = [1], strides = [1]} : vector<16xf32> to vector<1xf32>
    %squeeze3A_167 = vector.extract %slice3A_166[0] : f32 from vector<1xf32>
    %broadcast_in_dim3A_168 = vector.broadcast %squeeze3A_167 : f32 to vector<16xf32>
    %slice3A_169 = vector.extract_strided_slice %get3A_162 {offsets = [1], sizes = [1], strides = [1]} : vector<16xf32> to vector<1xf32>
    %squeeze3A_170 = vector.extract %slice3A_169[0] : f32 from vector<1xf32>
    %broadcast_in_dim3A_171 = vector.broadcast %squeeze3A_170 : f32 to vector<16xf32>
    %slice3A_172 = vector.extract_strided_slice %get3A_162 {offsets = [2], sizes = [1], strides = [1]} : vector<16xf32> to vector<1xf32>
    %squeeze3A_173 = vector.extract %slice3A_172[0] : f32 from vector<1xf32>
    %broadcast_in_dim3A_174 = vector.broadcast %squeeze3A_173 : f32 to vector<16xf32>
    %slice3A_175 = vector.extract_strided_slice %get3A_162 {offsets = [3], sizes = [1], strides = [1]} : vector<16xf32> to vector<1xf32>
    %squeeze3A_176 = vector.extract %slice3A_175[0] : f32 from vector<1xf32>
    %broadcast_in_dim3A_177 = vector.broadcast %squeeze3A_176 : f32 to vector<16xf32>
    %slice3A_178 = vector.extract_strided_slice %get3A_162 {offsets = [4], sizes = [1], strides = [1]} : vector<16xf32> to vector<1xf32>
    %squeeze3A_179 = vector.extract %slice3A_178[0] : f32 from vector<1xf32>
    %broadcast_in_dim3A_180 = vector.broadcast %squeeze3A_179 : f32 to vector<16xf32>
    %slice3A_181 = vector.extract_strided_slice %get3A_162 {offsets = [5], sizes = [1], strides = [1]} : vector<16xf32> to vector<1xf32>
    %squeeze3A_182 = vector.extract %slice3A_181[0] : f32 from vector<1xf32>
    %broadcast_in_dim3A_183 = vector.broadcast %squeeze3A_182 : f32 to vector<16xf32>
    %slice3A_184 = vector.extract_strided_slice %get3A_162 {offsets = [6], sizes = [1], strides = [1]} : vector<16xf32> to vector<1xf32>
    %squeeze3A_185 = vector.extract %slice3A_184[0] : f32 from vector<1xf32>
    %broadcast_in_dim3A_186 = vector.broadcast %squeeze3A_185 : f32 to vector<16xf32>
    %slice3A_187 = vector.extract_strided_slice %get3A_162 {offsets = [7], sizes = [1], strides = [1]} : vector<16xf32> to vector<1xf32>
    %squeeze3A_188 = vector.extract %slice3A_187[0] : f32 from vector<1xf32>
    %broadcast_in_dim3A_189 = vector.broadcast %squeeze3A_188 : f32 to vector<16xf32>
    %slice3A_190 = vector.extract_strided_slice %get3A_162 {offsets = [8], sizes = [1], strides = [1]} : vector<16xf32> to vector<1xf32>
    %squeeze3A_191 = vector.extract %slice3A_190[0] : f32 from vector<1xf32>
    %broadcast_in_dim3A_192 = vector.broadcast %squeeze3A_191 : f32 to vector<16xf32>
    %slice3A_193 = vector.extract_strided_slice %get3A_162 {offsets = [9], sizes = [1], strides = [1]} : vector<16xf32> to vector<1xf32>
    %squeeze3A_194 = vector.extract %slice3A_193[0] : f32 from vector<1xf32>
    %broadcast_in_dim3A_195 = vector.broadcast %squeeze3A_194 : f32 to vector<16xf32>
    %slice3A_196 = vector.extract_strided_slice %get3A_162 {offsets = [10], sizes = [1], strides = [1]} : vector<16xf32> to vector<1xf32>
    %squeeze3A_197 = vector.extract %slice3A_196[0] : f32 from vector<1xf32>
    %broadcast_in_dim3A_198 = vector.broadcast %squeeze3A_197 : f32 to vector<16xf32>
    %slice3A_199 = vector.extract_strided_slice %get3A_162 {offsets = [11], sizes = [1], strides = [1]} : vector<16xf32> to vector<1xf32>
    %squeeze3A_200 = vector.extract %slice3A_199[0] : f32 from vector<1xf32>
    %broadcast_in_dim3A_201 = vector.broadcast %squeeze3A_200 : f32 to vector<16xf32>
    %slice3A_202 = vector.extract_strided_slice %get3A_162 {offsets = [12], sizes = [1], strides = [1]} : vector<16xf32> to vector<1xf32>
    %squeeze3A_203 = vector.extract %slice3A_202[0] : f32 from vector<1xf32>
    %broadcast_in_dim3A_204 = vector.broadcast %squeeze3A_203 : f32 to vector<16xf32>
    %slice3A_205 = vector.extract_strided_slice %get3A_162 {offsets = [13], sizes = [1], strides = [1]} : vector<16xf32> to vector<1xf32>
    %squeeze3A_206 = vector.extract %slice3A_205[0] : f32 from vector<1xf32>
    %broadcast_in_dim3A_207 = vector.broadcast %squeeze3A_206 : f32 to vector<16xf32>
    %slice3A_208 = vector.extract_strided_slice %get3A_162 {offsets = [14], sizes = [1], strides = [1]} : vector<16xf32> to vector<1xf32>
    %squeeze3A_209 = vector.extract %slice3A_208[0] : f32 from vector<1xf32>
    %broadcast_in_dim3A_210 = vector.broadcast %squeeze3A_209 : f32 to vector<16xf32>
    %slice3A_211 = vector.extract_strided_slice %get3A_162 {offsets = [15], sizes = [1], strides = [1]} : vector<16xf32> to vector<1xf32>
    %squeeze3A_212 = vector.extract %slice3A_211[0] : f32 from vector<1xf32>
    %broadcast_in_dim3A_213 = vector.broadcast %squeeze3A_212 : f32 to vector<16xf32>
    %slice3A_214 = vector.extract_strided_slice %get3A_165 {offsets = [0], sizes = [1], strides = [1]} : vector<16xf32> to vector<1xf32>
    %squeeze3A_215 = vector.extract %slice3A_214[0] : f32 from vector<1xf32>
    %broadcast_in_dim3A_216 = vector.broadcast %squeeze3A_215 : f32 to vector<16xf32>
    %slice3A_217 = vector.extract_strided_slice %get3A_165 {offsets = [1], sizes = [1], strides = [1]} : vector<16xf32> to vector<1xf32>
    %squeeze3A_218 = vector.extract %slice3A_217[0] : f32 from vector<1xf32>
    %broadcast_in_dim3A_219 = vector.broadcast %squeeze3A_218 : f32 to vector<16xf32>
    %slice3A_220 = vector.extract_strided_slice %get3A_165 {offsets = [2], sizes = [1], strides = [1]} : vector<16xf32> to vector<1xf32>
    %squeeze3A_221 = vector.extract %slice3A_220[0] : f32 from vector<1xf32>
    %broadcast_in_dim3A_222 = vector.broadcast %squeeze3A_221 : f32 to vector<16xf32>
    %slice3A_223 = vector.extract_strided_slice %get3A_165 {offsets = [3], sizes = [1], strides = [1]} : vector<16xf32> to vector<1xf32>
    %squeeze3A_224 = vector.extract %slice3A_223[0] : f32 from vector<1xf32>
    %broadcast_in_dim3A_225 = vector.broadcast %squeeze3A_224 : f32 to vector<16xf32>
    %slice3A_226 = vector.extract_strided_slice %get3A_165 {offsets = [4], sizes = [1], strides = [1]} : vector<16xf32> to vector<1xf32>
    %squeeze3A_227 = vector.extract %slice3A_226[0] : f32 from vector<1xf32>
    %broadcast_in_dim3A_228 = vector.broadcast %squeeze3A_227 : f32 to vector<16xf32>
    %slice3A_229 = vector.extract_strided_slice %get3A_165 {offsets = [5], sizes = [1], strides = [1]} : vector<16xf32> to vector<1xf32>
    %squeeze3A_230 = vector.extract %slice3A_229[0] : f32 from vector<1xf32>
    %broadcast_in_dim3A_231 = vector.broadcast %squeeze3A_230 : f32 to vector<16xf32>
    %slice3A_232 = vector.extract_strided_slice %get3A_165 {offsets = [6], sizes = [1], strides = [1]} : vector<16xf32> to vector<1xf32>
    %squeeze3A_233 = vector.extract %slice3A_232[0] : f32 from vector<1xf32>
    %broadcast_in_dim3A_234 = vector.broadcast %squeeze3A_233 : f32 to vector<16xf32>
    %slice3A_235 = vector.extract_strided_slice %get3A_165 {offsets = [7], sizes = [1], strides = [1]} : vector<16xf32> to vector<1xf32>
    %squeeze3A_236 = vector.extract %slice3A_235[0] : f32 from vector<1xf32>
    %broadcast_in_dim3A_237 = vector.broadcast %squeeze3A_236 : f32 to vector<16xf32>
    %slice3A_238 = vector.extract_strided_slice %get3A_165 {offsets = [8], sizes = [1], strides = [1]} : vector<16xf32> to vector<1xf32>
    %squeeze3A_239 = vector.extract %slice3A_238[0] : f32 from vector<1xf32>
    %broadcast_in_dim3A_240 = vector.broadcast %squeeze3A_239 : f32 to vector<16xf32>
    %slice3A_241 = vector.extract_strided_slice %get3A_165 {offsets = [9], sizes = [1], strides = [1]} : vector<16xf32> to vector<1xf32>
    %squeeze3A_242 = vector.extract %slice3A_241[0] : f32 from vector<1xf32>
    %broadcast_in_dim3A_243 = vector.broadcast %squeeze3A_242 : f32 to vector<16xf32>
    %slice3A_244 = vector.extract_strided_slice %get3A_165 {offsets = [10], sizes = [1], strides = [1]} : vector<16xf32> to vector<1xf32>
    %squeeze3A_245 = vector.extract %slice3A_244[0] : f32 from vector<1xf32>
    %broadcast_in_dim3A_246 = vector.broadcast %squeeze3A_245 : f32 to vector<16xf32>
    %slice3A_247 = vector.extract_strided_slice %get3A_165 {offsets = [11], sizes = [1], strides = [1]} : vector<16xf32> to vector<1xf32>
    %squeeze3A_248 = vector.extract %slice3A_247[0] : f32 from vector<1xf32>
    %broadcast_in_dim3A_249 = vector.broadcast %squeeze3A_248 : f32 to vector<16xf32>
    %slice3A_250 = vector.extract_strided_slice %get3A_165 {offsets = [12], sizes = [1], strides = [1]} : vector<16xf32> to vector<1xf32>
    %squeeze3A_251 = vector.extract %slice3A_250[0] : f32 from vector<1xf32>
    %broadcast_in_dim3A_252 = vector.broadcast %squeeze3A_251 : f32 to vector<16xf32>
    %slice3A_253 = vector.extract_strided_slice %get3A_165 {offsets = [13], sizes = [1], strides = [1]} : vector<16xf32> to vector<1xf32>
    %squeeze3A_254 = vector.extract %slice3A_253[0] : f32 from vector<1xf32>
    %broadcast_in_dim3A_255 = vector.broadcast %squeeze3A_254 : f32 to vector<16xf32>
    %slice3A_256 = vector.extract_strided_slice %get3A_165 {offsets = [14], sizes = [1], strides = [1]} : vector<16xf32> to vector<1xf32>
    %squeeze3A_257 = vector.extract %slice3A_256[0] : f32 from vector<1xf32>
    %broadcast_in_dim3A_258 = vector.broadcast %squeeze3A_257 : f32 to vector<16xf32>
    %slice3A_259 = vector.extract_strided_slice %get3A_165 {offsets = [15], sizes = [1], strides = [1]} : vector<16xf32> to vector<1xf32>
    %squeeze3A_260 = vector.extract %slice3A_259[0] : f32 from vector<1xf32>
    %broadcast_in_dim3A_261 = vector.broadcast %squeeze3A_260 : f32 to vector<16xf32>
    %dma_wait3A_262 = arith.constant 0 : i32
    %dma_wait3A_263 = tpu.memref_slice %arg7[%add3A_135, %dma_wait3A_262] : memref<2048x1024xf32, #tpu.memory_space<hbm>> -> memref<16x1024xf32, #tpu.memory_space<hbm>>
    %dma_wait3A_264 = arith.constant 0 : i32
    %dma_wait3A_265 = tpu.memref_slice %arg7[%add3A_135, %dma_wait3A_264] : memref<2048x1024xf32, #tpu.memory_space<hbm>> -> memref<16x1024xf32, #tpu.memory_space<hbm>>
    tpu.wait_dma2 semaphore(%arg19 : memref<!tpu.dma_semaphore, #tpu.memory_space<semaphore_mem>>) src(%arg12 : memref<16x1024xf32, #tpu.memory_space<vmem>>) dst(%dma_wait3A_265 : memref<16x1024xf32, #tpu.memory_space<hbm>>)
    %scan3A_266 = arith.constant 0 : i32
    %scan3A_267 = arith.constant 0 : i32
    %scan3A_268 = arith.constant 64 : i32
    %scan3A_269 = arith.addi %scan3A_267, %scan3A_268 : i32
    %scan3A_270 = arith.constant 1 : i32
    scf.for %scan3A_548 = %scan3A_267 to %scan3A_269 step %scan3A_270  : i32 {
      %mul3A_549 = arith.constant 16 : i32
      %mul3A_550 = arith.muli %scan3A_548, %mul3A_549 : i32
      %get3A_551 = arith.constant 0 : i32
      %get3A_552 = arith.index_cast %get3A_551 : i32 to index
      %get3A_553 = arith.index_cast %mul3A_550 : i32 to index
      %get3A_554 = tpu.vector_load %arg9[%get3A_552, %get3A_553] {strides = array<i32>} : memref<16x1024xf32, #tpu.memory_space<vmem>>, vector<1x16xf32>,
      %get3A_555 = vector.shape_cast %get3A_554 : vector<1x16xf32> to vector<16xf32>
      %mul3A_556 = arith.mulf %broadcast_in_dim3A_168, %get3A_555 : vector<16xf32>
      %get3A_557 = arith.constant 0 : i32
      %get3A_558 = arith.index_cast %get3A_557 : i32 to index
      %get3A_559 = arith.index_cast %mul3A_550 : i32 to index
      %get3A_560 = tpu.vector_load %arg11[%get3A_558, %get3A_559] {strides = array<i32>} : memref<16x1024xf32, #tpu.memory_space<vmem>>, vector<1x16xf32>,
      %get3A_561 = vector.shape_cast %get3A_560 : vector<1x16xf32> to vector<16xf32>
      %mul3A_562 = arith.mulf %broadcast_in_dim3A_216, %get3A_561 : vector<16xf32>
      %add3A_563 = arith.addf %mul3A_556, %mul3A_562 : vector<16xf32>
      %swap3A = arith.constant 0 : i32
      %swap3A_564 = arith.index_cast %swap3A : i32 to index
      %swap3A_565 = arith.index_cast %mul3A_550 : i32 to index
      %swap3A_566 = tpu.vector_load %arg12[%swap3A_564, %swap3A_565] {strides = array<i32>} : memref<16x1024xf32, #tpu.memory_space<vmem>>, vector<1x16xf32>,
      %swap3A_567 = vector.shape_cast %swap3A_566 : vector<1x16xf32> to vector<16xf32>
      %swap3A_568 = vector.shape_cast %add3A_563 : vector<16xf32> to vector<1x16xf32>
      tpu.vector_store %arg12[%swap3A_564, %swap3A_565], %swap3A_568 {strides = array<i32>} : memref<16x1024xf32, #tpu.memory_space<vmem>>, vector<1x16xf32>,
      %get3A_569 = arith.constant 1 : i32
      %get3A_570 = arith.index_cast %get3A_569 : i32 to index
      %get3A_571 = arith.index_cast %mul3A_550 : i32 to index
      %get3A_572 = tpu.vector_load %arg9[%get3A_570, %get3A_571] {strides = array<i32>} : memref<16x1024xf32, #tpu.memory_space<vmem>>, vector<1x16xf32>,
      %get3A_573 = vector.shape_cast %get3A_572 : vector<1x16xf32> to vector<16xf32>
      %mul3A_574 = arith.mulf %broadcast_in_dim3A_171, %get3A_573 : vector<16xf32>
      %get3A_575 = arith.constant 1 : i32
      %get3A_576 = arith.index_cast %get3A_575 : i32 to index
      %get3A_577 = arith.index_cast %mul3A_550 : i32 to index
      %get3A_578 = tpu.vector_load %arg11[%get3A_576, %get3A_577] {strides = array<i32>} : memref<16x1024xf32, #tpu.memory_space<vmem>>, vector<1x16xf32>,
      %get3A_579 = vector.shape_cast %get3A_578 : vector<1x16xf32> to vector<16xf32>
      %mul3A_580 = arith.mulf %broadcast_in_dim3A_219, %get3A_579 : vector<16xf32>
      %add3A_581 = arith.addf %mul3A_574, %mul3A_580 : vector<16xf32>
      %swap3A_582 = arith.constant 1 : i32
      %swap3A_583 = arith.index_cast %swap3A_582 : i32 to index
      %swap3A_584 = arith.index_cast %mul3A_550 : i32 to index
      %swap3A_585 = tpu.vector_load %arg12[%swap3A_583, %swap3A_584] {strides = array<i32>} : memref<16x1024xf32, #tpu.memory_space<vmem>>, vector<1x16xf32>,
      %swap3A_586 = vector.shape_cast %swap3A_585 : vector<1x16xf32> to vector<16xf32>
      %swap3A_587 = vector.shape_cast %add3A_581 : vector<16xf32> to vector<1x16xf32>
      tpu.vector_store %arg12[%swap3A_583, %swap3A_584], %swap3A_587 {strides = array<i32>} : memref<16x1024xf32, #tpu.memory_space<vmem>>, vector<1x16xf32>,
      %get3A_588 = arith.constant 2 : i32
      %get3A_589 = arith.index_cast %get3A_588 : i32 to index
      %get3A_590 = arith.index_cast %mul3A_550 : i32 to index
      %get3A_591 = tpu.vector_load %arg9[%get3A_589, %get3A_590] {strides = array<i32>} : memref<16x1024xf32, #tpu.memory_space<vmem>>, vector<1x16xf32>,
      %get3A_592 = vector.shape_cast %get3A_591 : vector<1x16xf32> to vector<16xf32>
      %mul3A_593 = arith.mulf %broadcast_in_dim3A_174, %get3A_592 : vector<16xf32>
      %get3A_594 = arith.constant 2 : i32
      %get3A_595 = arith.index_cast %get3A_594 : i32 to index
      %get3A_596 = arith.index_cast %mul3A_550 : i32 to index
      %get3A_597 = tpu.vector_load %arg11[%get3A_595, %get3A_596] {strides = array<i32>} : memref<16x1024xf32, #tpu.memory_space<vmem>>, vector<1x16xf32>,
      %get3A_598 = vector.shape_cast %get3A_597 : vector<1x16xf32> to vector<16xf32>
      %mul3A_599 = arith.mulf %broadcast_in_dim3A_222, %get3A_598 : vector<16xf32>
      %add3A_600 = arith.addf %mul3A_593, %mul3A_599 : vector<16xf32>
      %swap3A_601 = arith.constant 2 : i32
      %swap3A_602 = arith.index_cast %swap3A_601 : i32 to index
      %swap3A_603 = arith.index_cast %mul3A_550 : i32 to index
      %swap3A_604 = tpu.vector_load %arg12[%swap3A_602, %swap3A_603] {strides = array<i32>} : memref<16x1024xf32, #tpu.memory_space<vmem>>, vector<1x16xf32>,
      %swap3A_605 = vector.shape_cast %swap3A_604 : vector<1x16xf32> to vector<16xf32>
      %swap3A_606 = vector.shape_cast %add3A_600 : vector<16xf32> to vector<1x16xf32>
      tpu.vector_store %arg12[%swap3A_602, %swap3A_603], %swap3A_606 {strides = array<i32>} : memref<16x1024xf32, #tpu.memory_space<vmem>>, vector<1x16xf32>,
      %get3A_607 = arith.constant 3 : i32
      %get3A_608 = arith.index_cast %get3A_607 : i32 to index
      %get3A_609 = arith.index_cast %mul3A_550 : i32 to index
      %get3A_610 = tpu.vector_load %arg9[%get3A_608, %get3A_609] {strides = array<i32>} : memref<16x1024xf32, #tpu.memory_space<vmem>>, vector<1x16xf32>,
      %get3A_611 = vector.shape_cast %get3A_610 : vector<1x16xf32> to vector<16xf32>
      %mul3A_612 = arith.mulf %broadcast_in_dim3A_177, %get3A_611 : vector<16xf32>
      %get3A_613 = arith.constant 3 : i32
      %get3A_614 = arith.index_cast %get3A_613 : i32 to index
      %get3A_615 = arith.index_cast %mul3A_550 : i32 to index
      %get3A_616 = tpu.vector_load %arg11[%get3A_614, %get3A_615] {strides = array<i32>} : memref<16x1024xf32, #tpu.memory_space<vmem>>, vector<1x16xf32>,
      %get3A_617 = vector.shape_cast %get3A_616 : vector<1x16xf32> to vector<16xf32>
      %mul3A_618 = arith.mulf %broadcast_in_dim3A_225, %get3A_617 : vector<16xf32>
      %add3A_619 = arith.addf %mul3A_612, %mul3A_618 : vector<16xf32>
      %swap3A_620 = arith.constant 3 : i32
      %swap3A_621 = arith.index_cast %swap3A_620 : i32 to index
      %swap3A_622 = arith.index_cast %mul3A_550 : i32 to index
      %swap3A_623 = tpu.vector_load %arg12[%swap3A_621, %swap3A_622] {strides = array<i32>} : memref<16x1024xf32, #tpu.memory_space<vmem>>, vector<1x16xf32>,
      %swap3A_624 = vector.shape_cast %swap3A_623 : vector<1x16xf32> to vector<16xf32>
      %swap3A_625 = vector.shape_cast %add3A_619 : vector<16xf32> to vector<1x16xf32>
      tpu.vector_store %arg12[%swap3A_621, %swap3A_622], %swap3A_625 {strides = array<i32>} : memref<16x1024xf32, #tpu.memory_space<vmem>>, vector<1x16xf32>,
      %get3A_626 = arith.constant 4 : i32
      %get3A_627 = arith.index_cast %get3A_626 : i32 to index
      %get3A_628 = arith.index_cast %mul3A_550 : i32 to index
      %get3A_629 = tpu.vector_load %arg9[%get3A_627, %get3A_628] {strides = array<i32>} : memref<16x1024xf32, #tpu.memory_space<vmem>>, vector<1x16xf32>,
      %get3A_630 = vector.shape_cast %get3A_629 : vector<1x16xf32> to vector<16xf32>
      %mul3A_631 = arith.mulf %broadcast_in_dim3A_180, %get3A_630 : vector<16xf32>
      %get3A_632 = arith.constant 4 : i32
      %get3A_633 = arith.index_cast %get3A_632 : i32 to index
      %get3A_634 = arith.index_cast %mul3A_550 : i32 to index
      %get3A_635 = tpu.vector_load %arg11[%get3A_633, %get3A_634] {strides = array<i32>} : memref<16x1024xf32, #tpu.memory_space<vmem>>, vector<1x16xf32>,
      %get3A_636 = vector.shape_cast %get3A_635 : vector<1x16xf32> to vector<16xf32>
      %mul3A_637 = arith.mulf %broadcast_in_dim3A_228, %get3A_636 : vector<16xf32>
      %add3A_638 = arith.addf %mul3A_631, %mul3A_637 : vector<16xf32>
      %swap3A_639 = arith.constant 4 : i32
      %swap3A_640 = arith.index_cast %swap3A_639 : i32 to index
      %swap3A_641 = arith.index_cast %mul3A_550 : i32 to index
      %swap3A_642 = tpu.vector_load %arg12[%swap3A_640, %swap3A_641] {strides = array<i32>} : memref<16x1024xf32, #tpu.memory_space<vmem>>, vector<1x16xf32>,
      %swap3A_643 = vector.shape_cast %swap3A_642 : vector<1x16xf32> to vector<16xf32>
      %swap3A_644 = vector.shape_cast %add3A_638 : vector<16xf32> to vector<1x16xf32>
      tpu.vector_store %arg12[%swap3A_640, %swap3A_641], %swap3A_644 {strides = array<i32>} : memref<16x1024xf32, #tpu.memory_space<vmem>>, vector<1x16xf32>,
      %get3A_645 = arith.constant 5 : i32
      %get3A_646 = arith.index_cast %get3A_645 : i32 to index
      %get3A_647 = arith.index_cast %mul3A_550 : i32 to index
      %get3A_648 = tpu.vector_load %arg9[%get3A_646, %get3A_647] {strides = array<i32>} : memref<16x1024xf32, #tpu.memory_space<vmem>>, vector<1x16xf32>,
      %get3A_649 = vector.shape_cast %get3A_648 : vector<1x16xf32> to vector<16xf32>
      %mul3A_650 = arith.mulf %broadcast_in_dim3A_183, %get3A_649 : vector<16xf32>
      %get3A_651 = arith.constant 5 : i32
      %get3A_652 = arith.index_cast %get3A_651 : i32 to index
      %get3A_653 = arith.index_cast %mul3A_550 : i32 to index
      %get3A_654 = tpu.vector_load %arg11[%get3A_652, %get3A_653] {strides = array<i32>} : memref<16x1024xf32, #tpu.memory_space<vmem>>, vector<1x16xf32>,
      %get3A_655 = vector.shape_cast %get3A_654 : vector<1x16xf32> to vector<16xf32>
      %mul3A_656 = arith.mulf %broadcast_in_dim3A_231, %get3A_655 : vector<16xf32>
      %add3A_657 = arith.addf %mul3A_650, %mul3A_656 : vector<16xf32>
      %swap3A_658 = arith.constant 5 : i32
      %swap3A_659 = arith.index_cast %swap3A_658 : i32 to index
      %swap3A_660 = arith.index_cast %mul3A_550 : i32 to index
      %swap3A_661 = tpu.vector_load %arg12[%swap3A_659, %swap3A_660] {strides = array<i32>} : memref<16x1024xf32, #tpu.memory_space<vmem>>, vector<1x16xf32>,
      %swap3A_662 = vector.shape_cast %swap3A_661 : vector<1x16xf32> to vector<16xf32>
      %swap3A_663 = vector.shape_cast %add3A_657 : vector<16xf32> to vector<1x16xf32>
      tpu.vector_store %arg12[%swap3A_659, %swap3A_660], %swap3A_663 {strides = array<i32>} : memref<16x1024xf32, #tpu.memory_space<vmem>>, vector<1x16xf32>,
      %get3A_664 = arith.constant 6 : i32
      %get3A_665 = arith.index_cast %get3A_664 : i32 to index
      %get3A_666 = arith.index_cast %mul3A_550 : i32 to index
      %get3A_667 = tpu.vector_load %arg9[%get3A_665, %get3A_666] {strides = array<i32>} : memref<16x1024xf32, #tpu.memory_space<vmem>>, vector<1x16xf32>,
      %get3A_668 = vector.shape_cast %get3A_667 : vector<1x16xf32> to vector<16xf32>
      %mul3A_669 = arith.mulf %broadcast_in_dim3A_186, %get3A_668 : vector<16xf32>
      %get3A_670 = arith.constant 6 : i32
      %get3A_671 = arith.index_cast %get3A_670 : i32 to index
      %get3A_672 = arith.index_cast %mul3A_550 : i32 to index
      %get3A_673 = tpu.vector_load %arg11[%get3A_671, %get3A_672] {strides = array<i32>} : memref<16x1024xf32, #tpu.memory_space<vmem>>, vector<1x16xf32>,
      %get3A_674 = vector.shape_cast %get3A_673 : vector<1x16xf32> to vector<16xf32>
      %mul3A_675 = arith.mulf %broadcast_in_dim3A_234, %get3A_674 : vector<16xf32>
      %add3A_676 = arith.addf %mul3A_669, %mul3A_675 : vector<16xf32>
      %swap3A_677 = arith.constant 6 : i32
      %swap3A_678 = arith.index_cast %swap3A_677 : i32 to index
      %swap3A_679 = arith.index_cast %mul3A_550 : i32 to index
      %swap3A_680 = tpu.vector_load %arg12[%swap3A_678, %swap3A_679] {strides = array<i32>} : memref<16x1024xf32, #tpu.memory_space<vmem>>, vector<1x16xf32>,
      %swap3A_681 = vector.shape_cast %swap3A_680 : vector<1x16xf32> to vector<16xf32>
      %swap3A_682 = vector.shape_cast %add3A_676 : vector<16xf32> to vector<1x16xf32>
      tpu.vector_store %arg12[%swap3A_678, %swap3A_679], %swap3A_682 {strides = array<i32>} : memref<16x1024xf32, #tpu.memory_space<vmem>>, vector<1x16xf32>,
      %get3A_683 = arith.constant 7 : i32
      %get3A_684 = arith.index_cast %get3A_683 : i32 to index
      %get3A_685 = arith.index_cast %mul3A_550 : i32 to index
      %get3A_686 = tpu.vector_load %arg9[%get3A_684, %get3A_685] {strides = array<i32>} : memref<16x1024xf32, #tpu.memory_space<vmem>>, vector<1x16xf32>,
      %get3A_687 = vector.shape_cast %get3A_686 : vector<1x16xf32> to vector<16xf32>
      %mul3A_688 = arith.mulf %broadcast_in_dim3A_189, %get3A_687 : vector<16xf32>
      %get3A_689 = arith.constant 7 : i32
      %get3A_690 = arith.index_cast %get3A_689 : i32 to index
      %get3A_691 = arith.index_cast %mul3A_550 : i32 to index
      %get3A_692 = tpu.vector_load %arg11[%get3A_690, %get3A_691] {strides = array<i32>} : memref<16x1024xf32, #tpu.memory_space<vmem>>, vector<1x16xf32>,
      %get3A_693 = vector.shape_cast %get3A_692 : vector<1x16xf32> to vector<16xf32>
      %mul3A_694 = arith.mulf %broadcast_in_dim3A_237, %get3A_693 : vector<16xf32>
      %add3A_695 = arith.addf %mul3A_688, %mul3A_694 : vector<16xf32>
      %swap3A_696 = arith.constant 7 : i32
      %swap3A_697 = arith.index_cast %swap3A_696 : i32 to index
      %swap3A_698 = arith.index_cast %mul3A_550 : i32 to index
      %swap3A_699 = tpu.vector_load %arg12[%swap3A_697, %swap3A_698] {strides = array<i32>} : memref<16x1024xf32, #tpu.memory_space<vmem>>, vector<1x16xf32>,
      %swap3A_700 = vector.shape_cast %swap3A_699 : vector<1x16xf32> to vector<16xf32>
      %swap3A_701 = vector.shape_cast %add3A_695 : vector<16xf32> to vector<1x16xf32>
      tpu.vector_store %arg12[%swap3A_697, %swap3A_698], %swap3A_701 {strides = array<i32>} : memref<16x1024xf32, #tpu.memory_space<vmem>>, vector<1x16xf32>,
      %get3A_702 = arith.constant 8 : i32
      %get3A_703 = arith.index_cast %get3A_702 : i32 to index
      %get3A_704 = arith.index_cast %mul3A_550 : i32 to index
      %get3A_705 = tpu.vector_load %arg9[%get3A_703, %get3A_704] {strides = array<i32>} : memref<16x1024xf32, #tpu.memory_space<vmem>>, vector<1x16xf32>,
      %get3A_706 = vector.shape_cast %get3A_705 : vector<1x16xf32> to vector<16xf32>
      %mul3A_707 = arith.mulf %broadcast_in_dim3A_192, %get3A_706 : vector<16xf32>
      %get3A_708 = arith.constant 8 : i32
      %get3A_709 = arith.index_cast %get3A_708 : i32 to index
      %get3A_710 = arith.index_cast %mul3A_550 : i32 to index
      %get3A_711 = tpu.vector_load %arg11[%get3A_709, %get3A_710] {strides = array<i32>} : memref<16x1024xf32, #tpu.memory_space<vmem>>, vector<1x16xf32>,
      %get3A_712 = vector.shape_cast %get3A_711 : vector<1x16xf32> to vector<16xf32>
      %mul3A_713 = arith.mulf %broadcast_in_dim3A_240, %get3A_712 : vector<16xf32>
      %add3A_714 = arith.addf %mul3A_707, %mul3A_713 : vector<16xf32>
      %swap3A_715 = arith.constant 8 : i32
      %swap3A_716 = arith.index_cast %swap3A_715 : i32 to index
      %swap3A_717 = arith.index_cast %mul3A_550 : i32 to index
      %swap3A_718 = tpu.vector_load %arg12[%swap3A_716, %swap3A_717] {strides = array<i32>} : memref<16x1024xf32, #tpu.memory_space<vmem>>, vector<1x16xf32>,
      %swap3A_719 = vector.shape_cast %swap3A_718 : vector<1x16xf32> to vector<16xf32>
      %swap3A_720 = vector.shape_cast %add3A_714 : vector<16xf32> to vector<1x16xf32>
      tpu.vector_store %arg12[%swap3A_716, %swap3A_717], %swap3A_720 {strides = array<i32>} : memref<16x1024xf32, #tpu.memory_space<vmem>>, vector<1x16xf32>,
      %get3A_721 = arith.constant 9 : i32
      %get3A_722 = arith.index_cast %get3A_721 : i32 to index
      %get3A_723 = arith.index_cast %mul3A_550 : i32 to index
      %get3A_724 = tpu.vector_load %arg9[%get3A_722, %get3A_723] {strides = array<i32>} : memref<16x1024xf32, #tpu.memory_space<vmem>>, vector<1x16xf32>,
      %get3A_725 = vector.shape_cast %get3A_724 : vector<1x16xf32> to vector<16xf32>
      %mul3A_726 = arith.mulf %broadcast_in_dim3A_195, %get3A_725 : vector<16xf32>
      %get3A_727 = arith.constant 9 : i32
      %get3A_728 = arith.index_cast %get3A_727 : i32 to index
      %get3A_729 = arith.index_cast %mul3A_550 : i32 to index
      %get3A_730 = tpu.vector_load %arg11[%get3A_728, %get3A_729] {strides = array<i32>} : memref<16x1024xf32, #tpu.memory_space<vmem>>, vector<1x16xf32>,
      %get3A_731 = vector.shape_cast %get3A_730 : vector<1x16xf32> to vector<16xf32>
      %mul3A_732 = arith.mulf %broadcast_in_dim3A_243, %get3A_731 : vector<16xf32>
      %add3A_733 = arith.addf %mul3A_726, %mul3A_732 : vector<16xf32>
      %swap3A_734 = arith.constant 9 : i32
      %swap3A_735 = arith.index_cast %swap3A_734 : i32 to index
      %swap3A_736 = arith.index_cast %mul3A_550 : i32 to index
      %swap3A_737 = tpu.vector_load %arg12[%swap3A_735, %swap3A_736] {strides = array<i32>} : memref<16x1024xf32, #tpu.memory_space<vmem>>, vector<1x16xf32>,
      %swap3A_738 = vector.shape_cast %swap3A_737 : vector<1x16xf32> to vector<16xf32>
      %swap3A_739 = vector.shape_cast %add3A_733 : vector<16xf32> to vector<1x16xf32>
      tpu.vector_store %arg12[%swap3A_735, %swap3A_736], %swap3A_739 {strides = array<i32>} : memref<16x1024xf32, #tpu.memory_space<vmem>>, vector<1x16xf32>,
      %get3A_740 = arith.constant 10 : i32
      %get3A_741 = arith.index_cast %get3A_740 : i32 to index
      %get3A_742 = arith.index_cast %mul3A_550 : i32 to index
      %get3A_743 = tpu.vector_load %arg9[%get3A_741, %get3A_742] {strides = array<i32>} : memref<16x1024xf32, #tpu.memory_space<vmem>>, vector<1x16xf32>,
      %get3A_744 = vector.shape_cast %get3A_743 : vector<1x16xf32> to vector<16xf32>
      %mul3A_745 = arith.mulf %broadcast_in_dim3A_198, %get3A_744 : vector<16xf32>
      %get3A_746 = arith.constant 10 : i32
      %get3A_747 = arith.index_cast %get3A_746 : i32 to index
      %get3A_748 = arith.index_cast %mul3A_550 : i32 to index
      %get3A_749 = tpu.vector_load %arg11[%get3A_747, %get3A_748] {strides = array<i32>} : memref<16x1024xf32, #tpu.memory_space<vmem>>, vector<1x16xf32>,
      %get3A_750 = vector.shape_cast %get3A_749 : vector<1x16xf32> to vector<16xf32>
      %mul3A_751 = arith.mulf %broadcast_in_dim3A_246, %get3A_750 : vector<16xf32>
      %add3A_752 = arith.addf %mul3A_745, %mul3A_751 : vector<16xf32>
      %swap3A_753 = arith.constant 10 : i32
      %swap3A_754 = arith.index_cast %swap3A_753 : i32 to index
      %swap3A_755 = arith.index_cast %mul3A_550 : i32 to index
      %swap3A_756 = tpu.vector_load %arg12[%swap3A_754, %swap3A_755] {strides = array<i32>} : memref<16x1024xf32, #tpu.memory_space<vmem>>, vector<1x16xf32>,
      %swap3A_757 = vector.shape_cast %swap3A_756 : vector<1x16xf32> to vector<16xf32>
      %swap3A_758 = vector.shape_cast %add3A_752 : vector<16xf32> to vector<1x16xf32>
      tpu.vector_store %arg12[%swap3A_754, %swap3A_755], %swap3A_758 {strides = array<i32>} : memref<16x1024xf32, #tpu.memory_space<vmem>>, vector<1x16xf32>,
      %get3A_759 = arith.constant 11 : i32
      %get3A_760 = arith.index_cast %get3A_759 : i32 to index
      %get3A_761 = arith.index_cast %mul3A_550 : i32 to index
      %get3A_762 = tpu.vector_load %arg9[%get3A_760, %get3A_761] {strides = array<i32>} : memref<16x1024xf32, #tpu.memory_space<vmem>>, vector<1x16xf32>,
      %get3A_763 = vector.shape_cast %get3A_762 : vector<1x16xf32> to vector<16xf32>
      %mul3A_764 = arith.mulf %broadcast_in_dim3A_201, %get3A_763 : vector<16xf32>
      %get3A_765 = arith.constant 11 : i32
      %get3A_766 = arith.index_cast %get3A_765 : i32 to index
      %get3A_767 = arith.index_cast %mul3A_550 : i32 to index
      %get3A_768 = tpu.vector_load %arg11[%get3A_766, %get3A_767] {strides = array<i32>} : memref<16x1024xf32, #tpu.memory_space<vmem>>, vector<1x16xf32>,
      %get3A_769 = vector.shape_cast %get3A_768 : vector<1x16xf32> to vector<16xf32>
      %mul3A_770 = arith.mulf %broadcast_in_dim3A_249, %get3A_769 : vector<16xf32>
      %add3A_771 = arith.addf %mul3A_764, %mul3A_770 : vector<16xf32>
      %swap3A_772 = arith.constant 11 : i32
      %swap3A_773 = arith.index_cast %swap3A_772 : i32 to index
      %swap3A_774 = arith.index_cast %mul3A_550 : i32 to index
      %swap3A_775 = tpu.vector_load %arg12[%swap3A_773, %swap3A_774] {strides = array<i32>} : memref<16x1024xf32, #tpu.memory_space<vmem>>, vector<1x16xf32>,
      %swap3A_776 = vector.shape_cast %swap3A_775 : vector<1x16xf32> to vector<16xf32>
      %swap3A_777 = vector.shape_cast %add3A_771 : vector<16xf32> to vector<1x16xf32>
      tpu.vector_store %arg12[%swap3A_773, %swap3A_774], %swap3A_777 {strides = array<i32>} : memref<16x1024xf32, #tpu.memory_space<vmem>>, vector<1x16xf32>,
      %get3A_778 = arith.constant 12 : i32
      %get3A_779 = arith.index_cast %get3A_778 : i32 to index
      %get3A_780 = arith.index_cast %mul3A_550 : i32 to index
      %get3A_781 = tpu.vector_load %arg9[%get3A_779, %get3A_780] {strides = array<i32>} : memref<16x1024xf32, #tpu.memory_space<vmem>>, vector<1x16xf32>,
      %get3A_782 = vector.shape_cast %get3A_781 : vector<1x16xf32> to vector<16xf32>
      %mul3A_783 = arith.mulf %broadcast_in_dim3A_204, %get3A_782 : vector<16xf32>
      %get3A_784 = arith.constant 12 : i32
      %get3A_785 = arith.index_cast %get3A_784 : i32 to index
      %get3A_786 = arith.index_cast %mul3A_550 : i32 to index
      %get3A_787 = tpu.vector_load %arg11[%get3A_785, %get3A_786] {strides = array<i32>} : memref<16x1024xf32, #tpu.memory_space<vmem>>, vector<1x16xf32>,
      %get3A_788 = vector.shape_cast %get3A_787 : vector<1x16xf32> to vector<16xf32>
      %mul3A_789 = arith.mulf %broadcast_in_dim3A_252, %get3A_788 : vector<16xf32>
      %add3A_790 = arith.addf %mul3A_783, %mul3A_789 : vector<16xf32>
      %swap3A_791 = arith.constant 12 : i32
      %swap3A_792 = arith.index_cast %swap3A_791 : i32 to index
      %swap3A_793 = arith.index_cast %mul3A_550 : i32 to index
      %swap3A_794 = tpu.vector_load %arg12[%swap3A_792, %swap3A_793] {strides = array<i32>} : memref<16x1024xf32, #tpu.memory_space<vmem>>, vector<1x16xf32>,
      %swap3A_795 = vector.shape_cast %swap3A_794 : vector<1x16xf32> to vector<16xf32>
      %swap3A_796 = vector.shape_cast %add3A_790 : vector<16xf32> to vector<1x16xf32>
      tpu.vector_store %arg12[%swap3A_792, %swap3A_793], %swap3A_796 {strides = array<i32>} : memref<16x1024xf32, #tpu.memory_space<vmem>>, vector<1x16xf32>,
      %get3A_797 = arith.constant 13 : i32
      %get3A_798 = arith.index_cast %get3A_797 : i32 to index
      %get3A_799 = arith.index_cast %mul3A_550 : i32 to index
      %get3A_800 = tpu.vector_load %arg9[%get3A_798, %get3A_799] {strides = array<i32>} : memref<16x1024xf32, #tpu.memory_space<vmem>>, vector<1x16xf32>,
      %get3A_801 = vector.shape_cast %get3A_800 : vector<1x16xf32> to vector<16xf32>
      %mul3A_802 = arith.mulf %broadcast_in_dim3A_207, %get3A_801 : vector<16xf32>
      %get3A_803 = arith.constant 13 : i32
      %get3A_804 = arith.index_cast %get3A_803 : i32 to index
      %get3A_805 = arith.index_cast %mul3A_550 : i32 to index
      %get3A_806 = tpu.vector_load %arg11[%get3A_804, %get3A_805] {strides = array<i32>} : memref<16x1024xf32, #tpu.memory_space<vmem>>, vector<1x16xf32>,
      %get3A_807 = vector.shape_cast %get3A_806 : vector<1x16xf32> to vector<16xf32>
      %mul3A_808 = arith.mulf %broadcast_in_dim3A_255, %get3A_807 : vector<16xf32>
      %add3A_809 = arith.addf %mul3A_802, %mul3A_808 : vector<16xf32>
      %swap3A_810 = arith.constant 13 : i32
      %swap3A_811 = arith.index_cast %swap3A_810 : i32 to index
      %swap3A_812 = arith.index_cast %mul3A_550 : i32 to index
      %swap3A_813 = tpu.vector_load %arg12[%swap3A_811, %swap3A_812] {strides = array<i32>} : memref<16x1024xf32, #tpu.memory_space<vmem>>, vector<1x16xf32>,
      %swap3A_814 = vector.shape_cast %swap3A_813 : vector<1x16xf32> to vector<16xf32>
      %swap3A_815 = vector.shape_cast %add3A_809 : vector<16xf32> to vector<1x16xf32>
      tpu.vector_store %arg12[%swap3A_811, %swap3A_812], %swap3A_815 {strides = array<i32>} : memref<16x1024xf32, #tpu.memory_space<vmem>>, vector<1x16xf32>,
      %get3A_816 = arith.constant 14 : i32
      %get3A_817 = arith.index_cast %get3A_816 : i32 to index
      %get3A_818 = arith.index_cast %mul3A_550 : i32 to index
      %get3A_819 = tpu.vector_load %arg9[%get3A_817, %get3A_818] {strides = array<i32>} : memref<16x1024xf32, #tpu.memory_space<vmem>>, vector<1x16xf32>,
      %get3A_820 = vector.shape_cast %get3A_819 : vector<1x16xf32> to vector<16xf32>
      %mul3A_821 = arith.mulf %broadcast_in_dim3A_210, %get3A_820 : vector<16xf32>
      %get3A_822 = arith.constant 14 : i32
      %get3A_823 = arith.index_cast %get3A_822 : i32 to index
      %get3A_824 = arith.index_cast %mul3A_550 : i32 to index
      %get3A_825 = tpu.vector_load %arg11[%get3A_823, %get3A_824] {strides = array<i32>} : memref<16x1024xf32, #tpu.memory_space<vmem>>, vector<1x16xf32>,
      %get3A_826 = vector.shape_cast %get3A_825 : vector<1x16xf32> to vector<16xf32>
      %mul3A_827 = arith.mulf %broadcast_in_dim3A_258, %get3A_826 : vector<16xf32>
      %add3A_828 = arith.addf %mul3A_821, %mul3A_827 : vector<16xf32>
      %swap3A_829 = arith.constant 14 : i32
      %swap3A_830 = arith.index_cast %swap3A_829 : i32 to index
      %swap3A_831 = arith.index_cast %mul3A_550 : i32 to index
      %swap3A_832 = tpu.vector_load %arg12[%swap3A_830, %swap3A_831] {strides = array<i32>} : memref<16x1024xf32, #tpu.memory_space<vmem>>, vector<1x16xf32>,
      %swap3A_833 = vector.shape_cast %swap3A_832 : vector<1x16xf32> to vector<16xf32>
      %swap3A_834 = vector.shape_cast %add3A_828 : vector<16xf32> to vector<1x16xf32>
      tpu.vector_store %arg12[%swap3A_830, %swap3A_831], %swap3A_834 {strides = array<i32>} : memref<16x1024xf32, #tpu.memory_space<vmem>>, vector<1x16xf32>,
      %get3A_835 = arith.constant 15 : i32
      %get3A_836 = arith.index_cast %get3A_835 : i32 to index
      %get3A_837 = arith.index_cast %mul3A_550 : i32 to index
      %get3A_838 = tpu.vector_load %arg9[%get3A_836, %get3A_837] {strides = array<i32>} : memref<16x1024xf32, #tpu.memory_space<vmem>>, vector<1x16xf32>,
      %get3A_839 = vector.shape_cast %get3A_838 : vector<1x16xf32> to vector<16xf32>
      %mul3A_840 = arith.mulf %broadcast_in_dim3A_213, %get3A_839 : vector<16xf32>
      %get3A_841 = arith.constant 15 : i32
      %get3A_842 = arith.index_cast %get3A_841 : i32 to index
      %get3A_843 = arith.index_cast %mul3A_550 : i32 to index
      %get3A_844 = tpu.vector_load %arg11[%get3A_842, %get3A_843] {strides = array<i32>} : memref<16x1024xf32, #tpu.memory_space<vmem>>, vector<1x16xf32>,
      %get3A_845 = vector.shape_cast %get3A_844 : vector<1x16xf32> to vector<16xf32>
      %mul3A_846 = arith.mulf %broadcast_in_dim3A_261, %get3A_845 : vector<16xf32>
      %add3A_847 = arith.addf %mul3A_840, %mul3A_846 : vector<16xf32>
      %swap3A_848 = arith.constant 15 : i32
      %swap3A_849 = arith.index_cast %swap3A_848 : i32 to index
      %swap3A_850 = arith.index_cast %mul3A_550 : i32 to index
      %swap3A_851 = tpu.vector_load %arg12[%swap3A_849, %swap3A_850] {strides = array<i32>} : memref<16x1024xf32, #tpu.memory_space<vmem>>, vector<1x16xf32>,
      %swap3A_852 = vector.shape_cast %swap3A_851 : vector<1x16xf32> to vector<16xf32>
      %swap3A_853 = vector.shape_cast %add3A_847 : vector<16xf32> to vector<1x16xf32>
      tpu.vector_store %arg12[%swap3A_849, %swap3A_850], %swap3A_853 {strides = array<i32>} : memref<16x1024xf32, #tpu.memory_space<vmem>>, vector<1x16xf32>,
    }
    %scan3A_271 = arith.constant 64 : i32
    %add3A_272 = arith.constant 16 : i32
    %add3A_273 = arith.addi %mul3A_2, %add3A_272 : i32
    %dma_start3A_274 = arith.constant 0 : i32
    %dma_start3A_275 = tpu.memref_slice %arg7[%add3A_273, %dma_start3A_274] : memref<2048x1024xf32, #tpu.memory_space<hbm>> -> memref<16x1024xf32, #tpu.memory_space<hbm>>
    %dma_start3A_276 = arith.constant 0 : i32
    %dma_start3A_277 = tpu.memref_slice %arg7[%add3A_273, %dma_start3A_276] : memref<2048x1024xf32, #tpu.memory_space<hbm>> -> memref<16x1024xf32, #tpu.memory_space<hbm>>
    tpu.enqueue_dma source(%arg12 : memref<16x1024xf32, #tpu.memory_space<vmem>>) target(%dma_start3A_277 : memref<16x1024xf32, #tpu.memory_space<hbm>>) target_semaphore(%arg19 : memref<!tpu.dma_semaphore, #tpu.memory_space<semaphore_mem>>)
    %dma_wait3A_278 = arith.constant 32 : i32
    %dma_wait3A_279 = tpu.memref_slice %arg13[%dma_wait3A_278] : memref<64xi32, #tpu.memory_space<vmem>> -> memref<16xi32, #tpu.memory_space<vmem>>
    %dma_wait3A_280 = arith.constant 0 : i32
    %dma_wait3A_281 = arith.constant 0 : i32
    %dma_wait3A_282 = tpu.memref_slice %arg2[%dma_wait3A_280, %dma_wait3A_281] : memref<8192x1024xf32, #tpu.memory_space<hbm>> -> memref<8192x1024xf32, #tpu.memory_space<hbm>>
    tpu.wait_indirect_dma semaphore(%arg17 : memref<!tpu.dma_semaphore, #tpu.memory_space<semaphore_mem>>) src(%dma_wait3A_282 : memref<8192x1024xf32, #tpu.memory_space<hbm>>) dst(%arg8 : memref<16x1024xf32, #tpu.memory_space<vmem>>)
    %dma_wait3A_283 = arith.constant 32 : i32
    %dma_wait3A_284 = tpu.memref_slice %arg14[%dma_wait3A_283] : memref<64xi32, #tpu.memory_space<vmem>> -> memref<16xi32, #tpu.memory_space<vmem>>
    %dma_wait3A_285 = arith.constant 0 : i32
    %dma_wait3A_286 = arith.constant 0 : i32
    %dma_wait3A_287 = tpu.memref_slice %arg2[%dma_wait3A_285, %dma_wait3A_286] : memref<8192x1024xf32, #tpu.memory_space<hbm>> -> memref<8192x1024xf32, #tpu.memory_space<hbm>>
    tpu.wait_indirect_dma semaphore(%arg17 : memref<!tpu.dma_semaphore, #tpu.memory_space<semaphore_mem>>) src(%dma_wait3A_287 : memref<8192x1024xf32, #tpu.memory_space<hbm>>) dst(%arg10 : memref<16x1024xf32, #tpu.memory_space<vmem>>)
    %dma_start3A_288 = arith.constant 48 : i32
    %dma_start3A_289 = tpu.memref_slice %arg13[%dma_start3A_288] : memref<64xi32, #tpu.memory_space<vmem>> -> memref<16xi32, #tpu.memory_space<vmem>>
    %dma_start3A_290 = arith.constant 0 : i32
    %dma_start3A_291 = arith.constant 0 : i32
    %dma_start3A_292 = tpu.memref_slice %arg2[%dma_start3A_290, %dma_start3A_291] : memref<8192x1024xf32, #tpu.memory_space<hbm>> -> memref<8192x1024xf32, #tpu.memory_space<hbm>>
    tpu.enqueue_indirect_dma source(%dma_start3A_292 : memref<8192x1024xf32, #tpu.memory_space<hbm>>) target(%arg9 : memref<16x1024xf32, #tpu.memory_space<vmem>>) offsets(%dma_start3A_289 : memref<16xi32, #tpu.memory_space<vmem>>) semaphore(%arg18 : memref<!tpu.dma_semaphore, #tpu.memory_space<semaphore_mem>>)
    %dma_start3A_293 = arith.constant 48 : i32
    %dma_start3A_294 = tpu.memref_slice %arg14[%dma_start3A_293] : memref<64xi32, #tpu.memory_space<vmem>> -> memref<16xi32, #tpu.memory_space<vmem>>
    %dma_start3A_295 = arith.constant 0 : i32
    %dma_start3A_296 = arith.constant 0 : i32
    %dma_start3A_297 = tpu.memref_slice %arg2[%dma_start3A_295, %dma_start3A_296] : memref<8192x1024xf32, #tpu.memory_space<hbm>> -> memref<8192x1024xf32, #tpu.memory_space<hbm>>
    tpu.enqueue_indirect_dma source(%dma_start3A_297 : memref<8192x1024xf32, #tpu.memory_space<hbm>>) target(%arg11 : memref<16x1024xf32, #tpu.memory_space<vmem>>) offsets(%dma_start3A_294 : memref<16xi32, #tpu.memory_space<vmem>>) semaphore(%arg18 : memref<!tpu.dma_semaphore, #tpu.memory_space<semaphore_mem>>)
    %get3A_298 = arith.constant 32 : index
    %get3A_299 = tpu.vector_load %arg15[%get3A_298] {strides = array<i32>} : memref<64xf32, #tpu.memory_space<vmem>>, vector<16xf32>,
    %get3A_300 = vector.shape_cast %get3A_299 : vector<16xf32> to vector<16xf32>
    %get3A_301 = arith.constant 32 : index
    %get3A_302 = tpu.vector_load %arg16[%get3A_301] {strides = array<i32>} : memref<64xf32, #tpu.memory_space<vmem>>, vector<16xf32>,
    %get3A_303 = vector.shape_cast %get3A_302 : vector<16xf32> to vector<16xf32>
    %slice3A_304 = vector.extract_strided_slice %get3A_300 {offsets = [0], sizes = [1], strides = [1]} : vector<16xf32> to vector<1xf32>
    %squeeze3A_305 = vector.extract %slice3A_304[0] : f32 from vector<1xf32>
    %broadcast_in_dim3A_306 = vector.broadcast %squeeze3A_305 : f32 to vector<16xf32>
    %slice3A_307 = vector.extract_strided_slice %get3A_300 {offsets = [1], sizes = [1], strides = [1]} : vector<16xf32> to vector<1xf32>
    %squeeze3A_308 = vector.extract %slice3A_307[0] : f32 from vector<1xf32>
    %broadcast_in_dim3A_309 = vector.broadcast %squeeze3A_308 : f32 to vector<16xf32>
    %slice3A_310 = vector.extract_strided_slice %get3A_300 {offsets = [2], sizes = [1], strides = [1]} : vector<16xf32> to vector<1xf32>
    %squeeze3A_311 = vector.extract %slice3A_310[0] : f32 from vector<1xf32>
    %broadcast_in_dim3A_312 = vector.broadcast %squeeze3A_311 : f32 to vector<16xf32>
    %slice3A_313 = vector.extract_strided_slice %get3A_300 {offsets = [3], sizes = [1], strides = [1]} : vector<16xf32> to vector<1xf32>
    %squeeze3A_314 = vector.extract %slice3A_313[0] : f32 from vector<1xf32>
    %broadcast_in_dim3A_315 = vector.broadcast %squeeze3A_314 : f32 to vector<16xf32>
    %slice3A_316 = vector.extract_strided_slice %get3A_300 {offsets = [4], sizes = [1], strides = [1]} : vector<16xf32> to vector<1xf32>
    %squeeze3A_317 = vector.extract %slice3A_316[0] : f32 from vector<1xf32>
    %broadcast_in_dim3A_318 = vector.broadcast %squeeze3A_317 : f32 to vector<16xf32>
    %slice3A_319 = vector.extract_strided_slice %get3A_300 {offsets = [5], sizes = [1], strides = [1]} : vector<16xf32> to vector<1xf32>
    %squeeze3A_320 = vector.extract %slice3A_319[0] : f32 from vector<1xf32>
    %broadcast_in_dim3A_321 = vector.broadcast %squeeze3A_320 : f32 to vector<16xf32>
    %slice3A_322 = vector.extract_strided_slice %get3A_300 {offsets = [6], sizes = [1], strides = [1]} : vector<16xf32> to vector<1xf32>
    %squeeze3A_323 = vector.extract %slice3A_322[0] : f32 from vector<1xf32>
    %broadcast_in_dim3A_324 = vector.broadcast %squeeze3A_323 : f32 to vector<16xf32>
    %slice3A_325 = vector.extract_strided_slice %get3A_300 {offsets = [7], sizes = [1], strides = [1]} : vector<16xf32> to vector<1xf32>
    %squeeze3A_326 = vector.extract %slice3A_325[0] : f32 from vector<1xf32>
    %broadcast_in_dim3A_327 = vector.broadcast %squeeze3A_326 : f32 to vector<16xf32>
    %slice3A_328 = vector.extract_strided_slice %get3A_300 {offsets = [8], sizes = [1], strides = [1]} : vector<16xf32> to vector<1xf32>
    %squeeze3A_329 = vector.extract %slice3A_328[0] : f32 from vector<1xf32>
    %broadcast_in_dim3A_330 = vector.broadcast %squeeze3A_329 : f32 to vector<16xf32>
    %slice3A_331 = vector.extract_strided_slice %get3A_300 {offsets = [9], sizes = [1], strides = [1]} : vector<16xf32> to vector<1xf32>
    %squeeze3A_332 = vector.extract %slice3A_331[0] : f32 from vector<1xf32>
    %broadcast_in_dim3A_333 = vector.broadcast %squeeze3A_332 : f32 to vector<16xf32>
    %slice3A_334 = vector.extract_strided_slice %get3A_300 {offsets = [10], sizes = [1], strides = [1]} : vector<16xf32> to vector<1xf32>
    %squeeze3A_335 = vector.extract %slice3A_334[0] : f32 from vector<1xf32>
    %broadcast_in_dim3A_336 = vector.broadcast %squeeze3A_335 : f32 to vector<16xf32>
    %slice3A_337 = vector.extract_strided_slice %get3A_300 {offsets = [11], sizes = [1], strides = [1]} : vector<16xf32> to vector<1xf32>
    %squeeze3A_338 = vector.extract %slice3A_337[0] : f32 from vector<1xf32>
    %broadcast_in_dim3A_339 = vector.broadcast %squeeze3A_338 : f32 to vector<16xf32>
    %slice3A_340 = vector.extract_strided_slice %get3A_300 {offsets = [12], sizes = [1], strides = [1]} : vector<16xf32> to vector<1xf32>
    %squeeze3A_341 = vector.extract %slice3A_340[0] : f32 from vector<1xf32>
    %broadcast_in_dim3A_342 = vector.broadcast %squeeze3A_341 : f32 to vector<16xf32>
    %slice3A_343 = vector.extract_strided_slice %get3A_300 {offsets = [13], sizes = [1], strides = [1]} : vector<16xf32> to vector<1xf32>
    %squeeze3A_344 = vector.extract %slice3A_343[0] : f32 from vector<1xf32>
    %broadcast_in_dim3A_345 = vector.broadcast %squeeze3A_344 : f32 to vector<16xf32>
    %slice3A_346 = vector.extract_strided_slice %get3A_300 {offsets = [14], sizes = [1], strides = [1]} : vector<16xf32> to vector<1xf32>
    %squeeze3A_347 = vector.extract %slice3A_346[0] : f32 from vector<1xf32>
    %broadcast_in_dim3A_348 = vector.broadcast %squeeze3A_347 : f32 to vector<16xf32>
    %slice3A_349 = vector.extract_strided_slice %get3A_300 {offsets = [15], sizes = [1], strides = [1]} : vector<16xf32> to vector<1xf32>
    %squeeze3A_350 = vector.extract %slice3A_349[0] : f32 from vector<1xf32>
    %broadcast_in_dim3A_351 = vector.broadcast %squeeze3A_350 : f32 to vector<16xf32>
    %slice3A_352 = vector.extract_strided_slice %get3A_303 {offsets = [0], sizes = [1], strides = [1]} : vector<16xf32> to vector<1xf32>
    %squeeze3A_353 = vector.extract %slice3A_352[0] : f32 from vector<1xf32>
    %broadcast_in_dim3A_354 = vector.broadcast %squeeze3A_353 : f32 to vector<16xf32>
    %slice3A_355 = vector.extract_strided_slice %get3A_303 {offsets = [1], sizes = [1], strides = [1]} : vector<16xf32> to vector<1xf32>
    %squeeze3A_356 = vector.extract %slice3A_355[0] : f32 from vector<1xf32>
    %broadcast_in_dim3A_357 = vector.broadcast %squeeze3A_356 : f32 to vector<16xf32>
    %slice3A_358 = vector.extract_strided_slice %get3A_303 {offsets = [2], sizes = [1], strides = [1]} : vector<16xf32> to vector<1xf32>
    %squeeze3A_359 = vector.extract %slice3A_358[0] : f32 from vector<1xf32>
    %broadcast_in_dim3A_360 = vector.broadcast %squeeze3A_359 : f32 to vector<16xf32>
    %slice3A_361 = vector.extract_strided_slice %get3A_303 {offsets = [3], sizes = [1], strides = [1]} : vector<16xf32> to vector<1xf32>
    %squeeze3A_362 = vector.extract %slice3A_361[0] : f32 from vector<1xf32>
    %broadcast_in_dim3A_363 = vector.broadcast %squeeze3A_362 : f32 to vector<16xf32>
    %slice3A_364 = vector.extract_strided_slice %get3A_303 {offsets = [4], sizes = [1], strides = [1]} : vector<16xf32> to vector<1xf32>
    %squeeze3A_365 = vector.extract %slice3A_364[0] : f32 from vector<1xf32>
    %broadcast_in_dim3A_366 = vector.broadcast %squeeze3A_365 : f32 to vector<16xf32>
    %slice3A_367 = vector.extract_strided_slice %get3A_303 {offsets = [5], sizes = [1], strides = [1]} : vector<16xf32> to vector<1xf32>
    %squeeze3A_368 = vector.extract %slice3A_367[0] : f32 from vector<1xf32>
    %broadcast_in_dim3A_369 = vector.broadcast %squeeze3A_368 : f32 to vector<16xf32>
    %slice3A_370 = vector.extract_strided_slice %get3A_303 {offsets = [6], sizes = [1], strides = [1]} : vector<16xf32> to vector<1xf32>
    %squeeze3A_371 = vector.extract %slice3A_370[0] : f32 from vector<1xf32>
    %broadcast_in_dim3A_372 = vector.broadcast %squeeze3A_371 : f32 to vector<16xf32>
    %slice3A_373 = vector.extract_strided_slice %get3A_303 {offsets = [7], sizes = [1], strides = [1]} : vector<16xf32> to vector<1xf32>
    %squeeze3A_374 = vector.extract %slice3A_373[0] : f32 from vector<1xf32>
    %broadcast_in_dim3A_375 = vector.broadcast %squeeze3A_374 : f32 to vector<16xf32>
    %slice3A_376 = vector.extract_strided_slice %get3A_303 {offsets = [8], sizes = [1], strides = [1]} : vector<16xf32> to vector<1xf32>
    %squeeze3A_377 = vector.extract %slice3A_376[0] : f32 from vector<1xf32>
    %broadcast_in_dim3A_378 = vector.broadcast %squeeze3A_377 : f32 to vector<16xf32>
    %slice3A_379 = vector.extract_strided_slice %get3A_303 {offsets = [9], sizes = [1], strides = [1]} : vector<16xf32> to vector<1xf32>
    %squeeze3A_380 = vector.extract %slice3A_379[0] : f32 from vector<1xf32>
    %broadcast_in_dim3A_381 = vector.broadcast %squeeze3A_380 : f32 to vector<16xf32>
    %slice3A_382 = vector.extract_strided_slice %get3A_303 {offsets = [10], sizes = [1], strides = [1]} : vector<16xf32> to vector<1xf32>
    %squeeze3A_383 = vector.extract %slice3A_382[0] : f32 from vector<1xf32>
    %broadcast_in_dim3A_384 = vector.broadcast %squeeze3A_383 : f32 to vector<16xf32>
    %slice3A_385 = vector.extract_strided_slice %get3A_303 {offsets = [11], sizes = [1], strides = [1]} : vector<16xf32> to vector<1xf32>
    %squeeze3A_386 = vector.extract %slice3A_385[0] : f32 from vector<1xf32>
    %broadcast_in_dim3A_387 = vector.broadcast %squeeze3A_386 : f32 to vector<16xf32>
    %slice3A_388 = vector.extract_strided_slice %get3A_303 {offsets = [12], sizes = [1], strides = [1]} : vector<16xf32> to vector<1xf32>
    %squeeze3A_389 = vector.extract %slice3A_388[0] : f32 from vector<1xf32>
    %broadcast_in_dim3A_390 = vector.broadcast %squeeze3A_389 : f32 to vector<16xf32>
    %slice3A_391 = vector.extract_strided_slice %get3A_303 {offsets = [13], sizes = [1], strides = [1]} : vector<16xf32> to vector<1xf32>
    %squeeze3A_392 = vector.extract %slice3A_391[0] : f32 from vector<1xf32>
    %broadcast_in_dim3A_393 = vector.broadcast %squeeze3A_392 : f32 to vector<16xf32>
    %slice3A_394 = vector.extract_strided_slice %get3A_303 {offsets = [14], sizes = [1], strides = [1]} : vector<16xf32> to vector<1xf32>
    %squeeze3A_395 = vector.extract %slice3A_394[0] : f32 from vector<1xf32>
    %broadcast_in_dim3A_396 = vector.broadcast %squeeze3A_395 : f32 to vector<16xf32>
    %slice3A_397 = vector.extract_strided_slice %get3A_303 {offsets = [15], sizes = [1], strides = [1]} : vector<16xf32> to vector<1xf32>
    %squeeze3A_398 = vector.extract %slice3A_397[0] : f32 from vector<1xf32>
    %broadcast_in_dim3A_399 = vector.broadcast %squeeze3A_398 : f32 to vector<16xf32>
    %dma_wait3A_400 = arith.constant 0 : i32
    %dma_wait3A_401 = tpu.memref_slice %arg7[%add3A_273, %dma_wait3A_400] : memref<2048x1024xf32, #tpu.memory_space<hbm>> -> memref<16x1024xf32, #tpu.memory_space<hbm>>
    %dma_wait3A_402 = arith.constant 0 : i32
    %dma_wait3A_403 = tpu.memref_slice %arg7[%add3A_273, %dma_wait3A_402] : memref<2048x1024xf32, #tpu.memory_space<hbm>> -> memref<16x1024xf32, #tpu.memory_space<hbm>>
    tpu.wait_dma2 semaphore(%arg19 : memref<!tpu.dma_semaphore, #tpu.memory_space<semaphore_mem>>) src(%arg12 : memref<16x1024xf32, #tpu.memory_space<vmem>>) dst(%dma_wait3A_403 : memref<16x1024xf32, #tpu.memory_space<hbm>>)
    %scan3A_404 = arith.constant 0 : i32
    %scan3A_405 = arith.constant 0 : i32
    %scan3A_406 = arith.constant 64 : i32
    %scan3A_407 = arith.addi %scan3A_405, %scan3A_406 : i32
    %scan3A_408 = arith.constant 1 : i32
    scf.for %scan3A_548 = %scan3A_405 to %scan3A_407 step %scan3A_408  : i32 {
      %mul3A_549 = arith.constant 16 : i32
      %mul3A_550 = arith.muli %scan3A_548, %mul3A_549 : i32
      %get3A_551 = arith.constant 0 : i32
      %get3A_552 = arith.index_cast %get3A_551 : i32 to index
      %get3A_553 = arith.index_cast %mul3A_550 : i32 to index
      %get3A_554 = tpu.vector_load %arg8[%get3A_552, %get3A_553] {strides = array<i32>} : memref<16x1024xf32, #tpu.memory_space<vmem>>, vector<1x16xf32>,
      %get3A_555 = vector.shape_cast %get3A_554 : vector<1x16xf32> to vector<16xf32>
      %mul3A_556 = arith.mulf %broadcast_in_dim3A_306, %get3A_555 : vector<16xf32>
      %get3A_557 = arith.constant 0 : i32
      %get3A_558 = arith.index_cast %get3A_557 : i32 to index
      %get3A_559 = arith.index_cast %mul3A_550 : i32 to index
      %get3A_560 = tpu.vector_load %arg10[%get3A_558, %get3A_559] {strides = array<i32>} : memref<16x1024xf32, #tpu.memory_space<vmem>>, vector<1x16xf32>,
      %get3A_561 = vector.shape_cast %get3A_560 : vector<1x16xf32> to vector<16xf32>
      %mul3A_562 = arith.mulf %broadcast_in_dim3A_354, %get3A_561 : vector<16xf32>
      %add3A_563 = arith.addf %mul3A_556, %mul3A_562 : vector<16xf32>
      %swap3A = arith.constant 0 : i32
      %swap3A_564 = arith.index_cast %swap3A : i32 to index
      %swap3A_565 = arith.index_cast %mul3A_550 : i32 to index
      %swap3A_566 = tpu.vector_load %arg12[%swap3A_564, %swap3A_565] {strides = array<i32>} : memref<16x1024xf32, #tpu.memory_space<vmem>>, vector<1x16xf32>,
      %swap3A_567 = vector.shape_cast %swap3A_566 : vector<1x16xf32> to vector<16xf32>
      %swap3A_568 = vector.shape_cast %add3A_563 : vector<16xf32> to vector<1x16xf32>
      tpu.vector_store %arg12[%swap3A_564, %swap3A_565], %swap3A_568 {strides = array<i32>} : memref<16x1024xf32, #tpu.memory_space<vmem>>, vector<1x16xf32>,
      %get3A_569 = arith.constant 1 : i32
      %get3A_570 = arith.index_cast %get3A_569 : i32 to index
      %get3A_571 = arith.index_cast %mul3A_550 : i32 to index
      %get3A_572 = tpu.vector_load %arg8[%get3A_570, %get3A_571] {strides = array<i32>} : memref<16x1024xf32, #tpu.memory_space<vmem>>, vector<1x16xf32>,
      %get3A_573 = vector.shape_cast %get3A_572 : vector<1x16xf32> to vector<16xf32>
      %mul3A_574 = arith.mulf %broadcast_in_dim3A_309, %get3A_573 : vector<16xf32>
      %get3A_575 = arith.constant 1 : i32
      %get3A_576 = arith.index_cast %get3A_575 : i32 to index
      %get3A_577 = arith.index_cast %mul3A_550 : i32 to index
      %get3A_578 = tpu.vector_load %arg10[%get3A_576, %get3A_577] {strides = array<i32>} : memref<16x1024xf32, #tpu.memory_space<vmem>>, vector<1x16xf32>,
      %get3A_579 = vector.shape_cast %get3A_578 : vector<1x16xf32> to vector<16xf32>
      %mul3A_580 = arith.mulf %broadcast_in_dim3A_357, %get3A_579 : vector<16xf32>
      %add3A_581 = arith.addf %mul3A_574, %mul3A_580 : vector<16xf32>
      %swap3A_582 = arith.constant 1 : i32
      %swap3A_583 = arith.index_cast %swap3A_582 : i32 to index
      %swap3A_584 = arith.index_cast %mul3A_550 : i32 to index
      %swap3A_585 = tpu.vector_load %arg12[%swap3A_583, %swap3A_584] {strides = array<i32>} : memref<16x1024xf32, #tpu.memory_space<vmem>>, vector<1x16xf32>,
      %swap3A_586 = vector.shape_cast %swap3A_585 : vector<1x16xf32> to vector<16xf32>
      %swap3A_587 = vector.shape_cast %add3A_581 : vector<16xf32> to vector<1x16xf32>
      tpu.vector_store %arg12[%swap3A_583, %swap3A_584], %swap3A_587 {strides = array<i32>} : memref<16x1024xf32, #tpu.memory_space<vmem>>, vector<1x16xf32>,
      %get3A_588 = arith.constant 2 : i32
      %get3A_589 = arith.index_cast %get3A_588 : i32 to index
      %get3A_590 = arith.index_cast %mul3A_550 : i32 to index
      %get3A_591 = tpu.vector_load %arg8[%get3A_589, %get3A_590] {strides = array<i32>} : memref<16x1024xf32, #tpu.memory_space<vmem>>, vector<1x16xf32>,
      %get3A_592 = vector.shape_cast %get3A_591 : vector<1x16xf32> to vector<16xf32>
      %mul3A_593 = arith.mulf %broadcast_in_dim3A_312, %get3A_592 : vector<16xf32>
      %get3A_594 = arith.constant 2 : i32
      %get3A_595 = arith.index_cast %get3A_594 : i32 to index
      %get3A_596 = arith.index_cast %mul3A_550 : i32 to index
      %get3A_597 = tpu.vector_load %arg10[%get3A_595, %get3A_596] {strides = array<i32>} : memref<16x1024xf32, #tpu.memory_space<vmem>>, vector<1x16xf32>,
      %get3A_598 = vector.shape_cast %get3A_597 : vector<1x16xf32> to vector<16xf32>
      %mul3A_599 = arith.mulf %broadcast_in_dim3A_360, %get3A_598 : vector<16xf32>
      %add3A_600 = arith.addf %mul3A_593, %mul3A_599 : vector<16xf32>
      %swap3A_601 = arith.constant 2 : i32
      %swap3A_602 = arith.index_cast %swap3A_601 : i32 to index
      %swap3A_603 = arith.index_cast %mul3A_550 : i32 to index
      %swap3A_604 = tpu.vector_load %arg12[%swap3A_602, %swap3A_603] {strides = array<i32>} : memref<16x1024xf32, #tpu.memory_space<vmem>>, vector<1x16xf32>,
      %swap3A_605 = vector.shape_cast %swap3A_604 : vector<1x16xf32> to vector<16xf32>
      %swap3A_606 = vector.shape_cast %add3A_600 : vector<16xf32> to vector<1x16xf32>
      tpu.vector_store %arg12[%swap3A_602, %swap3A_603], %swap3A_606 {strides = array<i32>} : memref<16x1024xf32, #tpu.memory_space<vmem>>, vector<1x16xf32>,
      %get3A_607 = arith.constant 3 : i32
      %get3A_608 = arith.index_cast %get3A_607 : i32 to index
      %get3A_609 = arith.index_cast %mul3A_550 : i32 to index
      %get3A_610 = tpu.vector_load %arg8[%get3A_608, %get3A_609] {strides = array<i32>} : memref<16x1024xf32, #tpu.memory_space<vmem>>, vector<1x16xf32>,
      %get3A_611 = vector.shape_cast %get3A_610 : vector<1x16xf32> to vector<16xf32>
      %mul3A_612 = arith.mulf %broadcast_in_dim3A_315, %get3A_611 : vector<16xf32>
      %get3A_613 = arith.constant 3 : i32
      %get3A_614 = arith.index_cast %get3A_613 : i32 to index
      %get3A_615 = arith.index_cast %mul3A_550 : i32 to index
      %get3A_616 = tpu.vector_load %arg10[%get3A_614, %get3A_615] {strides = array<i32>} : memref<16x1024xf32, #tpu.memory_space<vmem>>, vector<1x16xf32>,
      %get3A_617 = vector.shape_cast %get3A_616 : vector<1x16xf32> to vector<16xf32>
      %mul3A_618 = arith.mulf %broadcast_in_dim3A_363, %get3A_617 : vector<16xf32>
      %add3A_619 = arith.addf %mul3A_612, %mul3A_618 : vector<16xf32>
      %swap3A_620 = arith.constant 3 : i32
      %swap3A_621 = arith.index_cast %swap3A_620 : i32 to index
      %swap3A_622 = arith.index_cast %mul3A_550 : i32 to index
      %swap3A_623 = tpu.vector_load %arg12[%swap3A_621, %swap3A_622] {strides = array<i32>} : memref<16x1024xf32, #tpu.memory_space<vmem>>, vector<1x16xf32>,
      %swap3A_624 = vector.shape_cast %swap3A_623 : vector<1x16xf32> to vector<16xf32>
      %swap3A_625 = vector.shape_cast %add3A_619 : vector<16xf32> to vector<1x16xf32>
      tpu.vector_store %arg12[%swap3A_621, %swap3A_622], %swap3A_625 {strides = array<i32>} : memref<16x1024xf32, #tpu.memory_space<vmem>>, vector<1x16xf32>,
      %get3A_626 = arith.constant 4 : i32
      %get3A_627 = arith.index_cast %get3A_626 : i32 to index
      %get3A_628 = arith.index_cast %mul3A_550 : i32 to index
      %get3A_629 = tpu.vector_load %arg8[%get3A_627, %get3A_628] {strides = array<i32>} : memref<16x1024xf32, #tpu.memory_space<vmem>>, vector<1x16xf32>,
      %get3A_630 = vector.shape_cast %get3A_629 : vector<1x16xf32> to vector<16xf32>
      %mul3A_631 = arith.mulf %broadcast_in_dim3A_318, %get3A_630 : vector<16xf32>
      %get3A_632 = arith.constant 4 : i32
      %get3A_633 = arith.index_cast %get3A_632 : i32 to index
      %get3A_634 = arith.index_cast %mul3A_550 : i32 to index
      %get3A_635 = tpu.vector_load %arg10[%get3A_633, %get3A_634] {strides = array<i32>} : memref<16x1024xf32, #tpu.memory_space<vmem>>, vector<1x16xf32>,
      %get3A_636 = vector.shape_cast %get3A_635 : vector<1x16xf32> to vector<16xf32>
      %mul3A_637 = arith.mulf %broadcast_in_dim3A_366, %get3A_636 : vector<16xf32>
      %add3A_638 = arith.addf %mul3A_631, %mul3A_637 : vector<16xf32>
      %swap3A_639 = arith.constant 4 : i32
      %swap3A_640 = arith.index_cast %swap3A_639 : i32 to index
      %swap3A_641 = arith.index_cast %mul3A_550 : i32 to index
      %swap3A_642 = tpu.vector_load %arg12[%swap3A_640, %swap3A_641] {strides = array<i32>} : memref<16x1024xf32, #tpu.memory_space<vmem>>, vector<1x16xf32>,
      %swap3A_643 = vector.shape_cast %swap3A_642 : vector<1x16xf32> to vector<16xf32>
      %swap3A_644 = vector.shape_cast %add3A_638 : vector<16xf32> to vector<1x16xf32>
      tpu.vector_store %arg12[%swap3A_640, %swap3A_641], %swap3A_644 {strides = array<i32>} : memref<16x1024xf32, #tpu.memory_space<vmem>>, vector<1x16xf32>,
      %get3A_645 = arith.constant 5 : i32
      %get3A_646 = arith.index_cast %get3A_645 : i32 to index
      %get3A_647 = arith.index_cast %mul3A_550 : i32 to index
      %get3A_648 = tpu.vector_load %arg8[%get3A_646, %get3A_647] {strides = array<i32>} : memref<16x1024xf32, #tpu.memory_space<vmem>>, vector<1x16xf32>,
      %get3A_649 = vector.shape_cast %get3A_648 : vector<1x16xf32> to vector<16xf32>
      %mul3A_650 = arith.mulf %broadcast_in_dim3A_321, %get3A_649 : vector<16xf32>
      %get3A_651 = arith.constant 5 : i32
      %get3A_652 = arith.index_cast %get3A_651 : i32 to index
      %get3A_653 = arith.index_cast %mul3A_550 : i32 to index
      %get3A_654 = tpu.vector_load %arg10[%get3A_652, %get3A_653] {strides = array<i32>} : memref<16x1024xf32, #tpu.memory_space<vmem>>, vector<1x16xf32>,
      %get3A_655 = vector.shape_cast %get3A_654 : vector<1x16xf32> to vector<16xf32>
      %mul3A_656 = arith.mulf %broadcast_in_dim3A_369, %get3A_655 : vector<16xf32>
      %add3A_657 = arith.addf %mul3A_650, %mul3A_656 : vector<16xf32>
      %swap3A_658 = arith.constant 5 : i32
      %swap3A_659 = arith.index_cast %swap3A_658 : i32 to index
      %swap3A_660 = arith.index_cast %mul3A_550 : i32 to index
      %swap3A_661 = tpu.vector_load %arg12[%swap3A_659, %swap3A_660] {strides = array<i32>} : memref<16x1024xf32, #tpu.memory_space<vmem>>, vector<1x16xf32>,
      %swap3A_662 = vector.shape_cast %swap3A_661 : vector<1x16xf32> to vector<16xf32>
      %swap3A_663 = vector.shape_cast %add3A_657 : vector<16xf32> to vector<1x16xf32>
      tpu.vector_store %arg12[%swap3A_659, %swap3A_660], %swap3A_663 {strides = array<i32>} : memref<16x1024xf32, #tpu.memory_space<vmem>>, vector<1x16xf32>,
      %get3A_664 = arith.constant 6 : i32
      %get3A_665 = arith.index_cast %get3A_664 : i32 to index
      %get3A_666 = arith.index_cast %mul3A_550 : i32 to index
      %get3A_667 = tpu.vector_load %arg8[%get3A_665, %get3A_666] {strides = array<i32>} : memref<16x1024xf32, #tpu.memory_space<vmem>>, vector<1x16xf32>,
      %get3A_668 = vector.shape_cast %get3A_667 : vector<1x16xf32> to vector<16xf32>
      %mul3A_669 = arith.mulf %broadcast_in_dim3A_324, %get3A_668 : vector<16xf32>
      %get3A_670 = arith.constant 6 : i32
      %get3A_671 = arith.index_cast %get3A_670 : i32 to index
      %get3A_672 = arith.index_cast %mul3A_550 : i32 to index
      %get3A_673 = tpu.vector_load %arg10[%get3A_671, %get3A_672] {strides = array<i32>} : memref<16x1024xf32, #tpu.memory_space<vmem>>, vector<1x16xf32>,
      %get3A_674 = vector.shape_cast %get3A_673 : vector<1x16xf32> to vector<16xf32>
      %mul3A_675 = arith.mulf %broadcast_in_dim3A_372, %get3A_674 : vector<16xf32>
      %add3A_676 = arith.addf %mul3A_669, %mul3A_675 : vector<16xf32>
      %swap3A_677 = arith.constant 6 : i32
      %swap3A_678 = arith.index_cast %swap3A_677 : i32 to index
      %swap3A_679 = arith.index_cast %mul3A_550 : i32 to index
      %swap3A_680 = tpu.vector_load %arg12[%swap3A_678, %swap3A_679] {strides = array<i32>} : memref<16x1024xf32, #tpu.memory_space<vmem>>, vector<1x16xf32>,
      %swap3A_681 = vector.shape_cast %swap3A_680 : vector<1x16xf32> to vector<16xf32>
      %swap3A_682 = vector.shape_cast %add3A_676 : vector<16xf32> to vector<1x16xf32>
      tpu.vector_store %arg12[%swap3A_678, %swap3A_679], %swap3A_682 {strides = array<i32>} : memref<16x1024xf32, #tpu.memory_space<vmem>>, vector<1x16xf32>,
      %get3A_683 = arith.constant 7 : i32
      %get3A_684 = arith.index_cast %get3A_683 : i32 to index
      %get3A_685 = arith.index_cast %mul3A_550 : i32 to index
      %get3A_686 = tpu.vector_load %arg8[%get3A_684, %get3A_685] {strides = array<i32>} : memref<16x1024xf32, #tpu.memory_space<vmem>>, vector<1x16xf32>,
      %get3A_687 = vector.shape_cast %get3A_686 : vector<1x16xf32> to vector<16xf32>
      %mul3A_688 = arith.mulf %broadcast_in_dim3A_327, %get3A_687 : vector<16xf32>
      %get3A_689 = arith.constant 7 : i32
      %get3A_690 = arith.index_cast %get3A_689 : i32 to index
      %get3A_691 = arith.index_cast %mul3A_550 : i32 to index
      %get3A_692 = tpu.vector_load %arg10[%get3A_690, %get3A_691] {strides = array<i32>} : memref<16x1024xf32, #tpu.memory_space<vmem>>, vector<1x16xf32>,
      %get3A_693 = vector.shape_cast %get3A_692 : vector<1x16xf32> to vector<16xf32>
      %mul3A_694 = arith.mulf %broadcast_in_dim3A_375, %get3A_693 : vector<16xf32>
      %add3A_695 = arith.addf %mul3A_688, %mul3A_694 : vector<16xf32>
      %swap3A_696 = arith.constant 7 : i32
      %swap3A_697 = arith.index_cast %swap3A_696 : i32 to index
      %swap3A_698 = arith.index_cast %mul3A_550 : i32 to index
      %swap3A_699 = tpu.vector_load %arg12[%swap3A_697, %swap3A_698] {strides = array<i32>} : memref<16x1024xf32, #tpu.memory_space<vmem>>, vector<1x16xf32>,
      %swap3A_700 = vector.shape_cast %swap3A_699 : vector<1x16xf32> to vector<16xf32>
      %swap3A_701 = vector.shape_cast %add3A_695 : vector<16xf32> to vector<1x16xf32>
      tpu.vector_store %arg12[%swap3A_697, %swap3A_698], %swap3A_701 {strides = array<i32>} : memref<16x1024xf32, #tpu.memory_space<vmem>>, vector<1x16xf32>,
      %get3A_702 = arith.constant 8 : i32
      %get3A_703 = arith.index_cast %get3A_702 : i32 to index
      %get3A_704 = arith.index_cast %mul3A_550 : i32 to index
      %get3A_705 = tpu.vector_load %arg8[%get3A_703, %get3A_704] {strides = array<i32>} : memref<16x1024xf32, #tpu.memory_space<vmem>>, vector<1x16xf32>,
      %get3A_706 = vector.shape_cast %get3A_705 : vector<1x16xf32> to vector<16xf32>
      %mul3A_707 = arith.mulf %broadcast_in_dim3A_330, %get3A_706 : vector<16xf32>
      %get3A_708 = arith.constant 8 : i32
      %get3A_709 = arith.index_cast %get3A_708 : i32 to index
      %get3A_710 = arith.index_cast %mul3A_550 : i32 to index
      %get3A_711 = tpu.vector_load %arg10[%get3A_709, %get3A_710] {strides = array<i32>} : memref<16x1024xf32, #tpu.memory_space<vmem>>, vector<1x16xf32>,
      %get3A_712 = vector.shape_cast %get3A_711 : vector<1x16xf32> to vector<16xf32>
      %mul3A_713 = arith.mulf %broadcast_in_dim3A_378, %get3A_712 : vector<16xf32>
      %add3A_714 = arith.addf %mul3A_707, %mul3A_713 : vector<16xf32>
      %swap3A_715 = arith.constant 8 : i32
      %swap3A_716 = arith.index_cast %swap3A_715 : i32 to index
      %swap3A_717 = arith.index_cast %mul3A_550 : i32 to index
      %swap3A_718 = tpu.vector_load %arg12[%swap3A_716, %swap3A_717] {strides = array<i32>} : memref<16x1024xf32, #tpu.memory_space<vmem>>, vector<1x16xf32>,
      %swap3A_719 = vector.shape_cast %swap3A_718 : vector<1x16xf32> to vector<16xf32>
      %swap3A_720 = vector.shape_cast %add3A_714 : vector<16xf32> to vector<1x16xf32>
      tpu.vector_store %arg12[%swap3A_716, %swap3A_717], %swap3A_720 {strides = array<i32>} : memref<16x1024xf32, #tpu.memory_space<vmem>>, vector<1x16xf32>,
      %get3A_721 = arith.constant 9 : i32
      %get3A_722 = arith.index_cast %get3A_721 : i32 to index
      %get3A_723 = arith.index_cast %mul3A_550 : i32 to index
      %get3A_724 = tpu.vector_load %arg8[%get3A_722, %get3A_723] {strides = array<i32>} : memref<16x1024xf32, #tpu.memory_space<vmem>>, vector<1x16xf32>,
      %get3A_725 = vector.shape_cast %get3A_724 : vector<1x16xf32> to vector<16xf32>
      %mul3A_726 = arith.mulf %broadcast_in_dim3A_333, %get3A_725 : vector<16xf32>
      %get3A_727 = arith.constant 9 : i32
      %get3A_728 = arith.index_cast %get3A_727 : i32 to index
      %get3A_729 = arith.index_cast %mul3A_550 : i32 to index
      %get3A_730 = tpu.vector_load %arg10[%get3A_728, %get3A_729] {strides = array<i32>} : memref<16x1024xf32, #tpu.memory_space<vmem>>, vector<1x16xf32>,
      %get3A_731 = vector.shape_cast %get3A_730 : vector<1x16xf32> to vector<16xf32>
      %mul3A_732 = arith.mulf %broadcast_in_dim3A_381, %get3A_731 : vector<16xf32>
      %add3A_733 = arith.addf %mul3A_726, %mul3A_732 : vector<16xf32>
      %swap3A_734 = arith.constant 9 : i32
      %swap3A_735 = arith.index_cast %swap3A_734 : i32 to index
      %swap3A_736 = arith.index_cast %mul3A_550 : i32 to index
      %swap3A_737 = tpu.vector_load %arg12[%swap3A_735, %swap3A_736] {strides = array<i32>} : memref<16x1024xf32, #tpu.memory_space<vmem>>, vector<1x16xf32>,
      %swap3A_738 = vector.shape_cast %swap3A_737 : vector<1x16xf32> to vector<16xf32>
      %swap3A_739 = vector.shape_cast %add3A_733 : vector<16xf32> to vector<1x16xf32>
      tpu.vector_store %arg12[%swap3A_735, %swap3A_736], %swap3A_739 {strides = array<i32>} : memref<16x1024xf32, #tpu.memory_space<vmem>>, vector<1x16xf32>,
      %get3A_740 = arith.constant 10 : i32
      %get3A_741 = arith.index_cast %get3A_740 : i32 to index
      %get3A_742 = arith.index_cast %mul3A_550 : i32 to index
      %get3A_743 = tpu.vector_load %arg8[%get3A_741, %get3A_742] {strides = array<i32>} : memref<16x1024xf32, #tpu.memory_space<vmem>>, vector<1x16xf32>,
      %get3A_744 = vector.shape_cast %get3A_743 : vector<1x16xf32> to vector<16xf32>
      %mul3A_745 = arith.mulf %broadcast_in_dim3A_336, %get3A_744 : vector<16xf32>
      %get3A_746 = arith.constant 10 : i32
      %get3A_747 = arith.index_cast %get3A_746 : i32 to index
      %get3A_748 = arith.index_cast %mul3A_550 : i32 to index
      %get3A_749 = tpu.vector_load %arg10[%get3A_747, %get3A_748] {strides = array<i32>} : memref<16x1024xf32, #tpu.memory_space<vmem>>, vector<1x16xf32>,
      %get3A_750 = vector.shape_cast %get3A_749 : vector<1x16xf32> to vector<16xf32>
      %mul3A_751 = arith.mulf %broadcast_in_dim3A_384, %get3A_750 : vector<16xf32>
      %add3A_752 = arith.addf %mul3A_745, %mul3A_751 : vector<16xf32>
      %swap3A_753 = arith.constant 10 : i32
      %swap3A_754 = arith.index_cast %swap3A_753 : i32 to index
      %swap3A_755 = arith.index_cast %mul3A_550 : i32 to index
      %swap3A_756 = tpu.vector_load %arg12[%swap3A_754, %swap3A_755] {strides = array<i32>} : memref<16x1024xf32, #tpu.memory_space<vmem>>, vector<1x16xf32>,
      %swap3A_757 = vector.shape_cast %swap3A_756 : vector<1x16xf32> to vector<16xf32>
      %swap3A_758 = vector.shape_cast %add3A_752 : vector<16xf32> to vector<1x16xf32>
      tpu.vector_store %arg12[%swap3A_754, %swap3A_755], %swap3A_758 {strides = array<i32>} : memref<16x1024xf32, #tpu.memory_space<vmem>>, vector<1x16xf32>,
      %get3A_759 = arith.constant 11 : i32
      %get3A_760 = arith.index_cast %get3A_759 : i32 to index
      %get3A_761 = arith.index_cast %mul3A_550 : i32 to index
      %get3A_762 = tpu.vector_load %arg8[%get3A_760, %get3A_761] {strides = array<i32>} : memref<16x1024xf32, #tpu.memory_space<vmem>>, vector<1x16xf32>,
      %get3A_763 = vector.shape_cast %get3A_762 : vector<1x16xf32> to vector<16xf32>
      %mul3A_764 = arith.mulf %broadcast_in_dim3A_339, %get3A_763 : vector<16xf32>
      %get3A_765 = arith.constant 11 : i32
      %get3A_766 = arith.index_cast %get3A_765 : i32 to index
      %get3A_767 = arith.index_cast %mul3A_550 : i32 to index
      %get3A_768 = tpu.vector_load %arg10[%get3A_766, %get3A_767] {strides = array<i32>} : memref<16x1024xf32, #tpu.memory_space<vmem>>, vector<1x16xf32>,
      %get3A_769 = vector.shape_cast %get3A_768 : vector<1x16xf32> to vector<16xf32>
      %mul3A_770 = arith.mulf %broadcast_in_dim3A_387, %get3A_769 : vector<16xf32>
      %add3A_771 = arith.addf %mul3A_764, %mul3A_770 : vector<16xf32>
      %swap3A_772 = arith.constant 11 : i32
      %swap3A_773 = arith.index_cast %swap3A_772 : i32 to index
      %swap3A_774 = arith.index_cast %mul3A_550 : i32 to index
      %swap3A_775 = tpu.vector_load %arg12[%swap3A_773, %swap3A_774] {strides = array<i32>} : memref<16x1024xf32, #tpu.memory_space<vmem>>, vector<1x16xf32>,
      %swap3A_776 = vector.shape_cast %swap3A_775 : vector<1x16xf32> to vector<16xf32>
      %swap3A_777 = vector.shape_cast %add3A_771 : vector<16xf32> to vector<1x16xf32>
      tpu.vector_store %arg12[%swap3A_773, %swap3A_774], %swap3A_777 {strides = array<i32>} : memref<16x1024xf32, #tpu.memory_space<vmem>>, vector<1x16xf32>,
      %get3A_778 = arith.constant 12 : i32
      %get3A_779 = arith.index_cast %get3A_778 : i32 to index
      %get3A_780 = arith.index_cast %mul3A_550 : i32 to index
      %get3A_781 = tpu.vector_load %arg8[%get3A_779, %get3A_780] {strides = array<i32>} : memref<16x1024xf32, #tpu.memory_space<vmem>>, vector<1x16xf32>,
      %get3A_782 = vector.shape_cast %get3A_781 : vector<1x16xf32> to vector<16xf32>
      %mul3A_783 = arith.mulf %broadcast_in_dim3A_342, %get3A_782 : vector<16xf32>
      %get3A_784 = arith.constant 12 : i32
      %get3A_785 = arith.index_cast %get3A_784 : i32 to index
      %get3A_786 = arith.index_cast %mul3A_550 : i32 to index
      %get3A_787 = tpu.vector_load %arg10[%get3A_785, %get3A_786] {strides = array<i32>} : memref<16x1024xf32, #tpu.memory_space<vmem>>, vector<1x16xf32>,
      %get3A_788 = vector.shape_cast %get3A_787 : vector<1x16xf32> to vector<16xf32>
      %mul3A_789 = arith.mulf %broadcast_in_dim3A_390, %get3A_788 : vector<16xf32>
      %add3A_790 = arith.addf %mul3A_783, %mul3A_789 : vector<16xf32>
      %swap3A_791 = arith.constant 12 : i32
      %swap3A_792 = arith.index_cast %swap3A_791 : i32 to index
      %swap3A_793 = arith.index_cast %mul3A_550 : i32 to index
      %swap3A_794 = tpu.vector_load %arg12[%swap3A_792, %swap3A_793] {strides = array<i32>} : memref<16x1024xf32, #tpu.memory_space<vmem>>, vector<1x16xf32>,
      %swap3A_795 = vector.shape_cast %swap3A_794 : vector<1x16xf32> to vector<16xf32>
      %swap3A_796 = vector.shape_cast %add3A_790 : vector<16xf32> to vector<1x16xf32>
      tpu.vector_store %arg12[%swap3A_792, %swap3A_793], %swap3A_796 {strides = array<i32>} : memref<16x1024xf32, #tpu.memory_space<vmem>>, vector<1x16xf32>,
      %get3A_797 = arith.constant 13 : i32
      %get3A_798 = arith.index_cast %get3A_797 : i32 to index
      %get3A_799 = arith.index_cast %mul3A_550 : i32 to index
      %get3A_800 = tpu.vector_load %arg8[%get3A_798, %get3A_799] {strides = array<i32>} : memref<16x1024xf32, #tpu.memory_space<vmem>>, vector<1x16xf32>,
      %get3A_801 = vector.shape_cast %get3A_800 : vector<1x16xf32> to vector<16xf32>
      %mul3A_802 = arith.mulf %broadcast_in_dim3A_345, %get3A_801 : vector<16xf32>
      %get3A_803 = arith.constant 13 : i32
      %get3A_804 = arith.index_cast %get3A_803 : i32 to index
      %get3A_805 = arith.index_cast %mul3A_550 : i32 to index
      %get3A_806 = tpu.vector_load %arg10[%get3A_804, %get3A_805] {strides = array<i32>} : memref<16x1024xf32, #tpu.memory_space<vmem>>, vector<1x16xf32>,
      %get3A_807 = vector.shape_cast %get3A_806 : vector<1x16xf32> to vector<16xf32>
      %mul3A_808 = arith.mulf %broadcast_in_dim3A_393, %get3A_807 : vector<16xf32>
      %add3A_809 = arith.addf %mul3A_802, %mul3A_808 : vector<16xf32>
      %swap3A_810 = arith.constant 13 : i32
      %swap3A_811 = arith.index_cast %swap3A_810 : i32 to index
      %swap3A_812 = arith.index_cast %mul3A_550 : i32 to index
      %swap3A_813 = tpu.vector_load %arg12[%swap3A_811, %swap3A_812] {strides = array<i32>} : memref<16x1024xf32, #tpu.memory_space<vmem>>, vector<1x16xf32>,
      %swap3A_814 = vector.shape_cast %swap3A_813 : vector<1x16xf32> to vector<16xf32>
      %swap3A_815 = vector.shape_cast %add3A_809 : vector<16xf32> to vector<1x16xf32>
      tpu.vector_store %arg12[%swap3A_811, %swap3A_812], %swap3A_815 {strides = array<i32>} : memref<16x1024xf32, #tpu.memory_space<vmem>>, vector<1x16xf32>,
      %get3A_816 = arith.constant 14 : i32
      %get3A_817 = arith.index_cast %get3A_816 : i32 to index
      %get3A_818 = arith.index_cast %mul3A_550 : i32 to index
      %get3A_819 = tpu.vector_load %arg8[%get3A_817, %get3A_818] {strides = array<i32>} : memref<16x1024xf32, #tpu.memory_space<vmem>>, vector<1x16xf32>,
      %get3A_820 = vector.shape_cast %get3A_819 : vector<1x16xf32> to vector<16xf32>
      %mul3A_821 = arith.mulf %broadcast_in_dim3A_348, %get3A_820 : vector<16xf32>
      %get3A_822 = arith.constant 14 : i32
      %get3A_823 = arith.index_cast %get3A_822 : i32 to index
      %get3A_824 = arith.index_cast %mul3A_550 : i32 to index
      %get3A_825 = tpu.vector_load %arg10[%get3A_823, %get3A_824] {strides = array<i32>} : memref<16x1024xf32, #tpu.memory_space<vmem>>, vector<1x16xf32>,
      %get3A_826 = vector.shape_cast %get3A_825 : vector<1x16xf32> to vector<16xf32>
      %mul3A_827 = arith.mulf %broadcast_in_dim3A_396, %get3A_826 : vector<16xf32>
      %add3A_828 = arith.addf %mul3A_821, %mul3A_827 : vector<16xf32>
      %swap3A_829 = arith.constant 14 : i32
      %swap3A_830 = arith.index_cast %swap3A_829 : i32 to index
      %swap3A_831 = arith.index_cast %mul3A_550 : i32 to index
      %swap3A_832 = tpu.vector_load %arg12[%swap3A_830, %swap3A_831] {strides = array<i32>} : memref<16x1024xf32, #tpu.memory_space<vmem>>, vector<1x16xf32>,
      %swap3A_833 = vector.shape_cast %swap3A_832 : vector<1x16xf32> to vector<16xf32>
      %swap3A_834 = vector.shape_cast %add3A_828 : vector<16xf32> to vector<1x16xf32>
      tpu.vector_store %arg12[%swap3A_830, %swap3A_831], %swap3A_834 {strides = array<i32>} : memref<16x1024xf32, #tpu.memory_space<vmem>>, vector<1x16xf32>,
      %get3A_835 = arith.constant 15 : i32
      %get3A_836 = arith.index_cast %get3A_835 : i32 to index
      %get3A_837 = arith.index_cast %mul3A_550 : i32 to index
      %get3A_838 = tpu.vector_load %arg8[%get3A_836, %get3A_837] {strides = array<i32>} : memref<16x1024xf32, #tpu.memory_space<vmem>>, vector<1x16xf32>,
      %get3A_839 = vector.shape_cast %get3A_838 : vector<1x16xf32> to vector<16xf32>
      %mul3A_840 = arith.mulf %broadcast_in_dim3A_351, %get3A_839 : vector<16xf32>
      %get3A_841 = arith.constant 15 : i32
      %get3A_842 = arith.index_cast %get3A_841 : i32 to index
      %get3A_843 = arith.index_cast %mul3A_550 : i32 to index
      %get3A_844 = tpu.vector_load %arg10[%get3A_842, %get3A_843] {strides = array<i32>} : memref<16x1024xf32, #tpu.memory_space<vmem>>, vector<1x16xf32>,
      %get3A_845 = vector.shape_cast %get3A_844 : vector<1x16xf32> to vector<16xf32>
      %mul3A_846 = arith.mulf %broadcast_in_dim3A_399, %get3A_845 : vector<16xf32>
      %add3A_847 = arith.addf %mul3A_840, %mul3A_846 : vector<16xf32>
      %swap3A_848 = arith.constant 15 : i32
      %swap3A_849 = arith.index_cast %swap3A_848 : i32 to index
      %swap3A_850 = arith.index_cast %mul3A_550 : i32 to index
      %swap3A_851 = tpu.vector_load %arg12[%swap3A_849, %swap3A_850] {strides = array<i32>} : memref<16x1024xf32, #tpu.memory_space<vmem>>, vector<1x16xf32>,
      %swap3A_852 = vector.shape_cast %swap3A_851 : vector<1x16xf32> to vector<16xf32>
      %swap3A_853 = vector.shape_cast %add3A_847 : vector<16xf32> to vector<1x16xf32>
      tpu.vector_store %arg12[%swap3A_849, %swap3A_850], %swap3A_853 {strides = array<i32>} : memref<16x1024xf32, #tpu.memory_space<vmem>>, vector<1x16xf32>,
    }
    %scan3A_409 = arith.constant 64 : i32
    %add3A_410 = arith.constant 32 : i32
    %add3A_411 = arith.addi %mul3A_2, %add3A_410 : i32
    %dma_start3A_412 = arith.constant 0 : i32
    %dma_start3A_413 = tpu.memref_slice %arg7[%add3A_411, %dma_start3A_412] : memref<2048x1024xf32, #tpu.memory_space<hbm>> -> memref<16x1024xf32, #tpu.memory_space<hbm>>
    %dma_start3A_414 = arith.constant 0 : i32
    %dma_start3A_415 = tpu.memref_slice %arg7[%add3A_411, %dma_start3A_414] : memref<2048x1024xf32, #tpu.memory_space<hbm>> -> memref<16x1024xf32, #tpu.memory_space<hbm>>
    tpu.enqueue_dma source(%arg12 : memref<16x1024xf32, #tpu.memory_space<vmem>>) target(%dma_start3A_415 : memref<16x1024xf32, #tpu.memory_space<hbm>>) target_semaphore(%arg19 : memref<!tpu.dma_semaphore, #tpu.memory_space<semaphore_mem>>)
    %dma_wait3A_416 = arith.constant 48 : i32
    %dma_wait3A_417 = tpu.memref_slice %arg13[%dma_wait3A_416] : memref<64xi32, #tpu.memory_space<vmem>> -> memref<16xi32, #tpu.memory_space<vmem>>
    %dma_wait3A_418 = arith.constant 0 : i32
    %dma_wait3A_419 = arith.constant 0 : i32
    %dma_wait3A_420 = tpu.memref_slice %arg2[%dma_wait3A_418, %dma_wait3A_419] : memref<8192x1024xf32, #tpu.memory_space<hbm>> -> memref<8192x1024xf32, #tpu.memory_space<hbm>>
    tpu.wait_indirect_dma semaphore(%arg18 : memref<!tpu.dma_semaphore, #tpu.memory_space<semaphore_mem>>) src(%dma_wait3A_420 : memref<8192x1024xf32, #tpu.memory_space<hbm>>) dst(%arg9 : memref<16x1024xf32, #tpu.memory_space<vmem>>)
    %dma_wait3A_421 = arith.constant 48 : i32
    %dma_wait3A_422 = tpu.memref_slice %arg14[%dma_wait3A_421] : memref<64xi32, #tpu.memory_space<vmem>> -> memref<16xi32, #tpu.memory_space<vmem>>
    %dma_wait3A_423 = arith.constant 0 : i32
    %dma_wait3A_424 = arith.constant 0 : i32
    %dma_wait3A_425 = tpu.memref_slice %arg2[%dma_wait3A_423, %dma_wait3A_424] : memref<8192x1024xf32, #tpu.memory_space<hbm>> -> memref<8192x1024xf32, #tpu.memory_space<hbm>>
    tpu.wait_indirect_dma semaphore(%arg18 : memref<!tpu.dma_semaphore, #tpu.memory_space<semaphore_mem>>) src(%dma_wait3A_425 : memref<8192x1024xf32, #tpu.memory_space<hbm>>) dst(%arg11 : memref<16x1024xf32, #tpu.memory_space<vmem>>)
    %get3A_426 = arith.constant 48 : index
    %get3A_427 = tpu.vector_load %arg15[%get3A_426] {strides = array<i32>} : memref<64xf32, #tpu.memory_space<vmem>>, vector<16xf32>,
    %get3A_428 = vector.shape_cast %get3A_427 : vector<16xf32> to vector<16xf32>
    %get3A_429 = arith.constant 48 : index
    %get3A_430 = tpu.vector_load %arg16[%get3A_429] {strides = array<i32>} : memref<64xf32, #tpu.memory_space<vmem>>, vector<16xf32>,
    %get3A_431 = vector.shape_cast %get3A_430 : vector<16xf32> to vector<16xf32>
    %slice3A_432 = vector.extract_strided_slice %get3A_428 {offsets = [0], sizes = [1], strides = [1]} : vector<16xf32> to vector<1xf32>
    %squeeze3A_433 = vector.extract %slice3A_432[0] : f32 from vector<1xf32>
    %broadcast_in_dim3A_434 = vector.broadcast %squeeze3A_433 : f32 to vector<16xf32>
    %slice3A_435 = vector.extract_strided_slice %get3A_428 {offsets = [1], sizes = [1], strides = [1]} : vector<16xf32> to vector<1xf32>
    %squeeze3A_436 = vector.extract %slice3A_435[0] : f32 from vector<1xf32>
    %broadcast_in_dim3A_437 = vector.broadcast %squeeze3A_436 : f32 to vector<16xf32>
    %slice3A_438 = vector.extract_strided_slice %get3A_428 {offsets = [2], sizes = [1], strides = [1]} : vector<16xf32> to vector<1xf32>
    %squeeze3A_439 = vector.extract %slice3A_438[0] : f32 from vector<1xf32>
    %broadcast_in_dim3A_440 = vector.broadcast %squeeze3A_439 : f32 to vector<16xf32>
    %slice3A_441 = vector.extract_strided_slice %get3A_428 {offsets = [3], sizes = [1], strides = [1]} : vector<16xf32> to vector<1xf32>
    %squeeze3A_442 = vector.extract %slice3A_441[0] : f32 from vector<1xf32>
    %broadcast_in_dim3A_443 = vector.broadcast %squeeze3A_442 : f32 to vector<16xf32>
    %slice3A_444 = vector.extract_strided_slice %get3A_428 {offsets = [4], sizes = [1], strides = [1]} : vector<16xf32> to vector<1xf32>
    %squeeze3A_445 = vector.extract %slice3A_444[0] : f32 from vector<1xf32>
    %broadcast_in_dim3A_446 = vector.broadcast %squeeze3A_445 : f32 to vector<16xf32>
    %slice3A_447 = vector.extract_strided_slice %get3A_428 {offsets = [5], sizes = [1], strides = [1]} : vector<16xf32> to vector<1xf32>
    %squeeze3A_448 = vector.extract %slice3A_447[0] : f32 from vector<1xf32>
    %broadcast_in_dim3A_449 = vector.broadcast %squeeze3A_448 : f32 to vector<16xf32>
    %slice3A_450 = vector.extract_strided_slice %get3A_428 {offsets = [6], sizes = [1], strides = [1]} : vector<16xf32> to vector<1xf32>
    %squeeze3A_451 = vector.extract %slice3A_450[0] : f32 from vector<1xf32>
    %broadcast_in_dim3A_452 = vector.broadcast %squeeze3A_451 : f32 to vector<16xf32>
    %slice3A_453 = vector.extract_strided_slice %get3A_428 {offsets = [7], sizes = [1], strides = [1]} : vector<16xf32> to vector<1xf32>
    %squeeze3A_454 = vector.extract %slice3A_453[0] : f32 from vector<1xf32>
    %broadcast_in_dim3A_455 = vector.broadcast %squeeze3A_454 : f32 to vector<16xf32>
    %slice3A_456 = vector.extract_strided_slice %get3A_428 {offsets = [8], sizes = [1], strides = [1]} : vector<16xf32> to vector<1xf32>
    %squeeze3A_457 = vector.extract %slice3A_456[0] : f32 from vector<1xf32>
    %broadcast_in_dim3A_458 = vector.broadcast %squeeze3A_457 : f32 to vector<16xf32>
    %slice3A_459 = vector.extract_strided_slice %get3A_428 {offsets = [9], sizes = [1], strides = [1]} : vector<16xf32> to vector<1xf32>
    %squeeze3A_460 = vector.extract %slice3A_459[0] : f32 from vector<1xf32>
    %broadcast_in_dim3A_461 = vector.broadcast %squeeze3A_460 : f32 to vector<16xf32>
    %slice3A_462 = vector.extract_strided_slice %get3A_428 {offsets = [10], sizes = [1], strides = [1]} : vector<16xf32> to vector<1xf32>
    %squeeze3A_463 = vector.extract %slice3A_462[0] : f32 from vector<1xf32>
    %broadcast_in_dim3A_464 = vector.broadcast %squeeze3A_463 : f32 to vector<16xf32>
    %slice3A_465 = vector.extract_strided_slice %get3A_428 {offsets = [11], sizes = [1], strides = [1]} : vector<16xf32> to vector<1xf32>
    %squeeze3A_466 = vector.extract %slice3A_465[0] : f32 from vector<1xf32>
    %broadcast_in_dim3A_467 = vector.broadcast %squeeze3A_466 : f32 to vector<16xf32>
    %slice3A_468 = vector.extract_strided_slice %get3A_428 {offsets = [12], sizes = [1], strides = [1]} : vector<16xf32> to vector<1xf32>
    %squeeze3A_469 = vector.extract %slice3A_468[0] : f32 from vector<1xf32>
    %broadcast_in_dim3A_470 = vector.broadcast %squeeze3A_469 : f32 to vector<16xf32>
    %slice3A_471 = vector.extract_strided_slice %get3A_428 {offsets = [13], sizes = [1], strides = [1]} : vector<16xf32> to vector<1xf32>
    %squeeze3A_472 = vector.extract %slice3A_471[0] : f32 from vector<1xf32>
    %broadcast_in_dim3A_473 = vector.broadcast %squeeze3A_472 : f32 to vector<16xf32>
    %slice3A_474 = vector.extract_strided_slice %get3A_428 {offsets = [14], sizes = [1], strides = [1]} : vector<16xf32> to vector<1xf32>
    %squeeze3A_475 = vector.extract %slice3A_474[0] : f32 from vector<1xf32>
    %broadcast_in_dim3A_476 = vector.broadcast %squeeze3A_475 : f32 to vector<16xf32>
    %slice3A_477 = vector.extract_strided_slice %get3A_428 {offsets = [15], sizes = [1], strides = [1]} : vector<16xf32> to vector<1xf32>
    %squeeze3A_478 = vector.extract %slice3A_477[0] : f32 from vector<1xf32>
    %broadcast_in_dim3A_479 = vector.broadcast %squeeze3A_478 : f32 to vector<16xf32>
    %slice3A_480 = vector.extract_strided_slice %get3A_431 {offsets = [0], sizes = [1], strides = [1]} : vector<16xf32> to vector<1xf32>
    %squeeze3A_481 = vector.extract %slice3A_480[0] : f32 from vector<1xf32>
    %broadcast_in_dim3A_482 = vector.broadcast %squeeze3A_481 : f32 to vector<16xf32>
    %slice3A_483 = vector.extract_strided_slice %get3A_431 {offsets = [1], sizes = [1], strides = [1]} : vector<16xf32> to vector<1xf32>
    %squeeze3A_484 = vector.extract %slice3A_483[0] : f32 from vector<1xf32>
    %broadcast_in_dim3A_485 = vector.broadcast %squeeze3A_484 : f32 to vector<16xf32>
    %slice3A_486 = vector.extract_strided_slice %get3A_431 {offsets = [2], sizes = [1], strides = [1]} : vector<16xf32> to vector<1xf32>
    %squeeze3A_487 = vector.extract %slice3A_486[0] : f32 from vector<1xf32>
    %broadcast_in_dim3A_488 = vector.broadcast %squeeze3A_487 : f32 to vector<16xf32>
    %slice3A_489 = vector.extract_strided_slice %get3A_431 {offsets = [3], sizes = [1], strides = [1]} : vector<16xf32> to vector<1xf32>
    %squeeze3A_490 = vector.extract %slice3A_489[0] : f32 from vector<1xf32>
    %broadcast_in_dim3A_491 = vector.broadcast %squeeze3A_490 : f32 to vector<16xf32>
    %slice3A_492 = vector.extract_strided_slice %get3A_431 {offsets = [4], sizes = [1], strides = [1]} : vector<16xf32> to vector<1xf32>
    %squeeze3A_493 = vector.extract %slice3A_492[0] : f32 from vector<1xf32>
    %broadcast_in_dim3A_494 = vector.broadcast %squeeze3A_493 : f32 to vector<16xf32>
    %slice3A_495 = vector.extract_strided_slice %get3A_431 {offsets = [5], sizes = [1], strides = [1]} : vector<16xf32> to vector<1xf32>
    %squeeze3A_496 = vector.extract %slice3A_495[0] : f32 from vector<1xf32>
    %broadcast_in_dim3A_497 = vector.broadcast %squeeze3A_496 : f32 to vector<16xf32>
    %slice3A_498 = vector.extract_strided_slice %get3A_431 {offsets = [6], sizes = [1], strides = [1]} : vector<16xf32> to vector<1xf32>
    %squeeze3A_499 = vector.extract %slice3A_498[0] : f32 from vector<1xf32>
    %broadcast_in_dim3A_500 = vector.broadcast %squeeze3A_499 : f32 to vector<16xf32>
    %slice3A_501 = vector.extract_strided_slice %get3A_431 {offsets = [7], sizes = [1], strides = [1]} : vector<16xf32> to vector<1xf32>
    %squeeze3A_502 = vector.extract %slice3A_501[0] : f32 from vector<1xf32>
    %broadcast_in_dim3A_503 = vector.broadcast %squeeze3A_502 : f32 to vector<16xf32>
    %slice3A_504 = vector.extract_strided_slice %get3A_431 {offsets = [8], sizes = [1], strides = [1]} : vector<16xf32> to vector<1xf32>
    %squeeze3A_505 = vector.extract %slice3A_504[0] : f32 from vector<1xf32>
    %broadcast_in_dim3A_506 = vector.broadcast %squeeze3A_505 : f32 to vector<16xf32>
    %slice3A_507 = vector.extract_strided_slice %get3A_431 {offsets = [9], sizes = [1], strides = [1]} : vector<16xf32> to vector<1xf32>
    %squeeze3A_508 = vector.extract %slice3A_507[0] : f32 from vector<1xf32>
    %broadcast_in_dim3A_509 = vector.broadcast %squeeze3A_508 : f32 to vector<16xf32>
    %slice3A_510 = vector.extract_strided_slice %get3A_431 {offsets = [10], sizes = [1], strides = [1]} : vector<16xf32> to vector<1xf32>
    %squeeze3A_511 = vector.extract %slice3A_510[0] : f32 from vector<1xf32>
    %broadcast_in_dim3A_512 = vector.broadcast %squeeze3A_511 : f32 to vector<16xf32>
    %slice3A_513 = vector.extract_strided_slice %get3A_431 {offsets = [11], sizes = [1], strides = [1]} : vector<16xf32> to vector<1xf32>
    %squeeze3A_514 = vector.extract %slice3A_513[0] : f32 from vector<1xf32>
    %broadcast_in_dim3A_515 = vector.broadcast %squeeze3A_514 : f32 to vector<16xf32>
    %slice3A_516 = vector.extract_strided_slice %get3A_431 {offsets = [12], sizes = [1], strides = [1]} : vector<16xf32> to vector<1xf32>
    %squeeze3A_517 = vector.extract %slice3A_516[0] : f32 from vector<1xf32>
    %broadcast_in_dim3A_518 = vector.broadcast %squeeze3A_517 : f32 to vector<16xf32>
    %slice3A_519 = vector.extract_strided_slice %get3A_431 {offsets = [13], sizes = [1], strides = [1]} : vector<16xf32> to vector<1xf32>
    %squeeze3A_520 = vector.extract %slice3A_519[0] : f32 from vector<1xf32>
    %broadcast_in_dim3A_521 = vector.broadcast %squeeze3A_520 : f32 to vector<16xf32>
    %slice3A_522 = vector.extract_strided_slice %get3A_431 {offsets = [14], sizes = [1], strides = [1]} : vector<16xf32> to vector<1xf32>
    %squeeze3A_523 = vector.extract %slice3A_522[0] : f32 from vector<1xf32>
    %broadcast_in_dim3A_524 = vector.broadcast %squeeze3A_523 : f32 to vector<16xf32>
    %slice3A_525 = vector.extract_strided_slice %get3A_431 {offsets = [15], sizes = [1], strides = [1]} : vector<16xf32> to vector<1xf32>
    %squeeze3A_526 = vector.extract %slice3A_525[0] : f32 from vector<1xf32>
    %broadcast_in_dim3A_527 = vector.broadcast %squeeze3A_526 : f32 to vector<16xf32>
    %dma_wait3A_528 = arith.constant 0 : i32
    %dma_wait3A_529 = tpu.memref_slice %arg7[%add3A_411, %dma_wait3A_528] : memref<2048x1024xf32, #tpu.memory_space<hbm>> -> memref<16x1024xf32, #tpu.memory_space<hbm>>
    %dma_wait3A_530 = arith.constant 0 : i32
    %dma_wait3A_531 = tpu.memref_slice %arg7[%add3A_411, %dma_wait3A_530] : memref<2048x1024xf32, #tpu.memory_space<hbm>> -> memref<16x1024xf32, #tpu.memory_space<hbm>>
    tpu.wait_dma2 semaphore(%arg19 : memref<!tpu.dma_semaphore, #tpu.memory_space<semaphore_mem>>) src(%arg12 : memref<16x1024xf32, #tpu.memory_space<vmem>>) dst(%dma_wait3A_531 : memref<16x1024xf32, #tpu.memory_space<hbm>>)
    %scan3A_532 = arith.constant 0 : i32
    %scan3A_533 = arith.constant 0 : i32
    %scan3A_534 = arith.constant 64 : i32
    %scan3A_535 = arith.addi %scan3A_533, %scan3A_534 : i32
    %scan3A_536 = arith.constant 1 : i32
    scf.for %scan3A_548 = %scan3A_533 to %scan3A_535 step %scan3A_536  : i32 {
      %mul3A_549 = arith.constant 16 : i32
      %mul3A_550 = arith.muli %scan3A_548, %mul3A_549 : i32
      %get3A_551 = arith.constant 0 : i32
      %get3A_552 = arith.index_cast %get3A_551 : i32 to index
      %get3A_553 = arith.index_cast %mul3A_550 : i32 to index
      %get3A_554 = tpu.vector_load %arg9[%get3A_552, %get3A_553] {strides = array<i32>} : memref<16x1024xf32, #tpu.memory_space<vmem>>, vector<1x16xf32>,
      %get3A_555 = vector.shape_cast %get3A_554 : vector<1x16xf32> to vector<16xf32>
      %mul3A_556 = arith.mulf %broadcast_in_dim3A_434, %get3A_555 : vector<16xf32>
      %get3A_557 = arith.constant 0 : i32
      %get3A_558 = arith.index_cast %get3A_557 : i32 to index
      %get3A_559 = arith.index_cast %mul3A_550 : i32 to index
      %get3A_560 = tpu.vector_load %arg11[%get3A_558, %get3A_559] {strides = array<i32>} : memref<16x1024xf32, #tpu.memory_space<vmem>>, vector<1x16xf32>,
      %get3A_561 = vector.shape_cast %get3A_560 : vector<1x16xf32> to vector<16xf32>
      %mul3A_562 = arith.mulf %broadcast_in_dim3A_482, %get3A_561 : vector<16xf32>
      %add3A_563 = arith.addf %mul3A_556, %mul3A_562 : vector<16xf32>
      %swap3A = arith.constant 0 : i32
      %swap3A_564 = arith.index_cast %swap3A : i32 to index
      %swap3A_565 = arith.index_cast %mul3A_550 : i32 to index
      %swap3A_566 = tpu.vector_load %arg12[%swap3A_564, %swap3A_565] {strides = array<i32>} : memref<16x1024xf32, #tpu.memory_space<vmem>>, vector<1x16xf32>,
      %swap3A_567 = vector.shape_cast %swap3A_566 : vector<1x16xf32> to vector<16xf32>
      %swap3A_568 = vector.shape_cast %add3A_563 : vector<16xf32> to vector<1x16xf32>
      tpu.vector_store %arg12[%swap3A_564, %swap3A_565], %swap3A_568 {strides = array<i32>} : memref<16x1024xf32, #tpu.memory_space<vmem>>, vector<1x16xf32>,
      %get3A_569 = arith.constant 1 : i32
      %get3A_570 = arith.index_cast %get3A_569 : i32 to index
      %get3A_571 = arith.index_cast %mul3A_550 : i32 to index
      %get3A_572 = tpu.vector_load %arg9[%get3A_570, %get3A_571] {strides = array<i32>} : memref<16x1024xf32, #tpu.memory_space<vmem>>, vector<1x16xf32>,
      %get3A_573 = vector.shape_cast %get3A_572 : vector<1x16xf32> to vector<16xf32>
      %mul3A_574 = arith.mulf %broadcast_in_dim3A_437, %get3A_573 : vector<16xf32>
      %get3A_575 = arith.constant 1 : i32
      %get3A_576 = arith.index_cast %get3A_575 : i32 to index
      %get3A_577 = arith.index_cast %mul3A_550 : i32 to index
      %get3A_578 = tpu.vector_load %arg11[%get3A_576, %get3A_577] {strides = array<i32>} : memref<16x1024xf32, #tpu.memory_space<vmem>>, vector<1x16xf32>,
      %get3A_579 = vector.shape_cast %get3A_578 : vector<1x16xf32> to vector<16xf32>
      %mul3A_580 = arith.mulf %broadcast_in_dim3A_485, %get3A_579 : vector<16xf32>
      %add3A_581 = arith.addf %mul3A_574, %mul3A_580 : vector<16xf32>
      %swap3A_582 = arith.constant 1 : i32
      %swap3A_583 = arith.index_cast %swap3A_582 : i32 to index
      %swap3A_584 = arith.index_cast %mul3A_550 : i32 to index
      %swap3A_585 = tpu.vector_load %arg12[%swap3A_583, %swap3A_584] {strides = array<i32>} : memref<16x1024xf32, #tpu.memory_space<vmem>>, vector<1x16xf32>,
      %swap3A_586 = vector.shape_cast %swap3A_585 : vector<1x16xf32> to vector<16xf32>
      %swap3A_587 = vector.shape_cast %add3A_581 : vector<16xf32> to vector<1x16xf32>
      tpu.vector_store %arg12[%swap3A_583, %swap3A_584], %swap3A_587 {strides = array<i32>} : memref<16x1024xf32, #tpu.memory_space<vmem>>, vector<1x16xf32>,
      %get3A_588 = arith.constant 2 : i32
      %get3A_589 = arith.index_cast %get3A_588 : i32 to index
      %get3A_590 = arith.index_cast %mul3A_550 : i32 to index
      %get3A_591 = tpu.vector_load %arg9[%get3A_589, %get3A_590] {strides = array<i32>} : memref<16x1024xf32, #tpu.memory_space<vmem>>, vector<1x16xf32>,
      %get3A_592 = vector.shape_cast %get3A_591 : vector<1x16xf32> to vector<16xf32>
      %mul3A_593 = arith.mulf %broadcast_in_dim3A_440, %get3A_592 : vector<16xf32>
      %get3A_594 = arith.constant 2 : i32
      %get3A_595 = arith.index_cast %get3A_594 : i32 to index
      %get3A_596 = arith.index_cast %mul3A_550 : i32 to index
      %get3A_597 = tpu.vector_load %arg11[%get3A_595, %get3A_596] {strides = array<i32>} : memref<16x1024xf32, #tpu.memory_space<vmem>>, vector<1x16xf32>,
      %get3A_598 = vector.shape_cast %get3A_597 : vector<1x16xf32> to vector<16xf32>
      %mul3A_599 = arith.mulf %broadcast_in_dim3A_488, %get3A_598 : vector<16xf32>
      %add3A_600 = arith.addf %mul3A_593, %mul3A_599 : vector<16xf32>
      %swap3A_601 = arith.constant 2 : i32
      %swap3A_602 = arith.index_cast %swap3A_601 : i32 to index
      %swap3A_603 = arith.index_cast %mul3A_550 : i32 to index
      %swap3A_604 = tpu.vector_load %arg12[%swap3A_602, %swap3A_603] {strides = array<i32>} : memref<16x1024xf32, #tpu.memory_space<vmem>>, vector<1x16xf32>,
      %swap3A_605 = vector.shape_cast %swap3A_604 : vector<1x16xf32> to vector<16xf32>
      %swap3A_606 = vector.shape_cast %add3A_600 : vector<16xf32> to vector<1x16xf32>
      tpu.vector_store %arg12[%swap3A_602, %swap3A_603], %swap3A_606 {strides = array<i32>} : memref<16x1024xf32, #tpu.memory_space<vmem>>, vector<1x16xf32>,
      %get3A_607 = arith.constant 3 : i32
      %get3A_608 = arith.index_cast %get3A_607 : i32 to index
      %get3A_609 = arith.index_cast %mul3A_550 : i32 to index
      %get3A_610 = tpu.vector_load %arg9[%get3A_608, %get3A_609] {strides = array<i32>} : memref<16x1024xf32, #tpu.memory_space<vmem>>, vector<1x16xf32>,
      %get3A_611 = vector.shape_cast %get3A_610 : vector<1x16xf32> to vector<16xf32>
      %mul3A_612 = arith.mulf %broadcast_in_dim3A_443, %get3A_611 : vector<16xf32>
      %get3A_613 = arith.constant 3 : i32
      %get3A_614 = arith.index_cast %get3A_613 : i32 to index
      %get3A_615 = arith.index_cast %mul3A_550 : i32 to index
      %get3A_616 = tpu.vector_load %arg11[%get3A_614, %get3A_615] {strides = array<i32>} : memref<16x1024xf32, #tpu.memory_space<vmem>>, vector<1x16xf32>,
      %get3A_617 = vector.shape_cast %get3A_616 : vector<1x16xf32> to vector<16xf32>
      %mul3A_618 = arith.mulf %broadcast_in_dim3A_491, %get3A_617 : vector<16xf32>
      %add3A_619 = arith.addf %mul3A_612, %mul3A_618 : vector<16xf32>
      %swap3A_620 = arith.constant 3 : i32
      %swap3A_621 = arith.index_cast %swap3A_620 : i32 to index
      %swap3A_622 = arith.index_cast %mul3A_550 : i32 to index
      %swap3A_623 = tpu.vector_load %arg12[%swap3A_621, %swap3A_622] {strides = array<i32>} : memref<16x1024xf32, #tpu.memory_space<vmem>>, vector<1x16xf32>,
      %swap3A_624 = vector.shape_cast %swap3A_623 : vector<1x16xf32> to vector<16xf32>
      %swap3A_625 = vector.shape_cast %add3A_619 : vector<16xf32> to vector<1x16xf32>
      tpu.vector_store %arg12[%swap3A_621, %swap3A_622], %swap3A_625 {strides = array<i32>} : memref<16x1024xf32, #tpu.memory_space<vmem>>, vector<1x16xf32>,
      %get3A_626 = arith.constant 4 : i32
      %get3A_627 = arith.index_cast %get3A_626 : i32 to index
      %get3A_628 = arith.index_cast %mul3A_550 : i32 to index
      %get3A_629 = tpu.vector_load %arg9[%get3A_627, %get3A_628] {strides = array<i32>} : memref<16x1024xf32, #tpu.memory_space<vmem>>, vector<1x16xf32>,
      %get3A_630 = vector.shape_cast %get3A_629 : vector<1x16xf32> to vector<16xf32>
      %mul3A_631 = arith.mulf %broadcast_in_dim3A_446, %get3A_630 : vector<16xf32>
      %get3A_632 = arith.constant 4 : i32
      %get3A_633 = arith.index_cast %get3A_632 : i32 to index
      %get3A_634 = arith.index_cast %mul3A_550 : i32 to index
      %get3A_635 = tpu.vector_load %arg11[%get3A_633, %get3A_634] {strides = array<i32>} : memref<16x1024xf32, #tpu.memory_space<vmem>>, vector<1x16xf32>,
      %get3A_636 = vector.shape_cast %get3A_635 : vector<1x16xf32> to vector<16xf32>
      %mul3A_637 = arith.mulf %broadcast_in_dim3A_494, %get3A_636 : vector<16xf32>
      %add3A_638 = arith.addf %mul3A_631, %mul3A_637 : vector<16xf32>
      %swap3A_639 = arith.constant 4 : i32
      %swap3A_640 = arith.index_cast %swap3A_639 : i32 to index
      %swap3A_641 = arith.index_cast %mul3A_550 : i32 to index
      %swap3A_642 = tpu.vector_load %arg12[%swap3A_640, %swap3A_641] {strides = array<i32>} : memref<16x1024xf32, #tpu.memory_space<vmem>>, vector<1x16xf32>,
      %swap3A_643 = vector.shape_cast %swap3A_642 : vector<1x16xf32> to vector<16xf32>
      %swap3A_644 = vector.shape_cast %add3A_638 : vector<16xf32> to vector<1x16xf32>
      tpu.vector_store %arg12[%swap3A_640, %swap3A_641], %swap3A_644 {strides = array<i32>} : memref<16x1024xf32, #tpu.memory_space<vmem>>, vector<1x16xf32>,
      %get3A_645 = arith.constant 5 : i32
      %get3A_646 = arith.index_cast %get3A_645 : i32 to index
      %get3A_647 = arith.index_cast %mul3A_550 : i32 to index
      %get3A_648 = tpu.vector_load %arg9[%get3A_646, %get3A_647] {strides = array<i32>} : memref<16x1024xf32, #tpu.memory_space<vmem>>, vector<1x16xf32>,
      %get3A_649 = vector.shape_cast %get3A_648 : vector<1x16xf32> to vector<16xf32>
      %mul3A_650 = arith.mulf %broadcast_in_dim3A_449, %get3A_649 : vector<16xf32>
      %get3A_651 = arith.constant 5 : i32
      %get3A_652 = arith.index_cast %get3A_651 : i32 to index
      %get3A_653 = arith.index_cast %mul3A_550 : i32 to index
      %get3A_654 = tpu.vector_load %arg11[%get3A_652, %get3A_653] {strides = array<i32>} : memref<16x1024xf32, #tpu.memory_space<vmem>>, vector<1x16xf32>,
      %get3A_655 = vector.shape_cast %get3A_654 : vector<1x16xf32> to vector<16xf32>
      %mul3A_656 = arith.mulf %broadcast_in_dim3A_497, %get3A_655 : vector<16xf32>
      %add3A_657 = arith.addf %mul3A_650, %mul3A_656 : vector<16xf32>
      %swap3A_658 = arith.constant 5 : i32
      %swap3A_659 = arith.index_cast %swap3A_658 : i32 to index
      %swap3A_660 = arith.index_cast %mul3A_550 : i32 to index
      %swap3A_661 = tpu.vector_load %arg12[%swap3A_659, %swap3A_660] {strides = array<i32>} : memref<16x1024xf32, #tpu.memory_space<vmem>>, vector<1x16xf32>,
      %swap3A_662 = vector.shape_cast %swap3A_661 : vector<1x16xf32> to vector<16xf32>
      %swap3A_663 = vector.shape_cast %add3A_657 : vector<16xf32> to vector<1x16xf32>
      tpu.vector_store %arg12[%swap3A_659, %swap3A_660], %swap3A_663 {strides = array<i32>} : memref<16x1024xf32, #tpu.memory_space<vmem>>, vector<1x16xf32>,
      %get3A_664 = arith.constant 6 : i32
      %get3A_665 = arith.index_cast %get3A_664 : i32 to index
      %get3A_666 = arith.index_cast %mul3A_550 : i32 to index
      %get3A_667 = tpu.vector_load %arg9[%get3A_665, %get3A_666] {strides = array<i32>} : memref<16x1024xf32, #tpu.memory_space<vmem>>, vector<1x16xf32>,
      %get3A_668 = vector.shape_cast %get3A_667 : vector<1x16xf32> to vector<16xf32>
      %mul3A_669 = arith.mulf %broadcast_in_dim3A_452, %get3A_668 : vector<16xf32>
      %get3A_670 = arith.constant 6 : i32
      %get3A_671 = arith.index_cast %get3A_670 : i32 to index
      %get3A_672 = arith.index_cast %mul3A_550 : i32 to index
      %get3A_673 = tpu.vector_load %arg11[%get3A_671, %get3A_672] {strides = array<i32>} : memref<16x1024xf32, #tpu.memory_space<vmem>>, vector<1x16xf32>,
      %get3A_674 = vector.shape_cast %get3A_673 : vector<1x16xf32> to vector<16xf32>
      %mul3A_675 = arith.mulf %broadcast_in_dim3A_500, %get3A_674 : vector<16xf32>
      %add3A_676 = arith.addf %mul3A_669, %mul3A_675 : vector<16xf32>
      %swap3A_677 = arith.constant 6 : i32
      %swap3A_678 = arith.index_cast %swap3A_677 : i32 to index
      %swap3A_679 = arith.index_cast %mul3A_550 : i32 to index
      %swap3A_680 = tpu.vector_load %arg12[%swap3A_678, %swap3A_679] {strides = array<i32>} : memref<16x1024xf32, #tpu.memory_space<vmem>>, vector<1x16xf32>,
      %swap3A_681 = vector.shape_cast %swap3A_680 : vector<1x16xf32> to vector<16xf32>
      %swap3A_682 = vector.shape_cast %add3A_676 : vector<16xf32> to vector<1x16xf32>
      tpu.vector_store %arg12[%swap3A_678, %swap3A_679], %swap3A_682 {strides = array<i32>} : memref<16x1024xf32, #tpu.memory_space<vmem>>, vector<1x16xf32>,
      %get3A_683 = arith.constant 7 : i32
      %get3A_684 = arith.index_cast %get3A_683 : i32 to index
      %get3A_685 = arith.index_cast %mul3A_550 : i32 to index
      %get3A_686 = tpu.vector_load %arg9[%get3A_684, %get3A_685] {strides = array<i32>} : memref<16x1024xf32, #tpu.memory_space<vmem>>, vector<1x16xf32>,
      %get3A_687 = vector.shape_cast %get3A_686 : vector<1x16xf32> to vector<16xf32>
      %mul3A_688 = arith.mulf %broadcast_in_dim3A_455, %get3A_687 : vector<16xf32>
      %get3A_689 = arith.constant 7 : i32
      %get3A_690 = arith.index_cast %get3A_689 : i32 to index
      %get3A_691 = arith.index_cast %mul3A_550 : i32 to index
      %get3A_692 = tpu.vector_load %arg11[%get3A_690, %get3A_691] {strides = array<i32>} : memref<16x1024xf32, #tpu.memory_space<vmem>>, vector<1x16xf32>,
      %get3A_693 = vector.shape_cast %get3A_692 : vector<1x16xf32> to vector<16xf32>
      %mul3A_694 = arith.mulf %broadcast_in_dim3A_503, %get3A_693 : vector<16xf32>
      %add3A_695 = arith.addf %mul3A_688, %mul3A_694 : vector<16xf32>
      %swap3A_696 = arith.constant 7 : i32
      %swap3A_697 = arith.index_cast %swap3A_696 : i32 to index
      %swap3A_698 = arith.index_cast %mul3A_550 : i32 to index
      %swap3A_699 = tpu.vector_load %arg12[%swap3A_697, %swap3A_698] {strides = array<i32>} : memref<16x1024xf32, #tpu.memory_space<vmem>>, vector<1x16xf32>,
      %swap3A_700 = vector.shape_cast %swap3A_699 : vector<1x16xf32> to vector<16xf32>
      %swap3A_701 = vector.shape_cast %add3A_695 : vector<16xf32> to vector<1x16xf32>
      tpu.vector_store %arg12[%swap3A_697, %swap3A_698], %swap3A_701 {strides = array<i32>} : memref<16x1024xf32, #tpu.memory_space<vmem>>, vector<1x16xf32>,
      %get3A_702 = arith.constant 8 : i32
      %get3A_703 = arith.index_cast %get3A_702 : i32 to index
      %get3A_704 = arith.index_cast %mul3A_550 : i32 to index
      %get3A_705 = tpu.vector_load %arg9[%get3A_703, %get3A_704] {strides = array<i32>} : memref<16x1024xf32, #tpu.memory_space<vmem>>, vector<1x16xf32>,
      %get3A_706 = vector.shape_cast %get3A_705 : vector<1x16xf32> to vector<16xf32>
      %mul3A_707 = arith.mulf %broadcast_in_dim3A_458, %get3A_706 : vector<16xf32>
      %get3A_708 = arith.constant 8 : i32
      %get3A_709 = arith.index_cast %get3A_708 : i32 to index
      %get3A_710 = arith.index_cast %mul3A_550 : i32 to index
      %get3A_711 = tpu.vector_load %arg11[%get3A_709, %get3A_710] {strides = array<i32>} : memref<16x1024xf32, #tpu.memory_space<vmem>>, vector<1x16xf32>,
      %get3A_712 = vector.shape_cast %get3A_711 : vector<1x16xf32> to vector<16xf32>
      %mul3A_713 = arith.mulf %broadcast_in_dim3A_506, %get3A_712 : vector<16xf32>
      %add3A_714 = arith.addf %mul3A_707, %mul3A_713 : vector<16xf32>
      %swap3A_715 = arith.constant 8 : i32
      %swap3A_716 = arith.index_cast %swap3A_715 : i32 to index
      %swap3A_717 = arith.index_cast %mul3A_550 : i32 to index
      %swap3A_718 = tpu.vector_load %arg12[%swap3A_716, %swap3A_717] {strides = array<i32>} : memref<16x1024xf32, #tpu.memory_space<vmem>>, vector<1x16xf32>,
      %swap3A_719 = vector.shape_cast %swap3A_718 : vector<1x16xf32> to vector<16xf32>
      %swap3A_720 = vector.shape_cast %add3A_714 : vector<16xf32> to vector<1x16xf32>
      tpu.vector_store %arg12[%swap3A_716, %swap3A_717], %swap3A_720 {strides = array<i32>} : memref<16x1024xf32, #tpu.memory_space<vmem>>, vector<1x16xf32>,
      %get3A_721 = arith.constant 9 : i32
      %get3A_722 = arith.index_cast %get3A_721 : i32 to index
      %get3A_723 = arith.index_cast %mul3A_550 : i32 to index
      %get3A_724 = tpu.vector_load %arg9[%get3A_722, %get3A_723] {strides = array<i32>} : memref<16x1024xf32, #tpu.memory_space<vmem>>, vector<1x16xf32>,
      %get3A_725 = vector.shape_cast %get3A_724 : vector<1x16xf32> to vector<16xf32>
      %mul3A_726 = arith.mulf %broadcast_in_dim3A_461, %get3A_725 : vector<16xf32>
      %get3A_727 = arith.constant 9 : i32
      %get3A_728 = arith.index_cast %get3A_727 : i32 to index
      %get3A_729 = arith.index_cast %mul3A_550 : i32 to index
      %get3A_730 = tpu.vector_load %arg11[%get3A_728, %get3A_729] {strides = array<i32>} : memref<16x1024xf32, #tpu.memory_space<vmem>>, vector<1x16xf32>,
      %get3A_731 = vector.shape_cast %get3A_730 : vector<1x16xf32> to vector<16xf32>
      %mul3A_732 = arith.mulf %broadcast_in_dim3A_509, %get3A_731 : vector<16xf32>
      %add3A_733 = arith.addf %mul3A_726, %mul3A_732 : vector<16xf32>
      %swap3A_734 = arith.constant 9 : i32
      %swap3A_735 = arith.index_cast %swap3A_734 : i32 to index
      %swap3A_736 = arith.index_cast %mul3A_550 : i32 to index
      %swap3A_737 = tpu.vector_load %arg12[%swap3A_735, %swap3A_736] {strides = array<i32>} : memref<16x1024xf32, #tpu.memory_space<vmem>>, vector<1x16xf32>,
      %swap3A_738 = vector.shape_cast %swap3A_737 : vector<1x16xf32> to vector<16xf32>
      %swap3A_739 = vector.shape_cast %add3A_733 : vector<16xf32> to vector<1x16xf32>
      tpu.vector_store %arg12[%swap3A_735, %swap3A_736], %swap3A_739 {strides = array<i32>} : memref<16x1024xf32, #tpu.memory_space<vmem>>, vector<1x16xf32>,
      %get3A_740 = arith.constant 10 : i32
      %get3A_741 = arith.index_cast %get3A_740 : i32 to index
      %get3A_742 = arith.index_cast %mul3A_550 : i32 to index
      %get3A_743 = tpu.vector_load %arg9[%get3A_741, %get3A_742] {strides = array<i32>} : memref<16x1024xf32, #tpu.memory_space<vmem>>, vector<1x16xf32>,
      %get3A_744 = vector.shape_cast %get3A_743 : vector<1x16xf32> to vector<16xf32>
      %mul3A_745 = arith.mulf %broadcast_in_dim3A_464, %get3A_744 : vector<16xf32>
      %get3A_746 = arith.constant 10 : i32
      %get3A_747 = arith.index_cast %get3A_746 : i32 to index
      %get3A_748 = arith.index_cast %mul3A_550 : i32 to index
      %get3A_749 = tpu.vector_load %arg11[%get3A_747, %get3A_748] {strides = array<i32>} : memref<16x1024xf32, #tpu.memory_space<vmem>>, vector<1x16xf32>,
      %get3A_750 = vector.shape_cast %get3A_749 : vector<1x16xf32> to vector<16xf32>
      %mul3A_751 = arith.mulf %broadcast_in_dim3A_512, %get3A_750 : vector<16xf32>
      %add3A_752 = arith.addf %mul3A_745, %mul3A_751 : vector<16xf32>
      %swap3A_753 = arith.constant 10 : i32
      %swap3A_754 = arith.index_cast %swap3A_753 : i32 to index
      %swap3A_755 = arith.index_cast %mul3A_550 : i32 to index
      %swap3A_756 = tpu.vector_load %arg12[%swap3A_754, %swap3A_755] {strides = array<i32>} : memref<16x1024xf32, #tpu.memory_space<vmem>>, vector<1x16xf32>,
      %swap3A_757 = vector.shape_cast %swap3A_756 : vector<1x16xf32> to vector<16xf32>
      %swap3A_758 = vector.shape_cast %add3A_752 : vector<16xf32> to vector<1x16xf32>
      tpu.vector_store %arg12[%swap3A_754, %swap3A_755], %swap3A_758 {strides = array<i32>} : memref<16x1024xf32, #tpu.memory_space<vmem>>, vector<1x16xf32>,
      %get3A_759 = arith.constant 11 : i32
      %get3A_760 = arith.index_cast %get3A_759 : i32 to index
      %get3A_761 = arith.index_cast %mul3A_550 : i32 to index
      %get3A_762 = tpu.vector_load %arg9[%get3A_760, %get3A_761] {strides = array<i32>} : memref<16x1024xf32, #tpu.memory_space<vmem>>, vector<1x16xf32>,
      %get3A_763 = vector.shape_cast %get3A_762 : vector<1x16xf32> to vector<16xf32>
      %mul3A_764 = arith.mulf %broadcast_in_dim3A_467, %get3A_763 : vector<16xf32>
      %get3A_765 = arith.constant 11 : i32
      %get3A_766 = arith.index_cast %get3A_765 : i32 to index
      %get3A_767 = arith.index_cast %mul3A_550 : i32 to index
      %get3A_768 = tpu.vector_load %arg11[%get3A_766, %get3A_767] {strides = array<i32>} : memref<16x1024xf32, #tpu.memory_space<vmem>>, vector<1x16xf32>,
      %get3A_769 = vector.shape_cast %get3A_768 : vector<1x16xf32> to vector<16xf32>
      %mul3A_770 = arith.mulf %broadcast_in_dim3A_515, %get3A_769 : vector<16xf32>
      %add3A_771 = arith.addf %mul3A_764, %mul3A_770 : vector<16xf32>
      %swap3A_772 = arith.constant 11 : i32
      %swap3A_773 = arith.index_cast %swap3A_772 : i32 to index
      %swap3A_774 = arith.index_cast %mul3A_550 : i32 to index
      %swap3A_775 = tpu.vector_load %arg12[%swap3A_773, %swap3A_774] {strides = array<i32>} : memref<16x1024xf32, #tpu.memory_space<vmem>>, vector<1x16xf32>,
      %swap3A_776 = vector.shape_cast %swap3A_775 : vector<1x16xf32> to vector<16xf32>
      %swap3A_777 = vector.shape_cast %add3A_771 : vector<16xf32> to vector<1x16xf32>
      tpu.vector_store %arg12[%swap3A_773, %swap3A_774], %swap3A_777 {strides = array<i32>} : memref<16x1024xf32, #tpu.memory_space<vmem>>, vector<1x16xf32>,
      %get3A_778 = arith.constant 12 : i32
      %get3A_779 = arith.index_cast %get3A_778 : i32 to index
      %get3A_780 = arith.index_cast %mul3A_550 : i32 to index
      %get3A_781 = tpu.vector_load %arg9[%get3A_779, %get3A_780] {strides = array<i32>} : memref<16x1024xf32, #tpu.memory_space<vmem>>, vector<1x16xf32>,
      %get3A_782 = vector.shape_cast %get3A_781 : vector<1x16xf32> to vector<16xf32>
      %mul3A_783 = arith.mulf %broadcast_in_dim3A_470, %get3A_782 : vector<16xf32>
      %get3A_784 = arith.constant 12 : i32
      %get3A_785 = arith.index_cast %get3A_784 : i32 to index
      %get3A_786 = arith.index_cast %mul3A_550 : i32 to index
      %get3A_787 = tpu.vector_load %arg11[%get3A_785, %get3A_786] {strides = array<i32>} : memref<16x1024xf32, #tpu.memory_space<vmem>>, vector<1x16xf32>,
      %get3A_788 = vector.shape_cast %get3A_787 : vector<1x16xf32> to vector<16xf32>
      %mul3A_789 = arith.mulf %broadcast_in_dim3A_518, %get3A_788 : vector<16xf32>
      %add3A_790 = arith.addf %mul3A_783, %mul3A_789 : vector<16xf32>
      %swap3A_791 = arith.constant 12 : i32
      %swap3A_792 = arith.index_cast %swap3A_791 : i32 to index
      %swap3A_793 = arith.index_cast %mul3A_550 : i32 to index
      %swap3A_794 = tpu.vector_load %arg12[%swap3A_792, %swap3A_793] {strides = array<i32>} : memref<16x1024xf32, #tpu.memory_space<vmem>>, vector<1x16xf32>,
      %swap3A_795 = vector.shape_cast %swap3A_794 : vector<1x16xf32> to vector<16xf32>
      %swap3A_796 = vector.shape_cast %add3A_790 : vector<16xf32> to vector<1x16xf32>
      tpu.vector_store %arg12[%swap3A_792, %swap3A_793], %swap3A_796 {strides = array<i32>} : memref<16x1024xf32, #tpu.memory_space<vmem>>, vector<1x16xf32>,
      %get3A_797 = arith.constant 13 : i32
      %get3A_798 = arith.index_cast %get3A_797 : i32 to index
      %get3A_799 = arith.index_cast %mul3A_550 : i32 to index
      %get3A_800 = tpu.vector_load %arg9[%get3A_798, %get3A_799] {strides = array<i32>} : memref<16x1024xf32, #tpu.memory_space<vmem>>, vector<1x16xf32>,
      %get3A_801 = vector.shape_cast %get3A_800 : vector<1x16xf32> to vector<16xf32>
      %mul3A_802 = arith.mulf %broadcast_in_dim3A_473, %get3A_801 : vector<16xf32>
      %get3A_803 = arith.constant 13 : i32
      %get3A_804 = arith.index_cast %get3A_803 : i32 to index
      %get3A_805 = arith.index_cast %mul3A_550 : i32 to index
      %get3A_806 = tpu.vector_load %arg11[%get3A_804, %get3A_805] {strides = array<i32>} : memref<16x1024xf32, #tpu.memory_space<vmem>>, vector<1x16xf32>,
      %get3A_807 = vector.shape_cast %get3A_806 : vector<1x16xf32> to vector<16xf32>
      %mul3A_808 = arith.mulf %broadcast_in_dim3A_521, %get3A_807 : vector<16xf32>
      %add3A_809 = arith.addf %mul3A_802, %mul3A_808 : vector<16xf32>
      %swap3A_810 = arith.constant 13 : i32
      %swap3A_811 = arith.index_cast %swap3A_810 : i32 to index
      %swap3A_812 = arith.index_cast %mul3A_550 : i32 to index
      %swap3A_813 = tpu.vector_load %arg12[%swap3A_811, %swap3A_812] {strides = array<i32>} : memref<16x1024xf32, #tpu.memory_space<vmem>>, vector<1x16xf32>,
      %swap3A_814 = vector.shape_cast %swap3A_813 : vector<1x16xf32> to vector<16xf32>
      %swap3A_815 = vector.shape_cast %add3A_809 : vector<16xf32> to vector<1x16xf32>
      tpu.vector_store %arg12[%swap3A_811, %swap3A_812], %swap3A_815 {strides = array<i32>} : memref<16x1024xf32, #tpu.memory_space<vmem>>, vector<1x16xf32>,
      %get3A_816 = arith.constant 14 : i32
      %get3A_817 = arith.index_cast %get3A_816 : i32 to index
      %get3A_818 = arith.index_cast %mul3A_550 : i32 to index
      %get3A_819 = tpu.vector_load %arg9[%get3A_817, %get3A_818] {strides = array<i32>} : memref<16x1024xf32, #tpu.memory_space<vmem>>, vector<1x16xf32>,
      %get3A_820 = vector.shape_cast %get3A_819 : vector<1x16xf32> to vector<16xf32>
      %mul3A_821 = arith.mulf %broadcast_in_dim3A_476, %get3A_820 : vector<16xf32>
      %get3A_822 = arith.constant 14 : i32
      %get3A_823 = arith.index_cast %get3A_822 : i32 to index
      %get3A_824 = arith.index_cast %mul3A_550 : i32 to index
      %get3A_825 = tpu.vector_load %arg11[%get3A_823, %get3A_824] {strides = array<i32>} : memref<16x1024xf32, #tpu.memory_space<vmem>>, vector<1x16xf32>,
      %get3A_826 = vector.shape_cast %get3A_825 : vector<1x16xf32> to vector<16xf32>
      %mul3A_827 = arith.mulf %broadcast_in_dim3A_524, %get3A_826 : vector<16xf32>
      %add3A_828 = arith.addf %mul3A_821, %mul3A_827 : vector<16xf32>
      %swap3A_829 = arith.constant 14 : i32
      %swap3A_830 = arith.index_cast %swap3A_829 : i32 to index
      %swap3A_831 = arith.index_cast %mul3A_550 : i32 to index
      %swap3A_832 = tpu.vector_load %arg12[%swap3A_830, %swap3A_831] {strides = array<i32>} : memref<16x1024xf32, #tpu.memory_space<vmem>>, vector<1x16xf32>,
      %swap3A_833 = vector.shape_cast %swap3A_832 : vector<1x16xf32> to vector<16xf32>
      %swap3A_834 = vector.shape_cast %add3A_828 : vector<16xf32> to vector<1x16xf32>
      tpu.vector_store %arg12[%swap3A_830, %swap3A_831], %swap3A_834 {strides = array<i32>} : memref<16x1024xf32, #tpu.memory_space<vmem>>, vector<1x16xf32>,
      %get3A_835 = arith.constant 15 : i32
      %get3A_836 = arith.index_cast %get3A_835 : i32 to index
      %get3A_837 = arith.index_cast %mul3A_550 : i32 to index
      %get3A_838 = tpu.vector_load %arg9[%get3A_836, %get3A_837] {strides = array<i32>} : memref<16x1024xf32, #tpu.memory_space<vmem>>, vector<1x16xf32>,
      %get3A_839 = vector.shape_cast %get3A_838 : vector<1x16xf32> to vector<16xf32>
      %mul3A_840 = arith.mulf %broadcast_in_dim3A_479, %get3A_839 : vector<16xf32>
      %get3A_841 = arith.constant 15 : i32
      %get3A_842 = arith.index_cast %get3A_841 : i32 to index
      %get3A_843 = arith.index_cast %mul3A_550 : i32 to index
      %get3A_844 = tpu.vector_load %arg11[%get3A_842, %get3A_843] {strides = array<i32>} : memref<16x1024xf32, #tpu.memory_space<vmem>>, vector<1x16xf32>,
      %get3A_845 = vector.shape_cast %get3A_844 : vector<1x16xf32> to vector<16xf32>
      %mul3A_846 = arith.mulf %broadcast_in_dim3A_527, %get3A_845 : vector<16xf32>
      %add3A_847 = arith.addf %mul3A_840, %mul3A_846 : vector<16xf32>
      %swap3A_848 = arith.constant 15 : i32
      %swap3A_849 = arith.index_cast %swap3A_848 : i32 to index
      %swap3A_850 = arith.index_cast %mul3A_550 : i32 to index
      %swap3A_851 = tpu.vector_load %arg12[%swap3A_849, %swap3A_850] {strides = array<i32>} : memref<16x1024xf32, #tpu.memory_space<vmem>>, vector<1x16xf32>,
      %swap3A_852 = vector.shape_cast %swap3A_851 : vector<1x16xf32> to vector<16xf32>
      %swap3A_853 = vector.shape_cast %add3A_847 : vector<16xf32> to vector<1x16xf32>
      tpu.vector_store %arg12[%swap3A_849, %swap3A_850], %swap3A_853 {strides = array<i32>} : memref<16x1024xf32, #tpu.memory_space<vmem>>, vector<1x16xf32>,
    }
    %scan3A_537 = arith.constant 64 : i32
    %add3A_538 = arith.constant 48 : i32
    %add3A_539 = arith.addi %mul3A_2, %add3A_538 : i32
    %dma_start3A_540 = arith.constant 0 : i32
    %dma_start3A_541 = tpu.memref_slice %arg7[%add3A_539, %dma_start3A_540] : memref<2048x1024xf32, #tpu.memory_space<hbm>> -> memref<16x1024xf32, #tpu.memory_space<hbm>>
    %dma_start3A_542 = arith.constant 0 : i32
    %dma_start3A_543 = tpu.memref_slice %arg7[%add3A_539, %dma_start3A_542] : memref<2048x1024xf32, #tpu.memory_space<hbm>> -> memref<16x1024xf32, #tpu.memory_space<hbm>>
    tpu.enqueue_dma source(%arg12 : memref<16x1024xf32, #tpu.memory_space<vmem>>) target(%dma_start3A_543 : memref<16x1024xf32, #tpu.memory_space<hbm>>) target_semaphore(%arg19 : memref<!tpu.dma_semaphore, #tpu.memory_space<semaphore_mem>>)
    %dma_wait3A_544 = arith.constant 0 : i32
    %dma_wait3A_545 = tpu.memref_slice %arg7[%add3A_539, %dma_wait3A_544] : memref<2048x1024xf32, #tpu.memory_space<hbm>> -> memref<16x1024xf32, #tpu.memory_space<hbm>>
    %dma_wait3A_546 = arith.constant 0 : i32
    %dma_wait3A_547 = tpu.memref_slice %arg7[%add3A_539, %dma_wait3A_546] : memref<2048x1024xf32, #tpu.memory_space<hbm>> -> memref<16x1024xf32, #tpu.memory_space<hbm>>
    tpu.wait_dma2 semaphore(%arg19 : memref<!tpu.dma_semaphore, #tpu.memory_space<semaphore_mem>>) src(%arg12 : memref<16x1024xf32, #tpu.memory_space<vmem>>) dst(%dma_wait3A_547 : memref<16x1024xf32, #tpu.memory_space<hbm>>)
    return
  }
}

#map = affine_map<(d0, d1) -> (0, 0)>
#map1 = affine_map<(d0, d1) -> (0)>
module attributes {stable_mosaic.version = 14 : i64} {
  func.func @scatter_sc(%arg0: i32, %arg1: i32, %arg2: memref<2048x512xi32, #tpu.memory_space<hbm>>, %arg3: memref<2048xi32, #tpu.memory_space<hbm>>, %arg4: memref<2048xi32, #tpu.memory_space<hbm>>, %arg5: memref<8192x512xi32, #tpu.memory_space<hbm>>, %arg6: memref<32x512xi32, #tpu.memory_space<vmem>>, %arg7: memref<32x512xi32, #tpu.memory_space<vmem>>, %arg8: memref<32xi32, #tpu.memory_space<vmem>>, %arg9: memref<32xi32, #tpu.memory_space<vmem>>, %arg10: memref<32xi32, #tpu.memory_space<vmem>>, %arg11: memref<32xi32, #tpu.memory_space<vmem>>, %arg12: memref<!tpu.dma_semaphore, #tpu.memory_space<semaphore_mem>>, %arg13: memref<!tpu.dma_semaphore, #tpu.memory_space<semaphore_mem>>, %arg14: memref<!tpu.dma_semaphore, #tpu.memory_space<semaphore_mem>>) attributes {dimension_semantics = [#tpu.dimension_semantics<core_parallel>, #tpu.dimension_semantics<subcore_parallel>], iteration_bounds = array<i64: 2, 16>, scalar_prefetch = 0 : i64, scratch_operands = 9 : i64, tpu.core_type = #tpu.core_type<sc_vector_subcore>, window_params = [{transform_indices = #map}, {transform_indices = #map1}, {transform_indices = #map1}, {transform_indices = #map}]} {
    %mul3A = arith.constant 2 : i32
    %mul3A_0 = arith.muli %arg1, %mul3A : i32
    %add3A = arith.addi %mul3A_0, %arg0 : i32
    %mul3A_1 = arith.constant 64 : i32
    %mul3A_2 = arith.muli %add3A, %mul3A_1 : i32
    "tpu.region"() ({
      %run_scoped3A = tpu.sem_alloc : memref<!tpu.dma_semaphore, #tpu.memory_space<semaphore_mem>>
      %dma_start3A_43 = tpu.memref_slice %arg3[%mul3A_2] : memref<2048xi32, #tpu.memory_space<hbm>> -> memref<32xi32, #tpu.memory_space<hbm>>
      %dma_start3A_44 = tpu.memref_slice %arg3[%mul3A_2] : memref<2048xi32, #tpu.memory_space<hbm>> -> memref<32xi32, #tpu.memory_space<hbm>>
      tpu.enqueue_dma source(%dma_start3A_44 : memref<32xi32, #tpu.memory_space<hbm>>) target(%arg8 : memref<32xi32, #tpu.memory_space<vmem>>) target_semaphore(%run_scoped3A : memref<!tpu.dma_semaphore, #tpu.memory_space<semaphore_mem>>)
      %dma_wait3A_45 = tpu.memref_slice %arg3[%mul3A_2] : memref<2048xi32, #tpu.memory_space<hbm>> -> memref<32xi32, #tpu.memory_space<hbm>>
      %dma_wait3A_46 = tpu.memref_slice %arg3[%mul3A_2] : memref<2048xi32, #tpu.memory_space<hbm>> -> memref<32xi32, #tpu.memory_space<hbm>>
      tpu.wait_dma2 semaphore(%run_scoped3A : memref<!tpu.dma_semaphore, #tpu.memory_space<semaphore_mem>>) src(%dma_wait3A_46 : memref<32xi32, #tpu.memory_space<hbm>>) dst(%arg8 : memref<32xi32, #tpu.memory_space<vmem>>)
      tpu.yield
    }) : () -> ()
    "tpu.region"() ({
      %run_scoped3A = tpu.sem_alloc : memref<!tpu.dma_semaphore, #tpu.memory_space<semaphore_mem>>
      %dma_start3A_43 = tpu.memref_slice %arg4[%mul3A_2] : memref<2048xi32, #tpu.memory_space<hbm>> -> memref<32xi32, #tpu.memory_space<hbm>>
      %dma_start3A_44 = tpu.memref_slice %arg4[%mul3A_2] : memref<2048xi32, #tpu.memory_space<hbm>> -> memref<32xi32, #tpu.memory_space<hbm>>
      tpu.enqueue_dma source(%dma_start3A_44 : memref<32xi32, #tpu.memory_space<hbm>>) target(%arg10 : memref<32xi32, #tpu.memory_space<vmem>>) target_semaphore(%run_scoped3A : memref<!tpu.dma_semaphore, #tpu.memory_space<semaphore_mem>>)
      %dma_wait3A_45 = tpu.memref_slice %arg4[%mul3A_2] : memref<2048xi32, #tpu.memory_space<hbm>> -> memref<32xi32, #tpu.memory_space<hbm>>
      %dma_wait3A_46 = tpu.memref_slice %arg4[%mul3A_2] : memref<2048xi32, #tpu.memory_space<hbm>> -> memref<32xi32, #tpu.memory_space<hbm>>
      tpu.wait_dma2 semaphore(%run_scoped3A : memref<!tpu.dma_semaphore, #tpu.memory_space<semaphore_mem>>) src(%dma_wait3A_46 : memref<32xi32, #tpu.memory_space<hbm>>) dst(%arg10 : memref<32xi32, #tpu.memory_space<vmem>>)
      tpu.yield
    }) : () -> ()
    %dma_start3A = arith.constant 0 : i32
    %dma_start3A_3 = tpu.memref_slice %arg2[%mul3A_2, %dma_start3A] : memref<2048x512xi32, #tpu.memory_space<hbm>> -> memref<32x512xi32, #tpu.memory_space<hbm>>
    %dma_start3A_4 = arith.constant 0 : i32
    %dma_start3A_5 = tpu.memref_slice %arg2[%mul3A_2, %dma_start3A_4] : memref<2048x512xi32, #tpu.memory_space<hbm>> -> memref<32x512xi32, #tpu.memory_space<hbm>>
    tpu.enqueue_dma source(%dma_start3A_5 : memref<32x512xi32, #tpu.memory_space<hbm>>) target(%arg6 : memref<32x512xi32, #tpu.memory_space<vmem>>) target_semaphore(%arg12 : memref<!tpu.dma_semaphore, #tpu.memory_space<semaphore_mem>>)
    %dma_wait3A = arith.constant 0 : i32
    %dma_wait3A_6 = tpu.memref_slice %arg2[%mul3A_2, %dma_wait3A] : memref<2048x512xi32, #tpu.memory_space<hbm>> -> memref<32x512xi32, #tpu.memory_space<hbm>>
    %dma_wait3A_7 = arith.constant 0 : i32
    %dma_wait3A_8 = tpu.memref_slice %arg2[%mul3A_2, %dma_wait3A_7] : memref<2048x512xi32, #tpu.memory_space<hbm>> -> memref<32x512xi32, #tpu.memory_space<hbm>>
    tpu.wait_dma2 semaphore(%arg12 : memref<!tpu.dma_semaphore, #tpu.memory_space<semaphore_mem>>) src(%dma_wait3A_8 : memref<32x512xi32, #tpu.memory_space<hbm>>) dst(%arg6 : memref<32x512xi32, #tpu.memory_space<vmem>>)
    %add3A_9 = arith.constant 32 : i32
    %add3A_10 = arith.addi %mul3A_2, %add3A_9 : i32
    "tpu.region"() ({
      %run_scoped3A = tpu.sem_alloc : memref<!tpu.dma_semaphore, #tpu.memory_space<semaphore_mem>>
      %dma_start3A_43 = tpu.memref_slice %arg3[%add3A_10] : memref<2048xi32, #tpu.memory_space<hbm>> -> memref<32xi32, #tpu.memory_space<hbm>>
      %dma_start3A_44 = tpu.memref_slice %arg3[%add3A_10] : memref<2048xi32, #tpu.memory_space<hbm>> -> memref<32xi32, #tpu.memory_space<hbm>>
      tpu.enqueue_dma source(%dma_start3A_44 : memref<32xi32, #tpu.memory_space<hbm>>) target(%arg9 : memref<32xi32, #tpu.memory_space<vmem>>) target_semaphore(%run_scoped3A : memref<!tpu.dma_semaphore, #tpu.memory_space<semaphore_mem>>)
      %dma_wait3A_45 = tpu.memref_slice %arg3[%add3A_10] : memref<2048xi32, #tpu.memory_space<hbm>> -> memref<32xi32, #tpu.memory_space<hbm>>
      %dma_wait3A_46 = tpu.memref_slice %arg3[%add3A_10] : memref<2048xi32, #tpu.memory_space<hbm>> -> memref<32xi32, #tpu.memory_space<hbm>>
      tpu.wait_dma2 semaphore(%run_scoped3A : memref<!tpu.dma_semaphore, #tpu.memory_space<semaphore_mem>>) src(%dma_wait3A_46 : memref<32xi32, #tpu.memory_space<hbm>>) dst(%arg9 : memref<32xi32, #tpu.memory_space<vmem>>)
      tpu.yield
    }) : () -> ()
    "tpu.region"() ({
      %run_scoped3A = tpu.sem_alloc : memref<!tpu.dma_semaphore, #tpu.memory_space<semaphore_mem>>
      %dma_start3A_43 = tpu.memref_slice %arg4[%add3A_10] : memref<2048xi32, #tpu.memory_space<hbm>> -> memref<32xi32, #tpu.memory_space<hbm>>
      %dma_start3A_44 = tpu.memref_slice %arg4[%add3A_10] : memref<2048xi32, #tpu.memory_space<hbm>> -> memref<32xi32, #tpu.memory_space<hbm>>
      tpu.enqueue_dma source(%dma_start3A_44 : memref<32xi32, #tpu.memory_space<hbm>>) target(%arg11 : memref<32xi32, #tpu.memory_space<vmem>>) target_semaphore(%run_scoped3A : memref<!tpu.dma_semaphore, #tpu.memory_space<semaphore_mem>>)
      %dma_wait3A_45 = tpu.memref_slice %arg4[%add3A_10] : memref<2048xi32, #tpu.memory_space<hbm>> -> memref<32xi32, #tpu.memory_space<hbm>>
      %dma_wait3A_46 = tpu.memref_slice %arg4[%add3A_10] : memref<2048xi32, #tpu.memory_space<hbm>> -> memref<32xi32, #tpu.memory_space<hbm>>
      tpu.wait_dma2 semaphore(%run_scoped3A : memref<!tpu.dma_semaphore, #tpu.memory_space<semaphore_mem>>) src(%dma_wait3A_46 : memref<32xi32, #tpu.memory_space<hbm>>) dst(%arg11 : memref<32xi32, #tpu.memory_space<vmem>>)
      tpu.yield
    }) : () -> ()
    %dma_start3A_11 = arith.constant 0 : i32
    %dma_start3A_12 = tpu.memref_slice %arg2[%add3A_10, %dma_start3A_11] : memref<2048x512xi32, #tpu.memory_space<hbm>> -> memref<32x512xi32, #tpu.memory_space<hbm>>
    %dma_start3A_13 = arith.constant 0 : i32
    %dma_start3A_14 = tpu.memref_slice %arg2[%add3A_10, %dma_start3A_13] : memref<2048x512xi32, #tpu.memory_space<hbm>> -> memref<32x512xi32, #tpu.memory_space<hbm>>
    tpu.enqueue_dma source(%dma_start3A_14 : memref<32x512xi32, #tpu.memory_space<hbm>>) target(%arg7 : memref<32x512xi32, #tpu.memory_space<vmem>>) target_semaphore(%arg13 : memref<!tpu.dma_semaphore, #tpu.memory_space<semaphore_mem>>)
    %dma_start3A_15 = arith.constant 0 : i32
    %dma_start3A_16 = arith.constant 0 : i32
    %dma_start3A_17 = tpu.memref_slice %arg5[%dma_start3A_15, %dma_start3A_16] : memref<8192x512xi32, #tpu.memory_space<hbm>> -> memref<8192x512xi32, #tpu.memory_space<hbm>>
    tpu.enqueue_indirect_dma source(%arg6 : memref<32x512xi32, #tpu.memory_space<vmem>>) target(%dma_start3A_17 : memref<8192x512xi32, #tpu.memory_space<hbm>>) offsets(%arg8 : memref<32xi32, #tpu.memory_space<vmem>>) semaphore(%arg14 : memref<!tpu.dma_semaphore, #tpu.memory_space<semaphore_mem>>)
    %dma_start3A_18 = arith.constant 0 : i32
    %dma_start3A_19 = arith.constant 0 : i32
    %dma_start3A_20 = tpu.memref_slice %arg5[%dma_start3A_18, %dma_start3A_19] : memref<8192x512xi32, #tpu.memory_space<hbm>> -> memref<8192x512xi32, #tpu.memory_space<hbm>>
    tpu.enqueue_indirect_dma source(%arg6 : memref<32x512xi32, #tpu.memory_space<vmem>>) target(%dma_start3A_20 : memref<8192x512xi32, #tpu.memory_space<hbm>>) offsets(%arg10 : memref<32xi32, #tpu.memory_space<vmem>>) semaphore(%arg14 : memref<!tpu.dma_semaphore, #tpu.memory_space<semaphore_mem>>)
    %dma_wait3A_21 = arith.constant 0 : i32
    %dma_wait3A_22 = arith.constant 0 : i32
    %dma_wait3A_23 = tpu.memref_slice %arg5[%dma_wait3A_21, %dma_wait3A_22] : memref<8192x512xi32, #tpu.memory_space<hbm>> -> memref<8192x512xi32, #tpu.memory_space<hbm>>
    tpu.wait_indirect_dma semaphore(%arg14 : memref<!tpu.dma_semaphore, #tpu.memory_space<semaphore_mem>>) src(%arg6 : memref<32x512xi32, #tpu.memory_space<vmem>>) dst(%dma_wait3A_23 : memref<8192x512xi32, #tpu.memory_space<hbm>>)
    %dma_wait3A_24 = arith.constant 0 : i32
    %dma_wait3A_25 = arith.constant 0 : i32
    %dma_wait3A_26 = tpu.memref_slice %arg5[%dma_wait3A_24, %dma_wait3A_25] : memref<8192x512xi32, #tpu.memory_space<hbm>> -> memref<8192x512xi32, #tpu.memory_space<hbm>>
    tpu.wait_indirect_dma semaphore(%arg14 : memref<!tpu.dma_semaphore, #tpu.memory_space<semaphore_mem>>) src(%arg6 : memref<32x512xi32, #tpu.memory_space<vmem>>) dst(%dma_wait3A_26 : memref<8192x512xi32, #tpu.memory_space<hbm>>)
    %dma_wait3A_27 = arith.constant 0 : i32
    %dma_wait3A_28 = tpu.memref_slice %arg2[%add3A_10, %dma_wait3A_27] : memref<2048x512xi32, #tpu.memory_space<hbm>> -> memref<32x512xi32, #tpu.memory_space<hbm>>
    %dma_wait3A_29 = arith.constant 0 : i32
    %dma_wait3A_30 = tpu.memref_slice %arg2[%add3A_10, %dma_wait3A_29] : memref<2048x512xi32, #tpu.memory_space<hbm>> -> memref<32x512xi32, #tpu.memory_space<hbm>>
    tpu.wait_dma2 semaphore(%arg13 : memref<!tpu.dma_semaphore, #tpu.memory_space<semaphore_mem>>) src(%dma_wait3A_30 : memref<32x512xi32, #tpu.memory_space<hbm>>) dst(%arg7 : memref<32x512xi32, #tpu.memory_space<vmem>>)
    %dma_start3A_31 = arith.constant 0 : i32
    %dma_start3A_32 = arith.constant 0 : i32
    %dma_start3A_33 = tpu.memref_slice %arg5[%dma_start3A_31, %dma_start3A_32] : memref<8192x512xi32, #tpu.memory_space<hbm>> -> memref<8192x512xi32, #tpu.memory_space<hbm>>
    tpu.enqueue_indirect_dma source(%arg7 : memref<32x512xi32, #tpu.memory_space<vmem>>) target(%dma_start3A_33 : memref<8192x512xi32, #tpu.memory_space<hbm>>) offsets(%arg9 : memref<32xi32, #tpu.memory_space<vmem>>) semaphore(%arg14 : memref<!tpu.dma_semaphore, #tpu.memory_space<semaphore_mem>>)
    %dma_start3A_34 = arith.constant 0 : i32
    %dma_start3A_35 = arith.constant 0 : i32
    %dma_start3A_36 = tpu.memref_slice %arg5[%dma_start3A_34, %dma_start3A_35] : memref<8192x512xi32, #tpu.memory_space<hbm>> -> memref<8192x512xi32, #tpu.memory_space<hbm>>
    tpu.enqueue_indirect_dma source(%arg7 : memref<32x512xi32, #tpu.memory_space<vmem>>) target(%dma_start3A_36 : memref<8192x512xi32, #tpu.memory_space<hbm>>) offsets(%arg11 : memref<32xi32, #tpu.memory_space<vmem>>) semaphore(%arg14 : memref<!tpu.dma_semaphore, #tpu.memory_space<semaphore_mem>>)
    %dma_wait3A_37 = arith.constant 0 : i32
    %dma_wait3A_38 = arith.constant 0 : i32
    %dma_wait3A_39 = tpu.memref_slice %arg5[%dma_wait3A_37, %dma_wait3A_38] : memref<8192x512xi32, #tpu.memory_space<hbm>> -> memref<8192x512xi32, #tpu.memory_space<hbm>>
    tpu.wait_indirect_dma semaphore(%arg14 : memref<!tpu.dma_semaphore, #tpu.memory_space<semaphore_mem>>) src(%arg7 : memref<32x512xi32, #tpu.memory_space<vmem>>) dst(%dma_wait3A_39 : memref<8192x512xi32, #tpu.memory_space<hbm>>)
    %dma_wait3A_40 = arith.constant 0 : i32
    %dma_wait3A_41 = arith.constant 0 : i32
    %dma_wait3A_42 = tpu.memref_slice %arg5[%dma_wait3A_40, %dma_wait3A_41] : memref<8192x512xi32, #tpu.memory_space<hbm>> -> memref<8192x512xi32, #tpu.memory_space<hbm>>
    tpu.wait_indirect_dma semaphore(%arg14 : memref<!tpu.dma_semaphore, #tpu.memory_space<semaphore_mem>>) src(%arg7 : memref<32x512xi32, #tpu.memory_space<vmem>>) dst(%dma_wait3A_42 : memref<8192x512xi32, #tpu.memory_space<hbm>>)
    return
  }
}

module attributes {stable_mosaic.version = 14 : i64} {
  func.func @_plan_body(%arg0: i32, %arg1: memref<2048x1024xf32, #tpu.memory_space<vmem>>, %arg2: memref<8x1024xf32, #tpu.memory_space<vmem>>, %arg3: memref<2048x512xi32, #tpu.memory_space<vmem>>, %arg4: memref<2048x1xi32, #tpu.memory_space<vmem>>, %arg5: memref<2048x1xi32, #tpu.memory_space<vmem>>, %arg6: memref<2048x1xf32, #tpu.memory_space<vmem>>, %arg7: memref<2048x1xf32, #tpu.memory_space<vmem>>, %arg8: memref<1x128xi32, #tpu.memory_space<vmem>>) attributes {dimension_semantics = [#tpu.dimension_semantics<arbitrary>], iteration_bounds = array<i64: 1>, scalar_prefetch = 0 : i64, scratch_operands = 0 : i64, tpu.core_type = #tpu.core_type<tc>, window_params = [{pipeline_mode = #tpu.pipeline_mode<synchronous>, transform_indices = @transform_0, window_bounds = array<i64: 2048, 1024>}, {pipeline_mode = #tpu.pipeline_mode<synchronous>, transform_indices = @transform_1, window_bounds = array<i64: 8, 1024>}, {pipeline_mode = #tpu.pipeline_mode<synchronous>, transform_indices = @transform_2, window_bounds = array<i64: 2048, 512>}, {pipeline_mode = #tpu.pipeline_mode<synchronous>, transform_indices = @transform_3, window_bounds = array<i64: 2048, 1>}, {pipeline_mode = #tpu.pipeline_mode<synchronous>, transform_indices = @transform_4, window_bounds = array<i64: 2048, 1>}, {pipeline_mode = #tpu.pipeline_mode<synchronous>, transform_indices = @transform_5, window_bounds = array<i64: 2048, 1>}, {pipeline_mode = #tpu.pipeline_mode<synchronous>, transform_indices = @transform_6, window_bounds = array<i64: 2048, 1>}, {pipeline_mode = #tpu.pipeline_mode<synchronous>, transform_indices = @transform_7, window_bounds = array<i64: 1, 128>}]} {
    %get3A = arith.constant 0 : index
    %get3A_0 = arith.constant 0 : index
    %get3A_1 = vector.load %arg1[%get3A, %get3A_0] : memref<2048x1024xf32, #tpu.memory_space<vmem>>, vector<2048x1024xf32>
    %bitcast_convert_type3A = tpu.bitcast %get3A_1 : vector<2048x1024xf32> -> vector<2048x1024xi32>
    %slice3A = vector.extract_strided_slice %bitcast_convert_type3A {offsets = [0, 0], sizes = [2048, 512], strides = [1, 1]} : vector<2048x1024xi32> to vector<2048x512xi32>
    %add3A = arith.constant 32767 : i32
    %add3A_2 = vector.broadcast %add3A : i32 to vector<2048x512xi32>
    %add3A_3 = arith.addi %slice3A, %add3A_2 : vector<2048x512xi32>
    %shift_right_arithmetic3A = arith.constant 16 : i32
    %shift_right_arithmetic3A_4 = vector.broadcast %shift_right_arithmetic3A : i32 to vector<2048x512xi32>
    %shift_right_arithmetic3A_5 = arith.shrsi %slice3A, %shift_right_arithmetic3A_4 : vector<2048x512xi32>
    %and3A = arith.constant 1 : i32
    %and3A_6 = vector.broadcast %and3A : i32 to vector<2048x512xi32>
    %and3A_7 = arith.andi %shift_right_arithmetic3A_5, %and3A_6 : vector<2048x512xi32>
    %add3A_8 = arith.addi %add3A_3, %and3A_7 : vector<2048x512xi32>
    %shift_right_arithmetic3A_9 = arith.constant 16 : i32
    %shift_right_arithmetic3A_10 = vector.broadcast %shift_right_arithmetic3A_9 : i32 to vector<2048x512xi32>
    %shift_right_arithmetic3A_11 = arith.shrsi %add3A_8, %shift_right_arithmetic3A_10 : vector<2048x512xi32>
    %and3A_12 = arith.constant 65535 : i32
    %and3A_13 = vector.broadcast %and3A_12 : i32 to vector<2048x512xi32>
    %and3A_14 = arith.andi %shift_right_arithmetic3A_11, %and3A_13 : vector<2048x512xi32>
    %slice3A_15 = vector.extract_strided_slice %bitcast_convert_type3A {offsets = [0, 512], sizes = [2048, 512], strides = [1, 1]} : vector<2048x1024xi32> to vector<2048x512xi32>
    %add3A_16 = arith.constant 32767 : i32
    %add3A_17 = vector.broadcast %add3A_16 : i32 to vector<2048x512xi32>
    %add3A_18 = arith.addi %slice3A_15, %add3A_17 : vector<2048x512xi32>
    %shift_right_arithmetic3A_19 = arith.constant 16 : i32
    %shift_right_arithmetic3A_20 = vector.broadcast %shift_right_arithmetic3A_19 : i32 to vector<2048x512xi32>
    %shift_right_arithmetic3A_21 = arith.shrsi %slice3A_15, %shift_right_arithmetic3A_20 : vector<2048x512xi32>
    %and3A_22 = arith.constant 1 : i32
    %and3A_23 = vector.broadcast %and3A_22 : i32 to vector<2048x512xi32>
    %and3A_24 = arith.andi %shift_right_arithmetic3A_21, %and3A_23 : vector<2048x512xi32>
    %add3A_25 = arith.addi %add3A_18, %and3A_24 : vector<2048x512xi32>
    %and3A_26 = arith.constant -65536 : i32
    %and3A_27 = vector.broadcast %and3A_26 : i32 to vector<2048x512xi32>
    %and3A_28 = arith.andi %add3A_25, %and3A_27 : vector<2048x512xi32>
    %or3A = arith.ori %and3A_28, %and3A_14 : vector<2048x512xi32>
    %swap3A = arith.constant 0 : index
    %swap3A_29 = arith.constant 0 : index
    %swap3A_30 = vector.load %arg3[%swap3A, %swap3A_29] : memref<2048x512xi32, #tpu.memory_space<vmem>>, vector<2048x512xi32>
    tpu.vector_store %arg3[%swap3A, %swap3A_29], %or3A {strides = array<i32>} : memref<2048x512xi32, #tpu.memory_space<vmem>>, vector<2048x512xi32>,
    %get3A_31 = arith.constant 0 : index
    %get3A_32 = arith.constant 0 : index
    %get3A_33 = vector.load %arg2[%get3A_31, %get3A_32] : memref<8x1024xf32, #tpu.memory_space<vmem>>, vector<8x1024xf32>
    %dot_general3A = arith.constant dense<0.000000e+00> : vector<2048x8xf32>
    %dot_general3A_34 = tpu.matmul %get3A_1, %get3A_33, %dot_general3A {dimension_numbers = #tpu.dot_dimension_numbers<[1], [1], [0], [0], [0, 0, 1, 0], [], []>, transpose_lhs_hint = false} : vector<2048x1024xf32>, vector<8x1024xf32>, vector<2048x8xf32> -> vector<2048x8xf32>
    %iota3A = tpu.iota {dimensions = array<i32: 1>} : vector<2048x8xi32>
    %reduce_max3A = arith.constant dense<0xFF800000> : vector<2048xf32>
    %reduce_max3A_35 = vector.multi_reduction <maximumf>, %dot_general3A_34, %reduce_max3A [1] : vector<2048x8xf32> to vector<2048xf32>
    %broadcast_in_dim3A = vector.shape_cast %reduce_max3A_35 : vector<2048xf32> to vector<2048x1xf32>
    %eq3A = vector.broadcast %broadcast_in_dim3A : vector<2048x1xf32> to vector<2048x8xf32>
    %eq3A_36 = arith.cmpf oeq, %dot_general3A_34, %eq3A : vector<2048x8xf32>
    %jit3A = arith.constant 999 : i32
    %broadcast_in_dim3A_37 = vector.broadcast %jit3A : i32 to vector<2048x8xi32>
    %select_n3A = arith.select %eq3A_36, %iota3A, %broadcast_in_dim3A_37 : vector<2048x8xi1>, vector<2048x8xi32>
    %reduce_min3A = arith.constant dense<2147483647> : vector<2048xi32>
    %reduce_min3A_38 = vector.multi_reduction <minsi>, %select_n3A, %reduce_min3A [1] : vector<2048x8xi32> to vector<2048xi32>
    %broadcast_in_dim3A_39 = vector.shape_cast %reduce_min3A_38 : vector<2048xi32> to vector<2048x1xi32>
    %eq3A_40 = vector.broadcast %broadcast_in_dim3A_39 : vector<2048x1xi32> to vector<2048x8xi32>
    %eq3A_41 = arith.cmpi eq, %iota3A, %eq3A_40 : vector<2048x8xi32>
    %jit3A_42 = arith.constant -1.000000e+30 : f32
    %broadcast_in_dim3A_43 = vector.broadcast %jit3A_42 : f32 to vector<2048x8xf32>
    %select_n3A_44 = arith.select %eq3A_41, %broadcast_in_dim3A_43, %dot_general3A_34 : vector<2048x8xi1>, vector<2048x8xf32>
    %reduce_max3A_45 = arith.constant dense<0xFF800000> : vector<2048xf32>
    %reduce_max3A_46 = vector.multi_reduction <maximumf>, %select_n3A_44, %reduce_max3A_45 [1] : vector<2048x8xf32> to vector<2048xf32>
    %broadcast_in_dim3A_47 = vector.shape_cast %reduce_max3A_46 : vector<2048xf32> to vector<2048x1xf32>
    %eq3A_48 = vector.broadcast %broadcast_in_dim3A_47 : vector<2048x1xf32> to vector<2048x8xf32>
    %eq3A_49 = arith.cmpf oeq, %select_n3A_44, %eq3A_48 : vector<2048x8xf32>
    %jit3A_50 = arith.constant 999 : i32
    %broadcast_in_dim3A_51 = vector.broadcast %jit3A_50 : i32 to vector<2048x8xi32>
    %select_n3A_52 = arith.select %eq3A_49, %iota3A, %broadcast_in_dim3A_51 : vector<2048x8xi1>, vector<2048x8xi32>
    %reduce_min3A_53 = arith.constant dense<2147483647> : vector<2048xi32>
    %reduce_min3A_54 = vector.multi_reduction <minsi>, %select_n3A_52, %reduce_min3A_53 [1] : vector<2048x8xi32> to vector<2048xi32>
    %broadcast_in_dim3A_55 = vector.shape_cast %reduce_min3A_54 : vector<2048xi32> to vector<2048x1xi32>
    %sub3A = arith.subf %broadcast_in_dim3A_47, %broadcast_in_dim3A : vector<2048x1xf32>
    %exp3A = math.exp %sub3A : vector<2048x1xf32>
    %add3A_56 = arith.constant 1.000000e+00 : f32
    %add3A_57 = vector.broadcast %add3A_56 : f32 to vector<2048x1xf32>
    %add3A_58 = arith.addf %add3A_57, %exp3A : vector<2048x1xf32>
    %div3A = arith.constant 1.000000e+00 : f32
    %div3A_59 = vector.broadcast %div3A : f32 to vector<2048x1xf32>
    %div3A_60 = arith.divf %div3A_59, %add3A_58 : vector<2048x1xf32>
    %sub3A_61 = arith.constant 1.000000e+00 : f32
    %sub3A_62 = vector.broadcast %sub3A_61 : f32 to vector<2048x1xf32>
    %sub3A_63 = arith.subf %sub3A_62, %div3A_60 : vector<2048x1xf32>
    %eq3A_64 = vector.broadcast %broadcast_in_dim3A_39 : vector<2048x1xi32> to vector<2048x8xi32>
    %eq3A_65 = arith.cmpi eq, %iota3A, %eq3A_64 : vector<2048x8xi32>
    %jit3A_66 = arith.constant 1.000000e+00 : f32
    %jit3A_67 = arith.constant 0.000000e+00 : f32
    %broadcast_in_dim3A_68 = vector.broadcast %jit3A_66 : f32 to vector<2048x8xf32>
    %broadcast_in_dim3A_69 = vector.broadcast %jit3A_67 : f32 to vector<2048x8xf32>
    %select_n3A_70 = arith.select %eq3A_65, %broadcast_in_dim3A_68, %broadcast_in_dim3A_69 : vector<2048x8xi1>, vector<2048x8xf32>
    %eq3A_71 = vector.broadcast %broadcast_in_dim3A_55 : vector<2048x1xi32> to vector<2048x8xi32>
    %eq3A_72 = arith.cmpi eq, %iota3A, %eq3A_71 : vector<2048x8xi32>
    %jit3A_73 = arith.constant 1.000000e+00 : f32
    %jit3A_74 = arith.constant 0.000000e+00 : f32
    %broadcast_in_dim3A_75 = vector.broadcast %jit3A_73 : f32 to vector<2048x8xf32>
    %broadcast_in_dim3A_76 = vector.broadcast %jit3A_74 : f32 to vector<2048x8xf32>
    %select_n3A_77 = arith.select %eq3A_72, %broadcast_in_dim3A_75, %broadcast_in_dim3A_76 : vector<2048x8xi1>, vector<2048x8xf32>
    %iota3A_78 = tpu.iota {dimensions = array<i32: 0>} : vector<512x512xi32>
    %iota3A_79 = tpu.iota {dimensions = array<i32: 1>} : vector<512x512xi32>
    %gt3A = arith.cmpi sgt, %iota3A_78, %iota3A_79 : vector<512x512xi32>
    %jit3A_80 = arith.constant 1.000000e+00 : f32
    %jit3A_81 = arith.constant 0.000000e+00 : f32
    %broadcast_in_dim3A_82 = vector.broadcast %jit3A_80 : f32 to vector<512x512xf32>
    %broadcast_in_dim3A_83 = vector.broadcast %jit3A_81 : f32 to vector<512x512xf32>
    %select_n3A_84 = arith.select %gt3A, %broadcast_in_dim3A_82, %broadcast_in_dim3A_83 : vector<512x512xi1>, vector<512x512xf32>
    %broadcast_in_dim3A_85 = arith.constant 1.000000e+00 : f32
    %broadcast_in_dim3A_86 = vector.broadcast %broadcast_in_dim3A_85 : f32 to vector<1x512xf32>
    %broadcast_in_dim3A_87 = arith.constant 0.000000e+00 : f32
    %broadcast_in_dim3A_88 = vector.broadcast %broadcast_in_dim3A_87 : f32 to vector<1x8xf32>
    %broadcast_in_dim3A_89 = arith.constant 0.000000e+00 : f32
    %broadcast_in_dim3A_90 = vector.broadcast %broadcast_in_dim3A_89 : f32 to vector<1x8xf32>
    %slice3A_91 = vector.extract_strided_slice %select_n3A_70 {offsets = [0, 0], sizes = [512, 8], strides = [1, 1]} : vector<2048x8xf32> to vector<512x8xf32>
    %slice3A_92 = vector.extract_strided_slice %select_n3A_77 {offsets = [0, 0], sizes = [512, 8], strides = [1, 1]} : vector<2048x8xf32> to vector<512x8xf32>
    %dot_general3A_93 = arith.constant dense<0.000000e+00> : vector<512x8xf32>
    %dot_general3A_94 = tpu.matmul %select_n3A_84, %slice3A_91, %dot_general3A_93 {dimension_numbers = #tpu.dot_dimension_numbers<[1], [0], [0], [1], [0, 0, 1, 1], [], []>, transpose_lhs_hint = false} : vector<512x512xf32>, vector<512x8xf32>, vector<512x8xf32> -> vector<512x8xf32>
    %add3A_95 = vector.broadcast %broadcast_in_dim3A_88 : vector<1x8xf32> to vector<512x8xf32>
    %add3A_96 = arith.addf %dot_general3A_94, %add3A_95 : vector<512x8xf32>
    %dot_general3A_97 = arith.constant dense<0.000000e+00> : vector<512x8xf32>
    %dot_general3A_98 = tpu.matmul %select_n3A_84, %slice3A_92, %dot_general3A_97 {dimension_numbers = #tpu.dot_dimension_numbers<[1], [0], [0], [1], [0, 0, 1, 1], [], []>, transpose_lhs_hint = false} : vector<512x512xf32>, vector<512x8xf32>, vector<512x8xf32> -> vector<512x8xf32>
    %add3A_99 = vector.broadcast %broadcast_in_dim3A_90 : vector<1x8xf32> to vector<512x8xf32>
    %add3A_100 = arith.addf %dot_general3A_98, %add3A_99 : vector<512x8xf32>
    %dot_general3A_101 = arith.constant dense<0.000000e+00> : vector<1x8xf32>
    %dot_general3A_102 = tpu.matmul %broadcast_in_dim3A_86, %slice3A_91, %dot_general3A_101 {dimension_numbers = #tpu.dot_dimension_numbers<[1], [0], [0], [1], [0, 0, 1, 1], [], []>, transpose_lhs_hint = false} : vector<1x512xf32>, vector<512x8xf32>, vector<1x8xf32> -> vector<1x8xf32>
    %add3A_103 = arith.addf %broadcast_in_dim3A_88, %dot_general3A_102 : vector<1x8xf32>
    %dot_general3A_104 = arith.constant dense<0.000000e+00> : vector<1x8xf32>
    %dot_general3A_105 = tpu.matmul %broadcast_in_dim3A_86, %slice3A_92, %dot_general3A_104 {dimension_numbers = #tpu.dot_dimension_numbers<[1], [0], [0], [1], [0, 0, 1, 1], [], []>, transpose_lhs_hint = false} : vector<1x512xf32>, vector<512x8xf32>, vector<1x8xf32> -> vector<1x8xf32>
    %add3A_106 = arith.addf %broadcast_in_dim3A_90, %dot_general3A_105 : vector<1x8xf32>
    %slice3A_107 = vector.extract_strided_slice %select_n3A_70 {offsets = [512, 0], sizes = [512, 8], strides = [1, 1]} : vector<2048x8xf32> to vector<512x8xf32>
    %slice3A_108 = vector.extract_strided_slice %select_n3A_77 {offsets = [512, 0], sizes = [512, 8], strides = [1, 1]} : vector<2048x8xf32> to vector<512x8xf32>
    %dot_general3A_109 = arith.constant dense<0.000000e+00> : vector<512x8xf32>
    %dot_general3A_110 = tpu.matmul %select_n3A_84, %slice3A_107, %dot_general3A_109 {dimension_numbers = #tpu.dot_dimension_numbers<[1], [0], [0], [1], [0, 0, 1, 1], [], []>, transpose_lhs_hint = false} : vector<512x512xf32>, vector<512x8xf32>, vector<512x8xf32> -> vector<512x8xf32>
    %add3A_111 = vector.broadcast %add3A_103 : vector<1x8xf32> to vector<512x8xf32>
    %add3A_112 = arith.addf %dot_general3A_110, %add3A_111 : vector<512x8xf32>
    %dot_general3A_113 = arith.constant dense<0.000000e+00> : vector<512x8xf32>
    %dot_general3A_114 = tpu.matmul %select_n3A_84, %slice3A_108, %dot_general3A_113 {dimension_numbers = #tpu.dot_dimension_numbers<[1], [0], [0], [1], [0, 0, 1, 1], [], []>, transpose_lhs_hint = false} : vector<512x512xf32>, vector<512x8xf32>, vector<512x8xf32> -> vector<512x8xf32>
    %add3A_115 = vector.broadcast %add3A_106 : vector<1x8xf32> to vector<512x8xf32>
    %add3A_116 = arith.addf %dot_general3A_114, %add3A_115 : vector<512x8xf32>
    %dot_general3A_117 = arith.constant dense<0.000000e+00> : vector<1x8xf32>
    %dot_general3A_118 = tpu.matmul %broadcast_in_dim3A_86, %slice3A_107, %dot_general3A_117 {dimension_numbers = #tpu.dot_dimension_numbers<[1], [0], [0], [1], [0, 0, 1, 1], [], []>, transpose_lhs_hint = false} : vector<1x512xf32>, vector<512x8xf32>, vector<1x8xf32> -> vector<1x8xf32>
    %add3A_119 = arith.addf %add3A_103, %dot_general3A_118 : vector<1x8xf32>
    %dot_general3A_120 = arith.constant dense<0.000000e+00> : vector<1x8xf32>
    %dot_general3A_121 = tpu.matmul %broadcast_in_dim3A_86, %slice3A_108, %dot_general3A_120 {dimension_numbers = #tpu.dot_dimension_numbers<[1], [0], [0], [1], [0, 0, 1, 1], [], []>, transpose_lhs_hint = false} : vector<1x512xf32>, vector<512x8xf32>, vector<1x8xf32> -> vector<1x8xf32>
    %add3A_122 = arith.addf %add3A_106, %dot_general3A_121 : vector<1x8xf32>
    %slice3A_123 = vector.extract_strided_slice %select_n3A_70 {offsets = [1024, 0], sizes = [512, 8], strides = [1, 1]} : vector<2048x8xf32> to vector<512x8xf32>
    %slice3A_124 = vector.extract_strided_slice %select_n3A_77 {offsets = [1024, 0], sizes = [512, 8], strides = [1, 1]} : vector<2048x8xf32> to vector<512x8xf32>
    %dot_general3A_125 = arith.constant dense<0.000000e+00> : vector<512x8xf32>
    %dot_general3A_126 = tpu.matmul %select_n3A_84, %slice3A_123, %dot_general3A_125 {dimension_numbers = #tpu.dot_dimension_numbers<[1], [0], [0], [1], [0, 0, 1, 1], [], []>, transpose_lhs_hint = false} : vector<512x512xf32>, vector<512x8xf32>, vector<512x8xf32> -> vector<512x8xf32>
    %add3A_127 = vector.broadcast %add3A_119 : vector<1x8xf32> to vector<512x8xf32>
    %add3A_128 = arith.addf %dot_general3A_126, %add3A_127 : vector<512x8xf32>
    %dot_general3A_129 = arith.constant dense<0.000000e+00> : vector<512x8xf32>
    %dot_general3A_130 = tpu.matmul %select_n3A_84, %slice3A_124, %dot_general3A_129 {dimension_numbers = #tpu.dot_dimension_numbers<[1], [0], [0], [1], [0, 0, 1, 1], [], []>, transpose_lhs_hint = false} : vector<512x512xf32>, vector<512x8xf32>, vector<512x8xf32> -> vector<512x8xf32>
    %add3A_131 = vector.broadcast %add3A_122 : vector<1x8xf32> to vector<512x8xf32>
    %add3A_132 = arith.addf %dot_general3A_130, %add3A_131 : vector<512x8xf32>
    %dot_general3A_133 = arith.constant dense<0.000000e+00> : vector<1x8xf32>
    %dot_general3A_134 = tpu.matmul %broadcast_in_dim3A_86, %slice3A_123, %dot_general3A_133 {dimension_numbers = #tpu.dot_dimension_numbers<[1], [0], [0], [1], [0, 0, 1, 1], [], []>, transpose_lhs_hint = false} : vector<1x512xf32>, vector<512x8xf32>, vector<1x8xf32> -> vector<1x8xf32>
    %add3A_135 = arith.addf %add3A_119, %dot_general3A_134 : vector<1x8xf32>
    %dot_general3A_136 = arith.constant dense<0.000000e+00> : vector<1x8xf32>
    %dot_general3A_137 = tpu.matmul %broadcast_in_dim3A_86, %slice3A_124, %dot_general3A_136 {dimension_numbers = #tpu.dot_dimension_numbers<[1], [0], [0], [1], [0, 0, 1, 1], [], []>, transpose_lhs_hint = false} : vector<1x512xf32>, vector<512x8xf32>, vector<1x8xf32> -> vector<1x8xf32>
    %add3A_138 = arith.addf %add3A_122, %dot_general3A_137 : vector<1x8xf32>
    %slice3A_139 = vector.extract_strided_slice %select_n3A_70 {offsets = [1536, 0], sizes = [512, 8], strides = [1, 1]} : vector<2048x8xf32> to vector<512x8xf32>
    %slice3A_140 = vector.extract_strided_slice %select_n3A_77 {offsets = [1536, 0], sizes = [512, 8], strides = [1, 1]} : vector<2048x8xf32> to vector<512x8xf32>
    %dot_general3A_141 = arith.constant dense<0.000000e+00> : vector<512x8xf32>
    %dot_general3A_142 = tpu.matmul %select_n3A_84, %slice3A_139, %dot_general3A_141 {dimension_numbers = #tpu.dot_dimension_numbers<[1], [0], [0], [1], [0, 0, 1, 1], [], []>, transpose_lhs_hint = false} : vector<512x512xf32>, vector<512x8xf32>, vector<512x8xf32> -> vector<512x8xf32>
    %add3A_143 = vector.broadcast %add3A_135 : vector<1x8xf32> to vector<512x8xf32>
    %add3A_144 = arith.addf %dot_general3A_142, %add3A_143 : vector<512x8xf32>
    %dot_general3A_145 = arith.constant dense<0.000000e+00> : vector<512x8xf32>
    %dot_general3A_146 = tpu.matmul %select_n3A_84, %slice3A_140, %dot_general3A_145 {dimension_numbers = #tpu.dot_dimension_numbers<[1], [0], [0], [1], [0, 0, 1, 1], [], []>, transpose_lhs_hint = false} : vector<512x512xf32>, vector<512x8xf32>, vector<512x8xf32> -> vector<512x8xf32>
    %add3A_147 = vector.broadcast %add3A_138 : vector<1x8xf32> to vector<512x8xf32>
    %add3A_148 = arith.addf %dot_general3A_146, %add3A_147 : vector<512x8xf32>
    %dot_general3A_149 = arith.constant dense<0.000000e+00> : vector<1x8xf32>
    %dot_general3A_150 = tpu.matmul %broadcast_in_dim3A_86, %slice3A_139, %dot_general3A_149 {dimension_numbers = #tpu.dot_dimension_numbers<[1], [0], [0], [1], [0, 0, 1, 1], [], []>, transpose_lhs_hint = false} : vector<1x512xf32>, vector<512x8xf32>, vector<1x8xf32> -> vector<1x8xf32>
    %add3A_151 = arith.addf %add3A_135, %dot_general3A_150 : vector<1x8xf32>
    %dot_general3A_152 = arith.constant dense<0.000000e+00> : vector<1x8xf32>
    %dot_general3A_153 = tpu.matmul %broadcast_in_dim3A_86, %slice3A_140, %dot_general3A_152 {dimension_numbers = #tpu.dot_dimension_numbers<[1], [0], [0], [1], [0, 0, 1, 1], [], []>, transpose_lhs_hint = false} : vector<1x512xf32>, vector<512x8xf32>, vector<1x8xf32> -> vector<1x8xf32>
    %add3A_154 = arith.addf %add3A_138, %dot_general3A_153 : vector<1x8xf32>
    %concatenate3A = tpu.concatenate %add3A_96, %add3A_112, %add3A_128, %add3A_144 in 0 : vector<512x8xf32>, vector<512x8xf32>, vector<512x8xf32>, vector<512x8xf32> -> vector<2048x8xf32>
    %concatenate3A_155 = tpu.concatenate %add3A_100, %add3A_116, %add3A_132, %add3A_148 in 0 : vector<512x8xf32>, vector<512x8xf32>, vector<512x8xf32>, vector<512x8xf32> -> vector<2048x8xf32>
    %add3A_156 = arith.addf %add3A_151, %add3A_154 : vector<1x8xf32>
    %sub3A_157 = arith.constant 5.120000e+02 : f32
    %sub3A_158 = arith.constant 1.000000e+00 : f32
    %sub3A_159 = arith.subf %sub3A_157, %sub3A_158 : f32
    %add3A_160 = vector.broadcast %sub3A_159 : f32 to vector<1x8xf32>
    %add3A_161 = arith.addf %add3A_156, %add3A_160 : vector<1x8xf32>
    %div3A_162 = arith.constant 1.000000e+00 : f32
    %div3A_163 = arith.constant 5.120000e+02 : f32
    %div3A_164 = arith.divf %div3A_162, %div3A_163 : f32
    %mul3A = vector.broadcast %div3A_164 : f32 to vector<1x8xf32>
    %mul3A_165 = arith.mulf %add3A_161, %mul3A : vector<1x8xf32>
    %floor3A = math.floor %mul3A_165 : vector<1x8xf32>
    %mul3A_166 = arith.constant 5.120000e+02 : f32
    %mul3A_167 = vector.broadcast %mul3A_166 : f32 to vector<1x8xf32>
    %mul3A_168 = arith.mulf %floor3A, %mul3A_167 : vector<1x8xf32>
    %iota3A_169 = tpu.iota {dimensions = array<i32: 0>} : vector<8x8xi32>
    %iota3A_170 = tpu.iota {dimensions = array<i32: 1>} : vector<8x8xi32>
    %lt3A = arith.cmpi slt, %iota3A_169, %iota3A_170 : vector<8x8xi32>
    %jit3A_171 = arith.constant 1.000000e+00 : f32
    %jit3A_172 = arith.constant 0.000000e+00 : f32
    %broadcast_in_dim3A_173 = vector.broadcast %jit3A_171 : f32 to vector<8x8xf32>
    %broadcast_in_dim3A_174 = vector.broadcast %jit3A_172 : f32 to vector<8x8xf32>
    %select_n3A_175 = arith.select %lt3A, %broadcast_in_dim3A_173, %broadcast_in_dim3A_174 : vector<8x8xi1>, vector<8x8xf32>
    %gt3A_176 = arith.cmpi sgt, %iota3A_169, %iota3A_170 : vector<8x8xi32>
    %jit3A_177 = arith.constant 1.000000e+00 : f32
    %jit3A_178 = arith.constant 0.000000e+00 : f32
    %broadcast_in_dim3A_179 = vector.broadcast %jit3A_177 : f32 to vector<8x8xf32>
    %broadcast_in_dim3A_180 = vector.broadcast %jit3A_178 : f32 to vector<8x8xf32>
    %select_n3A_181 = arith.select %gt3A_176, %broadcast_in_dim3A_179, %broadcast_in_dim3A_180 : vector<8x8xi1>, vector<8x8xf32>
    %dot_general3A_182 = arith.constant dense<0.000000e+00> : vector<1x8xf32>
    %dot_general3A_183 = tpu.matmul %mul3A_168, %select_n3A_175, %dot_general3A_182 {dimension_numbers = #tpu.dot_dimension_numbers<[1], [0], [0], [1], [0, 0, 1, 1], [], []>, transpose_lhs_hint = false} : vector<1x8xf32>, vector<8x8xf32>, vector<1x8xf32> -> vector<1x8xf32>
    %dot_general3A_184 = arith.constant dense<0.000000e+00> : vector<8x1xf32>
    %dot_general3A_185 = tpu.matmul %select_n3A_181, %mul3A_168, %dot_general3A_184 {dimension_numbers = #tpu.dot_dimension_numbers<[1], [1], [0], [0], [0, 0, 1, 0], [], []>, transpose_lhs_hint = false} : vector<8x8xf32>, vector<1x8xf32>, vector<8x1xf32> -> vector<8x1xf32>
    %div3A_186 = arith.constant 1.000000e+00 : f32
    %div3A_187 = arith.constant 5.120000e+02 : f32
    %div3A_188 = arith.divf %div3A_186, %div3A_187 : f32
    %mul3A_189 = vector.broadcast %div3A_188 : f32 to vector<8x1xf32>
    %mul3A_190 = arith.mulf %dot_general3A_185, %mul3A_189 : vector<8x1xf32>
    %iota3A_191 = tpu.iota {dimensions = array<i32: 1>} : vector<8x128xi32>
    %convert_element_type3A = arith.sitofp %iota3A_191 : vector<8x128xi32> to vector<8x128xf32>
    %le3A = vector.broadcast %mul3A_190 : vector<8x1xf32> to vector<8x128xf32>
    %le3A_192 = arith.cmpf ole, %le3A, %convert_element_type3A : vector<8x128xf32>
    %jit3A_193 = arith.constant 1.000000e+00 : f32
    %jit3A_194 = arith.constant 0.000000e+00 : f32
    %broadcast_in_dim3A_195 = vector.broadcast %jit3A_193 : f32 to vector<8x128xf32>
    %broadcast_in_dim3A_196 = vector.broadcast %jit3A_194 : f32 to vector<8x128xf32>
    %select_n3A_197 = arith.select %le3A_192, %broadcast_in_dim3A_195, %broadcast_in_dim3A_196 : vector<8x128xi1>, vector<8x128xf32>
    %broadcast_in_dim3A_198 = arith.constant 1.000000e+00 : f32
    %broadcast_in_dim3A_199 = vector.broadcast %broadcast_in_dim3A_198 : f32 to vector<1x8xf32>
    %dot_general3A_200 = arith.constant dense<0.000000e+00> : vector<1x128xf32>
    %dot_general3A_201 = tpu.matmul %broadcast_in_dim3A_199, %select_n3A_197, %dot_general3A_200 {dimension_numbers = #tpu.dot_dimension_numbers<[1], [0], [0], [1], [0, 0, 1, 1], [], []>, transpose_lhs_hint = false} : vector<1x8xf32>, vector<8x128xf32>, vector<1x128xf32> -> vector<1x128xf32>
    %sub3A_202 = arith.constant 1.000000e+00 : f32
    %sub3A_203 = vector.broadcast %sub3A_202 : f32 to vector<1x128xf32>
    %sub3A_204 = arith.subf %dot_general3A_201, %sub3A_203 : vector<1x128xf32>
    %jit3A_205 = arith.constant 0.000000e+00 : f32
    %jit3A_206 = arith.constant 7.000000e+00 : f32
    %max3A = vector.broadcast %jit3A_205 : f32 to vector<1x128xf32>
    %max3A_207 = arith.maximumf %max3A, %sub3A_204 : vector<1x128xf32>
    %min3A = vector.broadcast %jit3A_206 : f32 to vector<1x128xf32>
    %min3A_208 = arith.minimumf %min3A, %max3A_207 : vector<1x128xf32>
    %reduce_sum3A = arith.constant dense<0.000000e+00> : vector<1xf32>
    %reduce_sum3A_209 = vector.multi_reduction <add>, %floor3A, %reduce_sum3A [1] : vector<1x8xf32> to vector<1xf32>
    %broadcast_in_dim3A_210 = vector.shape_cast %reduce_sum3A_209 : vector<1xf32> to vector<1x1xf32>
    %iota3A_211 = tpu.iota {dimensions = array<i32: 1>} : vector<1x128xi32>
    %eq3A_212 = arith.constant 127 : i32
    %eq3A_213 = vector.broadcast %eq3A_212 : i32 to vector<1x128xi32>
    %eq3A_214 = arith.cmpi eq, %iota3A_211, %eq3A_213 : vector<1x128xi32>
    %broadcast_in_dim3A_215 = vector.shape_cast %broadcast_in_dim3A_210 : vector<1x1xf32> to vector<1x1xf32>
    %broadcast_in_dim3A_216 = vector.broadcast %broadcast_in_dim3A_215 : vector<1x1xf32> to vector<1x128xf32>
    %select_n3A_217 = arith.select %eq3A_214, %broadcast_in_dim3A_216, %min3A_208 : vector<1x128xi1>, vector<1x128xf32>
    %convert_element_type3A_218 = arith.fptosi %select_n3A_217 : vector<1x128xf32> to vector<1x128xi32>
    %swap3A_219 = arith.constant 0 : index
    %swap3A_220 = arith.constant 0 : index
    %swap3A_221 = vector.load %arg8[%swap3A_219, %swap3A_220] : memref<1x128xi32, #tpu.memory_space<vmem>>, vector<1x128xi32>
    tpu.vector_store %arg8[%swap3A_219, %swap3A_220], %convert_element_type3A_218 {strides = array<i32>} : memref<1x128xi32, #tpu.memory_space<vmem>>, vector<1x128xi32>,
    %add3A_222 = vector.broadcast %dot_general3A_183 : vector<1x8xf32> to vector<2048x8xf32>
    %add3A_223 = arith.addf %add3A_222, %concatenate3A : vector<2048x8xf32>
    %mul3A_224 = arith.mulf %select_n3A_70, %add3A_223 : vector<2048x8xf32>
    %reduce_sum3A_225 = arith.constant dense<0.000000e+00> : vector<2048xf32>
    %reduce_sum3A_226 = vector.multi_reduction <add>, %mul3A_224, %reduce_sum3A_225 [1] : vector<2048x8xf32> to vector<2048xf32>
    %broadcast_in_dim3A_227 = vector.shape_cast %reduce_sum3A_226 : vector<2048xf32> to vector<2048x1xf32>
    %add3A_228 = arith.addf %dot_general3A_183, %add3A_151 : vector<1x8xf32>
    %add3A_229 = vector.broadcast %add3A_228 : vector<1x8xf32> to vector<2048x8xf32>
    %add3A_230 = arith.addf %add3A_229, %concatenate3A_155 : vector<2048x8xf32>
    %mul3A_231 = arith.mulf %select_n3A_77, %add3A_230 : vector<2048x8xf32>
    %reduce_sum3A_232 = arith.constant dense<0.000000e+00> : vector<2048xf32>
    %reduce_sum3A_233 = vector.multi_reduction <add>, %mul3A_231, %reduce_sum3A_232 [1] : vector<2048x8xf32> to vector<2048xf32>
    %broadcast_in_dim3A_234 = vector.shape_cast %reduce_sum3A_233 : vector<2048xf32> to vector<2048x1xf32>
    %convert_element_type3A_235 = arith.fptosi %broadcast_in_dim3A_227 : vector<2048x1xf32> to vector<2048x1xi32>
    %swap3A_236 = arith.constant 0 : index
    %swap3A_237 = arith.constant 0 : index
    %swap3A_238 = vector.load %arg4[%swap3A_236, %swap3A_237] : memref<2048x1xi32, #tpu.memory_space<vmem>>, vector<2048x1xi32>
    tpu.vector_store %arg4[%swap3A_236, %swap3A_237], %convert_element_type3A_235 {strides = array<i32>} : memref<2048x1xi32, #tpu.memory_space<vmem>>, vector<2048x1xi32>,
    %convert_element_type3A_239 = arith.fptosi %broadcast_in_dim3A_234 : vector<2048x1xf32> to vector<2048x1xi32>
    %swap3A_240 = arith.constant 0 : index
    %swap3A_241 = arith.constant 0 : index
    %swap3A_242 = vector.load %arg5[%swap3A_240, %swap3A_241] : memref<2048x1xi32, #tpu.memory_space<vmem>>, vector<2048x1xi32>
    tpu.vector_store %arg5[%swap3A_240, %swap3A_241], %convert_element_type3A_239 {strides = array<i32>} : memref<2048x1xi32, #tpu.memory_space<vmem>>, vector<2048x1xi32>,
    %swap3A_243 = arith.constant 0 : index
    %swap3A_244 = arith.constant 0 : index
    %swap3A_245 = vector.load %arg6[%swap3A_243, %swap3A_244] : memref<2048x1xf32, #tpu.memory_space<vmem>>, vector<2048x1xf32>
    tpu.vector_store %arg6[%swap3A_243, %swap3A_244], %div3A_60 {strides = array<i32>} : memref<2048x1xf32, #tpu.memory_space<vmem>>, vector<2048x1xf32>,
    %swap3A_246 = arith.constant 0 : index
    %swap3A_247 = arith.constant 0 : index
    %swap3A_248 = vector.load %arg7[%swap3A_246, %swap3A_247] : memref<2048x1xf32, #tpu.memory_space<vmem>>, vector<2048x1xf32>
    tpu.vector_store %arg7[%swap3A_246, %swap3A_247], %sub3A_63 {strides = array<i32>} : memref<2048x1xf32, #tpu.memory_space<vmem>>, vector<2048x1xf32>,
    return
  }
  func.func @transform_0(%arg0: i32) -> (i32, i32) {
    %c0_i32 = arith.constant 0 : i32
    %c0_i32_0 = arith.constant 0 : i32
    %c0_i32_1 = arith.constant 0 : i32
    return %c0_i32, %c0_i32_0 : i32, i32
  }
  func.func @transform_1(%arg0: i32) -> (i32, i32) {
    %c0_i32 = arith.constant 0 : i32
    %c0_i32_0 = arith.constant 0 : i32
    %c0_i32_1 = arith.constant 0 : i32
    return %c0_i32, %c0_i32_0 : i32, i32
  }
  func.func @transform_2(%arg0: i32) -> (i32, i32) {
    %c0_i32 = arith.constant 0 : i32
    %c0_i32_0 = arith.constant 0 : i32
    %c0_i32_1 = arith.constant 0 : i32
    return %c0_i32, %c0_i32_0 : i32, i32
  }
  func.func @transform_3(%arg0: i32) -> (i32, i32) {
    %c0_i32 = arith.constant 0 : i32
    %c0_i32_0 = arith.constant 0 : i32
    %c0_i32_1 = arith.constant 0 : i32
    return %c0_i32, %c0_i32_0 : i32, i32
  }
  func.func @transform_4(%arg0: i32) -> (i32, i32) {
    %c0_i32 = arith.constant 0 : i32
    %c0_i32_0 = arith.constant 0 : i32
    %c0_i32_1 = arith.constant 0 : i32
    return %c0_i32, %c0_i32_0 : i32, i32
  }
  func.func @transform_5(%arg0: i32) -> (i32, i32) {
    %c0_i32 = arith.constant 0 : i32
    %c0_i32_0 = arith.constant 0 : i32
    %c0_i32_1 = arith.constant 0 : i32
    return %c0_i32, %c0_i32_0 : i32, i32
  }
  func.func @transform_6(%arg0: i32) -> (i32, i32) {
    %c0_i32 = arith.constant 0 : i32
    %c0_i32_0 = arith.constant 0 : i32
    %c0_i32_1 = arith.constant 0 : i32
    return %c0_i32, %c0_i32_0 : i32, i32
  }
  func.func @transform_7(%arg0: i32) -> (i32, i32) {
    %c0_i32 = arith.constant 0 : i32
    %c0_i32_0 = arith.constant 0 : i32
    %c0_i32_1 = arith.constant 0 : i32
    return %c0_i32, %c0_i32_0 : i32, i32
  }
}

module attributes {stable_mosaic.version = 14 : i64} {
  func.func @_ffn_body(%arg0: i32, %arg1: memref<128xi32, #tpu.memory_space<smem>>, %arg2: memref<512x512xi32, #tpu.memory_space<vmem>>, %arg3: memref<1x512x1024xf32, #tpu.memory_space<vmem>>, %arg4: memref<1x512x1024xf32, #tpu.memory_space<vmem>>, %arg5: memref<1x1024x512xf32, #tpu.memory_space<vmem>>, %arg6: memref<512x1024xf32, #tpu.memory_space<vmem>>) attributes {dimension_semantics = [#tpu.dimension_semantics<arbitrary>], iteration_bounds = array<i64: 16>, scalar_prefetch = 1 : i64, scratch_operands = 0 : i64, tpu.core_type = #tpu.core_type<tc>, window_params = [{transform_indices = @transform_0, window_bounds = array<i64: 512, 512>}, {transform_indices = @transform_1, window_bounds = array<i64: 1, 512, 1024>}, {transform_indices = @transform_2, window_bounds = array<i64: 1, 512, 1024>}, {transform_indices = @transform_3, window_bounds = array<i64: 1, 1024, 512>}, {transform_indices = @transform_4, window_bounds = array<i64: 512, 1024>}]} {
    %get3A = arith.constant 127 : index
    %get3A_0 = memref.load %arg1[%get3A] : memref<128xi32, #tpu.memory_space<smem>>
    %lt3A = arith.cmpi slt, %arg0, %get3A_0 : i32
    %convert_element_type3A = arith.extui %lt3A : i1 to i32
    %cond3A = arith.constant 0 : i32
    %cond3A_1 = arith.cmpi ne, %convert_element_type3A, %cond3A : i32
    scf.if %cond3A_1 {
      %get3A_2 = arith.constant 0 : index
      %get3A_3 = arith.constant 0 : index
      %get3A_4 = vector.load %arg2[%get3A_2, %get3A_3] : memref<512x512xi32, #tpu.memory_space<vmem>>, vector<512x512xi32>
      %shift_left3A = arith.constant 16 : i32
      %shift_left3A_5 = vector.broadcast %shift_left3A : i32 to vector<512x512xi32>
      %shift_left3A_6 = arith.shli %get3A_4, %shift_left3A_5 : vector<512x512xi32>
      %bitcast_convert_type3A = tpu.bitcast %shift_left3A_6 : vector<512x512xi32> -> vector<512x512xf32>
      %and3A = arith.constant -65536 : i32
      %and3A_7 = vector.broadcast %and3A : i32 to vector<512x512xi32>
      %and3A_8 = arith.andi %get3A_4, %and3A_7 : vector<512x512xi32>
      %bitcast_convert_type3A_9 = tpu.bitcast %and3A_8 : vector<512x512xi32> -> vector<512x512xf32>
      %concatenate3A = tpu.concatenate %bitcast_convert_type3A, %bitcast_convert_type3A_9 in 1 : vector<512x512xf32>, vector<512x512xf32> -> vector<512x1024xf32>
      %get3A_10 = arith.constant 0 : index
      %get3A_11 = arith.constant 0 : index
      %get3A_12 = arith.constant 0 : index
      %get3A_13 = vector.load %arg3[%get3A_10, %get3A_11, %get3A_12] : memref<1x512x1024xf32, #tpu.memory_space<vmem>>, vector<1x512x1024xf32>
      %get3A_14 = vector.shape_cast %get3A_13 : vector<1x512x1024xf32> to vector<512x1024xf32>
      %dot_general3A = arith.constant dense<0.000000e+00> : vector<512x512xf32>
      %dot_general3A_15 = tpu.matmul %concatenate3A, %get3A_14, %dot_general3A {dimension_numbers = #tpu.dot_dimension_numbers<[1], [1], [0], [0], [0, 0, 1, 0], [], []>, transpose_lhs_hint = false} : vector<512x1024xf32>, vector<512x1024xf32>, vector<512x512xf32> -> vector<512x512xf32>
      %neg3A = arith.constant 0.000000e+00 : f32
      %neg3A_16 = vector.broadcast %neg3A : f32 to vector<512x512xf32>
      %neg3A_17 = arith.subf %neg3A_16, %dot_general3A_15 : vector<512x512xf32>
      %exp3A = math.exp %neg3A_17 : vector<512x512xf32>
      %add3A = arith.constant 1.000000e+00 : f32
      %add3A_18 = vector.broadcast %add3A : f32 to vector<512x512xf32>
      %add3A_19 = arith.addf %add3A_18, %exp3A : vector<512x512xf32>
      %div3A = arith.constant 1.000000e+00 : f32
      %div3A_20 = vector.broadcast %div3A : f32 to vector<512x512xf32>
      %div3A_21 = arith.divf %div3A_20, %add3A_19 : vector<512x512xf32>
      %mul3A = arith.mulf %dot_general3A_15, %div3A_21 : vector<512x512xf32>
      %get3A_22 = arith.constant 0 : index
      %get3A_23 = arith.constant 0 : index
      %get3A_24 = arith.constant 0 : index
      %get3A_25 = vector.load %arg4[%get3A_22, %get3A_23, %get3A_24] : memref<1x512x1024xf32, #tpu.memory_space<vmem>>, vector<1x512x1024xf32>
      %get3A_26 = vector.shape_cast %get3A_25 : vector<1x512x1024xf32> to vector<512x1024xf32>
      %dot_general3A_27 = arith.constant dense<0.000000e+00> : vector<512x512xf32>
      %dot_general3A_28 = tpu.matmul %concatenate3A, %get3A_26, %dot_general3A_27 {dimension_numbers = #tpu.dot_dimension_numbers<[1], [1], [0], [0], [0, 0, 1, 0], [], []>, transpose_lhs_hint = false} : vector<512x1024xf32>, vector<512x1024xf32>, vector<512x512xf32> -> vector<512x512xf32>
      %mul3A_29 = arith.mulf %mul3A, %dot_general3A_28 : vector<512x512xf32>
      %get3A_30 = arith.constant 0 : index
      %get3A_31 = arith.constant 0 : index
      %get3A_32 = arith.constant 0 : index
      %get3A_33 = vector.load %arg5[%get3A_30, %get3A_31, %get3A_32] : memref<1x1024x512xf32, #tpu.memory_space<vmem>>, vector<1x1024x512xf32>
      %get3A_34 = vector.shape_cast %get3A_33 : vector<1x1024x512xf32> to vector<1024x512xf32>
      %dot_general3A_35 = arith.constant dense<0.000000e+00> : vector<512x1024xf32>
      %dot_general3A_36 = tpu.matmul %mul3A_29, %get3A_34, %dot_general3A_35 {dimension_numbers = #tpu.dot_dimension_numbers<[1], [1], [0], [0], [0, 0, 1, 0], [], []>, transpose_lhs_hint = false} : vector<512x512xf32>, vector<1024x512xf32>, vector<512x1024xf32> -> vector<512x1024xf32>
      %swap3A = arith.constant 0 : index
      %swap3A_37 = arith.constant 0 : index
      %swap3A_38 = vector.load %arg6[%swap3A, %swap3A_37] : memref<512x1024xf32, #tpu.memory_space<vmem>>, vector<512x1024xf32>
      tpu.vector_store %arg6[%swap3A, %swap3A_37], %dot_general3A_36 {strides = array<i32>} : memref<512x1024xf32, #tpu.memory_space<vmem>>, vector<512x1024xf32>,
    } else {
    }
    return
  }
  func.func @transform_0(%arg0: i32, %arg1: memref<128xi32, #tpu.memory_space<smem>>) -> (i32, i32) {
    %get3A = arith.constant 127 : index
    %get3A_0 = memref.load %arg1[%get3A] : memref<128xi32, #tpu.memory_space<smem>>
    %lt3A = arith.cmpi slt, %arg0, %get3A_0 : i32
    %get3A_1 = arith.constant 127 : index
    %get3A_2 = memref.load %arg1[%get3A_1] : memref<128xi32, #tpu.memory_space<smem>>
    %sub3A = arith.constant 1 : i32
    %sub3A_3 = arith.subi %get3A_2, %sub3A : i32
    %select_n3A = arith.select %lt3A, %arg0, %sub3A_3 : i32
    %c0_i32 = arith.constant 0 : i32
    %c0_i32_4 = arith.constant 0 : i32
    return %select_n3A, %c0_i32 : i32, i32
  }
  func.func @transform_1(%arg0: i32, %arg1: memref<128xi32, #tpu.memory_space<smem>>) -> (i32, i32, i32) {
    %get3A = arith.index_cast %arg0 : i32 to index
    %get3A_0 = memref.load %arg1[%get3A] : memref<128xi32, #tpu.memory_space<smem>>
    %c0_i32 = arith.constant 0 : i32
    %c0_i32_1 = arith.constant 0 : i32
    %c0_i32_2 = arith.constant 0 : i32
    return %get3A_0, %c0_i32, %c0_i32_1 : i32, i32, i32
  }
  func.func @transform_2(%arg0: i32, %arg1: memref<128xi32, #tpu.memory_space<smem>>) -> (i32, i32, i32) {
    %get3A = arith.index_cast %arg0 : i32 to index
    %get3A_0 = memref.load %arg1[%get3A] : memref<128xi32, #tpu.memory_space<smem>>
    %c0_i32 = arith.constant 0 : i32
    %c0_i32_1 = arith.constant 0 : i32
    %c0_i32_2 = arith.constant 0 : i32
    return %get3A_0, %c0_i32, %c0_i32_1 : i32, i32, i32
  }
  func.func @transform_3(%arg0: i32, %arg1: memref<128xi32, #tpu.memory_space<smem>>) -> (i32, i32, i32) {
    %get3A = arith.index_cast %arg0 : i32 to index
    %get3A_0 = memref.load %arg1[%get3A] : memref<128xi32, #tpu.memory_space<smem>>
    %c0_i32 = arith.constant 0 : i32
    %c0_i32_1 = arith.constant 0 : i32
    %c0_i32_2 = arith.constant 0 : i32
    return %get3A_0, %c0_i32, %c0_i32_1 : i32, i32, i32
  }
  func.func @transform_4(%arg0: i32, %arg1: memref<128xi32, #tpu.memory_space<smem>>) -> (i32, i32) {
    %get3A = arith.constant 127 : index
    %get3A_0 = memref.load %arg1[%get3A] : memref<128xi32, #tpu.memory_space<smem>>
    %lt3A = arith.cmpi slt, %arg0, %get3A_0 : i32
    %get3A_1 = arith.constant 127 : index
    %get3A_2 = memref.load %arg1[%get3A_1] : memref<128xi32, #tpu.memory_space<smem>>
    %sub3A = arith.constant 1 : i32
    %sub3A_3 = arith.subi %get3A_2, %sub3A : i32
    %select_n3A = arith.select %lt3A, %arg0, %sub3A_3 : i32
    %c0_i32 = arith.constant 0 : i32
    %c0_i32_4 = arith.constant 0 : i32
    return %select_n3A, %c0_i32 : i32, i32
  }
}

</mosaic_0001>

<sc_bundles>
// kernel: kernel.6.cloned.1.call-start
scs
__scs_entry_jumppad:
0x0: {  	(pc) =	sbr.rel $0x88, $3  }
0x1: {  	(tag) =	ssettag $0x0;
	lr =	simm.s32 $0x1  }
0x2: {  	[smem:$0x3F9C] =	sst lr;
	_ =	strace $0xD0000000  }
0x3: {  	_ = 	snop  }
0x4: {  	_ = 	snop  }
0x5: {  	_ = 	snop  }
0x6: {  	_ = 	snop  }
0x7: {  	_ = 	snop  }
__scs_overlays_trampoline_lowered:
0x8: {  	[smem:$0x3FAB] =	sst s0  }
0x9: {  	[smem:$0x3FAC] =	sst s1  }
0xa: {  	[smem:$0x3FAD] =	sst s2  }
0xb: {  	[smem:$0x3FAE] =	sst s3  }
0xc: {  	[smem:$0x3FAF] =	sst s4  }
0xd: {  	[smem:$0x3FB0] =	sst s5  }
0xe: {  	[smem:$0x3FB1] =	sst s6  }
0xf: {  	[smem:$0x3FB2] =	sst s7  }
0x10: {  	[smem:$0x3FB3] =	sst s8  }
0x11: {  	[smem:$0x3FB4] =	sst s9;
	s0 =	simm.s32 @!p0 $0x0  }
0x12: {  	s1 =	sld [smem:$0x3F9A];
	s0 =	simm.s32 @p0 $0x1  }
0x13: {  	[smem:$0x3FB5] =	sst s0;
	s0 =	simm.s32 @!p1 $0x0  }
0x14: {  	s2 =	sld [smem:$0x3F99];
	s0 =	simm.s32 @p1 $0x1  }
0x15: {  	[smem:$0x3FB6] =	sst s0;
	s0 =	simm.s32 @!p2 $0x0  }
0x16: {  	s3 =	sld [smem:$0x3FDB];
	s0 =	simm.s32 @p2 $0x1  }
0x17: {  	s4 =	simm.s32 $0x1BF5;
	[smem:$0x3FB8] =	sst s0  }
0x18: {  	s0 =	sld [smem:$0x3F9B];
	_ =	swait.ge [sflag:s4], $0x0  }
0x19: {  	s7 =	sld [smem:$0x3F9C]  }
0x1a: {  	s8 =	sadd.s32 $0xFFFFE003, lr  }
0x1b: {  	s9 =	sadd.s32 $0xFFFFFEF7, lr;
	s5 =	simm.s32 $0xFFFFFFFF;
	p2 =	slt.u32 s8, $0xFFFFF086  }
0x1c: {  	p1 =	slt.u32 s9, $0xF7A;
	s5 =	simm.s32 @!p2 $0x0  }
0x1d: {  	s5 =	simm.s32 @p1 $0x1;
	p0 =	seq.s32 s7, s2  }
0x1e: {  	s7 =	smul.u32 @!p0 $0xF7A, s2;
	p2 =	seq.s32 @!p0 s5, $0x0  }
0x1f: {  	s9 =	smul.u32 $0xF7A, s1;
	s8 =	simm.s32 @!p0 $0x1BF5;
	p2 =	por !p2, p0  }
0x20: {  	[sflag:s8] =	ssyncset.s32 @!p0 $0xFFFFF086;
	s6 =	sadd.s32 @!p0 s3, s7;
	s7 =	simm.s32 @!p0 $0x108  }
0x21: {  	s3 =	sadd.s32 s3, s9;
	s6 =	sadd.s32 @!p0 $0x88, s6;
	s7 =	simm.s32 @p2 $0x1082  }
0x22: {  	[simem:s7], [sflag:s8] =	dma.local @!p0 [hbm:s6], $0xF7A  }
0x23: {  	s9 =	sor.u32 $0xD0000000, s2;
	s6 =	simm.s32 $0x108;
	_ =	swait.ge @!p0 [sflag:s8], $0x0  }
0x24: {  	s3 =	sadd.s32 $0x88, s3;
	s6 =	simm.s32 @!p1 $0x1082;
	[sflag:s4] =	ssyncset.s32 $0xFFFFF086  }
0x25: {  	[simem:s6], [sflag:s4] =	dma.local [hbm:s3], $0xF7A  }
0x26: {  	[smem:$0x3F9C] =	sst s1;
	(tag) =	ssettag s2;
	_ =	strace s9  }
0x27: {  	s1 =	sld [smem:$0x3FAC]  }
0x28: {  	s2 =	sld [smem:$0x3FAD]  }
0x29: {  	s4 =	sld [smem:$0x3FAF]  }
0x2a: {  	p0 =	seq.s32 s5, $0x0;
	s5 =	sld [smem:$0x3FB0]  }
0x2b: {  	s6 =	sld [smem:$0x3FB1]  }
0x2c: {  	s7 =	sld [smem:$0x3FB2]  }
0x2d: {  	s3 =	simm.s32 $0x108;
	s8 =	sld [smem:$0x3FB3]  }
0x2e: {  	s3 =	simm.s32 @!p0 $0x1082;
	s9 =	sld [smem:$0x3FB4]  }
0x2f: {  	lr =	sadd.s32 s0, s3;
	s0 =	sld [smem:$0x3FAB]  }
0x30: {  	s3 =	sld [smem:$0x3FAE]  }
0x31: {  	[smem:$0x3FB7] =	sst s10  }
0x32: {  	s10 =	sld [smem:$0x3FB5];
	_ =	sdelay $0x3  }
0x33: {  	p0 =	seq.s32 s10, $0x1;
	s10 =	sld [smem:$0x3FB7];
	_ =	sdelay $0x3  }
0x34: {  	[smem:$0x3FB7] =	sst s10  }
0x35: {  	s10 =	sld [smem:$0x3FB6];
	_ =	sdelay $0x3  }
0x36: {  	p1 =	seq.s32 s10, $0x1;
	s10 =	sld [smem:$0x3FB7];
	_ =	sdelay $0x3  }
0x37: {  	[smem:$0x3FB7] =	sst s10  }
0x38: {  	s10 =	sld [smem:$0x3FB8]  }
0x39: {  	_ = 	snop;
	(pc) =	sbr.ind lr, $3  }
0x3a: {  	_ = 	snop  }
0x3b: {  	_ = 	snop  }
0x3c: {  	p2 =	seq.s32 s10, $0x1;
	s10 =	sld [smem:$0x3FB7]  }
0x3d: {  	_ =	shalt  }
0x3e: {  	_ =	shalt  }
0x3f: {  	_ =	shalt  }
0x40: {  	_ =	shalt  }
0x41: {  	_ =	shalt  }
0x42: {  	_ =	shalt  }
0x43: {  	_ =	shalt  }
0x44: {  	_ =	shalt  }
0x45: {  	_ =	shalt  }
0x46: {  	_ =	shalt  }
0x47: {  	_ =	shalt  }
0x48: {  	_ =	shalt  }
0x49: {  	_ =	shalt  }
0x4a: {  	_ =	shalt  }
0x4b: {  	_ =	shalt  }
0x4c: {  	_ =	shalt  }
0x4d: {  	_ =	shalt  }
0x4e: {  	_ =	shalt  }
0x4f: {  	_ =	shalt  }
0x50: {  	_ =	shalt  }
0x51: {  	_ =	shalt  }
0x52: {  	_ =	shalt  }
0x53: {  	_ =	shalt  }
0x54: {  	_ =	shalt  }
0x55: {  	_ =	shalt  }
0x56: {  	_ =	shalt  }
0x57: {  	_ =	shalt  }
0x58: {  	_ =	shalt  }
0x59: {  	_ =	shalt  }
0x5a: {  	_ =	shalt  }
0x5b: {  	_ =	shalt  }
0x5c: {  	_ =	shalt  }
0x5d: {  	_ =	shalt  }
0x5e: {  	_ =	shalt  }
0x5f: {  	_ =	shalt  }
0x60: {  	_ =	shalt  }
0x61: {  	_ =	shalt  }
0x62: {  	_ =	shalt  }
0x63: {  	_ =	shalt  }
0x64: {  	_ =	shalt  }
0x65: {  	_ =	shalt  }
0x66: {  	_ =	shalt  }
0x67: {  	_ =	shalt  }
0x68: {  	_ =	shalt  }
0x69: {  	_ =	shalt  }
0x6a: {  	_ =	shalt  }
0x6b: {  	_ =	shalt  }
0x6c: {  	_ =	shalt  }
0x6d: {  	_ =	shalt  }
0x6e: {  	_ =	shalt  }
0x6f: {  	_ =	shalt  }
0x70: {  	_ =	shalt  }
0x71: {  	_ =	shalt  }
0x72: {  	_ =	shalt  }
0x73: {  	_ =	shalt  }
0x74: {  	_ =	shalt  }
0x75: {  	_ =	shalt  }
0x76: {  	_ =	shalt  }
0x77: {  	_ =	shalt  }
0x78: {  	_ =	shalt  }
0x79: {  	_ =	shalt  }
0x7a: {  	_ =	shalt  }
0x7b: {  	_ =	shalt  }
0x7c: {  	_ =	shalt  }
0x7d: {  	_ =	shalt  }
0x7e: {  	_ =	shalt  }
0x7f: {  	_ =	shalt  }
0x80: {  	_ =	shalt  }
0x81: {  	_ =	shalt  }
0x82: {  	_ =	shalt  }
0x83: {  	_ =	shalt  }
0x84: {  	_ =	shalt  }
0x85: {  	_ =	shalt  }
0x86: {  	_ =	shalt  }
0x87: {  	_ =	shalt  }
.Lfunc_end0:
.L_simem_size_0:
called_computation_lowered:
.L_overlay_start_0:
0x88: {  	s2 =	sld [smem:$0x3FD9]  }
0x89: {  	s3 =	sld [smem:$0x3FFE];
	_ =	sdelay $0x1  }
0x8a: {  	s1 =	srdreg.scid  }
0x8b: {  	s0 =	sand.u32 $0x1, s1  }
0x8c: {  	s17 =	sshll.u32 s0, $0xA;
	s2 =	sadd.s32 s3, s2  }
0x8d: {  	s2 =	sadd.s32 s2, s17  }
0x8e: {  	[smem:$0x3FC3] =	sst s2  }
0x8f: {  	_ = 	snop  }
0x90: {  	s2 =	sld [smem:$0x3FD0];
	(tm) =	ssettm $0x1  }
0x91: {  	s18 =	sld [smem:$0x3FFB];
	_ =	sdelay $0x3  }
0x92: {  	_ =	strace s18  }
0x93: {  	s3 =	sld [smem:$0x3FFC];
	_ =	sdelay $0x3  }
0x94: {  	_ =	strace s3  }
0x95: {  	s3 =	sld [smem:$0x3FFD];
	_ =	sdelay $0x3  }
0x96: {  	_ =	strace s3  }
0x97: {  	_ =	strace $0x8FFFFFFF  }
0x98: {  	s19 =	sld [smem:$0x3FDB];
	_ =	sdelay $0x1  }
0x99: {  	s4 =	simm.s32 $_scs_section_size  }
0x9a: {  	s5 =	simm.s32 $_size__tile_overlayer_lowered;
	s6 =	simm.s32 $_tile_overlayer_lowered  }
0x9b: {  	s22 =	simm.s32 $0x1BFF;
	s21 =	sshll.u32 s6, $0x1;
	s3 =	sadd.s32 s4, s19  }
0x9c: {  	s7 =	simm.s32 $0x0;
	s20 =	sshll.u32 s5, $0x1;
	s5 =	sadd.s32 s21, s3  }
0x9d: {  	[timem:s7], [sflag:s22] =	dma.local [hbm:s5], s20  }
0x9e: {  	_ =	swait.ge [sflag:s22], s20  }
0x9f: {  	s4 =	ssub.s32 $0x0, s20;
	[sflag:s22] =	ssyncset.done $0x0  }
0xa0: {  	[sflag:s22] =	ssyncadd.s32 s4;
	_ =	sdelay $0x1  }
0xa1: {  	s23 =	simm.s32 $0x1B8B  }
0xa2: {  	_ =	swait.ge [sflag:s23], $0x1  }
0xa3: {  	[sflag:s23] =	ssyncset.done $0x0  }
0xa4: {  	s25 =	simm.s32 $0x1B8E;
	s24 =	sld [smem:$0x3FFE];
	[sflag:s23] =	ssyncadd.s32 $0xFFFFFFFF  }
0xa5: {  	s26 =	simm.s32 $execute0_lowered;
	[smem:$0x3FD2] =	sst s25  }
0xa6: {  	s5 =	sshll.u32 s26, $0x1;
	_ =	strace $0x80000046;
	[dreg:$0x1] =	wrdreg $0xFFFFFFFF  }
0xa7: {  	s28 =	simm.s32 $_size_execute0_lowered;
	s3 =	sadd.s32 s3, s5;
	[dreg:$0x0] =	wrdreg $0x0  }
0xa8: {  	s5 =	sshll.u32 s28, $0x1;
	[dreg:$0x2] =	wrdreg s3  }
0xa9: {  	[dreg:$0x3] =	wrdreg s5  }
0xaa: {  	[dreg:$0x4] =	wrdreg $0xC0  }
0xab: {  	_ =	task [dreg:s7], $0x5FFFF  }
0xac: {  	[dreg:$0x1] =	wrdreg $0xFFFFFFFF  }
0xad: {  	[dreg:$0x0] =	wrdreg $0x60  }
0xae: {  	[dreg:$0x2] =	wrdreg s2  }
0xaf: {  	[dreg:$0x3] =	wrdreg s24  }
0xb0: {  	[dreg:$0x4] =	wrdreg $0x9  }
0xb1: {  	_ =	task.clear_ibuf [dreg:s7], $0x5FFFF;
	_ =	strace $0x90000046  }
0xb2: {  	s29 =	simm.s32 $0x9;
	_ =	strace $0x80000048  }
0xb3: {  	_ =	swait.ge [sflag:s29], $0x1  }
0xb4: {  	[sflag:s29] =	ssyncadd.s32 $0xFFFFFFFF  }
0xb5: {  	_ =	strace $0x90000048  }
0xb6: {  	_ =	sfence  }
0xb7: {  	s30 =	sld [smem:$0x0];
	_ =	sdelay $0x2  }
0xb8: {  	s31 =	sshll.u32 s1, $0xD;
	s1 =	sshrl.u32 s1, $0x2  }
0xb9: {  	s3 =	sand.u32 $0x4000, s31;
	s1 =	sadd.s32 s1, s30  }
0xba: {  	s0 =	sor.u32 s3, s0;
	s1 =	sshll.u32 s1, $0x11  }
0xbb: {  	s0 =	sor.u32 s1, s0  }
0xbc: {  	s0 =	sadd.s32 $0x8F2B, s0  }
0xbd: {  	[sflag:s0] =	ssyncadd.remote.s32 $0x1  }
0xbe: {  	_ =	sfence.sel $0xFFFF  }
0xbf: {  	[dreg:$0x0] =	wrdreg $0xFFFFFFFF;
	(pc) =	sbr.abs _section_cstart, $3  }
0xc0: {  	[dreg:$0x1] =	wrdreg $0xFFFFFFFF  }
0xc1: {  	_ =	task.clear_ibuf [dreg:s7], $0x2FFFF;
	_ =	strace $0x9FFFFFFF  }
0xc2: {  	(tm) =	ssettm $0x7FFFFFFF  }
0xc3: {  	_ =	shalt  }
tec
execute0_lowered:
.L_overlay_start_1:
0x0: {  	(tag) =	ssettag $0x1  }
0x1: {  	s0 =	rddreg [dreg:$0x0]  }
0x2: {  	s7 =	rddreg [dreg:$0x1]  }
0x3: {  	s2 =	srdreg.scid;
	s1 =	stileid.u32  }
0x4: {  	s11 =	simm.s32 $0x8100;
	s12 =	simm.s32 $0x1;
	s13 =	simm.s32 $0x8080  }
0x5: {  	s14 =	simm.s32 $0x8180;
	s15 =	simm.s32 $0x4000;
	s16 =	simm.s32 $0x800  }
0x6: {  	s17 =	simm.s32 $0x1000;
	s18 =	simm.s32 $0x1800;
	s19 =	simm.s32 $0x2000  }
0x7: {  	s28 =	simm.s32 $0x5800;
	s29 =	simm.s32 $0x6000;
	s30 =	simm.s32 $0x6800  }
0x8: {  	s31 =	simm.s32 $0x7000;
	s3 =	sand.u32 $0x1, s2;
	s2 =	simm.s32 $0x0  }
0x9: {  	s4 =	sshll.u32 s1, $0x7;
	s8 =	sadd.s32 $0x200, s7;
	s5 =	sshll.u32 s3, $0x6  }
0xa: {  	[smem:$0x7FF] =	sst s2;
	s20 =	ssub.s32 $0x2, s3;
	s3 =	sadd.s32 $0x400, s7  }
0xb: {  	s4 =	sor.u32 s5, s4;
	_ =	strace $0x80000047;
	s9 =	sshrl.u32 s20, $0x1  }
0xc: {  	s6 =	sshrl.u32 s4, $0x3;
	s9 =	ssub.s32 s20, s9;
	s22 =	sshll.u32 s4, $0x6  }
0xd: {  	s23 =	sor.u32 $0x20, s4;
	s20 =	simm.s32 $0x2800;
	s10 =	sadd.s32 s7, s6  }
0xe: {  	s21 =	sadd.s32 s8, s6;
	s24 =	sadd.s32 s0, s22;
	[dreg:$0x3] =	wrdreg s10  }
0xf: {  	s25 =	sshrl.u32 s23, $0x3;
	s26 =	sshll.u32 s23, $0x6;
	[dreg:$0x4] =	wrdreg s21  }
0x10: {  	s22 =	simm.s32 $0x3800;
	s23 =	simm.s32 $0x3;
	[dreg:$0x5] =	wrdreg s24  }
0x11: {  	s4 =	sadd.s32 s7, s25;
	s5 =	sadd.s32 s8, s25;
	s6 =	sadd.s32 s0, s26  }
0x12: {  	v2 =	vlaneseq.u32;
	s7 =	sadd.s32 $0x500, s7;
	s8 =	smax.u32 s9, $0x1;
	s9 =	simm.s32 $0x8000  }
0x13: {  	vm0 =	vmmov $0xffff;
	v1 =	vshrl.u32 v2, $0x3;
	s10 =	simm.s32 $0x4;
	s21 =	simm.s32 $0x3000;
	s24 =	simm.s32 $0x2  }
0x14: {  	v0 =	vand.u32 $0x7, v2;
	v2 =	vor.u32 $0x8, v2;
	v1 =	vmul.u32 $0x8, v1;
	s25 =	simm.s32 $0x4800;
	s26 =	simm.s32 $0x5000;
	s0 =	simm.s32 $0x7800  }
.LBB2_1:
0x15: {  	s1 =	rddreg [dreg:$0x3]  }
0x16: {  	[tilespmem:s9], [sflag:$0x4] =	stream.linear.gather [hbm4b:s1+s2], $0x20, $0x38;
	[tilespmem:$0x8200] =	vst v63  }
0x17: {  	_ =	swait.ge [sflag:s10], $0x20  }
0x18: {  	[sflag:s10] =	ssyncset.done $0x0  }
0x19: {  	s1 =	rddreg [dreg:$0x4];
	[sflag:s10] =	ssyncadd.s32 $0xFFFFFFE0  }
0x1a: {  	[tilespmem:s11], [sflag:$0x4] =	stream.linear.gather [hbm4b:s1+s2], $0x20, $0x38;
	[tilespmem:$0x8200] =	vst v63  }
0x1b: {  	_ =	swait.ge [sflag:s10], $0x20  }
0x1c: {  	[sflag:s10] =	ssyncset.done $0x0  }
0x1d: {  	s1 =	rddreg [dreg:$0x5];
	[sflag:s10] =	ssyncadd.s32 $0xFFFFFFE0  }
0x1e: {  	[tilespmem:s2], [sflag:$0x1] =	stream.linear.gather [hbm4b:s1+s2], $0x4000, $0x38;
	[tilespmem:$0x8200] =	vst v63  }
0x1f: {  	_ =	swait.ge [sflag:s12], $0x4000  }
0x20: {  	[sflag:s12] =	ssyncset.done $0x0  }
0x21: {  	[sflag:s12] =	ssyncadd.s32 $0xFFFFC000  }
0x22: {  	[tilespmem:s13], [sflag:$0x4] =	stream.linear.gather [hbm4b:s4+s2], $0x20, $0x38;
	[tilespmem:$0x8200] =	vst v63  }
0x23: {  	_ =	swait.ge [sflag:s10], $0x20  }
0x24: {  	[sflag:s10] =	ssyncset.done $0x0  }
0x25: {  	[sflag:s10] =	ssyncadd.s32 $0xFFFFFFE0  }
0x26: {  	[tilespmem:s14], [sflag:$0x4] =	stream.linear.gather [hbm4b:s5+s2], $0x20, $0x38;
	[tilespmem:$0x8200] =	vst v63  }
0x27: {  	_ =	swait.ge [sflag:s10], $0x20  }
0x28: {  	[sflag:s10] =	ssyncset.done $0x0  }
0x29: {  	[sflag:s10] =	ssyncadd.s32 $0xFFFFFFE0  }
0x2a: {  	[tilespmem:s15], [sflag:$0x2] =	stream.linear.gather [hbm4b:s6+s2], $0x4000, $0x38;
	[tilespmem:$0x8200] =	vst v63  }
0x2b: {  	v3 =	vld [tilespmem:$0x8000];
	_ =	sdelay $0x4  }
0x2c: {  	v4 =	vshll.u32 v3, $0x2  }
0x2d: {  	v3 =	vand.u32 $0x7, v3;
	v4 =	vand.u32 $0xFFFFFFE0, v4  }
0x2e: {  	v3 =	vor.u32 v3, v4  }
0x2f: {  	v4 =	vperm.xlane v3, v0;
	_ =	sdelay $0x1  }
0x30: {  	v4 =	vadd.s32 v1, v4;
	_ =	sdelay $0x1  }
0x31: {  	v3 =	vperm.xlane v3, v2;
	_ =	sdelay $0x1  }
0x32: {  	v3 =	vadd.s32 v1, v3  }
0x33: {  	[hbm4b:s3+s2] =	stream.indirect_vreg.scatter [tilespmem:s2], [sflag:$0x3], $0x80, v4, vm0, $0xb8;
	[tilespmem:$0x8200] =	vst v63  }
0x34: {  	_ = 	snop  }
0x35: {  	[hbm4b:s7+s2] =	stream.indirect_vreg.scatter [tilespmem:s16], [sflag:$0x3], $0x80, v4, vm0, $0xb8;
	[tilespmem:$0x8200] =	vst v63  }
0x36: {  	_ = 	snop  }
0x37: {  	[hbm4b:s3+s2] =	stream.indirect_vreg.scatter [tilespmem:s17], [sflag:$0x3], $0x80, v3, vm0, $0xb8;
	[tilespmem:$0x8200] =	vst v63  }
0x38: {  	_ = 	snop  }
0x39: {  	[hbm4b:s7+s2] =	stream.indirect_vreg.scatter [tilespmem:s18], [sflag:$0x3], $0x80, v3, vm0, $0xb8;
	[tilespmem:$0x8200] =	vst v63  }
0x3a: {  	v3 =	vld [tilespmem:$0x8010];
	_ =	sdelay $0x4  }
0x3b: {  	v57 =	vshll.u32 v3, $0x2  }
0x3c: {  	v3 =	vand.u32 $0x7, v3;
	v4 =	vand.u32 $0xFFFFFFE0, v57  }
0x3d: {  	v3 =	vor.u32 v3, v4  }
0x3e: {  	v4 =	vperm.xlane v3, v0;
	_ =	sdelay $0x1  }
0x3f: {  	v4 =	vadd.s32 v1, v4;
	_ =	sdelay $0x1  }
0x40: {  	v3 =	vperm.xlane v3, v2;
	_ =	sdelay $0x1  }
0x41: {  	v3 =	vadd.s32 v1, v3  }
0x42: {  	[hbm4b:s3+s2] =	stream.indirect_vreg.scatter [tilespmem:s19], [sflag:$0x3], $0x80, v4, vm0, $0xb8;
	[tilespmem:$0x8200] =	vst v63  }
0x43: {  	_ = 	snop  }
0x44: {  	[hbm4b:s7+s2] =	stream.indirect_vreg.scatter [tilespmem:s20], [sflag:$0x3], $0x80, v4, vm0, $0xb8;
	[tilespmem:$0x8200] =	vst v63  }
0x45: {  	_ = 	snop  }
0x46: {  	[hbm4b:s3+s2] =	stream.indirect_vreg.scatter [tilespmem:s21], [sflag:$0x3], $0x80, v3, vm0, $0xb8;
	[tilespmem:$0x8200] =	vst v63  }
0x47: {  	_ = 	snop  }
0x48: {  	[hbm4b:s7+s2] =	stream.indirect_vreg.scatter [tilespmem:s22], [sflag:$0x3], $0x80, v3, vm0, $0xb8;
	[tilespmem:$0x8200] =	vst v63  }
0x49: {  	v3 =	vld [tilespmem:$0x8100];
	_ =	sdelay $0x4  }
0x4a: {  	v58 =	vshll.u32 v3, $0x2  }
0x4b: {  	v3 =	vand.u32 $0x7, v3;
	v4 =	vand.u32 $0xFFFFFFE0, v58  }
0x4c: {  	v3 =	vor.u32 v3, v4  }
0x4d: {  	v4 =	vperm.xlane v3, v0;
	_ =	sdelay $0x1  }
0x4e: {  	v4 =	vadd.s32 v1, v4;
	_ =	sdelay $0x1  }
0x4f: {  	v3 =	vperm.xlane v3, v2;
	_ =	sdelay $0x1  }
0x50: {  	v3 =	vadd.s32 v1, v3  }
0x51: {  	[hbm4b:s3+s2] =	stream.indirect_vreg.scatter [tilespmem:s2], [sflag:$0x3], $0x80, v4, vm0, $0xb8;
	[tilespmem:$0x8200] =	vst v63  }
0x52: {  	_ = 	snop  }
0x53: {  	[hbm4b:s7+s2] =	stream.indirect_vreg.scatter [tilespmem:s16], [sflag:$0x3], $0x80, v4, vm0, $0xb8;
	[tilespmem:$0x8200] =	vst v63  }
0x54: {  	_ = 	snop  }
0x55: {  	[hbm4b:s3+s2] =	stream.indirect_vreg.scatter [tilespmem:s17], [sflag:$0x3], $0x80, v3, vm0, $0xb8;
	[tilespmem:$0x8200] =	vst v63  }
0x56: {  	_ = 	snop  }
0x57: {  	[hbm4b:s7+s2] =	stream.indirect_vreg.scatter [tilespmem:s18], [sflag:$0x3], $0x80, v3, vm0, $0xb8;
	[tilespmem:$0x8200] =	vst v63  }
0x58: {  	v3 =	vld [tilespmem:$0x8110];
	_ =	sdelay $0x4  }
0x59: {  	v59 =	vshll.u32 v3, $0x2  }
0x5a: {  	v3 =	vand.u32 $0x7, v3;
	v4 =	vand.u32 $0xFFFFFFE0, v59  }
0x5b: {  	v3 =	vor.u32 v3, v4  }
0x5c: {  	v4 =	vperm.xlane v3, v0;
	_ =	sdelay $0x1  }
0x5d: {  	v4 =	vadd.s32 v1, v4;
	_ =	sdelay $0x1  }
0x5e: {  	v3 =	vperm.xlane v3, v2;
	_ =	sdelay $0x1  }
0x5f: {  	v3 =	vadd.s32 v1, v3  }
0x60: {  	[hbm4b:s3+s2] =	stream.indirect_vreg.scatter [tilespmem:s19], [sflag:$0x3], $0x80, v4, vm0, $0xb8;
	[tilespmem:$0x8200] =	vst v63  }
0x61: {  	_ = 	snop  }
0x62: {  	[hbm4b:s7+s2] =	stream.indirect_vreg.scatter [tilespmem:s20], [sflag:$0x3], $0x80, v4, vm0, $0xb8;
	[tilespmem:$0x8200] =	vst v63  }
0x63: {  	_ = 	snop  }
0x64: {  	[hbm4b:s3+s2] =	stream.indirect_vreg.scatter [tilespmem:s21], [sflag:$0x3], $0x80, v3, vm0, $0xb8;
	[tilespmem:$0x8200] =	vst v63  }
0x65: {  	_ = 	snop  }
0x66: {  	[hbm4b:s7+s2] =	stream.indirect_vreg.scatter [tilespmem:s22], [sflag:$0x3], $0x80, v3, vm0, $0xb8;
	[tilespmem:$0x8200] =	vst v63  }
0x67: {  	_ =	swait.ge [sflag:s23], $0x4000  }
0x68: {  	[sflag:s23] =	ssyncset.done $0x0  }
0x69: {  	[sflag:s23] =	ssyncadd.s32 $0xFFFFC000  }
0x6a: {  	_ =	swait.ge [sflag:s23], $0x4000  }
0x6b: {  	[sflag:s23] =	ssyncset.done $0x0  }
0x6c: {  	[sflag:s23] =	ssyncadd.s32 $0xFFFFC000  }
0x6d: {  	_ =	swait.ge [sflag:s24], $0x4000  }
0x6e: {  	[sflag:s24] =	ssyncset.done $0x0  }
0x6f: {  	[sflag:s24] =	ssyncadd.s32 $0xFFFFC000  }
0x70: {  	v3 =	vld [tilespmem:$0x8080];
	_ =	sdelay $0x4  }
0x71: {  	v60 =	vshll.u32 v3, $0x2  }
0x72: {  	v3 =	vand.u32 $0x7, v3;
	v4 =	vand.u32 $0xFFFFFFE0, v60  }
0x73: {  	v3 =	vor.u32 v3, v4  }
0x74: {  	v4 =	vperm.xlane v3, v0;
	_ =	sdelay $0x1  }
0x75: {  	v4 =	vadd.s32 v1, v4;
	_ =	sdelay $0x1  }
0x76: {  	v3 =	vperm.xlane v3, v2;
	_ =	sdelay $0x1  }
0x77: {  	v3 =	vadd.s32 v1, v3  }
0x78: {  	[hbm4b:s3+s2] =	stream.indirect_vreg.scatter [tilespmem:s15], [sflag:$0x3], $0x80, v4, vm0, $0xb8;
	[tilespmem:$0x8200] =	vst v63  }
0x79: {  	_ = 	snop  }
0x7a: {  	[hbm4b:s7+s2] =	stream.indirect_vreg.scatter [tilespmem:s25], [sflag:$0x3], $0x80, v4, vm0, $0xb8;
	[tilespmem:$0x8200] =	vst v63  }
0x7b: {  	_ = 	snop  }
0x7c: {  	[hbm4b:s3+s2] =	stream.indirect_vreg.scatter [tilespmem:s26], [sflag:$0x3], $0x80, v3, vm0, $0xb8;
	[tilespmem:$0x8200] =	vst v63  }
0x7d: {  	_ = 	snop  }
0x7e: {  	[hbm4b:s7+s2] =	stream.indirect_vreg.scatter [tilespmem:s28], [sflag:$0x3], $0x80, v3, vm0, $0xb8;
	[tilespmem:$0x8200] =	vst v63  }
0x7f: {  	v3 =	vld [tilespmem:$0x8090];
	_ =	sdelay $0x4  }
0x80: {  	v61 =	vshll.u32 v3, $0x2  }
0x81: {  	v3 =	vand.u32 $0x7, v3;
	v4 =	vand.u32 $0xFFFFFFE0, v61  }
0x82: {  	v3 =	vor.u32 v3, v4  }
0x83: {  	v4 =	vperm.xlane v3, v0;
	_ =	sdelay $0x1  }
0x84: {  	v4 =	vadd.s32 v1, v4;
	_ =	sdelay $0x1  }
0x85: {  	v3 =	vperm.xlane v3, v2;
	_ =	sdelay $0x1  }
0x86: {  	v3 =	vadd.s32 v1, v3  }
0x87: {  	[hbm4b:s3+s2] =	stream.indirect_vreg.scatter [tilespmem:s29], [sflag:$0x3], $0x80, v4, vm0, $0xb8;
	[tilespmem:$0x8200] =	vst v63  }
0x88: {  	_ = 	snop  }
0x89: {  	[hbm4b:s7+s2] =	stream.indirect_vreg.scatter [tilespmem:s30], [sflag:$0x3], $0x80, v4, vm0, $0xb8;
	[tilespmem:$0x8200] =	vst v63  }
0x8a: {  	_ = 	snop  }
0x8b: {  	[hbm4b:s3+s2] =	stream.indirect_vreg.scatter [tilespmem:s31], [sflag:$0x3], $0x80, v3, vm0, $0xb8;
	[tilespmem:$0x8200] =	vst v63  }
0x8c: {  	_ = 	snop  }
0x8d: {  	[hbm4b:s7+s2] =	stream.indirect_vreg.scatter [tilespmem:s0], [sflag:$0x3], $0x80, v3, vm0, $0xb8;
	[tilespmem:$0x8200] =	vst v63  }
0x8e: {  	v3 =	vld [tilespmem:$0x8180];
	_ =	sdelay $0x4  }
0x8f: {  	v62 =	vshll.u32 v3, $0x2  }
0x90: {  	v3 =	vand.u32 $0x7, v3;
	v4 =	vand.u32 $0xFFFFFFE0, v62  }
0x91: {  	v3 =	vor.u32 v3, v4  }
0x92: {  	v4 =	vperm.xlane v3, v0;
	_ =	sdelay $0x1  }
0x93: {  	v4 =	vadd.s32 v1, v4;
	_ =	sdelay $0x1  }
0x94: {  	v3 =	vperm.xlane v3, v2;
	_ =	sdelay $0x1  }
0x95: {  	v3 =	vadd.s32 v1, v3  }
0x96: {  	[hbm4b:s3+s2] =	stream.indirect_vreg.scatter [tilespmem:s15], [sflag:$0x3], $0x80, v4, vm0, $0xb8;
	[tilespmem:$0x8200] =	vst v63  }
0x97: {  	_ = 	snop  }
0x98: {  	[hbm4b:s7+s2] =	stream.indirect_vreg.scatter [tilespmem:s25], [sflag:$0x3], $0x80, v4, vm0, $0xb8;
	[tilespmem:$0x8200] =	vst v63  }
0x99: {  	_ = 	snop  }
0x9a: {  	[hbm4b:s3+s2] =	stream.indirect_vreg.scatter [tilespmem:s26], [sflag:$0x3], $0x80, v3, vm0, $0xb8;
	[tilespmem:$0x8200] =	vst v63  }
0x9b: {  	_ = 	snop  }
0x9c: {  	[hbm4b:s7+s2] =	stream.indirect_vreg.scatter [tilespmem:s28], [sflag:$0x3], $0x80, v3, vm0, $0xb8;
	[tilespmem:$0x8200] =	vst v63  }
0x9d: {  	v3 =	vld [tilespmem:$0x8190];
	_ =	sdelay $0x4  }
0x9e: {  	v63 =	vshll.u32 v3, $0x2  }
0x9f: {  	v3 =	vand.u32 $0x7, v3;
	v4 =	vand.u32 $0xFFFFFFE0, v63  }
0xa0: {  	v3 =	vor.u32 v3, v4  }
0xa1: {  	v4 =	vperm.xlane v3, v0;
	_ =	sdelay $0x1  }
0xa2: {  	v4 =	vadd.s32 v1, v4;
	_ =	sdelay $0x1  }
0xa3: {  	v3 =	vperm.xlane v3, v2;
	_ =	sdelay $0x1  }
0xa4: {  	v3 =	vadd.s32 v1, v3  }
0xa5: {  	[hbm4b:s3+s2] =	stream.indirect_vreg.scatter [tilespmem:s29], [sflag:$0x3], $0x80, v4, vm0, $0xb8;
	[tilespmem:$0x8200] =	vst v63  }
0xa6: {  	_ = 	snop  }
0xa7: {  	[hbm4b:s7+s2] =	stream.indirect_vreg.scatter [tilespmem:s30], [sflag:$0x3], $0x80, v4, vm0, $0xb8;
	[tilespmem:$0x8200] =	vst v63  }
0xa8: {  	_ = 	snop  }
0xa9: {  	[hbm4b:s3+s2] =	stream.indirect_vreg.scatter [tilespmem:s31], [sflag:$0x3], $0x80, v3, vm0, $0xb8;
	[tilespmem:$0x8200] =	vst v63  }
0xaa: {  	_ = 	snop  }
0xab: {  	[hbm4b:s7+s2] =	stream.indirect_vreg.scatter [tilespmem:s0], [sflag:$0x3], $0x80, v3, vm0, $0xb8;
	[tilespmem:$0x8200] =	vst v63  }
0xac: {  	p0 =	sne.s32 s8, $0x1;
	_ =	swait.ge [sflag:s23], $0x4000  }
.Ltmp0:
0xad: {  	[sflag:s23] =	ssyncset.done $0x0;
	(pc) =	sbr.rel @p0 .LBB2_1-.Ltmp0, $4  }
0xae: {  	[sflag:s23] =	ssyncadd.s32 $0xFFFFC000  }
0xaf: {  	_ =	swait.ge [sflag:s23], $0x4000  }
0xb0: {  	[sflag:s23] =	ssyncset.done $0x0  }
0xb1: {  	s8 =	sadd.s32 $0xFFFFFFFF, s8;
	[sflag:s23] =	ssyncadd.s32 $0xFFFFC000  }
0xb2: {  	_ =	sfence.sel $0x180000  }
0xb3: {  	[bflag:$0x0] =	sbarrier.arrive $0xFFFF  }
0xb4: {  	_ =	strace $0x90000047  }
0xb5: {  	s0 =	stileid.u32;
	[bflag:$0x2] =	sbarrier.arrive $0xFFFF  }
0xb6: {  	p0 =	sne.s32 s0, $0x0;
	s0 =	rddreg [dreg:$0x2]  }
0xb7: {  	s0 =	sadd.s32 @!p0 $0x100000, s0  }
0xb8: {  	[sflag:s0] =	ssyncadd.tile.s32 @!p0 $0x1;
	_ =	shalt  }
.Lfunc_end2:
_tile_overlayer_lowered:
.L_overlay_start_2:
0xb9: {  	(tag) =	ssettag $0x2  }
0xba: {  	s0 =	rddreg [dreg:$0x0];
	s2 =	stileid.u32  }
0xbb: {  	s1 =	rddreg [dreg:$0x1];
	p0 =	sne.s32 s2, $0x0  }
0xbc: {  	s3 =	rddreg [dreg:$0x2];
	[bflag:$0x3] =	sbarrier.arrive $0xFFFF;
	s2 =	simm.s32 @!p0 $0x1C04  }
0xbd: {  	[timem:s3], [sflag:s2] =	dma.local @!p0 [hbm:s0], s1  }
0xbe: {  	s0 =	simm.s32 @!p0 $0x4  }
0xbf: {  	_ =	swait.ge @!p0 [sflag:s0], s1  }
0xc0: {  	s1 =	ssub.s32 @!p0 $0x0, s1;
	[sflag:s0] =	ssyncset.done @!p0 $0x0  }
0xc1: {  	[sflag:s0] =	ssyncadd.s32 @!p0 s1  }
0xc2: {  	[bflag:$0x3] =	sbarrier.arrive $0xFFFF  }
0xc3: {  	_ =	shalt  }

// kernel: kernel.9.cloned.1.call-start
scs
__scs_entry_jumppad:
0x0: {  	(pc) =	sbr.rel $0x88, $3  }
0x1: {  	(tag) =	ssettag $0x0;
	lr =	simm.s32 $0x1  }
0x2: {  	[smem:$0x3F9C] =	sst lr;
	_ =	strace $0xD0000000  }
0x3: {  	_ = 	snop  }
0x4: {  	_ = 	snop  }
0x5: {  	_ = 	snop  }
0x6: {  	_ = 	snop  }
0x7: {  	_ = 	snop  }
__scs_overlays_trampoline_lowered:
0x8: {  	[smem:$0x3FAB] =	sst s0  }
0x9: {  	[smem:$0x3FAC] =	sst s1  }
0xa: {  	[smem:$0x3FAD] =	sst s2  }
0xb: {  	[smem:$0x3FAE] =	sst s3  }
0xc: {  	[smem:$0x3FAF] =	sst s4  }
0xd: {  	[smem:$0x3FB0] =	sst s5  }
0xe: {  	[smem:$0x3FB1] =	sst s6  }
0xf: {  	[smem:$0x3FB2] =	sst s7  }
0x10: {  	[smem:$0x3FB3] =	sst s8  }
0x11: {  	[smem:$0x3FB4] =	sst s9;
	s0 =	simm.s32 @!p0 $0x0  }
0x12: {  	s1 =	sld [smem:$0x3F9A];
	s0 =	simm.s32 @p0 $0x1  }
0x13: {  	[smem:$0x3FB5] =	sst s0;
	s0 =	simm.s32 @!p1 $0x0  }
0x14: {  	s2 =	sld [smem:$0x3F99];
	s0 =	simm.s32 @p1 $0x1  }
0x15: {  	[smem:$0x3FB6] =	sst s0;
	s0 =	simm.s32 @!p2 $0x0  }
0x16: {  	s3 =	sld [smem:$0x3FDB];
	s0 =	simm.s32 @p2 $0x1  }
0x17: {  	s4 =	simm.s32 $0x1BF5;
	[smem:$0x3FB8] =	sst s0  }
0x18: {  	s0 =	sld [smem:$0x3F9B];
	_ =	swait.ge [sflag:s4], $0x0  }
0x19: {  	s7 =	sld [smem:$0x3F9C]  }
0x1a: {  	s8 =	sadd.s32 $0xFFFFE003, lr  }
0x1b: {  	s9 =	sadd.s32 $0xFFFFFEF7, lr;
	s5 =	simm.s32 $0xFFFFFFFF;
	p2 =	slt.u32 s8, $0xFFFFF086  }
0x1c: {  	p1 =	slt.u32 s9, $0xF7A;
	s5 =	simm.s32 @!p2 $0x0  }
0x1d: {  	s5 =	simm.s32 @p1 $0x1;
	p0 =	seq.s32 s7, s2  }
0x1e: {  	s7 =	smul.u32 @!p0 $0xF7A, s2;
	p2 =	seq.s32 @!p0 s5, $0x0  }
0x1f: {  	s9 =	smul.u32 $0xF7A, s1;
	s8 =	simm.s32 @!p0 $0x1BF5;
	p2 =	por !p2, p0  }
0x20: {  	[sflag:s8] =	ssyncset.s32 @!p0 $0xFFFFF086;
	s6 =	sadd.s32 @!p0 s3, s7;
	s7 =	simm.s32 @!p0 $0x108  }
0x21: {  	s3 =	sadd.s32 s3, s9;
	s6 =	sadd.s32 @!p0 $0x88, s6;
	s7 =	simm.s32 @p2 $0x1082  }
0x22: {  	[simem:s7], [sflag:s8] =	dma.local @!p0 [hbm:s6], $0xF7A  }
0x23: {  	s9 =	sor.u32 $0xD0000000, s2;
	s6 =	simm.s32 $0x108;
	_ =	swait.ge @!p0 [sflag:s8], $0x0  }
0x24: {  	s3 =	sadd.s32 $0x88, s3;
	s6 =	simm.s32 @!p1 $0x1082;
	[sflag:s4] =	ssyncset.s32 $0xFFFFF086  }
0x25: {  	[simem:s6], [sflag:s4] =	dma.local [hbm:s3], $0xF7A  }
0x26: {  	[smem:$0x3F9C] =	sst s1;
	(tag) =	ssettag s2;
	_ =	strace s9  }
0x27: {  	s1 =	sld [smem:$0x3FAC]  }
0x28: {  	s2 =	sld [smem:$0x3FAD]  }
0x29: {  	s4 =	sld [smem:$0x3FAF]  }
0x2a: {  	p0 =	seq.s32 s5, $0x0;
	s5 =	sld [smem:$0x3FB0]  }
0x2b: {  	s6 =	sld [smem:$0x3FB1]  }
0x2c: {  	s7 =	sld [smem:$0x3FB2]  }
0x2d: {  	s3 =	simm.s32 $0x108;
	s8 =	sld [smem:$0x3FB3]  }
0x2e: {  	s3 =	simm.s32 @!p0 $0x1082;
	s9 =	sld [smem:$0x3FB4]  }
0x2f: {  	lr =	sadd.s32 s0, s3;
	s0 =	sld [smem:$0x3FAB]  }
0x30: {  	s3 =	sld [smem:$0x3FAE]  }
0x31: {  	[smem:$0x3FB7] =	sst s10  }
0x32: {  	s10 =	sld [smem:$0x3FB5];
	_ =	sdelay $0x3  }
0x33: {  	p0 =	seq.s32 s10, $0x1;
	s10 =	sld [smem:$0x3FB7];
	_ =	sdelay $0x3  }
0x34: {  	[smem:$0x3FB7] =	sst s10  }
0x35: {  	s10 =	sld [smem:$0x3FB6];
	_ =	sdelay $0x3  }
0x36: {  	p1 =	seq.s32 s10, $0x1;
	s10 =	sld [smem:$0x3FB7];
	_ =	sdelay $0x3  }
0x37: {  	[smem:$0x3FB7] =	sst s10  }
0x38: {  	s10 =	sld [smem:$0x3FB8]  }
0x39: {  	_ = 	snop;
	(pc) =	sbr.ind lr, $3  }
0x3a: {  	_ = 	snop  }
0x3b: {  	_ = 	snop  }
0x3c: {  	p2 =	seq.s32 s10, $0x1;
	s10 =	sld [smem:$0x3FB7]  }
0x3d: {  	_ =	shalt  }
0x3e: {  	_ =	shalt  }
0x3f: {  	_ =	shalt  }
0x40: {  	_ =	shalt  }
0x41: {  	_ =	shalt  }
0x42: {  	_ =	shalt  }
0x43: {  	_ =	shalt  }
0x44: {  	_ =	shalt  }
0x45: {  	_ =	shalt  }
0x46: {  	_ =	shalt  }
0x47: {  	_ =	shalt  }
0x48: {  	_ =	shalt  }
0x49: {  	_ =	shalt  }
0x4a: {  	_ =	shalt  }
0x4b: {  	_ =	shalt  }
0x4c: {  	_ =	shalt  }
0x4d: {  	_ =	shalt  }
0x4e: {  	_ =	shalt  }
0x4f: {  	_ =	shalt  }
0x50: {  	_ =	shalt  }
0x51: {  	_ =	shalt  }
0x52: {  	_ =	shalt  }
0x53: {  	_ =	shalt  }
0x54: {  	_ =	shalt  }
0x55: {  	_ =	shalt  }
0x56: {  	_ =	shalt  }
0x57: {  	_ =	shalt  }
0x58: {  	_ =	shalt  }
0x59: {  	_ =	shalt  }
0x5a: {  	_ =	shalt  }
0x5b: {  	_ =	shalt  }
0x5c: {  	_ =	shalt  }
0x5d: {  	_ =	shalt  }
0x5e: {  	_ =	shalt  }
0x5f: {  	_ =	shalt  }
0x60: {  	_ =	shalt  }
0x61: {  	_ =	shalt  }
0x62: {  	_ =	shalt  }
0x63: {  	_ =	shalt  }
0x64: {  	_ =	shalt  }
0x65: {  	_ =	shalt  }
0x66: {  	_ =	shalt  }
0x67: {  	_ =	shalt  }
0x68: {  	_ =	shalt  }
0x69: {  	_ =	shalt  }
0x6a: {  	_ =	shalt  }
0x6b: {  	_ =	shalt  }
0x6c: {  	_ =	shalt  }
0x6d: {  	_ =	shalt  }
0x6e: {  	_ =	shalt  }
0x6f: {  	_ =	shalt  }
0x70: {  	_ =	shalt  }
0x71: {  	_ =	shalt  }
0x72: {  	_ =	shalt  }
0x73: {  	_ =	shalt  }
0x74: {  	_ =	shalt  }
0x75: {  	_ =	shalt  }
0x76: {  	_ =	shalt  }
0x77: {  	_ =	shalt  }
0x78: {  	_ =	shalt  }
0x79: {  	_ =	shalt  }
0x7a: {  	_ =	shalt  }
0x7b: {  	_ =	shalt  }
0x7c: {  	_ =	shalt  }
0x7d: {  	_ =	shalt  }
0x7e: {  	_ =	shalt  }
0x7f: {  	_ =	shalt  }
0x80: {  	_ =	shalt  }
0x81: {  	_ =	shalt  }
0x82: {  	_ =	shalt  }
0x83: {  	_ =	shalt  }
0x84: {  	_ =	shalt  }
0x85: {  	_ =	shalt  }
0x86: {  	_ =	shalt  }
0x87: {  	_ =	shalt  }
.Lfunc_end0:
.L_simem_size_0:
called_computation.1_lowered:
.L_overlay_start_0:
0x88: {  	s2 =	sld [smem:$0x3FD9]  }
0x89: {  	s3 =	sld [smem:$0x3FFE];
	_ =	sdelay $0x1  }
0x8a: {  	s1 =	srdreg.scid  }
0x8b: {  	s0 =	sand.u32 $0x1, s1  }
0x8c: {  	s17 =	sshll.u32 s0, $0xA;
	s2 =	sadd.s32 s3, s2  }
0x8d: {  	s2 =	sadd.s32 s2, s17  }
0x8e: {  	[smem:$0x3FC3] =	sst s2  }
0x8f: {  	_ = 	snop  }
0x90: {  	s2 =	sld [smem:$0x3FD0];
	(tm) =	ssettm $0x1  }
0x91: {  	s18 =	sld [smem:$0x3FFB];
	_ =	sdelay $0x3  }
0x92: {  	_ =	strace s18  }
0x93: {  	s3 =	sld [smem:$0x3FFC];
	_ =	sdelay $0x3  }
0x94: {  	_ =	strace s3  }
0x95: {  	s3 =	sld [smem:$0x3FFD];
	_ =	sdelay $0x3  }
0x96: {  	_ =	strace s3  }
0x97: {  	_ =	strace $0x8FFFFFFF  }
0x98: {  	s19 =	sld [smem:$0x3FDB];
	_ =	sdelay $0x1  }
0x99: {  	s4 =	simm.s32 $_scs_section_size  }
0x9a: {  	s5 =	simm.s32 $_size__tile_overlayer_lowered;
	s6 =	simm.s32 $_tile_overlayer_lowered  }
0x9b: {  	s22 =	simm.s32 $0x1BFF;
	s21 =	sshll.u32 s6, $0x1;
	s3 =	sadd.s32 s4, s19  }
0x9c: {  	s7 =	simm.s32 $0x0;
	s20 =	sshll.u32 s5, $0x1;
	s5 =	sadd.s32 s21, s3  }
0x9d: {  	[timem:s7], [sflag:s22] =	dma.local [hbm:s5], s20  }
0x9e: {  	_ =	swait.ge [sflag:s22], s20  }
0x9f: {  	s4 =	ssub.s32 $0x0, s20;
	[sflag:s22] =	ssyncset.done $0x0  }
0xa0: {  	[sflag:s22] =	ssyncadd.s32 s4;
	_ =	sdelay $0x1  }
0xa1: {  	s23 =	simm.s32 $0x1B8B  }
0xa2: {  	_ =	swait.ge [sflag:s23], $0x1  }
0xa3: {  	[sflag:s23] =	ssyncset.done $0x0  }
0xa4: {  	s25 =	simm.s32 $0x1B8E;
	s24 =	sld [smem:$0x3FFE];
	[sflag:s23] =	ssyncadd.s32 $0xFFFFFFFF  }
0xa5: {  	s26 =	simm.s32 $execute0_lowered;
	[smem:$0x3FD2] =	sst s25  }
0xa6: {  	s5 =	sshll.u32 s26, $0x1;
	_ =	strace $0x80000049;
	[dreg:$0x1] =	wrdreg $0xFFFFFFFF  }
0xa7: {  	s28 =	simm.s32 $_size_execute0_lowered;
	s3 =	sadd.s32 s3, s5;
	[dreg:$0x0] =	wrdreg $0x0  }
0xa8: {  	s5 =	sshll.u32 s28, $0x1;
	[dreg:$0x2] =	wrdreg s3  }
0xa9: {  	[dreg:$0x3] =	wrdreg s5  }
0xaa: {  	[dreg:$0x4] =	wrdreg $0xC0  }
0xab: {  	_ =	task [dreg:s7], $0x5FFFF  }
0xac: {  	[dreg:$0x1] =	wrdreg $0xFFFFFFFF  }
0xad: {  	[dreg:$0x0] =	wrdreg $0x60  }
0xae: {  	[dreg:$0x2] =	wrdreg s24  }
0xaf: {  	[dreg:$0x3] =	wrdreg s2  }
0xb0: {  	[dreg:$0x4] =	wrdreg $0x9  }
0xb1: {  	_ =	task.clear_ibuf [dreg:s7], $0x5FFFF;
	_ =	strace $0x90000049  }
0xb2: {  	s29 =	simm.s32 $0x9;
	_ =	strace $0x8000004B  }
0xb3: {  	_ =	swait.ge [sflag:s29], $0x1  }
0xb4: {  	[sflag:s29] =	ssyncadd.s32 $0xFFFFFFFF  }
0xb5: {  	_ =	strace $0x9000004B  }
0xb6: {  	_ =	sfence  }
0xb7: {  	s30 =	sld [smem:$0x0];
	_ =	sdelay $0x2  }
0xb8: {  	s31 =	sshll.u32 s1, $0xD;
	s1 =	sshrl.u32 s1, $0x2  }
0xb9: {  	s3 =	sand.u32 $0x4000, s31;
	s1 =	sadd.s32 s1, s30  }
0xba: {  	s0 =	sor.u32 s3, s0;
	s1 =	sshll.u32 s1, $0x11  }
0xbb: {  	s0 =	sor.u32 s1, s0  }
0xbc: {  	s0 =	sadd.s32 $0x8F2B, s0  }
0xbd: {  	[sflag:s0] =	ssyncadd.remote.s32 $0x1  }
0xbe: {  	_ =	sfence.sel $0xFFFF  }
0xbf: {  	[dreg:$0x0] =	wrdreg $0xFFFFFFFF;
	(pc) =	sbr.abs _section_cstart, $3  }
0xc0: {  	[dreg:$0x1] =	wrdreg $0xFFFFFFFF  }
0xc1: {  	_ =	task.clear_ibuf [dreg:s7], $0x2FFFF;
	_ =	strace $0x9FFFFFFF  }
0xc2: {  	(tm) =	ssettm $0x7FFFFFFF  }
0xc3: {  	_ =	shalt  }
tec
execute0_lowered:
.L_overlay_start_1:
0x0: {  	(tag) =	ssettag $0x1  }
0x1: {  	s0 =	rddreg [dreg:$0x0]  }
0x2: {  	s1 =	rddreg [dreg:$0x1];
	s2 =	srdreg.scid  }
0x3: {  	s4 =	stileid.u32;
	s17 =	simm.s32 $0x4;
	s28 =	simm.s32 $0x7000  }
0x4: {  	s29 =	simm.s32 $0xC000;
	s30 =	simm.s32 $0xD000;
	s31 =	simm.s32 $0xE000  }
0x5: {  	s16 =	simm.s32 $0xF800;
	s18 =	simm.s32 $0x10000;
	s19 =	simm.s32 $0x2  }
0x6: {  	s12 =	simm.s32 $0x3;
	s13 =	simm.s32 $0x0;
	s3 =	sand.u32 $0x1, s2  }
0x7: {  	s2 =	simm.s32 $0x0;
	s4 =	sshll.u32 s4, $0x7;
	s8 =	sadd.s32 $0x80900, s0  }
0x8: {  	s9 =	sadd.s32 $0x80A00, s0;
	s10 =	sadd.s32 $0x80B00, s0;
	s5 =	sshll.u32 s3, $0x6  }
0x9: {  	[smem:$0x7FF] =	sst s2;
	s6 =	ssub.s32 $0x2, s3;
	s3 =	sadd.s32 $0x80800, s0  }
0xa: {  	s5 =	sor.u32 s5, s4;
	_ =	strace $0x8000004A;
	s7 =	sshrl.u32 s6, $0x1  }
0xb: {  	s4 =	sshrl.u32 s5, $0x3;
	s6 =	ssub.s32 s6, s7;
	s5 =	sshll.u32 s5, $0x7  }
0xc: {  	s7 =	simm.s32 $0xD800;
	s4 =	sadd.s32 s0, s4;
	s26 =	smax.u32 s6, $0x1  }
0xd: {  	s11 =	sadd.s32 s1, s5;
	s20 =	sadd.s32 $0x200, s4;
	[dreg:$0x9] =	wrdreg s26  }
0xe: {  	s5 =	simm.s32 $0x7800;
	s21 =	sadd.s32 $0x80400, s4;
	[dreg:$0x3] =	wrdreg s20  }
0xf: {  	s6 =	simm.s32 $0xC800;
	s22 =	sadd.s32 $0x80600, s4;
	[dreg:$0x4] =	wrdreg s21  }
0x10: {  	s0 =	simm.s32 $0xE800;
	s23 =	sadd.s32 $0x800, s11;
	[dreg:$0x5] =	wrdreg s22  }
0x11: {  	v2 =	vlaneseq.u32;
	s1 =	simm.s32 $0xF000;
	s24 =	sadd.s32 $0x1000, s11;
	[dreg:$0x6] =	wrdreg s23  }
0x12: {  	vm0 =	vmmov $0xffff;
	v1 =	vshrl.u32 v2, $0x3;
	s25 =	sadd.s32 $0x1800, s11;
	s26 =	simm.s32 $0x6800;
	[dreg:$0x7] =	wrdreg s24  }
0x13: {  	v0 =	vand.u32 $0x7, v2;
	v2 =	vor.u32 $0x8, v2;
	v1 =	vmul.u32 $0x8, v1;
	[dreg:$0x8] =	wrdreg s25;
	s20 =	simm.s32 $0x1;
	s25 =	simm.s32 $0x6000  }
.LBB2_1:
0x14: {  	s14 =	simm.s32 $0x14000  }
0x15: {  	[tilespmem:s14], [sflag:$0x4] =	stream.linear.gather [hbm4b:s4+s2], $0x40, $0x38;
	[tilespmem:$0x14200] =	vst v63  }
0x16: {  	_ =	swait.ge [sflag:s17], $0x40  }
0x17: {  	[sflag:s17] =	ssyncset.done $0x0  }
0x18: {  	s15 =	simm.s32 $0x14080;
	s22 =	rddreg [dreg:$0x3];
	[sflag:s17] =	ssyncadd.s32 $0xFFFFFFC0  }
0x19: {  	[tilespmem:s15], [sflag:$0x4] =	stream.linear.gather [hbm4b:s22+s2], $0x40, $0x38;
	[tilespmem:$0x14200] =	vst v63  }
0x1a: {  	_ =	swait.ge [sflag:s17], $0x40  }
0x1b: {  	[sflag:s17] =	ssyncset.done $0x0  }
0x1c: {  	s24 =	simm.s32 $0x14100;
	s23 =	rddreg [dreg:$0x4];
	[sflag:s17] =	ssyncadd.s32 $0xFFFFFFC0  }
0x1d: {  	[tilespmem:s24], [sflag:$0x4] =	stream.linear.gather [hbm4b:s23+s2], $0x40, $0x38;
	[tilespmem:$0x14200] =	vst v63  }
0x1e: {  	_ =	swait.ge [sflag:s17], $0x40  }
0x1f: {  	[sflag:s17] =	ssyncset.done $0x0  }
0x20: {  	s22 =	simm.s32 $0x14180;
	s21 =	rddreg [dreg:$0x5];
	[sflag:s17] =	ssyncadd.s32 $0xFFFFFFC0  }
0x21: {  	[tilespmem:s22], [sflag:$0x4] =	stream.linear.gather [hbm4b:s21+s2], $0x40, $0x38;
	[tilespmem:$0x14200] =	vst v63  }
0x22: {  	_ =	swait.ge [sflag:s17], $0x40  }
0x23: {  	[sflag:s17] =	ssyncset.done $0x0  }
0x24: {  	[sflag:s17] =	ssyncadd.s32 $0xFFFFFFC0  }
0x25: {  	v3 =	vld [tilespmem:$0x14000];
	_ =	sdelay $0x4  }
0x26: {  	v4 =	vshll.u32 v3, $0x3  }
0x27: {  	v3 =	vand.u32 $0x7, v3;
	v4 =	vand.u32 $0xFFFFFFC0, v4  }
0x28: {  	v3 =	vor.u32 v3, v4  }
0x29: {  	v4 =	vperm.xlane v3, v0;
	_ =	sdelay $0x1  }
0x2a: {  	v4 =	vadd.s32 v1, v4;
	_ =	sdelay $0x4  }
0x2b: {  	[tilespmem:s2], [sflag:$0x1] =	stream.indirect_vreg.gather [hbm4b:s3+s2], $0x80, v4, vm0, $0xb8;
	[tilespmem:$0x14200] =	vst v63  }
0x2c: {  	s23 =	simm.s32 $0x800;
	v3 =	vperm.xlane v3, v2  }
0x2d: {  	[tilespmem:s23], [sflag:$0x1] =	stream.indirect_vreg.gather [hbm4b:s8+s2], $0x80, v4, vm0, $0xb8;
	[tilespmem:$0x14200] =	vst v63  }
0x2e: {  	s24 =	simm.s32 $0x1000;
	v3 =	vadd.s32 v1, v3  }
0x2f: {  	[tilespmem:s24], [sflag:$0x1] =	stream.indirect_vreg.gather [hbm4b:s9+s2], $0x80, v4, vm0, $0xb8;
	[tilespmem:$0x14200] =	vst v63  }
0x30: {  	s15 =	simm.s32 $0x1800  }
0x31: {  	[tilespmem:s15], [sflag:$0x1] =	stream.indirect_vreg.gather [hbm4b:s10+s2], $0x80, v4, vm0, $0xb8;
	[tilespmem:$0x14200] =	vst v63  }
0x32: {  	s21 =	simm.s32 $0x2000  }
0x33: {  	[tilespmem:s21], [sflag:$0x1] =	stream.indirect_vreg.gather [hbm4b:s3+s2], $0x80, v3, vm0, $0xb8;
	[tilespmem:$0x14200] =	vst v63  }
0x34: {  	s22 =	simm.s32 $0x2800  }
0x35: {  	[tilespmem:s22], [sflag:$0x1] =	stream.indirect_vreg.gather [hbm4b:s8+s2], $0x80, v3, vm0, $0xb8;
	[tilespmem:$0x14200] =	vst v63  }
0x36: {  	s23 =	simm.s32 $0x3000  }
0x37: {  	[tilespmem:s23], [sflag:$0x1] =	stream.indirect_vreg.gather [hbm4b:s9+s2], $0x80, v3, vm0, $0xb8;
	[tilespmem:$0x14200] =	vst v63  }
0x38: {  	s24 =	simm.s32 $0x3800  }
0x39: {  	[tilespmem:s24], [sflag:$0x1] =	stream.indirect_vreg.gather [hbm4b:s10+s2], $0x80, v3, vm0, $0xb8;
	[tilespmem:$0x14200] =	vst v63  }
0x3a: {  	v3 =	vld [tilespmem:$0x14080];
	_ =	sdelay $0x4  }
0x3b: {  	v4 =	vshll.u32 v3, $0x3  }
0x3c: {  	v3 =	vand.u32 $0x7, v3;
	v4 =	vand.u32 $0xFFFFFFC0, v4  }
0x3d: {  	v3 =	vor.u32 v3, v4  }
0x3e: {  	v4 =	vperm.xlane v3, v0;
	_ =	sdelay $0x1  }
0x3f: {  	v4 =	vadd.s32 v1, v4;
	_ =	sdelay $0x3  }
0x40: {  	s15 =	simm.s32 $0x8000  }
0x41: {  	[tilespmem:s15], [sflag:$0x1] =	stream.indirect_vreg.gather [hbm4b:s3+s2], $0x80, v4, vm0, $0xb8;
	[tilespmem:$0x14200] =	vst v63  }
0x42: {  	s21 =	simm.s32 $0x8800;
	v3 =	vperm.xlane v3, v2  }
0x43: {  	[tilespmem:s21], [sflag:$0x1] =	stream.indirect_vreg.gather [hbm4b:s8+s2], $0x80, v4, vm0, $0xb8;
	[tilespmem:$0x14200] =	vst v63  }
0x44: {  	s22 =	simm.s32 $0x9000;
	v3 =	vadd.s32 v1, v3  }
0x45: {  	[tilespmem:s22], [sflag:$0x1] =	stream.indirect_vreg.gather [hbm4b:s9+s2], $0x80, v4, vm0, $0xb8;
	[tilespmem:$0x14200] =	vst v63  }
0x46: {  	s23 =	simm.s32 $0x9800  }
0x47: {  	[tilespmem:s23], [sflag:$0x1] =	stream.indirect_vreg.gather [hbm4b:s10+s2], $0x80, v4, vm0, $0xb8;
	[tilespmem:$0x14200] =	vst v63  }
0x48: {  	s24 =	simm.s32 $0xA000  }
0x49: {  	[tilespmem:s24], [sflag:$0x1] =	stream.indirect_vreg.gather [hbm4b:s3+s2], $0x80, v3, vm0, $0xb8;
	[tilespmem:$0x14200] =	vst v63  }
0x4a: {  	s15 =	simm.s32 $0xA800  }
0x4b: {  	[tilespmem:s15], [sflag:$0x1] =	stream.indirect_vreg.gather [hbm4b:s8+s2], $0x80, v3, vm0, $0xb8;
	[tilespmem:$0x14200] =	vst v63  }
0x4c: {  	s21 =	simm.s32 $0xB000  }
0x4d: {  	[tilespmem:s21], [sflag:$0x1] =	stream.indirect_vreg.gather [hbm4b:s9+s2], $0x80, v3, vm0, $0xb8;
	[tilespmem:$0x14200] =	vst v63  }
0x4e: {  	s22 =	simm.s32 $0xB800  }
0x4f: {  	[tilespmem:s22], [sflag:$0x1] =	stream.indirect_vreg.gather [hbm4b:s10+s2], $0x80, v3, vm0, $0xb8;
	[tilespmem:$0x14200] =	vst v63  }
0x50: {  	_ =	swait.ge [sflag:s20], $0x4000  }
0x51: {  	[sflag:s20] =	ssyncset.done $0x0  }
0x52: {  	[sflag:s20] =	ssyncadd.s32 $0xFFFFC000  }
0x53: {  	_ =	swait.ge [sflag:s20], $0x4000  }
0x54: {  	[sflag:s20] =	ssyncset.done $0x0  }
0x55: {  	[sflag:s20] =	ssyncadd.s32 $0xFFFFC000  }
0x56: {  	v3 =	vld [tilespmem:$0x14010];
	_ =	sdelay $0x4  }
0x57: {  	v4 =	vshll.u32 v3, $0x3  }
0x58: {  	v3 =	vand.u32 $0x7, v3;
	v4 =	vand.u32 $0xFFFFFFC0, v4  }
0x59: {  	v3 =	vor.u32 v3, v4  }
0x5a: {  	v4 =	vperm.xlane v3, v0;
	_ =	sdelay $0x1  }
0x5b: {  	v4 =	vadd.s32 v1, v4;
	_ =	sdelay $0x3  }
0x5c: {  	s23 =	simm.s32 $0x4000  }
0x5d: {  	[tilespmem:s23], [sflag:$0x2] =	stream.indirect_vreg.gather [hbm4b:s3+s2], $0x80, v4, vm0, $0xb8;
	[tilespmem:$0x14200] =	vst v63  }
0x5e: {  	s24 =	simm.s32 $0x4800;
	v3 =	vperm.xlane v3, v2  }
0x5f: {  	[tilespmem:s24], [sflag:$0x2] =	stream.indirect_vreg.gather [hbm4b:s8+s2], $0x80, v4, vm0, $0xb8;
	[tilespmem:$0x14200] =	vst v63  }
0x60: {  	s15 =	simm.s32 $0x5000;
	v3 =	vadd.s32 v1, v3  }
0x61: {  	[tilespmem:s15], [sflag:$0x2] =	stream.indirect_vreg.gather [hbm4b:s9+s2], $0x80, v4, vm0, $0xb8;
	[tilespmem:$0x14200] =	vst v63  }
0x62: {  	s21 =	simm.s32 $0x5800  }
0x63: {  	[tilespmem:s21], [sflag:$0x2] =	stream.indirect_vreg.gather [hbm4b:s10+s2], $0x80, v4, vm0, $0xb8;
	[tilespmem:$0x14200] =	vst v63  }
0x64: {  	_ = 	snop  }
0x65: {  	[tilespmem:s25], [sflag:$0x2] =	stream.indirect_vreg.gather [hbm4b:s3+s2], $0x80, v3, vm0, $0xb8;
	[tilespmem:$0x14200] =	vst v63  }
0x66: {  	_ = 	snop  }
0x67: {  	[tilespmem:s26], [sflag:$0x2] =	stream.indirect_vreg.gather [hbm4b:s8+s2], $0x80, v3, vm0, $0xb8;
	[tilespmem:$0x14200] =	vst v63  }
0x68: {  	_ = 	snop  }
0x69: {  	[tilespmem:s28], [sflag:$0x2] =	stream.indirect_vreg.gather [hbm4b:s9+s2], $0x80, v3, vm0, $0xb8;
	[tilespmem:$0x14200] =	vst v63  }
0x6a: {  	_ = 	snop  }
0x6b: {  	[tilespmem:s5], [sflag:$0x2] =	stream.indirect_vreg.gather [hbm4b:s10+s2], $0x80, v3, vm0, $0xb8;
	[tilespmem:$0x14200] =	vst v63  }
0x6c: {  	v3 =	vld [tilespmem:$0x14090];
	_ =	sdelay $0x4  }
0x6d: {  	v4 =	vshll.u32 v3, $0x3  }
0x6e: {  	v3 =	vand.u32 $0x7, v3;
	v4 =	vand.u32 $0xFFFFFFC0, v4  }
0x6f: {  	v3 =	vor.u32 v3, v4  }
0x70: {  	v4 =	vperm.xlane v3, v0;
	_ =	sdelay $0x1  }
0x71: {  	v4 =	vadd.s32 v1, v4;
	_ =	sdelay $0x4  }
0x72: {  	[tilespmem:s29], [sflag:$0x2] =	stream.indirect_vreg.gather [hbm4b:s3+s2], $0x80, v4, vm0, $0xb8;
	[tilespmem:$0x14200] =	vst v63  }
0x73: {  	v3 =	vperm.xlane v3, v2  }
0x74: {  	[tilespmem:s6], [sflag:$0x2] =	stream.indirect_vreg.gather [hbm4b:s8+s2], $0x80, v4, vm0, $0xb8;
	[tilespmem:$0x14200] =	vst v63  }
0x75: {  	v3 =	vadd.s32 v1, v3  }
0x76: {  	[tilespmem:s30], [sflag:$0x2] =	stream.indirect_vreg.gather [hbm4b:s9+s2], $0x80, v4, vm0, $0xb8;
	[tilespmem:$0x14200] =	vst v63  }
0x77: {  	_ = 	snop  }
0x78: {  	[tilespmem:s7], [sflag:$0x2] =	stream.indirect_vreg.gather [hbm4b:s10+s2], $0x80, v4, vm0, $0xb8;
	[tilespmem:$0x14200] =	vst v63  }
0x79: {  	_ = 	snop  }
0x7a: {  	[tilespmem:s31], [sflag:$0x2] =	stream.indirect_vreg.gather [hbm4b:s3+s2], $0x80, v3, vm0, $0xb8;
	[tilespmem:$0x14200] =	vst v63  }
0x7b: {  	_ = 	snop  }
0x7c: {  	[tilespmem:s0], [sflag:$0x2] =	stream.indirect_vreg.gather [hbm4b:s8+s2], $0x80, v3, vm0, $0xb8;
	[tilespmem:$0x14200] =	vst v63  }
0x7d: {  	_ = 	snop  }
0x7e: {  	[tilespmem:s1], [sflag:$0x2] =	stream.indirect_vreg.gather [hbm4b:s9+s2], $0x80, v3, vm0, $0xb8;
	[tilespmem:$0x14200] =	vst v63  }
0x7f: {  	_ = 	snop  }
0x80: {  	[tilespmem:s16], [sflag:$0x2] =	stream.indirect_vreg.gather [hbm4b:s10+s2], $0x80, v3, vm0, $0xb8;
	[tilespmem:$0x14200] =	vst v63  }
0x81: {  	s22 =	sand.u32 $0x70, s2;
	s23 =	sand.u32 $0x1C00, s2;
	v17 =	vld [tilespmem:$0x14100]  }
0x82: {  	s21 =	sor.u32 s22, s23;
	v20 =	vld [tilespmem:$0x14180]  }
0x83: {  	v18 =	vld [tilespmem:s21+$0x200]  }
0x84: {  	v19 =	vld [tilespmem:s21+$0x8100]  }
0x85: {  	v21 =	vld [tilespmem:s21+$0x8300]  }
0x86: {  	v22 =	vld [tilespmem:s21+$0x8200]  }
0x87: {  	v23 =	vld [tilespmem:s21+$0x80]  }
0x88: {  	v24 =	vld [tilespmem:s21+$0x300];
	v3 =	vbroadcast v17, $0x0;
	v4 =	vbroadcast v17, $0x1  }
0x89: {  	v25 =	vld [tilespmem:s21+$0x100];
	v5 =	vbroadcast v17, $0x2;
	v6 =	vbroadcast v17, $0x3  }
0x8a: {  	v26 =	vld [tilespmem:s21+$0x8000];
	v7 =	vbroadcast v17, $0x4;
	v8 =	vbroadcast v17, $0x5  }
0x8b: {  	v27 =	vld [tilespmem:s21+$0x8080];
	v9 =	vbroadcast v17, $0x6;
	v10 =	vbroadcast v20, $0x0  }
0x8c: {  	v28 =	vld [tilespmem:s21+$0x180];
	v11 =	vbroadcast v20, $0x1;
	v12 =	vbroadcast v20, $0x2  }
0x8d: {  	v29 =	vld [tilespmem:s21+$0x0];
	v13 =	vbroadcast v20, $0x3;
	v14 =	vbroadcast v20, $0x6  }
0x8e: {  	v30 =	vld [tilespmem:s21+$0x8280];
	v15 =	vbroadcast v20, $0x4;
	v16 =	vbroadcast v20, $0x5  }
0x8f: {  	v31 =	vld [tilespmem:s21+$0x280];
	v21 =	vmul.f32 v21, v14;
	v24 =	vmul.f32 v24, v9  }
0x90: {  	v32 =	vld [tilespmem:s21+$0x8180];
	v19 =	vmul.f32 v19, v12;
	v25 =	vmul.f32 v25, v5  }
0x91: {  	v22 =	vmul.f32 v22, v15;
	v18 =	vmul.f32 v18, v7;
	v21 =	vadd.f32 v21, v24  }
0x92: {  	v23 =	vmul.f32 v23, v4;
	v24 =	vmul.f32 v27, v11;
	v19 =	vadd.f32 v19, v25  }
0x93: {  	v25 =	vmul.f32 v26, v10;
	v26 =	vmul.f32 v29, v3;
	v18 =	vadd.f32 v22, v18;
	[tilespmem:s21+$0x10300] =	vst v21  }
0x94: {  	v22 =	vmul.f32 v30, v16;
	v21 =	vadd.f32 v24, v23;
	[tilespmem:s21+$0x10100] =	vst v19;
	v19 =	vmul.f32 v31, v8  }
0x95: {  	v23 =	vmul.f32 v28, v6;
	v24 =	vadd.f32 v25, v26;
	v25 =	vmul.f32 v32, v13;
	[tilespmem:s21+$0x10200] =	vst v18  }
0x96: {  	[tilespmem:s21+$0x10080] =	vst v21;
	v18 =	vadd.f32 v22, v19  }
0x97: {  	v19 =	vadd.f32 v25, v23;
	[tilespmem:s21+$0x10000] =	vst v24  }
0x98: {  	s15 =	sor.u32 s2, s2;
	[tilespmem:s21+$0x10280] =	vst v18  }
0x99: {  	s24 =	sor.u32 $0x380, s15;
	[tilespmem:s21+$0x10180] =	vst v19  }
0x9a: {  	v18 =	vld [tilespmem:s24+$0x0]  }
0x9b: {  	v19 =	vld [tilespmem:s24+$0x8000];
	_ =	sdelay $0x2  }
0x9c: {  	v29 =	vbroadcast v17, $0x7;
	v31 =	vbroadcast v20, $0x7;
	_ =	sdelay $0x1  }
0x9d: {  	v22 =	vmul.f32 v18, v29;
	v23 =	vmul.f32 v19, v31  }
0x9e: {  	v34 =	vbroadcast v20, $0x8;
	v33 =	vbroadcast v20, $0xE  }
0x9f: {  	v30 =	vbroadcast v17, $0x8;
	v27 =	vbroadcast v17, $0xE;
	v22 =	vadd.f32 v23, v22  }
0xa0: {  	v26 =	vbroadcast v20, $0xB;
	v32 =	vbroadcast v20, $0xC  }
0xa1: {  	v28 =	vbroadcast v20, $0xD;
	v21 =	vbroadcast v17, $0xB;
	[tilespmem:s24+$0x10000] =	vst v22  }
0xa2: {  	v25 =	vbroadcast v17, $0xC;
	v24 =	vbroadcast v17, $0xD;
	v37 =	vld [tilespmem:s21+$0x2000]  }
0xa3: {  	v19 =	vbroadcast v17, $0x9;
	v18 =	vbroadcast v17, $0xA;
	v38 =	vld [tilespmem:s21+$0xA000]  }
0xa4: {  	v17 =	vbroadcast v17, $0xF;
	v23 =	vbroadcast v20, $0x9;
	v35 =	vld [tilespmem:s21+$0x2280]  }
0xa5: {  	s14 =	simm.s32 $0x10;
	s22 =	simm.s32 $0x0;
	v22 =	vbroadcast v20, $0xA;
	v20 =	vbroadcast v20, $0xF;
	v36 =	vld [tilespmem:s21+$0xA200]  }
.LBB2_2:
0xa6: {  	p0 =	sne.s32 s14, $0x3F0  }
0xa7: {  	v39 =	vld [tilespmem:s21+$0xA300];
	s22 =	sadd.s32 $0x80, s22;
	s23 =	smov.u32 s14;
	s14 =	sadd.s32 $0x10, s14  }
0xa8: {  	v40 =	vld [tilespmem:s21+$0x2300]  }
0xa9: {  	v37 =	vmul.f32 v37, v30;
	v38 =	vmul.f32 v38, v34;
	v41 =	vld [tilespmem:s21+$0xA280]  }
0xaa: {  	v42 =	vld [tilespmem:s21+$0x2200]  }
0xab: {  	v37 =	vadd.f32 v38, v37;
	v38 =	vld [tilespmem:s21+$0xA100]  }
0xac: {  	v43 =	vld [tilespmem:s21+$0xA180];
	v39 =	vmul.f32 v39, v33  }
0xad: {  	[tilespmem:s21+$0x12000] =	vst v37;
	v37 =	vld [tilespmem:s21+$0x2180];
	v40 =	vmul.f32 v40, v27  }
0xae: {  	v44 =	vld [tilespmem:s21+$0x2080]  }
0xaf: {  	v45 =	vld [tilespmem:s21+$0xA080];
	v39 =	vadd.f32 v39, v40  }
0xb0: {  	v36 =	vmul.f32 v36, v32;
	v42 =	vmul.f32 v42, v25;
	v40 =	vld [tilespmem:s21+$0x2100]  }
0xb1: {  	v35 =	vmul.f32 v35, v24;
	v41 =	vmul.f32 v41, v28;
	[tilespmem:s21+$0x12300] =	vst v39  }
0xb2: {  	v39 =	vmul.f32 v43, v26;
	v36 =	vadd.f32 v36, v42;
	v37 =	vmul.f32 v37, v21  }
0xb3: {  	v35 =	vadd.f32 v41, v35;
	v42 =	vmul.f32 v44, v19  }
0xb4: {  	v41 =	vmul.f32 v45, v23;
	v37 =	vadd.f32 v39, v37;
	[tilespmem:s21+$0x12200] =	vst v36  }
0xb5: {  	v38 =	vmul.f32 v38, v22;
	v36 =	vmul.f32 v40, v18;
	[tilespmem:s21+$0x12280] =	vst v35  }
0xb6: {  	v35 =	vadd.f32 v41, v42;
	[tilespmem:s21+$0x12180] =	vst v37  }
0xb7: {  	v36 =	vadd.f32 v38, v36  }
0xb8: {  	[tilespmem:s21+$0x12080] =	vst v35  }
0xb9: {  	s15 =	sor.u32 $0x2380, s15;
	[tilespmem:s21+$0x12100] =	vst v36  }
0xba: {  	v35 =	vld [tilespmem:s15+$0x0]  }
0xbb: {  	v36 =	vld [tilespmem:s15+$0x8000];
	_ =	sdelay $0x3  }
0xbc: {  	v35 =	vmul.f32 v35, v17  }
0xbd: {  	v36 =	vmul.f32 v36, v20;
	_ =	sdelay $0x1  }
0xbe: {  	v35 =	vadd.f32 v36, v35  }
0xbf: {  	s24 =	sand.u32 $0x1C00, s22;
	s21 =	sand.u32 $0x70, s23  }
0xc0: {  	s21 =	sor.u32 s21, s24;
	[tilespmem:s15+$0x10000] =	vst v35  }
0xc1: {  	v35 =	vld [tilespmem:s21+$0x200]  }
0xc2: {  	v36 =	vld [tilespmem:s21+$0x8100]  }
0xc3: {  	v37 =	vld [tilespmem:s21+$0x8300]  }
0xc4: {  	v38 =	vld [tilespmem:s21+$0x8200]  }
0xc5: {  	v39 =	vld [tilespmem:s21+$0x80]  }
0xc6: {  	v40 =	vld [tilespmem:s21+$0x300]  }
0xc7: {  	v41 =	vld [tilespmem:s21+$0x100]  }
0xc8: {  	v42 =	vld [tilespmem:s21+$0x8000]  }
0xc9: {  	v37 =	vmul.f32 v37, v14;
	v43 =	vld [tilespmem:s21+$0x8080]  }
0xca: {  	v36 =	vmul.f32 v36, v12;
	v44 =	vld [tilespmem:s21+$0x180]  }
0xcb: {  	v39 =	vmul.f32 v39, v4;
	v45 =	vld [tilespmem:s21+$0x0];
	v40 =	vmul.f32 v40, v9  }
0xcc: {  	v41 =	vmul.f32 v41, v5;
	v46 =	vld [tilespmem:s21+$0x8280]  }
0xcd: {  	v38 =	vmul.f32 v38, v15;
	v42 =	vmul.f32 v42, v10;
	v47 =	vld [tilespmem:s21+$0x8180];
	v37 =	vadd.f32 v37, v40  }
0xce: {  	v35 =	vmul.f32 v35, v7;
	v40 =	vmul.f32 v43, v11;
	v36 =	vadd.f32 v36, v41;
	v41 =	vld [tilespmem:s21+$0x280]  }
0xcf: {  	v43 =	vmul.f32 v44, v6  }
0xd0: {  	v35 =	vadd.f32 v38, v35;
	v44 =	vmul.f32 v45, v3;
	v39 =	vadd.f32 v40, v39;
	_ =	sdelay $0x1  }
0xd1: {  	v38 =	vadd.f32 v42, v44;
	v40 =	vmul.f32 v47, v13;
	[tilespmem:s21+$0x10300] =	vst v37  }
0xd2: {  	v37 =	vmul.f32 v46, v16;
	[tilespmem:s21+$0x10100] =	vst v36;
	v36 =	vmul.f32 v41, v8  }
0xd3: {  	v40 =	vadd.f32 v40, v43;
	[tilespmem:s21+$0x10200] =	vst v35  }
0xd4: {  	[tilespmem:s21+$0x10080] =	vst v39;
	v35 =	vadd.f32 v37, v36  }
0xd5: {  	[tilespmem:s21+$0x10000] =	vst v38  }
0xd6: {  	s15 =	sor.u32 s23, s22;
	[tilespmem:s21+$0x10280] =	vst v35  }
0xd7: {  	s23 =	sor.u32 $0x380, s15;
	[tilespmem:s21+$0x10180] =	vst v40  }
0xd8: {  	v35 =	vld [tilespmem:s23+$0x0]  }
0xd9: {  	v36 =	vld [tilespmem:s23+$0x8000];
	_ =	sdelay $0x4  }
0xda: {  	v35 =	vmul.f32 v35, v29;
	v36 =	vmul.f32 v36, v31;
	_ =	sdelay $0x1  }
0xdb: {  	v35 =	vadd.f32 v36, v35;
	_ =	sdelay $0x1  }
.Ltmp0:
0xdc: {  	[tilespmem:s23+$0x10000] =	vst v35;
	(pc) =	sbr.rel @p0 .LBB2_2-.Ltmp0, $4  }
0xdd: {  	v37 =	vld [tilespmem:s21+$0x2000]  }
0xde: {  	v38 =	vld [tilespmem:s21+$0xA000]  }
0xdf: {  	v35 =	vld [tilespmem:s21+$0x2280]  }
0xe0: {  	v36 =	vld [tilespmem:s21+$0xA200]  }
0xe1: {  	v3 =	vld [tilespmem:s21+$0xA300]  }
0xe2: {  	v4 =	vld [tilespmem:s21+$0x2300]  }
0xe3: {  	v7 =	vld [tilespmem:s21+$0xA280]  }
0xe4: {  	v8 =	vld [tilespmem:s21+$0x2200]  }
0xe5: {  	v9 =	vld [tilespmem:s21+$0xA180]  }
0xe6: {  	v10 =	vld [tilespmem:s21+$0x2080];
	v5 =	vmul.f32 v37, v30;
	v6 =	vmul.f32 v38, v34  }
0xe7: {  	v11 =	vld [tilespmem:s21+$0xA080]  }
0xe8: {  	v12 =	vld [tilespmem:s21+$0x2100];
	v5 =	vadd.f32 v6, v5  }
0xe9: {  	v6 =	vld [tilespmem:s21+$0xA100];
	v3 =	vmul.f32 v3, v33;
	v4 =	vmul.f32 v4, v27  }
0xea: {  	v13 =	vmul.f32 v36, v32;
	v8 =	vmul.f32 v8, v25;
	[tilespmem:s21+$0x12000] =	vst v5;
	v5 =	vld [tilespmem:s21+$0x2180]  }
0xeb: {  	v7 =	vmul.f32 v7, v28;
	v3 =	vadd.f32 v3, v4;
	v4 =	vmul.f32 v35, v24  }
0xec: {  	v8 =	vadd.f32 v13, v8  }
0xed: {  	[tilespmem:s21+$0x12300] =	vst v3;
	v3 =	vmul.f32 v10, v19;
	v4 =	vadd.f32 v7, v4;
	v7 =	vmul.f32 v11, v23  }
0xee: {  	[tilespmem:s21+$0x12200] =	vst v8;
	v8 =	vmul.f32 v12, v18;
	v6 =	vmul.f32 v6, v22  }
0xef: {  	v9 =	vmul.f32 v9, v26;
	v5 =	vmul.f32 v5, v21;
	v3 =	vadd.f32 v7, v3  }
0xf0: {  	[tilespmem:s21+$0x12280] =	vst v4;
	v4 =	vadd.f32 v6, v8  }
0xf1: {  	v5 =	vadd.f32 v9, v5;
	[tilespmem:s21+$0x12080] =	vst v3  }
0xf2: {  	[tilespmem:s21+$0x12100] =	vst v4  }
0xf3: {  	s14 =	sor.u32 $0x2380, s15;
	[tilespmem:s21+$0x12180] =	vst v5  }
0xf4: {  	v3 =	vld [tilespmem:s14+$0x0]  }
0xf5: {  	v4 =	vld [tilespmem:s14+$0x8000];
	_ =	sdelay $0x4  }
0xf6: {  	v3 =	vmul.f32 v3, v17;
	v4 =	vmul.f32 v4, v20;
	_ =	sdelay $0x1  }
0xf7: {  	v3 =	vadd.f32 v4, v3;
	_ =	sdelay $0x1  }
0xf8: {  	s21 =	simm.s32 $0x0;
	[tilespmem:s14+$0x10000] =	vst v3  }
0xf9: {  	[hbm4b:s11+s21] =	stream.linear.scatter [tilespmem:s18], [sflag:$0x3], $0x4000, $0x38;
	[tilespmem:$0x14200] =	vst v63  }
0xfa: {  	_ =	swait.ge [sflag:s19], $0x4000  }
0xfb: {  	[sflag:s19] =	ssyncset.done $0x0  }
0xfc: {  	[sflag:s19] =	ssyncadd.s32 $0xFFFFC000  }
0xfd: {  	_ =	swait.ge [sflag:s19], $0x4000  }
0xfe: {  	[sflag:s19] =	ssyncset.done $0x0  }
0xff: {  	[sflag:s19] =	ssyncadd.s32 $0xFFFFC000  }
0x100: {  	v3 =	vld [tilespmem:$0x14020];
	_ =	sdelay $0x4  }
0x101: {  	v4 =	vshll.u32 v3, $0x3  }
0x102: {  	v3 =	vand.u32 $0x7, v3;
	v4 =	vand.u32 $0xFFFFFFC0, v4  }
0x103: {  	v3 =	vor.u32 v3, v4  }
0x104: {  	v4 =	vperm.xlane v3, v0;
	_ =	sdelay $0x1  }
0x105: {  	v4 =	vadd.s32 v1, v4;
	_ =	sdelay $0x4  }
0x106: {  	[tilespmem:s21], [sflag:$0x1] =	stream.indirect_vreg.gather [hbm4b:s3+s21], $0x80, v4, vm0, $0xb8;
	[tilespmem:$0x14200] =	vst v63  }
0x107: {  	s24 =	simm.s32 $0x800;
	v3 =	vperm.xlane v3, v2  }
0x108: {  	[tilespmem:s24], [sflag:$0x1] =	stream.indirect_vreg.gather [hbm4b:s8+s21], $0x80, v4, vm0, $0xb8;
	[tilespmem:$0x14200] =	vst v63  }
0x109: {  	s15 =	simm.s32 $0x1000;
	v3 =	vadd.s32 v1, v3  }
0x10a: {  	[tilespmem:s15], [sflag:$0x1] =	stream.indirect_vreg.gather [hbm4b:s9+s21], $0x80, v4, vm0, $0xb8;
	[tilespmem:$0x14200] =	vst v63  }
0x10b: {  	s22 =	simm.s32 $0x1800  }
0x10c: {  	[tilespmem:s22], [sflag:$0x1] =	stream.indirect_vreg.gather [hbm4b:s10+s21], $0x80, v4, vm0, $0xb8;
	[tilespmem:$0x14200] =	vst v63  }
0x10d: {  	s23 =	simm.s32 $0x2000  }
0x10e: {  	[tilespmem:s23], [sflag:$0x1] =	stream.indirect_vreg.gather [hbm4b:s3+s21], $0x80, v3, vm0, $0xb8;
	[tilespmem:$0x14200] =	vst v63  }
0x10f: {  	s24 =	simm.s32 $0x2800  }
0x110: {  	[tilespmem:s24], [sflag:$0x1] =	stream.indirect_vreg.gather [hbm4b:s8+s21], $0x80, v3, vm0, $0xb8;
	[tilespmem:$0x14200] =	vst v63  }
0x111: {  	s15 =	simm.s32 $0x3000  }
0x112: {  	[tilespmem:s15], [sflag:$0x1] =	stream.indirect_vreg.gather [hbm4b:s9+s21], $0x80, v3, vm0, $0xb8;
	[tilespmem:$0x14200] =	vst v63  }
0x113: {  	s22 =	simm.s32 $0x3800  }
0x114: {  	[tilespmem:s22], [sflag:$0x1] =	stream.indirect_vreg.gather [hbm4b:s10+s21], $0x80, v3, vm0, $0xb8;
	[tilespmem:$0x14200] =	vst v63  }
0x115: {  	v3 =	vld [tilespmem:$0x140A0];
	_ =	sdelay $0x4  }
0x116: {  	v4 =	vshll.u32 v3, $0x3  }
0x117: {  	v3 =	vand.u32 $0x7, v3;
	v4 =	vand.u32 $0xFFFFFFC0, v4  }
0x118: {  	v3 =	vor.u32 v3, v4  }
0x119: {  	v4 =	vperm.xlane v3, v0;
	_ =	sdelay $0x1  }
0x11a: {  	v4 =	vadd.s32 v1, v4;
	_ =	sdelay $0x3  }
0x11b: {  	s23 =	simm.s32 $0x8000  }
0x11c: {  	[tilespmem:s23], [sflag:$0x1] =	stream.indirect_vreg.gather [hbm4b:s3+s21], $0x80, v4, vm0, $0xb8;
	[tilespmem:$0x14200] =	vst v63  }
0x11d: {  	s24 =	simm.s32 $0x8800;
	v3 =	vperm.xlane v3, v2  }
0x11e: {  	[tilespmem:s24], [sflag:$0x1] =	stream.indirect_vreg.gather [hbm4b:s8+s21], $0x80, v4, vm0, $0xb8;
	[tilespmem:$0x14200] =	vst v63  }
0x11f: {  	s15 =	simm.s32 $0x9000;
	v3 =	vadd.s32 v1, v3  }
0x120: {  	[tilespmem:s15], [sflag:$0x1] =	stream.indirect_vreg.gather [hbm4b:s9+s21], $0x80, v4, vm0, $0xb8;
	[tilespmem:$0x14200] =	vst v63  }
0x121: {  	s22 =	simm.s32 $0x9800  }
0x122: {  	[tilespmem:s22], [sflag:$0x1] =	stream.indirect_vreg.gather [hbm4b:s10+s21], $0x80, v4, vm0, $0xb8;
	[tilespmem:$0x14200] =	vst v63  }
0x123: {  	s23 =	simm.s32 $0xA000  }
0x124: {  	[tilespmem:s23], [sflag:$0x1] =	stream.indirect_vreg.gather [hbm4b:s3+s21], $0x80, v3, vm0, $0xb8;
	[tilespmem:$0x14200] =	vst v63  }
0x125: {  	s24 =	simm.s32 $0xA800  }
0x126: {  	[tilespmem:s24], [sflag:$0x1] =	stream.indirect_vreg.gather [hbm4b:s8+s21], $0x80, v3, vm0, $0xb8;
	[tilespmem:$0x14200] =	vst v63  }
0x127: {  	s15 =	simm.s32 $0xB000  }
0x128: {  	[tilespmem:s15], [sflag:$0x1] =	stream.indirect_vreg.gather [hbm4b:s9+s21], $0x80, v3, vm0, $0xb8;
	[tilespmem:$0x14200] =	vst v63  }
0x129: {  	s22 =	simm.s32 $0xB800  }
0x12a: {  	[tilespmem:s22], [sflag:$0x1] =	stream.indirect_vreg.gather [hbm4b:s10+s21], $0x80, v3, vm0, $0xb8;
	[tilespmem:$0x14200] =	vst v63  }
0x12b: {  	v17 =	vld [tilespmem:$0x14110]  }
0x12c: {  	v20 =	vld [tilespmem:$0x14190];
	_ =	swait.ge [sflag:s12], $0x4000  }
0x12d: {  	s23 =	sand.u32 $0x70, s21;
	s24 =	sand.u32 $0x1C00, s21;
	[sflag:s12] =	ssyncset.done $0x0  }
0x12e: {  	s14 =	sor.u32 s23, s24;
	[sflag:s12] =	ssyncadd.s32 $0xFFFFC000  }
0x12f: {  	v18 =	vld [tilespmem:s14+$0x4200]  }
0x130: {  	v19 =	vld [tilespmem:s14+$0xC100]  }
0x131: {  	v21 =	vld [tilespmem:s14+$0xC300]  }
0x132: {  	v22 =	vld [tilespmem:s14+$0xC200]  }
0x133: {  	v23 =	vld [tilespmem:s14+$0x4080]  }
0x134: {  	v24 =	vld [tilespmem:s14+$0x4300];
	v3 =	vbroadcast v17, $0x0;
	v4 =	vbroadcast v17, $0x1  }
0x135: {  	v25 =	vld [tilespmem:s14+$0x4100];
	v5 =	vbroadcast v17, $0x2;
	v6 =	vbroadcast v17, $0x3  }
0x136: {  	v26 =	vld [tilespmem:s14+$0xC000];
	v7 =	vbroadcast v17, $0x4;
	v8 =	vbroadcast v17, $0x5  }
0x137: {  	v27 =	vld [tilespmem:s14+$0xC080];
	v9 =	vbroadcast v17, $0x6;
	v10 =	vbroadcast v20, $0x0  }
0x138: {  	v28 =	vld [tilespmem:s14+$0x4180];
	v11 =	vbroadcast v20, $0x1;
	v12 =	vbroadcast v20, $0x2  }
0x139: {  	v29 =	vld [tilespmem:s14+$0x4000];
	v13 =	vbroadcast v20, $0x3;
	v14 =	vbroadcast v20, $0x6  }
0x13a: {  	v30 =	vld [tilespmem:s14+$0xC280];
	v15 =	vbroadcast v20, $0x4;
	v16 =	vbroadcast v20, $0x5  }
0x13b: {  	v31 =	vld [tilespmem:s14+$0x4280];
	v21 =	vmul.f32 v21, v14;
	v24 =	vmul.f32 v24, v9  }
0x13c: {  	v63 =	vld [tilespmem:s14+$0xC180];
	v19 =	vmul.f32 v19, v12;
	v25 =	vmul.f32 v25, v5  }
0x13d: {  	v22 =	vmul.f32 v22, v15;
	v18 =	vmul.f32 v18, v7;
	v21 =	vadd.f32 v21, v24  }
0x13e: {  	v23 =	vmul.f32 v23, v4;
	v24 =	vmul.f32 v27, v11;
	v19 =	vadd.f32 v19, v25  }
0x13f: {  	v25 =	vmul.f32 v26, v10;
	v26 =	vmul.f32 v29, v3;
	v18 =	vadd.f32 v22, v18;
	[tilespmem:s14+$0x10300] =	vst v21  }
0x140: {  	v22 =	vmul.f32 v30, v16;
	v21 =	vadd.f32 v24, v23;
	[tilespmem:s14+$0x10100] =	vst v19;
	v19 =	vmul.f32 v31, v8  }
0x141: {  	v23 =	vmul.f32 v28, v6;
	v24 =	vadd.f32 v25, v26;
	v25 =	vmul.f32 v63, v13;
	[tilespmem:s14+$0x10200] =	vst v18  }
0x142: {  	[tilespmem:s14+$0x10080] =	vst v21;
	v18 =	vadd.f32 v22, v19  }
0x143: {  	v19 =	vadd.f32 v25, v23;
	[tilespmem:s14+$0x10000] =	vst v24  }
0x144: {  	s15 =	sor.u32 s21, s21;
	[tilespmem:s14+$0x10280] =	vst v18  }
0x145: {  	s22 =	sor.u32 $0x380, s15;
	[tilespmem:s14+$0x10180] =	vst v19  }
0x146: {  	v18 =	vld [tilespmem:s22+$0x4000]  }
0x147: {  	v19 =	vld [tilespmem:s22+$0xC000];
	_ =	sdelay $0x2  }
0x148: {  	v29 =	vbroadcast v17, $0x7;
	v31 =	vbroadcast v20, $0x7;
	_ =	sdelay $0x1  }
0x149: {  	v22 =	vmul.f32 v18, v29;
	v23 =	vmul.f32 v19, v31  }
0x14a: {  	v34 =	vbroadcast v20, $0x8;
	v32 =	vbroadcast v20, $0xC  }
0x14b: {  	v33 =	vbroadcast v20, $0xE;
	v30 =	vbroadcast v17, $0x8;
	v22 =	vadd.f32 v23, v22  }
0x14c: {  	v27 =	vbroadcast v17, $0xE;
	v26 =	vbroadcast v20, $0xB  }
0x14d: {  	v28 =	vbroadcast v20, $0xD;
	v21 =	vbroadcast v17, $0xB;
	[tilespmem:s22+$0x10000] =	vst v22  }
0x14e: {  	v25 =	vbroadcast v17, $0xC;
	v24 =	vbroadcast v17, $0xD;
	v37 =	vld [tilespmem:s14+$0x6000]  }
0x14f: {  	v19 =	vbroadcast v17, $0x9;
	v18 =	vbroadcast v17, $0xA;
	v38 =	vld [tilespmem:s14+$0xE000]  }
0x150: {  	v17 =	vbroadcast v17, $0xF;
	v23 =	vbroadcast v20, $0x9;
	v35 =	vld [tilespmem:s14+$0x6280]  }
0x151: {  	v22 =	vbroadcast v20, $0xA;
	v20 =	vbroadcast v20, $0xF;
	s22 =	simm.s32 $0x10;
	v36 =	vld [tilespmem:s14+$0xE200]  }
.LBB2_4:
0x152: {  	p0 =	sne.s32 s22, $0x3F0  }
0x153: {  	v39 =	vld [tilespmem:s14+$0xE300];
	s21 =	sadd.s32 $0x80, s21;
	s23 =	smov.u32 s22;
	s22 =	sadd.s32 $0x10, s22  }
0x154: {  	v40 =	vld [tilespmem:s14+$0x6300]  }
0x155: {  	v37 =	vmul.f32 v37, v30;
	v38 =	vmul.f32 v38, v34;
	v41 =	vld [tilespmem:s14+$0xE280]  }
0x156: {  	v42 =	vld [tilespmem:s14+$0x6200]  }
0x157: {  	v37 =	vadd.f32 v38, v37;
	v38 =	vld [tilespmem:s14+$0xE100]  }
0x158: {  	v43 =	vld [tilespmem:s14+$0xE180];
	v39 =	vmul.f32 v39, v33  }
0x159: {  	[tilespmem:s14+$0x12000] =	vst v37;
	v37 =	vld [tilespmem:s14+$0x6180];
	v40 =	vmul.f32 v40, v27  }
0x15a: {  	v44 =	vld [tilespmem:s14+$0x6080]  }
0x15b: {  	v45 =	vld [tilespmem:s14+$0xE080];
	v39 =	vadd.f32 v39, v40  }
0x15c: {  	v36 =	vmul.f32 v36, v32;
	v42 =	vmul.f32 v42, v25;
	v40 =	vld [tilespmem:s14+$0x6100]  }
0x15d: {  	v35 =	vmul.f32 v35, v24;
	v41 =	vmul.f32 v41, v28;
	[tilespmem:s14+$0x12300] =	vst v39  }
0x15e: {  	v39 =	vmul.f32 v43, v26;
	v36 =	vadd.f32 v36, v42;
	v37 =	vmul.f32 v37, v21  }
0x15f: {  	v35 =	vadd.f32 v41, v35;
	v42 =	vmul.f32 v44, v19  }
0x160: {  	v41 =	vmul.f32 v45, v23;
	v37 =	vadd.f32 v39, v37;
	[tilespmem:s14+$0x12200] =	vst v36  }
0x161: {  	v38 =	vmul.f32 v38, v22;
	v36 =	vmul.f32 v40, v18;
	[tilespmem:s14+$0x12280] =	vst v35  }
0x162: {  	v35 =	vadd.f32 v41, v42;
	[tilespmem:s14+$0x12180] =	vst v37  }
0x163: {  	v36 =	vadd.f32 v38, v36  }
0x164: {  	[tilespmem:s14+$0x12080] =	vst v35  }
0x165: {  	s15 =	sor.u32 $0x2380, s15;
	[tilespmem:s14+$0x12100] =	vst v36  }
0x166: {  	v35 =	vld [tilespmem:s15+$0x4000]  }
0x167: {  	v36 =	vld [tilespmem:s15+$0xC000];
	_ =	sdelay $0x3  }
0x168: {  	v35 =	vmul.f32 v35, v17  }
0x169: {  	v36 =	vmul.f32 v36, v20;
	_ =	sdelay $0x1  }
0x16a: {  	v35 =	vadd.f32 v36, v35  }
0x16b: {  	s24 =	sand.u32 $0x1C00, s21;
	s14 =	sand.u32 $0x70, s23  }
0x16c: {  	s14 =	sor.u32 s14, s24;
	[tilespmem:s15+$0x10000] =	vst v35  }
0x16d: {  	v35 =	vld [tilespmem:s14+$0x4200]  }
0x16e: {  	v36 =	vld [tilespmem:s14+$0xC100]  }
0x16f: {  	v37 =	vld [tilespmem:s14+$0xC300]  }
0x170: {  	v38 =	vld [tilespmem:s14+$0xC200]  }
0x171: {  	v39 =	vld [tilespmem:s14+$0x4080]  }
0x172: {  	v40 =	vld [tilespmem:s14+$0x4300]  }
0x173: {  	v41 =	vld [tilespmem:s14+$0x4100]  }
0x174: {  	v42 =	vld [tilespmem:s14+$0xC000]  }
0x175: {  	v37 =	vmul.f32 v37, v14;
	v43 =	vld [tilespmem:s14+$0xC080]  }
0x176: {  	v36 =	vmul.f32 v36, v12;
	v44 =	vld [tilespmem:s14+$0x4180]  }
0x177: {  	v39 =	vmul.f32 v39, v4;
	v45 =	vld [tilespmem:s14+$0x4000];
	v40 =	vmul.f32 v40, v9  }
0x178: {  	v41 =	vmul.f32 v41, v5;
	v46 =	vld [tilespmem:s14+$0xC280]  }
0x179: {  	v38 =	vmul.f32 v38, v15;
	v42 =	vmul.f32 v42, v10;
	v47 =	vld [tilespmem:s14+$0xC180];
	v37 =	vadd.f32 v37, v40  }
0x17a: {  	v35 =	vmul.f32 v35, v7;
	v40 =	vmul.f32 v43, v11;
	v36 =	vadd.f32 v36, v41;
	v41 =	vld [tilespmem:s14+$0x4280]  }
0x17b: {  	v43 =	vmul.f32 v44, v6  }
0x17c: {  	v35 =	vadd.f32 v38, v35;
	v44 =	vmul.f32 v45, v3;
	v39 =	vadd.f32 v40, v39;
	_ =	sdelay $0x1  }
0x17d: {  	v38 =	vadd.f32 v42, v44;
	v40 =	vmul.f32 v47, v13;
	[tilespmem:s14+$0x10300] =	vst v37  }
0x17e: {  	v37 =	vmul.f32 v46, v16;
	[tilespmem:s14+$0x10100] =	vst v36;
	v36 =	vmul.f32 v41, v8  }
0x17f: {  	v40 =	vadd.f32 v40, v43;
	[tilespmem:s14+$0x10200] =	vst v35  }
0x180: {  	[tilespmem:s14+$0x10080] =	vst v39;
	v35 =	vadd.f32 v37, v36  }
0x181: {  	[tilespmem:s14+$0x10000] =	vst v38  }
0x182: {  	s15 =	sor.u32 s23, s21;
	[tilespmem:s14+$0x10280] =	vst v35  }
0x183: {  	s23 =	sor.u32 $0x380, s15;
	[tilespmem:s14+$0x10180] =	vst v40  }
0x184: {  	v35 =	vld [tilespmem:s23+$0x4000]  }
0x185: {  	v36 =	vld [tilespmem:s23+$0xC000];
	_ =	sdelay $0x4  }
0x186: {  	v35 =	vmul.f32 v35, v29;
	v36 =	vmul.f32 v36, v31;
	_ =	sdelay $0x1  }
0x187: {  	v35 =	vadd.f32 v36, v35;
	_ =	sdelay $0x1  }
.Ltmp1:
0x188: {  	[tilespmem:s23+$0x10000] =	vst v35;
	(pc) =	sbr.rel @p0 .LBB2_4-.Ltmp1, $4  }
0x189: {  	v37 =	vld [tilespmem:s14+$0x6000]  }
0x18a: {  	v38 =	vld [tilespmem:s14+$0xE000]  }
0x18b: {  	v35 =	vld [tilespmem:s14+$0x6280]  }
0x18c: {  	v36 =	vld [tilespmem:s14+$0xE200]  }
0x18d: {  	v3 =	vld [tilespmem:s14+$0xE300]  }
0x18e: {  	v4 =	vld [tilespmem:s14+$0x6300]  }
0x18f: {  	v7 =	vld [tilespmem:s14+$0xE280]  }
0x190: {  	v8 =	vld [tilespmem:s14+$0x6200]  }
0x191: {  	v9 =	vld [tilespmem:s14+$0xE180]  }
0x192: {  	v10 =	vld [tilespmem:s14+$0x6080];
	v5 =	vmul.f32 v37, v30;
	v6 =	vmul.f32 v38, v34  }
0x193: {  	v11 =	vld [tilespmem:s14+$0xE080]  }
0x194: {  	v12 =	vld [tilespmem:s14+$0x6100];
	v5 =	vadd.f32 v6, v5  }
0x195: {  	v6 =	vld [tilespmem:s14+$0xE100];
	v3 =	vmul.f32 v3, v33;
	v4 =	vmul.f32 v4, v27  }
0x196: {  	v13 =	vmul.f32 v36, v32;
	v8 =	vmul.f32 v8, v25;
	[tilespmem:s14+$0x12000] =	vst v5;
	v5 =	vld [tilespmem:s14+$0x6180]  }
0x197: {  	v7 =	vmul.f32 v7, v28;
	v3 =	vadd.f32 v3, v4;
	v4 =	vmul.f32 v35, v24  }
0x198: {  	v8 =	vadd.f32 v13, v8  }
0x199: {  	[tilespmem:s14+$0x12300] =	vst v3;
	v3 =	vmul.f32 v10, v19;
	v4 =	vadd.f32 v7, v4;
	v7 =	vmul.f32 v11, v23  }
0x19a: {  	[tilespmem:s14+$0x12200] =	vst v8;
	v8 =	vmul.f32 v12, v18;
	v6 =	vmul.f32 v6, v22  }
0x19b: {  	v9 =	vmul.f32 v9, v26;
	v5 =	vmul.f32 v5, v21;
	v3 =	vadd.f32 v7, v3  }
0x19c: {  	[tilespmem:s14+$0x12280] =	vst v4;
	v4 =	vadd.f32 v6, v8  }
0x19d: {  	v5 =	vadd.f32 v9, v5;
	[tilespmem:s14+$0x12080] =	vst v3  }
0x19e: {  	[tilespmem:s14+$0x12100] =	vst v4  }
0x19f: {  	s21 =	sor.u32 $0x2380, s15;
	[tilespmem:s14+$0x12180] =	vst v5  }
0x1a0: {  	v3 =	vld [tilespmem:s21+$0x4000]  }
0x1a1: {  	v4 =	vld [tilespmem:s21+$0xC000];
	_ =	sdelay $0x4  }
0x1a2: {  	v3 =	vmul.f32 v3, v17;
	v4 =	vmul.f32 v4, v20;
	_ =	sdelay $0x1  }
0x1a3: {  	v3 =	vadd.f32 v4, v3;
	_ =	sdelay $0x1  }
0x1a4: {  	s22 =	rddreg [dreg:$0x6];
	[tilespmem:s21+$0x10000] =	vst v3;
	s21 =	simm.s32 $0x0  }
0x1a5: {  	[hbm4b:s22+s21] =	stream.linear.scatter [tilespmem:s18], [sflag:$0x3], $0x4000, $0x38;
	[tilespmem:$0x14200] =	vst v63  }
0x1a6: {  	_ =	swait.ge [sflag:s20], $0x4000  }
0x1a7: {  	[sflag:s20] =	ssyncset.done $0x0  }
0x1a8: {  	[sflag:s20] =	ssyncadd.s32 $0xFFFFC000  }
0x1a9: {  	_ =	swait.ge [sflag:s20], $0x4000  }
0x1aa: {  	[sflag:s20] =	ssyncset.done $0x0  }
0x1ab: {  	[sflag:s20] =	ssyncadd.s32 $0xFFFFC000  }
0x1ac: {  	v3 =	vld [tilespmem:$0x14030];
	_ =	sdelay $0x4  }
0x1ad: {  	v4 =	vshll.u32 v3, $0x3  }
0x1ae: {  	v3 =	vand.u32 $0x7, v3;
	v4 =	vand.u32 $0xFFFFFFC0, v4  }
0x1af: {  	v3 =	vor.u32 v3, v4  }
0x1b0: {  	v4 =	vperm.xlane v3, v0;
	_ =	sdelay $0x1  }
0x1b1: {  	v4 =	vadd.s32 v1, v4;
	_ =	sdelay $0x3  }
0x1b2: {  	s23 =	simm.s32 $0x4000  }
0x1b3: {  	[tilespmem:s23], [sflag:$0x2] =	stream.indirect_vreg.gather [hbm4b:s3+s21], $0x80, v4, vm0, $0xb8;
	[tilespmem:$0x14200] =	vst v63  }
0x1b4: {  	s24 =	simm.s32 $0x4800;
	v3 =	vperm.xlane v3, v2  }
0x1b5: {  	[tilespmem:s24], [sflag:$0x2] =	stream.indirect_vreg.gather [hbm4b:s8+s21], $0x80, v4, vm0, $0xb8;
	[tilespmem:$0x14200] =	vst v63  }
0x1b6: {  	s15 =	simm.s32 $0x5000;
	v3 =	vadd.s32 v1, v3  }
0x1b7: {  	[tilespmem:s15], [sflag:$0x2] =	stream.indirect_vreg.gather [hbm4b:s9+s21], $0x80, v4, vm0, $0xb8;
	[tilespmem:$0x14200] =	vst v63  }
0x1b8: {  	s22 =	simm.s32 $0x5800  }
0x1b9: {  	[tilespmem:s22], [sflag:$0x2] =	stream.indirect_vreg.gather [hbm4b:s10+s21], $0x80, v4, vm0, $0xb8;
	[tilespmem:$0x14200] =	vst v63  }
0x1ba: {  	_ = 	snop  }
0x1bb: {  	[tilespmem:s25], [sflag:$0x2] =	stream.indirect_vreg.gather [hbm4b:s3+s21], $0x80, v3, vm0, $0xb8;
	[tilespmem:$0x14200] =	vst v63  }
0x1bc: {  	_ = 	snop  }
0x1bd: {  	[tilespmem:s26], [sflag:$0x2] =	stream.indirect_vreg.gather [hbm4b:s8+s21], $0x80, v3, vm0, $0xb8;
	[tilespmem:$0x14200] =	vst v63  }
0x1be: {  	_ = 	snop  }
0x1bf: {  	[tilespmem:s28], [sflag:$0x2] =	stream.indirect_vreg.gather [hbm4b:s9+s21], $0x80, v3, vm0, $0xb8;
	[tilespmem:$0x14200] =	vst v63  }
0x1c0: {  	_ = 	snop  }
0x1c1: {  	[tilespmem:s5], [sflag:$0x2] =	stream.indirect_vreg.gather [hbm4b:s10+s21], $0x80, v3, vm0, $0xb8;
	[tilespmem:$0x14200] =	vst v63  }
0x1c2: {  	v3 =	vld [tilespmem:$0x140B0];
	_ =	sdelay $0x4  }
0x1c3: {  	v4 =	vshll.u32 v3, $0x3  }
0x1c4: {  	v3 =	vand.u32 $0x7, v3;
	v4 =	vand.u32 $0xFFFFFFC0, v4  }
0x1c5: {  	v3 =	vor.u32 v3, v4  }
0x1c6: {  	v4 =	vperm.xlane v3, v0;
	_ =	sdelay $0x1  }
0x1c7: {  	v4 =	vadd.s32 v1, v4;
	_ =	sdelay $0x4  }
0x1c8: {  	[tilespmem:s29], [sflag:$0x2] =	stream.indirect_vreg.gather [hbm4b:s3+s21], $0x80, v4, vm0, $0xb8;
	[tilespmem:$0x14200] =	vst v63  }
0x1c9: {  	v3 =	vperm.xlane v3, v2  }
0x1ca: {  	[tilespmem:s6], [sflag:$0x2] =	stream.indirect_vreg.gather [hbm4b:s8+s21], $0x80, v4, vm0, $0xb8;
	[tilespmem:$0x14200] =	vst v63  }
0x1cb: {  	v3 =	vadd.s32 v1, v3  }
0x1cc: {  	[tilespmem:s30], [sflag:$0x2] =	stream.indirect_vreg.gather [hbm4b:s9+s21], $0x80, v4, vm0, $0xb8;
	[tilespmem:$0x14200] =	vst v63  }
0x1cd: {  	_ = 	snop  }
0x1ce: {  	[tilespmem:s7], [sflag:$0x2] =	stream.indirect_vreg.gather [hbm4b:s10+s21], $0x80, v4, vm0, $0xb8;
	[tilespmem:$0x14200] =	vst v63  }
0x1cf: {  	_ = 	snop  }
0x1d0: {  	[tilespmem:s31], [sflag:$0x2] =	stream.indirect_vreg.gather [hbm4b:s3+s21], $0x80, v3, vm0, $0xb8;
	[tilespmem:$0x14200] =	vst v63  }
0x1d1: {  	_ = 	snop  }
0x1d2: {  	[tilespmem:s0], [sflag:$0x2] =	stream.indirect_vreg.gather [hbm4b:s8+s21], $0x80, v3, vm0, $0xb8;
	[tilespmem:$0x14200] =	vst v63  }
0x1d3: {  	_ = 	snop  }
0x1d4: {  	[tilespmem:s1], [sflag:$0x2] =	stream.indirect_vreg.gather [hbm4b:s9+s21], $0x80, v3, vm0, $0xb8;
	[tilespmem:$0x14200] =	vst v63  }
0x1d5: {  	_ = 	snop  }
0x1d6: {  	[tilespmem:s16], [sflag:$0x2] =	stream.indirect_vreg.gather [hbm4b:s10+s21], $0x80, v3, vm0, $0xb8;
	[tilespmem:$0x14200] =	vst v63  }
0x1d7: {  	v17 =	vld [tilespmem:$0x14120]  }
0x1d8: {  	v20 =	vld [tilespmem:$0x141A0];
	_ =	swait.ge [sflag:s12], $0x4000  }
0x1d9: {  	s23 =	sand.u32 $0x70, s21;
	s24 =	sand.u32 $0x1C00, s21;
	[sflag:s12] =	ssyncset.done $0x0  }
0x1da: {  	s14 =	sor.u32 s23, s24;
	[sflag:s12] =	ssyncadd.s32 $0xFFFFC000  }
0x1db: {  	v18 =	vld [tilespmem:s14+$0x200]  }
0x1dc: {  	v19 =	vld [tilespmem:s14+$0x8100]  }
0x1dd: {  	v21 =	vld [tilespmem:s14+$0x8300]  }
0x1de: {  	v22 =	vld [tilespmem:s14+$0x8200]  }
0x1df: {  	v23 =	vld [tilespmem:s14+$0x80]  }
0x1e0: {  	v24 =	vld [tilespmem:s14+$0x300];
	v3 =	vbroadcast v17, $0x0;
	v4 =	vbroadcast v17, $0x1  }
0x1e1: {  	v25 =	vld [tilespmem:s14+$0x100];
	v5 =	vbroadcast v17, $0x2;
	v6 =	vbroadcast v17, $0x3  }
0x1e2: {  	v26 =	vld [tilespmem:s14+$0x8000];
	v7 =	vbroadcast v17, $0x4;
	v8 =	vbroadcast v17, $0x5  }
0x1e3: {  	v27 =	vld [tilespmem:s14+$0x8080];
	v9 =	vbroadcast v17, $0x6;
	v10 =	vbroadcast v20, $0x0  }
0x1e4: {  	v28 =	vld [tilespmem:s14+$0x180];
	v11 =	vbroadcast v20, $0x1;
	v12 =	vbroadcast v20, $0x2  }
0x1e5: {  	v29 =	vld [tilespmem:s14+$0x0];
	v13 =	vbroadcast v20, $0x3;
	v14 =	vbroadcast v20, $0x6  }
0x1e6: {  	v30 =	vld [tilespmem:s14+$0x8280];
	v15 =	vbroadcast v20, $0x4;
	v16 =	vbroadcast v20, $0x5  }
0x1e7: {  	v31 =	vld [tilespmem:s14+$0x280];
	v21 =	vmul.f32 v21, v14;
	v24 =	vmul.f32 v24, v9  }
0x1e8: {  	v63 =	vld [tilespmem:s14+$0x8180];
	v19 =	vmul.f32 v19, v12;
	v25 =	vmul.f32 v25, v5  }
0x1e9: {  	v22 =	vmul.f32 v22, v15;
	v18 =	vmul.f32 v18, v7;
	v21 =	vadd.f32 v21, v24  }
0x1ea: {  	v23 =	vmul.f32 v23, v4;
	v24 =	vmul.f32 v27, v11;
	v19 =	vadd.f32 v19, v25  }
0x1eb: {  	v25 =	vmul.f32 v26, v10;
	v26 =	vmul.f32 v29, v3;
	v18 =	vadd.f32 v22, v18;
	[tilespmem:s14+$0x10300] =	vst v21  }
0x1ec: {  	v22 =	vmul.f32 v30, v16;
	v21 =	vadd.f32 v24, v23;
	[tilespmem:s14+$0x10100] =	vst v19;
	v19 =	vmul.f32 v31, v8  }
0x1ed: {  	v23 =	vmul.f32 v28, v6;
	v24 =	vadd.f32 v25, v26;
	v25 =	vmul.f32 v63, v13;
	[tilespmem:s14+$0x10200] =	vst v18  }
0x1ee: {  	[tilespmem:s14+$0x10080] =	vst v21;
	v18 =	vadd.f32 v22, v19  }
0x1ef: {  	v19 =	vadd.f32 v25, v23;
	[tilespmem:s14+$0x10000] =	vst v24  }
0x1f0: {  	s15 =	sor.u32 s21, s21;
	[tilespmem:s14+$0x10280] =	vst v18  }
0x1f1: {  	s22 =	sor.u32 $0x380, s15;
	[tilespmem:s14+$0x10180] =	vst v19  }
0x1f2: {  	v18 =	vld [tilespmem:s22+$0x0]  }
0x1f3: {  	v19 =	vld [tilespmem:s22+$0x8000];
	_ =	sdelay $0x2  }
0x1f4: {  	v29 =	vbroadcast v17, $0x7;
	v31 =	vbroadcast v20, $0x7;
	_ =	sdelay $0x1  }
0x1f5: {  	v22 =	vmul.f32 v18, v29;
	v23 =	vmul.f32 v19, v31  }
0x1f6: {  	v34 =	vbroadcast v20, $0x8;
	v32 =	vbroadcast v20, $0xC  }
0x1f7: {  	v33 =	vbroadcast v20, $0xE;
	v30 =	vbroadcast v17, $0x8;
	v22 =	vadd.f32 v23, v22  }
0x1f8: {  	v27 =	vbroadcast v17, $0xE;
	v26 =	vbroadcast v20, $0xB  }
0x1f9: {  	v28 =	vbroadcast v20, $0xD;
	v21 =	vbroadcast v17, $0xB;
	[tilespmem:s22+$0x10000] =	vst v22  }
0x1fa: {  	v25 =	vbroadcast v17, $0xC;
	v24 =	vbroadcast v17, $0xD;
	v37 =	vld [tilespmem:s14+$0x2000]  }
0x1fb: {  	v19 =	vbroadcast v17, $0x9;
	v18 =	vbroadcast v17, $0xA;
	v38 =	vld [tilespmem:s14+$0xA000]  }
0x1fc: {  	v17 =	vbroadcast v17, $0xF;
	v23 =	vbroadcast v20, $0x9;
	v35 =	vld [tilespmem:s14+$0x2280]  }
0x1fd: {  	v22 =	vbroadcast v20, $0xA;
	v20 =	vbroadcast v20, $0xF;
	s22 =	simm.s32 $0x10;
	v36 =	vld [tilespmem:s14+$0xA200]  }
.LBB2_6:
0x1fe: {  	p0 =	sne.s32 s22, $0x3F0  }
0x1ff: {  	v39 =	vld [tilespmem:s14+$0xA300];
	s21 =	sadd.s32 $0x80, s21;
	s23 =	smov.u32 s22;
	s22 =	sadd.s32 $0x10, s22  }
0x200: {  	v40 =	vld [tilespmem:s14+$0x2300]  }
0x201: {  	v37 =	vmul.f32 v37, v30;
	v38 =	vmul.f32 v38, v34;
	v41 =	vld [tilespmem:s14+$0xA280]  }
0x202: {  	v42 =	vld [tilespmem:s14+$0x2200]  }
0x203: {  	v37 =	vadd.f32 v38, v37;
	v38 =	vld [tilespmem:s14+$0xA100]  }
0x204: {  	v43 =	vld [tilespmem:s14+$0xA180];
	v39 =	vmul.f32 v39, v33  }
0x205: {  	[tilespmem:s14+$0x12000] =	vst v37;
	v37 =	vld [tilespmem:s14+$0x2180];
	v40 =	vmul.f32 v40, v27  }
0x206: {  	v44 =	vld [tilespmem:s14+$0x2080]  }
0x207: {  	v45 =	vld [tilespmem:s14+$0xA080];
	v39 =	vadd.f32 v39, v40  }
0x208: {  	v36 =	vmul.f32 v36, v32;
	v42 =	vmul.f32 v42, v25;
	v40 =	vld [tilespmem:s14+$0x2100]  }
0x209: {  	v35 =	vmul.f32 v35, v24;
	v41 =	vmul.f32 v41, v28;
	[tilespmem:s14+$0x12300] =	vst v39  }
0x20a: {  	v39 =	vmul.f32 v43, v26;
	v36 =	vadd.f32 v36, v42;
	v37 =	vmul.f32 v37, v21  }
0x20b: {  	v35 =	vadd.f32 v41, v35;
	v42 =	vmul.f32 v44, v19  }
0x20c: {  	v41 =	vmul.f32 v45, v23;
	v37 =	vadd.f32 v39, v37;
	[tilespmem:s14+$0x12200] =	vst v36  }
0x20d: {  	v38 =	vmul.f32 v38, v22;
	v36 =	vmul.f32 v40, v18;
	[tilespmem:s14+$0x12280] =	vst v35  }
0x20e: {  	v35 =	vadd.f32 v41, v42;
	[tilespmem:s14+$0x12180] =	vst v37  }
0x20f: {  	v36 =	vadd.f32 v38, v36  }
0x210: {  	[tilespmem:s14+$0x12080] =	vst v35  }
0x211: {  	s15 =	sor.u32 $0x2380, s15;
	[tilespmem:s14+$0x12100] =	vst v36  }
0x212: {  	v35 =	vld [tilespmem:s15+$0x0]  }
0x213: {  	v36 =	vld [tilespmem:s15+$0x8000];
	_ =	sdelay $0x3  }
0x214: {  	v35 =	vmul.f32 v35, v17  }
0x215: {  	v36 =	vmul.f32 v36, v20;
	_ =	sdelay $0x1  }
0x216: {  	v35 =	vadd.f32 v36, v35  }
0x217: {  	s24 =	sand.u32 $0x1C00, s21;
	s14 =	sand.u32 $0x70, s23  }
0x218: {  	s14 =	sor.u32 s14, s24;
	[tilespmem:s15+$0x10000] =	vst v35  }
0x219: {  	v35 =	vld [tilespmem:s14+$0x200]  }
0x21a: {  	v36 =	vld [tilespmem:s14+$0x8100]  }
0x21b: {  	v37 =	vld [tilespmem:s14+$0x8300]  }
0x21c: {  	v38 =	vld [tilespmem:s14+$0x8200]  }
0x21d: {  	v39 =	vld [tilespmem:s14+$0x80]  }
0x21e: {  	v40 =	vld [tilespmem:s14+$0x300]  }
0x21f: {  	v41 =	vld [tilespmem:s14+$0x100]  }
0x220: {  	v42 =	vld [tilespmem:s14+$0x8000]  }
0x221: {  	v37 =	vmul.f32 v37, v14;
	v43 =	vld [tilespmem:s14+$0x8080]  }
0x222: {  	v36 =	vmul.f32 v36, v12;
	v44 =	vld [tilespmem:s14+$0x180]  }
0x223: {  	v39 =	vmul.f32 v39, v4;
	v45 =	vld [tilespmem:s14+$0x0];
	v40 =	vmul.f32 v40, v9  }
0x224: {  	v41 =	vmul.f32 v41, v5;
	v46 =	vld [tilespmem:s14+$0x8280]  }
0x225: {  	v38 =	vmul.f32 v38, v15;
	v42 =	vmul.f32 v42, v10;
	v47 =	vld [tilespmem:s14+$0x8180];
	v37 =	vadd.f32 v37, v40  }
0x226: {  	v35 =	vmul.f32 v35, v7;
	v40 =	vmul.f32 v43, v11;
	v36 =	vadd.f32 v36, v41;
	v41 =	vld [tilespmem:s14+$0x280]  }
0x227: {  	v43 =	vmul.f32 v44, v6  }
0x228: {  	v35 =	vadd.f32 v38, v35;
	v44 =	vmul.f32 v45, v3;
	v39 =	vadd.f32 v40, v39;
	_ =	sdelay $0x1  }
0x229: {  	v38 =	vadd.f32 v42, v44;
	v40 =	vmul.f32 v47, v13;
	[tilespmem:s14+$0x10300] =	vst v37  }
0x22a: {  	v37 =	vmul.f32 v46, v16;
	[tilespmem:s14+$0x10100] =	vst v36;
	v36 =	vmul.f32 v41, v8  }
0x22b: {  	v40 =	vadd.f32 v40, v43;
	[tilespmem:s14+$0x10200] =	vst v35  }
0x22c: {  	[tilespmem:s14+$0x10080] =	vst v39;
	v35 =	vadd.f32 v37, v36  }
0x22d: {  	[tilespmem:s14+$0x10000] =	vst v38  }
0x22e: {  	s15 =	sor.u32 s23, s21;
	[tilespmem:s14+$0x10280] =	vst v35  }
0x22f: {  	s23 =	sor.u32 $0x380, s15;
	[tilespmem:s14+$0x10180] =	vst v40  }
0x230: {  	v35 =	vld [tilespmem:s23+$0x0]  }
0x231: {  	v36 =	vld [tilespmem:s23+$0x8000];
	_ =	sdelay $0x4  }
0x232: {  	v35 =	vmul.f32 v35, v29;
	v36 =	vmul.f32 v36, v31;
	_ =	sdelay $0x1  }
0x233: {  	v35 =	vadd.f32 v36, v35;
	_ =	sdelay $0x1  }
.Ltmp2:
0x234: {  	[tilespmem:s23+$0x10000] =	vst v35;
	(pc) =	sbr.rel @p0 .LBB2_6-.Ltmp2, $4  }
0x235: {  	v37 =	vld [tilespmem:s14+$0x2000]  }
0x236: {  	v38 =	vld [tilespmem:s14+$0xA000]  }
0x237: {  	v35 =	vld [tilespmem:s14+$0x2280]  }
0x238: {  	v36 =	vld [tilespmem:s14+$0xA200]  }
0x239: {  	v3 =	vld [tilespmem:s14+$0xA300]  }
0x23a: {  	v4 =	vld [tilespmem:s14+$0x2300]  }
0x23b: {  	v7 =	vld [tilespmem:s14+$0xA280]  }
0x23c: {  	v8 =	vld [tilespmem:s14+$0x2200]  }
0x23d: {  	v9 =	vld [tilespmem:s14+$0xA180]  }
0x23e: {  	v10 =	vld [tilespmem:s14+$0x2080];
	v5 =	vmul.f32 v37, v30;
	v6 =	vmul.f32 v38, v34  }
0x23f: {  	v11 =	vld [tilespmem:s14+$0xA080]  }
0x240: {  	v12 =	vld [tilespmem:s14+$0x2100];
	v5 =	vadd.f32 v6, v5  }
0x241: {  	v6 =	vld [tilespmem:s14+$0xA100];
	v3 =	vmul.f32 v3, v33;
	v4 =	vmul.f32 v4, v27  }
0x242: {  	v13 =	vmul.f32 v36, v32;
	v8 =	vmul.f32 v8, v25;
	[tilespmem:s14+$0x12000] =	vst v5;
	v5 =	vld [tilespmem:s14+$0x2180]  }
0x243: {  	v7 =	vmul.f32 v7, v28;
	v3 =	vadd.f32 v3, v4;
	v4 =	vmul.f32 v35, v24  }
0x244: {  	v8 =	vadd.f32 v13, v8  }
0x245: {  	[tilespmem:s14+$0x12300] =	vst v3;
	v3 =	vmul.f32 v10, v19;
	v4 =	vadd.f32 v7, v4;
	v7 =	vmul.f32 v11, v23  }
0x246: {  	[tilespmem:s14+$0x12200] =	vst v8;
	v8 =	vmul.f32 v12, v18;
	v6 =	vmul.f32 v6, v22  }
0x247: {  	v9 =	vmul.f32 v9, v26;
	v5 =	vmul.f32 v5, v21;
	v3 =	vadd.f32 v7, v3  }
0x248: {  	[tilespmem:s14+$0x12280] =	vst v4;
	v4 =	vadd.f32 v6, v8  }
0x249: {  	v5 =	vadd.f32 v9, v5;
	[tilespmem:s14+$0x12080] =	vst v3  }
0x24a: {  	[tilespmem:s14+$0x12100] =	vst v4  }
0x24b: {  	s21 =	sor.u32 $0x2380, s15;
	[tilespmem:s14+$0x12180] =	vst v5  }
0x24c: {  	v3 =	vld [tilespmem:s21+$0x0]  }
0x24d: {  	v4 =	vld [tilespmem:s21+$0x8000];
	_ =	sdelay $0x4  }
0x24e: {  	v3 =	vmul.f32 v3, v17;
	v4 =	vmul.f32 v4, v20;
	_ =	sdelay $0x1  }
0x24f: {  	v3 =	vadd.f32 v4, v3;
	_ =	sdelay $0x1  }
0x250: {  	s22 =	rddreg [dreg:$0x7];
	[tilespmem:s21+$0x10000] =	vst v3;
	s21 =	simm.s32 $0x0  }
0x251: {  	[hbm4b:s22+s21] =	stream.linear.scatter [tilespmem:s18], [sflag:$0x3], $0x4000, $0x38;
	[tilespmem:$0x14200] =	vst v63  }
0x252: {  	_ =	swait.ge [sflag:s19], $0x4000  }
0x253: {  	[sflag:s19] =	ssyncset.done $0x0  }
0x254: {  	[sflag:s19] =	ssyncadd.s32 $0xFFFFC000  }
0x255: {  	_ =	swait.ge [sflag:s19], $0x4000  }
0x256: {  	[sflag:s19] =	ssyncset.done $0x0  }
0x257: {  	[sflag:s19] =	ssyncadd.s32 $0xFFFFC000  }
0x258: {  	v17 =	vld [tilespmem:$0x14130]  }
0x259: {  	v20 =	vld [tilespmem:$0x141B0];
	_ =	swait.ge [sflag:s12], $0x4000  }
0x25a: {  	s23 =	sand.u32 $0x70, s21;
	s24 =	sand.u32 $0x1C00, s21;
	[sflag:s12] =	ssyncset.done $0x0  }
0x25b: {  	s14 =	sor.u32 s23, s24;
	[sflag:s12] =	ssyncadd.s32 $0xFFFFC000  }
0x25c: {  	v18 =	vld [tilespmem:s14+$0x4200]  }
0x25d: {  	v19 =	vld [tilespmem:s14+$0xC100]  }
0x25e: {  	v21 =	vld [tilespmem:s14+$0xC300]  }
0x25f: {  	v22 =	vld [tilespmem:s14+$0xC200]  }
0x260: {  	v23 =	vld [tilespmem:s14+$0x4080]  }
0x261: {  	v24 =	vld [tilespmem:s14+$0x4300];
	v3 =	vbroadcast v17, $0x0;
	v4 =	vbroadcast v17, $0x1  }
0x262: {  	v25 =	vld [tilespmem:s14+$0x4100];
	v5 =	vbroadcast v17, $0x2;
	v6 =	vbroadcast v17, $0x3  }
0x263: {  	v26 =	vld [tilespmem:s14+$0xC000];
	v7 =	vbroadcast v17, $0x4;
	v8 =	vbroadcast v17, $0x5  }
0x264: {  	v27 =	vld [tilespmem:s14+$0xC080];
	v9 =	vbroadcast v17, $0x6;
	v10 =	vbroadcast v20, $0x0  }
0x265: {  	v28 =	vld [tilespmem:s14+$0x4180];
	v11 =	vbroadcast v20, $0x1;
	v12 =	vbroadcast v20, $0x2  }
0x266: {  	v29 =	vld [tilespmem:s14+$0x4000];
	v13 =	vbroadcast v20, $0x3;
	v14 =	vbroadcast v20, $0x6  }
0x267: {  	v30 =	vld [tilespmem:s14+$0xC280];
	v15 =	vbroadcast v20, $0x4;
	v16 =	vbroadcast v20, $0x5  }
0x268: {  	v31 =	vld [tilespmem:s14+$0x4280];
	v21 =	vmul.f32 v21, v14;
	v24 =	vmul.f32 v24, v9  }
0x269: {  	v63 =	vld [tilespmem:s14+$0xC180];
	v19 =	vmul.f32 v19, v12;
	v25 =	vmul.f32 v25, v5  }
0x26a: {  	v22 =	vmul.f32 v22, v15;
	v18 =	vmul.f32 v18, v7;
	v21 =	vadd.f32 v21, v24  }
0x26b: {  	v23 =	vmul.f32 v23, v4;
	v24 =	vmul.f32 v27, v11;
	v19 =	vadd.f32 v19, v25  }
0x26c: {  	v25 =	vmul.f32 v26, v10;
	v26 =	vmul.f32 v29, v3;
	v18 =	vadd.f32 v22, v18;
	[tilespmem:s14+$0x10300] =	vst v21  }
0x26d: {  	v22 =	vmul.f32 v30, v16;
	v21 =	vadd.f32 v24, v23;
	[tilespmem:s14+$0x10100] =	vst v19;
	v19 =	vmul.f32 v31, v8  }
0x26e: {  	v23 =	vmul.f32 v28, v6;
	v24 =	vadd.f32 v25, v26;
	v25 =	vmul.f32 v63, v13;
	[tilespmem:s14+$0x10200] =	vst v18  }
0x26f: {  	[tilespmem:s14+$0x10080] =	vst v21;
	v18 =	vadd.f32 v22, v19  }
0x270: {  	v19 =	vadd.f32 v25, v23;
	[tilespmem:s14+$0x10000] =	vst v24  }
0x271: {  	s15 =	sor.u32 s21, s21;
	[tilespmem:s14+$0x10280] =	vst v18  }
0x272: {  	s22 =	sor.u32 $0x380, s15;
	[tilespmem:s14+$0x10180] =	vst v19  }
0x273: {  	v18 =	vld [tilespmem:s22+$0x4000]  }
0x274: {  	v19 =	vld [tilespmem:s22+$0xC000];
	_ =	sdelay $0x2  }
0x275: {  	v29 =	vbroadcast v17, $0x7;
	v31 =	vbroadcast v20, $0x7;
	_ =	sdelay $0x1  }
0x276: {  	v22 =	vmul.f32 v18, v29;
	v23 =	vmul.f32 v19, v31  }
0x277: {  	v34 =	vbroadcast v20, $0x8;
	v32 =	vbroadcast v20, $0xC  }
0x278: {  	v33 =	vbroadcast v20, $0xE;
	v30 =	vbroadcast v17, $0x8;
	v22 =	vadd.f32 v23, v22  }
0x279: {  	v27 =	vbroadcast v17, $0xE;
	v26 =	vbroadcast v20, $0xB  }
0x27a: {  	v28 =	vbroadcast v20, $0xD;
	v21 =	vbroadcast v17, $0xB;
	[tilespmem:s22+$0x10000] =	vst v22  }
0x27b: {  	v25 =	vbroadcast v17, $0xC;
	v24 =	vbroadcast v17, $0xD;
	v37 =	vld [tilespmem:s14+$0x6000]  }
0x27c: {  	v19 =	vbroadcast v17, $0x9;
	v18 =	vbroadcast v17, $0xA;
	v38 =	vld [tilespmem:s14+$0xE000]  }
0x27d: {  	v17 =	vbroadcast v17, $0xF;
	v23 =	vbroadcast v20, $0x9;
	v35 =	vld [tilespmem:s14+$0x6280]  }
0x27e: {  	v22 =	vbroadcast v20, $0xA;
	v20 =	vbroadcast v20, $0xF;
	s22 =	simm.s32 $0x10;
	v36 =	vld [tilespmem:s14+$0xE200]  }
.LBB2_8:
0x27f: {  	p0 =	sne.s32 s22, $0x3F0  }
0x280: {  	v39 =	vld [tilespmem:s14+$0xE300];
	s21 =	sadd.s32 $0x80, s21;
	s23 =	smov.u32 s22;
	s22 =	sadd.s32 $0x10, s22  }
0x281: {  	v40 =	vld [tilespmem:s14+$0x6300]  }
0x282: {  	v37 =	vmul.f32 v37, v30;
	v38 =	vmul.f32 v38, v34;
	v41 =	vld [tilespmem:s14+$0xE280]  }
0x283: {  	v42 =	vld [tilespmem:s14+$0x6200]  }
0x284: {  	v37 =	vadd.f32 v38, v37;
	v38 =	vld [tilespmem:s14+$0xE100]  }
0x285: {  	v43 =	vld [tilespmem:s14+$0xE180];
	v39 =	vmul.f32 v39, v33  }
0x286: {  	[tilespmem:s14+$0x12000] =	vst v37;
	v37 =	vld [tilespmem:s14+$0x6180];
	v40 =	vmul.f32 v40, v27  }
0x287: {  	v44 =	vld [tilespmem:s14+$0x6080]  }
0x288: {  	v45 =	vld [tilespmem:s14+$0xE080];
	v39 =	vadd.f32 v39, v40  }
0x289: {  	v36 =	vmul.f32 v36, v32;
	v42 =	vmul.f32 v42, v25;
	v40 =	vld [tilespmem:s14+$0x6100]  }
0x28a: {  	v35 =	vmul.f32 v35, v24;
	v41 =	vmul.f32 v41, v28;
	[tilespmem:s14+$0x12300] =	vst v39  }
0x28b: {  	v39 =	vmul.f32 v43, v26;
	v36 =	vadd.f32 v36, v42;
	v37 =	vmul.f32 v37, v21  }
0x28c: {  	v35 =	vadd.f32 v41, v35;
	v42 =	vmul.f32 v44, v19  }
0x28d: {  	v41 =	vmul.f32 v45, v23;
	v37 =	vadd.f32 v39, v37;
	[tilespmem:s14+$0x12200] =	vst v36  }
0x28e: {  	v38 =	vmul.f32 v38, v22;
	v36 =	vmul.f32 v40, v18;
	[tilespmem:s14+$0x12280] =	vst v35  }
0x28f: {  	v35 =	vadd.f32 v41, v42;
	[tilespmem:s14+$0x12180] =	vst v37  }
0x290: {  	v36 =	vadd.f32 v38, v36  }
0x291: {  	[tilespmem:s14+$0x12080] =	vst v35  }
0x292: {  	s15 =	sor.u32 $0x2380, s15;
	[tilespmem:s14+$0x12100] =	vst v36  }
0x293: {  	v35 =	vld [tilespmem:s15+$0x4000]  }
0x294: {  	v36 =	vld [tilespmem:s15+$0xC000];
	_ =	sdelay $0x3  }
0x295: {  	v35 =	vmul.f32 v35, v17  }
0x296: {  	v36 =	vmul.f32 v36, v20;
	_ =	sdelay $0x1  }
0x297: {  	v35 =	vadd.f32 v36, v35  }
0x298: {  	s24 =	sand.u32 $0x1C00, s21;
	s14 =	sand.u32 $0x70, s23  }
0x299: {  	s14 =	sor.u32 s14, s24;
	[tilespmem:s15+$0x10000] =	vst v35  }
0x29a: {  	v35 =	vld [tilespmem:s14+$0x4200]  }
0x29b: {  	v36 =	vld [tilespmem:s14+$0xC100]  }
0x29c: {  	v37 =	vld [tilespmem:s14+$0xC300]  }
0x29d: {  	v38 =	vld [tilespmem:s14+$0xC200]  }
0x29e: {  	v39 =	vld [tilespmem:s14+$0x4080]  }
0x29f: {  	v40 =	vld [tilespmem:s14+$0x4300]  }
0x2a0: {  	v41 =	vld [tilespmem:s14+$0x4100]  }
0x2a1: {  	v42 =	vld [tilespmem:s14+$0xC000]  }
0x2a2: {  	v37 =	vmul.f32 v37, v14;
	v43 =	vld [tilespmem:s14+$0xC080]  }
0x2a3: {  	v36 =	vmul.f32 v36, v12;
	v44 =	vld [tilespmem:s14+$0x4180]  }
0x2a4: {  	v39 =	vmul.f32 v39, v4;
	v45 =	vld [tilespmem:s14+$0x4000];
	v40 =	vmul.f32 v40, v9  }
0x2a5: {  	v41 =	vmul.f32 v41, v5;
	v46 =	vld [tilespmem:s14+$0xC280]  }
0x2a6: {  	v38 =	vmul.f32 v38, v15;
	v42 =	vmul.f32 v42, v10;
	v47 =	vld [tilespmem:s14+$0xC180];
	v37 =	vadd.f32 v37, v40  }
0x2a7: {  	v35 =	vmul.f32 v35, v7;
	v40 =	vmul.f32 v43, v11;
	v36 =	vadd.f32 v36, v41;
	v41 =	vld [tilespmem:s14+$0x4280]  }
0x2a8: {  	v43 =	vmul.f32 v44, v6  }
0x2a9: {  	v35 =	vadd.f32 v38, v35;
	v44 =	vmul.f32 v45, v3;
	v39 =	vadd.f32 v40, v39;
	_ =	sdelay $0x1  }
0x2aa: {  	v38 =	vadd.f32 v42, v44;
	v40 =	vmul.f32 v47, v13;
	[tilespmem:s14+$0x10300] =	vst v37  }
0x2ab: {  	v37 =	vmul.f32 v46, v16;
	[tilespmem:s14+$0x10100] =	vst v36;
	v36 =	vmul.f32 v41, v8  }
0x2ac: {  	v40 =	vadd.f32 v40, v43;
	[tilespmem:s14+$0x10200] =	vst v35  }
0x2ad: {  	[tilespmem:s14+$0x10080] =	vst v39;
	v35 =	vadd.f32 v37, v36  }
0x2ae: {  	[tilespmem:s14+$0x10000] =	vst v38  }
0x2af: {  	s15 =	sor.u32 s23, s21;
	[tilespmem:s14+$0x10280] =	vst v35  }
0x2b0: {  	s23 =	sor.u32 $0x380, s15;
	[tilespmem:s14+$0x10180] =	vst v40  }
0x2b1: {  	v35 =	vld [tilespmem:s23+$0x4000]  }
0x2b2: {  	v36 =	vld [tilespmem:s23+$0xC000];
	_ =	sdelay $0x4  }
0x2b3: {  	v35 =	vmul.f32 v35, v29;
	v36 =	vmul.f32 v36, v31;
	_ =	sdelay $0x1  }
0x2b4: {  	v35 =	vadd.f32 v36, v35;
	_ =	sdelay $0x1  }
.Ltmp3:
0x2b5: {  	[tilespmem:s23+$0x10000] =	vst v35;
	(pc) =	sbr.rel @p0 .LBB2_8-.Ltmp3, $4  }
0x2b6: {  	v37 =	vld [tilespmem:s14+$0x6000]  }
0x2b7: {  	v38 =	vld [tilespmem:s14+$0xE000]  }
0x2b8: {  	v35 =	vld [tilespmem:s14+$0x6280]  }
0x2b9: {  	v36 =	vld [tilespmem:s14+$0xE200]  }
0x2ba: {  	v3 =	vld [tilespmem:s14+$0xE300]  }
0x2bb: {  	v4 =	vld [tilespmem:s14+$0x6300]  }
0x2bc: {  	v7 =	vld [tilespmem:s14+$0xE280]  }
0x2bd: {  	v8 =	vld [tilespmem:s14+$0x6200]  }
0x2be: {  	v58 =	vld [tilespmem:s14+$0xE100]  }
0x2bf: {  	v9 =	vld [tilespmem:s14+$0xE180]  }
0x2c0: {  	v59 =	vld [tilespmem:s14+$0x6180]  }
0x2c1: {  	v12 =	vld [tilespmem:s14+$0x6100]  }
0x2c2: {  	v10 =	vld [tilespmem:s14+$0x6080];
	v5 =	vmul.f32 v37, v30;
	v6 =	vmul.f32 v38, v34  }
0x2c3: {  	v11 =	vld [tilespmem:s14+$0xE080];
	v3 =	vmul.f32 v3, v33;
	v4 =	vmul.f32 v4, v27  }
0x2c4: {  	v5 =	vadd.f32 v6, v5;
	v13 =	vmul.f32 v36, v32;
	v8 =	vmul.f32 v8, v25  }
0x2c5: {  	v60 =	vmul.f32 v35, v24;
	v7 =	vmul.f32 v7, v28;
	v3 =	vadd.f32 v3, v4  }
0x2c6: {  	v62 =	vmul.f32 v12, v18;
	v6 =	vmul.f32 v58, v22;
	[tilespmem:s14+$0x12000] =	vst v5;
	v8 =	vadd.f32 v13, v8  }
0x2c7: {  	v9 =	vmul.f32 v9, v26;
	v5 =	vmul.f32 v59, v21;
	v4 =	vadd.f32 v7, v60;
	[tilespmem:s14+$0x12300] =	vst v3  }
0x2c8: {  	v61 =	vmul.f32 v11, v23;
	v63 =	vadd.f32 v6, v62;
	v3 =	vmul.f32 v10, v19;
	[tilespmem:s14+$0x12200] =	vst v8  }
0x2c9: {  	v5 =	vadd.f32 v9, v5;
	[tilespmem:s14+$0x12280] =	vst v4  }
0x2ca: {  	[tilespmem:s14+$0x12100] =	vst v63;
	v3 =	vadd.f32 v61, v3  }
0x2cb: {  	[tilespmem:s14+$0x12180] =	vst v5  }
0x2cc: {  	s22 =	sor.u32 $0x2380, s15;
	[tilespmem:s14+$0x12080] =	vst v3  }
0x2cd: {  	v3 =	vld [tilespmem:s22+$0x4000]  }
0x2ce: {  	v4 =	vld [tilespmem:s22+$0xC000];
	_ =	sdelay $0x4  }
0x2cf: {  	v3 =	vmul.f32 v3, v17;
	v4 =	vmul.f32 v4, v20;
	_ =	sdelay $0x1  }
0x2d0: {  	v3 =	vadd.f32 v4, v3;
	_ =	sdelay $0x1  }
0x2d1: {  	s23 =	rddreg [dreg:$0x8];
	[tilespmem:s22+$0x10000] =	vst v3  }
0x2d2: {  	[hbm4b:s23+s2] =	stream.linear.scatter [tilespmem:s18], [sflag:$0x3], $0x4000, $0x38;
	[tilespmem:$0x14200] =	vst v63  }
0x2d3: {  	_ =	swait.ge [sflag:s12], $0x4000  }
0x2d4: {  	s13 =	sadd.s32 $0x1, s13;
	s24 =	rddreg [dreg:$0x9]  }
0x2d5: {  	p0 =	sne.s32 s13, s24  }
.Ltmp4:
0x2d6: {  	_ = 	snop;
	(pc) =	sbr.rel @p0 .LBB2_1-.Ltmp4, $3  }
0x2d7: {  	_ =	sdelay $0x1  }
0x2d8: {  	[sflag:s12] =	ssyncset.done $0x0  }
0x2d9: {  	[sflag:s12] =	ssyncadd.s32 $0xFFFFC000  }
0x2da: {  	_ =	sfence.sel $0x180000  }
0x2db: {  	[bflag:$0x0] =	sbarrier.arrive $0xFFFF  }
0x2dc: {  	_ =	strace $0x9000004A  }
0x2dd: {  	s0 =	stileid.u32;
	[bflag:$0x2] =	sbarrier.arrive $0xFFFF  }
0x2de: {  	p0 =	sne.s32 s0, $0x0;
	s0 =	rddreg [dreg:$0x2]  }
0x2df: {  	s0 =	sadd.s32 @!p0 $0x100000, s0  }
0x2e0: {  	[sflag:s0] =	ssyncadd.tile.s32 @!p0 $0x1;
	_ =	shalt  }
.Lfunc_end2:
_tile_overlayer_lowered:
.L_overlay_start_2:
0x2e1: {  	(tag) =	ssettag $0x2  }
0x2e2: {  	s0 =	rddreg [dreg:$0x0];
	s2 =	stileid.u32  }
0x2e3: {  	s1 =	rddreg [dreg:$0x1];
	p0 =	sne.s32 s2, $0x0  }
0x2e4: {  	s3 =	rddreg [dreg:$0x2];
	[bflag:$0x3] =	sbarrier.arrive $0xFFFF;
	s2 =	simm.s32 @!p0 $0x1C04  }
0x2e5: {  	[timem:s3], [sflag:s2] =	dma.local @!p0 [hbm:s0], s1  }
0x2e6: {  	s0 =	simm.s32 @!p0 $0x4  }
0x2e7: {  	_ =	swait.ge @!p0 [sflag:s0], s1  }
0x2e8: {  	s1 =	ssub.s32 @!p0 $0x0, s1;
	[sflag:s0] =	ssyncset.done @!p0 $0x0  }
0x2e9: {  	[sflag:s0] =	ssyncadd.s32 @!p0 s1  }
0x2ea: {  	[bflag:$0x3] =	sbarrier.arrive $0xFFFF  }
0x2eb: {  	_ =	shalt  }

</sc_bundles>
